<compile_context>
chip_gen: v7x
topology: tpu7x:2x2x1
jax: 0.10.2.dev20260603
libtpu: 0.0.44.dev20260713+nightly
codegen_flags: <defaults>
</compile_context>

<pallas_src>
import functools

import jax
import jax.numpy as jnp
from jax import lax
from jax.experimental import pallas as pl
from jax.experimental.pallas import tpu as pltpu
from jax.experimental.pallas import tpu_sc as plsc

NUM_ENTITIES = 100000
NUM_RELATIONS = 64
NUM_TIMESTAMPS = 1024
EMBED_DIM = 64
BATCH = 16384

NC = 2
NS = 16
NW = NC * NS
B_PER_W = BATCH // NW
CHUNK = 128
NCHUNK = B_PER_W // CHUNK
NBUF = 4
PADDED = 128
NTC = BATCH // CHUNK

_MESH = plsc.VectorSubcoreMesh(core_axis_name="c", subcore_axis_name="s")

_OUT_SHAPE = jax.ShapeDtypeStruct((8, NTC * 8, CHUNK), jnp.float32)

def _make_gather(nops, npar):
    ntask = nops * NCHUNK
    nidx = (nops + npar) * NCHUNK
    scratch = (
        [pltpu.VMEM((nidx, CHUNK), jnp.int32)]
        + [pltpu.VMEM((CHUNK, PADDED), jnp.float32) for _ in range(NBUF)]
        + [pltpu.VMEM((8, 8, 129), jnp.float32) for _ in range(NBUF)]
        + [pltpu.SemaphoreType.DMA for _ in range(2 * NBUF + nops + npar)]
    )

    @functools.partial(
        pl.kernel,
        out_type=tuple(_OUT_SHAPE for _ in range(nops)),
        mesh=_MESH,
        scratch_types=scratch,
        compiler_params=pltpu.CompilerParams(
            use_tc_tiling_on_sc=False, needs_layout_passes=False),
    )
    def _gather(*refs):
        idx_srcs = refs[:nops + npar]
        tbls = refs[nops + npar:2 * nops + npar]
        outs = refs[2 * nops + npar:3 * nops + npar]
        base = 3 * nops + npar
        idx_v = refs[base]
        bufs = list(refs[base + 1:base + 1 + NBUF])
        tbufs = list(refs[base + 1 + NBUF:base + 1 + 2 * NBUF])
        gsems = list(refs[base + 1 + 2 * NBUF:base + 1 + 3 * NBUF])
        ssems = list(refs[base + 1 + 3 * NBUF:base + 1 + 4 * NBUF])
        isems = list(refs[base + 1 + 4 * NBUF:])

        wid = lax.axis_index("s") * NC + lax.axis_index("c")
        rowbase = wid * NCHUNK

        icopies = []
        for op in range(nops + npar):
            icopies.append(pltpu.async_copy(
                idx_srcs[op].at[pl.ds(rowbase, NCHUNK)],
                idx_v.at[pl.ds(op * NCHUNK, NCHUNK)], isems[op]))
        idx_ready = [False] * (nops + npar)

        def ensure_idx(op):
            if not idx_ready[op]:
                icopies[op].wait()
                idx_ready[op] = True

        tasks = [
            (outs[op], op, op * NCHUNK + c, c)
            for op in range(nops)
            for c in range(NCHUNK)
        ]

        gcopies = [None] * ntask
        scopies = [None] * ntask

        def start_gather(p):
            _, op, irow, _ = tasks[p]
            ensure_idx(op)
            gcopies[p] = pltpu.async_copy(
                tbls[op].at[idx_v.at[irow]], bufs[p % NBUF], gsems[p % NBUF])

        iota16 = lax.iota(jnp.int32, 16)
        dgroups = []
        for d0 in range(0, EMBED_DIM, 16):
            dvec = d0 + iota16
            dgroups.append((dvec, dvec // 8, dvec % 8))

        def transpose_chunk(buf, tbuf, prow):
            def body(c, carry):
                cc = jnp.full((16,), c, jnp.int32)
                if prow is None:
                    po = None
                else:
                    po = plsc.load_gather(
                        idx_v, [jnp.full((16,), prow, jnp.int32), cc])
                for dvec, trh, srh in dgroups:
                    col = dvec if po is None else dvec + po
                    v = plsc.load_gather(buf, [cc, col])
                    plsc.store_scatter(tbuf, [trh, srh, cc], v)
                return carry
            lax.fori_loop(0, CHUNK, body, jnp.int32(0), unroll=4)

        def start_store(p):
            out_p, op, _, c = tasks[p]
            prow = None
            if op < npar:
                ensure_idx(nops + op)
                prow = (nops + op) * NCHUNK + c
            gcopies[p].wait()
            transpose_chunk(bufs[p % NBUF], tbufs[p % NBUF], prow)
            tcg = wid * NCHUNK + c
            scopies[p] = pltpu.async_copy(
                tbufs[p % NBUF].at[:, :, pl.ds(0, CHUNK)],
                out_p.at[:, pl.ds(tcg * 8, 8), :],
                ssems[p % NBUF])

        for step in range(ntask):
            if step >= NBUF:
                scopies[step - NBUF].wait()
            start_gather(step)
            d = step - (NBUF - 1)
            if d >= 0:
                start_store(d)
        for d in range(ntask - NBUF + 1, ntask):
            start_store(d)
        for d in range(ntask - NBUF, ntask):
            scopies[d].wait()

    return _gather


_gather3 = _make_gather(3, 2)


_ENT_HALF = 50048
_ENT_BLK = 2944
_ENT_GRID = _ENT_HALF // _ENT_BLK


def _ent_repack_body(t0, t1, tout):
    p = (lax.broadcasted_iota(jnp.int32, (EMBED_DIM, EMBED_DIM), 0)
         == lax.broadcasted_iota(jnp.int32, (EMBED_DIM, EMBED_DIM), 1)
         ).astype(jnp.float32)

    def dott(x):
        return lax.dot_general(
            x, p, (((0,), (0,)), ((), ())),
            precision=lax.Precision.HIGHEST,
            preferred_element_type=jnp.float32)

    tout[...] = jnp.concatenate([dott(t0[...]), dott(t1[...])], axis=1)


_ent_repack = pl.pallas_call(
    _ent_repack_body,
    grid=(_ENT_GRID,),
    in_specs=[pl.BlockSpec((EMBED_DIM, _ENT_BLK), lambda i: (0, i)),
              pl.BlockSpec((EMBED_DIM, _ENT_BLK),
                           lambda i: (0, i + _ENT_GRID))],
    out_specs=pl.BlockSpec((_ENT_BLK, PADDED), lambda i: (i, 0)),
    out_shape=jax.ShapeDtypeStruct((_ENT_HALF, PADDED), jnp.float32),
)


_TCSUB = 8


def _rel_lookup_body(ridx, rel_t, orel):
    pieces = []
    for tcl in range(_TCSUB):
        idx = ridx[tcl].reshape(1, CHUNK)
        pieces.append(
            (lax.broadcasted_iota(jnp.int32, (NUM_RELATIONS, CHUNK), 0)
             == idx).astype(jnp.float32))
    onehot = jnp.concatenate(pieces, axis=1)
    ot = jnp.dot(rel_t[...], onehot,
                 precision=lax.Precision.HIGHEST,
                 preferred_element_type=jnp.float32)
    for tcl in range(_TCSUB):
        orel[:, tcl * 8:(tcl + 1) * 8, :] = (
            ot[:, tcl * CHUNK:(tcl + 1) * CHUNK].reshape(8, 8, CHUNK))


_rel_lookup = pl.pallas_call(
    _rel_lookup_body,
    grid=(NTC // _TCSUB,),
    in_specs=[
        pl.BlockSpec((_TCSUB, 1, CHUNK), lambda i: (i, 0, 0)),
        pl.BlockSpec((EMBED_DIM, NUM_RELATIONS), lambda i: (0, 0)),
    ],
    out_specs=pl.BlockSpec((8, _TCSUB * 8, CHUNK), lambda i: (0, i, 0)),
    out_shape=_OUT_SHAPE,
)


def _untile(o):
    o4 = o.reshape(8, NTC, 8, CHUNK)
    return o4.transpose(1, 3, 0, 2).reshape(BATCH, EMBED_DIM)


def kernel(head, relation, tail, timestamp,
           entity_table, relation_table, timestamp_table):
    shp = (NTC, CHUNK)
    h2 = head.astype(jnp.int32).reshape(shp)
    t2 = tail.astype(jnp.int32).reshape(shp)
    s2 = timestamp.astype(jnp.int32).reshape(shp)
    r3 = relation.astype(jnp.int32).reshape(NTC, 1, CHUNK)

    ent_pk = _ent_repack(entity_table.T, entity_table.T)
    ts_p = jnp.pad(timestamp_table, ((0, 0), (0, PADDED - EMBED_DIM)))
    o_rel = _rel_lookup(r3, relation_table.T)
    hi = (h2 >= _ENT_HALF).astype(jnp.int32)
    ti = (t2 >= _ENT_HALF).astype(jnp.int32)
    hg, tg = h2 - hi * _ENT_HALF, t2 - ti * _ENT_HALF
    hp, tp = hi << 6, ti << 6
    o_head, o_tail, o_ts = _gather3(hg, tg, s2, hp, tp,
                                    ent_pk, ent_pk, ts_p)

    return (_untile(o_head), _untile(o_rel), _untile(o_tail), _untile(o_ts))

# --- scband reference (transcript-rebuilt; emitter-appended) ---
"""Pipeline reference for scband-pretrained-tkgembedding-with-timestamps-55757265436787 (READ-ONLY COPY).

The authoritative reference and input builder live on the scoring server;
editing this copy changes nothing except your own understanding.
"""

import jax, jax.numpy as jnp
import numpy as np

NUM_ENTITIES = 100000
NUM_RELATIONS = 64
NUM_TIMESTAMPS = 1024
EMBED_DIM = 64
BATCH = 16384

def setup_inputs(seed: int = 0) -> dict:
    key = jax.random.key(seed)
    k1, k2, k3, k4, k5, k6, k7 = jax.random.split(key, 7)
    head = jax.random.randint(k1, (BATCH,), 0, NUM_ENTITIES, dtype=jnp.int64 if jax.config.jax_enable_x64 else jnp.int32)
    relation = jax.random.randint(k2, (BATCH,), 0, NUM_RELATIONS, dtype=head.dtype)
    tail = jax.random.randint(k3, (BATCH,), 0, NUM_ENTITIES, dtype=head.dtype)
    timestamp = jax.random.randint(k4, (BATCH,), 0, NUM_TIMESTAMPS, dtype=head.dtype)
    entity_table = jax.random.normal(k5, (NUM_ENTITIES, EMBED_DIM), dtype=jnp.float32)
    relation_table = jax.random.normal(k6, (NUM_RELATIONS, EMBED_DIM), dtype=jnp.float32)
    timestamp_table = jax.random.normal(k7, (NUM_TIMESTAMPS, EMBED_DIM), dtype=jnp.float32)
    return {
        "head": head,
        "relation": relation,
        "tail": tail,
        "timestamp": timestamp,
        "entity_table": entity_table,
        "relation_table": relation_table,
        "timestamp_table": timestamp_table,
    }

def reference(head, relation, tail, timestamp, entity_table, relation_table, timestamp_table):
    head_emb = jnp.take(entity_table, head, axis=0)
    relation_emb = jnp.take(relation_table, relation, axis=0)
    tail_emb = jnp.take(entity_table, tail, axis=0)
    timestamp_emb = jnp.take(timestamp_table, timestamp, axis=0)
    return (head_emb, relation_emb, tail_emb, timestamp_emb)

if __name__ == "__main__":
    import jax
    _d = setup_inputs()
    print(jax.jit(kernel)(*tuple(_d.values())))

</pallas_src>

<mosaic_0001>
#map = affine_map<(d0, d1) -> (0, 0)>
#map1 = affine_map<(d0, d1) -> (0, 0, 0)>
module attributes {stable_mosaic.version = 14 : i64} {
  func.func @_gather(%arg0: i32, %arg1: i32, %arg2: memref<128x128xi32, #tpu.memory_space<hbm>>, %arg3: memref<128x128xi32, #tpu.memory_space<hbm>>, %arg4: memref<128x128xi32, #tpu.memory_space<hbm>>, %arg5: memref<128x128xi32, #tpu.memory_space<hbm>>, %arg6: memref<128x128xi32, #tpu.memory_space<hbm>>, %arg7: memref<50048x128xf32, #tpu.memory_space<hbm>>, %arg8: memref<50048x128xf32, #tpu.memory_space<hbm>>, %arg9: memref<1024x128xf32, #tpu.memory_space<hbm>>, %arg10: memref<8x1024x128xf32, #tpu.memory_space<hbm>>, %arg11: memref<8x1024x128xf32, #tpu.memory_space<hbm>>, %arg12: memref<8x1024x128xf32, #tpu.memory_space<hbm>>, %arg13: memref<20x128xi32, #tpu.memory_space<vmem>>, %arg14: memref<128x128xf32, #tpu.memory_space<vmem>>, %arg15: memref<128x128xf32, #tpu.memory_space<vmem>>, %arg16: memref<128x128xf32, #tpu.memory_space<vmem>>, %arg17: memref<128x128xf32, #tpu.memory_space<vmem>>, %arg18: memref<8x8x129xf32, #tpu.memory_space<vmem>>, %arg19: memref<8x8x129xf32, #tpu.memory_space<vmem>>, %arg20: memref<8x8x129xf32, #tpu.memory_space<vmem>>, %arg21: memref<8x8x129xf32, #tpu.memory_space<vmem>>, %arg22: memref<!tpu.dma_semaphore, #tpu.memory_space<semaphore_mem>>, %arg23: memref<!tpu.dma_semaphore, #tpu.memory_space<semaphore_mem>>, %arg24: memref<!tpu.dma_semaphore, #tpu.memory_space<semaphore_mem>>, %arg25: memref<!tpu.dma_semaphore, #tpu.memory_space<semaphore_mem>>, %arg26: memref<!tpu.dma_semaphore, #tpu.memory_space<semaphore_mem>>, %arg27: memref<!tpu.dma_semaphore, #tpu.memory_space<semaphore_mem>>, %arg28: memref<!tpu.dma_semaphore, #tpu.memory_space<semaphore_mem>>, %arg29: memref<!tpu.dma_semaphore, #tpu.memory_space<semaphore_mem>>, %arg30: memref<!tpu.dma_semaphore, #tpu.memory_space<semaphore_mem>>, %arg31: memref<!tpu.dma_semaphore, #tpu.memory_space<semaphore_mem>>, %arg32: memref<!tpu.dma_semaphore, #tpu.memory_space<semaphore_mem>>, %arg33: memref<!tpu.dma_semaphore, #tpu.memory_space<semaphore_mem>>, %arg34: memref<!tpu.dma_semaphore, #tpu.memory_space<semaphore_mem>>) attributes {dimension_semantics = [#tpu.dimension_semantics<core_parallel>, #tpu.dimension_semantics<subcore_parallel>], iteration_bounds = array<i64: 2, 16>, scalar_prefetch = 0 : i64, scratch_operands = 22 : i64, tpu.core_type = #tpu.core_type<sc_vector_subcore>, window_params = [{transform_indices = #map}, {transform_indices = #map}, {transform_indices = #map}, {transform_indices = #map}, {transform_indices = #map}, {transform_indices = #map}, {transform_indices = #map}, {transform_indices = #map}, {transform_indices = #map1}, {transform_indices = #map1}, {transform_indices = #map1}]} {
    %mul3A = arith.constant 2 : i32
    %mul3A_0 = arith.muli %arg1, %mul3A : i32
    %add3A = arith.addi %mul3A_0, %arg0 : i32
    %mul3A_1 = arith.constant 4 : i32
    %mul3A_2 = arith.muli %add3A, %mul3A_1 : i32
    %dma_start3A = arith.constant 0 : i32
    %dma_start3A_3 = arith.constant 0 : i32
    %dma_start3A_4 = tpu.memref_slice %arg13[%dma_start3A, %dma_start3A_3] : memref<20x128xi32, #tpu.memory_space<vmem>> -> memref<4x128xi32, #tpu.memory_space<vmem>>
    %dma_start3A_5 = arith.constant 0 : i32
    %dma_start3A_6 = tpu.memref_slice %arg2[%mul3A_2, %dma_start3A_5] : memref<128x128xi32, #tpu.memory_space<hbm>> -> memref<4x128xi32, #tpu.memory_space<hbm>>
    %dma_start3A_7 = arith.constant 0 : i32
    %dma_start3A_8 = arith.constant 0 : i32
    %dma_start3A_9 = tpu.memref_slice %arg13[%dma_start3A_7, %dma_start3A_8] : memref<20x128xi32, #tpu.memory_space<vmem>> -> memref<4x128xi32, #tpu.memory_space<vmem>>
    %dma_start3A_10 = arith.constant 0 : i32
    %dma_start3A_11 = tpu.memref_slice %arg2[%mul3A_2, %dma_start3A_10] : memref<128x128xi32, #tpu.memory_space<hbm>> -> memref<4x128xi32, #tpu.memory_space<hbm>>
    tpu.enqueue_dma source(%dma_start3A_11 : memref<4x128xi32, #tpu.memory_space<hbm>>) target(%dma_start3A_9 : memref<4x128xi32, #tpu.memory_space<vmem>>) target_semaphore(%arg30 : memref<!tpu.dma_semaphore, #tpu.memory_space<semaphore_mem>>)
    %dma_start3A_12 = arith.constant 4 : i32
    %dma_start3A_13 = arith.constant 0 : i32
    %dma_start3A_14 = tpu.memref_slice %arg13[%dma_start3A_12, %dma_start3A_13] : memref<20x128xi32, #tpu.memory_space<vmem>> -> memref<4x128xi32, #tpu.memory_space<vmem>>
    %dma_start3A_15 = arith.constant 0 : i32
    %dma_start3A_16 = tpu.memref_slice %arg3[%mul3A_2, %dma_start3A_15] : memref<128x128xi32, #tpu.memory_space<hbm>> -> memref<4x128xi32, #tpu.memory_space<hbm>>
    %dma_start3A_17 = arith.constant 4 : i32
    %dma_start3A_18 = arith.constant 0 : i32
    %dma_start3A_19 = tpu.memref_slice %arg13[%dma_start3A_17, %dma_start3A_18] : memref<20x128xi32, #tpu.memory_space<vmem>> -> memref<4x128xi32, #tpu.memory_space<vmem>>
    %dma_start3A_20 = arith.constant 0 : i32
    %dma_start3A_21 = tpu.memref_slice %arg3[%mul3A_2, %dma_start3A_20] : memref<128x128xi32, #tpu.memory_space<hbm>> -> memref<4x128xi32, #tpu.memory_space<hbm>>
    tpu.enqueue_dma source(%dma_start3A_21 : memref<4x128xi32, #tpu.memory_space<hbm>>) target(%dma_start3A_19 : memref<4x128xi32, #tpu.memory_space<vmem>>) target_semaphore(%arg31 : memref<!tpu.dma_semaphore, #tpu.memory_space<semaphore_mem>>)
    %dma_start3A_22 = arith.constant 8 : i32
    %dma_start3A_23 = arith.constant 0 : i32
    %dma_start3A_24 = tpu.memref_slice %arg13[%dma_start3A_22, %dma_start3A_23] : memref<20x128xi32, #tpu.memory_space<vmem>> -> memref<4x128xi32, #tpu.memory_space<vmem>>
    %dma_start3A_25 = arith.constant 0 : i32
    %dma_start3A_26 = tpu.memref_slice %arg4[%mul3A_2, %dma_start3A_25] : memref<128x128xi32, #tpu.memory_space<hbm>> -> memref<4x128xi32, #tpu.memory_space<hbm>>
    %dma_start3A_27 = arith.constant 8 : i32
    %dma_start3A_28 = arith.constant 0 : i32
    %dma_start3A_29 = tpu.memref_slice %arg13[%dma_start3A_27, %dma_start3A_28] : memref<20x128xi32, #tpu.memory_space<vmem>> -> memref<4x128xi32, #tpu.memory_space<vmem>>
    %dma_start3A_30 = arith.constant 0 : i32
    %dma_start3A_31 = tpu.memref_slice %arg4[%mul3A_2, %dma_start3A_30] : memref<128x128xi32, #tpu.memory_space<hbm>> -> memref<4x128xi32, #tpu.memory_space<hbm>>
    tpu.enqueue_dma source(%dma_start3A_31 : memref<4x128xi32, #tpu.memory_space<hbm>>) target(%dma_start3A_29 : memref<4x128xi32, #tpu.memory_space<vmem>>) target_semaphore(%arg32 : memref<!tpu.dma_semaphore, #tpu.memory_space<semaphore_mem>>)
    %dma_start3A_32 = arith.constant 12 : i32
    %dma_start3A_33 = arith.constant 0 : i32
    %dma_start3A_34 = tpu.memref_slice %arg13[%dma_start3A_32, %dma_start3A_33] : memref<20x128xi32, #tpu.memory_space<vmem>> -> memref<4x128xi32, #tpu.memory_space<vmem>>
    %dma_start3A_35 = arith.constant 0 : i32
    %dma_start3A_36 = tpu.memref_slice %arg5[%mul3A_2, %dma_start3A_35] : memref<128x128xi32, #tpu.memory_space<hbm>> -> memref<4x128xi32, #tpu.memory_space<hbm>>
    %dma_start3A_37 = arith.constant 12 : i32
    %dma_start3A_38 = arith.constant 0 : i32
    %dma_start3A_39 = tpu.memref_slice %arg13[%dma_start3A_37, %dma_start3A_38] : memref<20x128xi32, #tpu.memory_space<vmem>> -> memref<4x128xi32, #tpu.memory_space<vmem>>
    %dma_start3A_40 = arith.constant 0 : i32
    %dma_start3A_41 = tpu.memref_slice %arg5[%mul3A_2, %dma_start3A_40] : memref<128x128xi32, #tpu.memory_space<hbm>> -> memref<4x128xi32, #tpu.memory_space<hbm>>
    tpu.enqueue_dma source(%dma_start3A_41 : memref<4x128xi32, #tpu.memory_space<hbm>>) target(%dma_start3A_39 : memref<4x128xi32, #tpu.memory_space<vmem>>) target_semaphore(%arg33 : memref<!tpu.dma_semaphore, #tpu.memory_space<semaphore_mem>>)
    %dma_start3A_42 = arith.constant 16 : i32
    %dma_start3A_43 = arith.constant 0 : i32
    %dma_start3A_44 = tpu.memref_slice %arg13[%dma_start3A_42, %dma_start3A_43] : memref<20x128xi32, #tpu.memory_space<vmem>> -> memref<4x128xi32, #tpu.memory_space<vmem>>
    %dma_start3A_45 = arith.constant 0 : i32
    %dma_start3A_46 = tpu.memref_slice %arg6[%mul3A_2, %dma_start3A_45] : memref<128x128xi32, #tpu.memory_space<hbm>> -> memref<4x128xi32, #tpu.memory_space<hbm>>
    %dma_start3A_47 = arith.constant 16 : i32
    %dma_start3A_48 = arith.constant 0 : i32
    %dma_start3A_49 = tpu.memref_slice %arg13[%dma_start3A_47, %dma_start3A_48] : memref<20x128xi32, #tpu.memory_space<vmem>> -> memref<4x128xi32, #tpu.memory_space<vmem>>
    %dma_start3A_50 = arith.constant 0 : i32
    %dma_start3A_51 = tpu.memref_slice %arg6[%mul3A_2, %dma_start3A_50] : memref<128x128xi32, #tpu.memory_space<hbm>> -> memref<4x128xi32, #tpu.memory_space<hbm>>
    tpu.enqueue_dma source(%dma_start3A_51 : memref<4x128xi32, #tpu.memory_space<hbm>>) target(%dma_start3A_49 : memref<4x128xi32, #tpu.memory_space<vmem>>) target_semaphore(%arg34 : memref<!tpu.dma_semaphore, #tpu.memory_space<semaphore_mem>>)
    %iota3A = tpu.iota {dimensions = array<i32: 0>} : vector<16xi32>
    %add3A_52 = arith.constant 0 : i32
    %add3A_53 = vector.broadcast %add3A_52 : i32 to vector<16xi32>
    %add3A_54 = arith.addi %add3A_53, %iota3A : vector<16xi32>
    %jit3A = arith.constant 8 : i32
    %div3A = vector.broadcast %jit3A : i32 to vector<16xi32>
    %div3A_55 = arith.divsi %add3A_54, %div3A : vector<16xi32>
    %sign3A = arith.constant 0 : i32
    %sign3A_56 = vector.broadcast %sign3A : i32 to vector<16xi32>
    %sign3A_57 = arith.cmpi sgt, %add3A_54, %sign3A_56 : vector<16xi32>
    %sign3A_58 = arith.extui %sign3A_57 : vector<16xi1> to vector<16xi32>
    %sign3A_59 = arith.constant 0 : i32
    %sign3A_60 = vector.broadcast %sign3A_59 : i32 to vector<16xi32>
    %sign3A_61 = arith.cmpi slt, %add3A_54, %sign3A_60 : vector<16xi32>
    %sign3A_62 = arith.extui %sign3A_61 : vector<16xi1> to vector<16xi32>
    %sign3A_63 = arith.subi %sign3A_58, %sign3A_62 : vector<16xi32>
    %sign3A_64 = arith.constant 0 : i32
    %sign3A_65 = arith.cmpi sgt, %jit3A, %sign3A_64 : i32
    %sign3A_66 = arith.extui %sign3A_65 : i1 to i32
    %sign3A_67 = arith.constant 0 : i32
    %sign3A_68 = arith.cmpi slt, %jit3A, %sign3A_67 : i32
    %sign3A_69 = arith.extui %sign3A_68 : i1 to i32
    %sign3A_70 = arith.subi %sign3A_66, %sign3A_69 : i32
    %ne3A = vector.broadcast %sign3A_70 : i32 to vector<16xi32>
    %ne3A_71 = arith.cmpi ne, %sign3A_63, %ne3A : vector<16xi32>
    %rem3A = vector.broadcast %jit3A : i32 to vector<16xi32>
    %rem3A_72 = arith.remsi %add3A_54, %rem3A : vector<16xi32>
    %ne3A_73 = arith.constant 0 : i32
    %ne3A_74 = vector.broadcast %ne3A_73 : i32 to vector<16xi32>
    %ne3A_75 = arith.cmpi ne, %rem3A_72, %ne3A_74 : vector<16xi32>
    %and3A = arith.andi %ne3A_71, %ne3A_75 : vector<16xi1>
    %sub3A = arith.constant 1 : i32
    %sub3A_76 = vector.broadcast %sub3A : i32 to vector<16xi32>
    %sub3A_77 = arith.subi %div3A_55, %sub3A_76 : vector<16xi32>
    %select_n3A = arith.select %and3A, %sub3A_77, %div3A_55 : vector<16xi1>, vector<16xi32>
    %jit3A_78 = arith.constant 8 : i32
    %eq3A = arith.constant 0 : i32
    %eq3A_79 = arith.cmpi eq, %jit3A_78, %eq3A : i32
    %jit3A_80 = arith.constant 1 : i32
    %select_n3A_81 = arith.select %eq3A_79, %jit3A_80, %jit3A_78 : i32
    %rem3A_82 = vector.broadcast %select_n3A_81 : i32 to vector<16xi32>
    %rem3A_83 = arith.remsi %add3A_54, %rem3A_82 : vector<16xi32>
    %ne3A_84 = arith.constant 0 : i32
    %ne3A_85 = vector.broadcast %ne3A_84 : i32 to vector<16xi32>
    %ne3A_86 = arith.cmpi ne, %rem3A_83, %ne3A_85 : vector<16xi32>
    %lt3A = arith.constant 0 : i32
    %lt3A_87 = vector.broadcast %lt3A : i32 to vector<16xi32>
    %lt3A_88 = arith.cmpi slt, %rem3A_83, %lt3A_87 : vector<16xi32>
    %lt3A_89 = arith.constant 0 : i32
    %lt3A_90 = arith.cmpi slt, %select_n3A_81, %lt3A_89 : i32
    %ne3A_91 = vector.broadcast %lt3A_90 : i1 to vector<16xi1>
    %ne3A_92 = vector.broadcast %ne3A_91 : vector<16xi1> to vector<16xi1>
    %ne3A_93 = arith.xori %lt3A_88, %ne3A_92 : vector<16xi1>
    %and3A_94 = arith.andi %ne3A_93, %ne3A_86 : vector<16xi1>
    %add3A_95 = vector.broadcast %select_n3A_81 : i32 to vector<16xi32>
    %add3A_96 = arith.addi %rem3A_83, %add3A_95 : vector<16xi32>
    %select_n3A_97 = arith.select %and3A_94, %add3A_96, %rem3A_83 : vector<16xi1>, vector<16xi32>
    %add3A_98 = arith.constant 16 : i32
    %add3A_99 = vector.broadcast %add3A_98 : i32 to vector<16xi32>
    %add3A_100 = arith.addi %add3A_99, %iota3A : vector<16xi32>
    %jit3A_101 = arith.constant 8 : i32
    %div3A_102 = vector.broadcast %jit3A_101 : i32 to vector<16xi32>
    %div3A_103 = arith.divsi %add3A_100, %div3A_102 : vector<16xi32>
    %sign3A_104 = arith.constant 0 : i32
    %sign3A_105 = vector.broadcast %sign3A_104 : i32 to vector<16xi32>
    %sign3A_106 = arith.cmpi sgt, %add3A_100, %sign3A_105 : vector<16xi32>
    %sign3A_107 = arith.extui %sign3A_106 : vector<16xi1> to vector<16xi32>
    %sign3A_108 = arith.constant 0 : i32
    %sign3A_109 = vector.broadcast %sign3A_108 : i32 to vector<16xi32>
    %sign3A_110 = arith.cmpi slt, %add3A_100, %sign3A_109 : vector<16xi32>
    %sign3A_111 = arith.extui %sign3A_110 : vector<16xi1> to vector<16xi32>
    %sign3A_112 = arith.subi %sign3A_107, %sign3A_111 : vector<16xi32>
    %sign3A_113 = arith.constant 0 : i32
    %sign3A_114 = arith.cmpi sgt, %jit3A_101, %sign3A_113 : i32
    %sign3A_115 = arith.extui %sign3A_114 : i1 to i32
    %sign3A_116 = arith.constant 0 : i32
    %sign3A_117 = arith.cmpi slt, %jit3A_101, %sign3A_116 : i32
    %sign3A_118 = arith.extui %sign3A_117 : i1 to i32
    %sign3A_119 = arith.subi %sign3A_115, %sign3A_118 : i32
    %ne3A_120 = vector.broadcast %sign3A_119 : i32 to vector<16xi32>
    %ne3A_121 = arith.cmpi ne, %sign3A_112, %ne3A_120 : vector<16xi32>
    %rem3A_122 = vector.broadcast %jit3A_101 : i32 to vector<16xi32>
    %rem3A_123 = arith.remsi %add3A_100, %rem3A_122 : vector<16xi32>
    %ne3A_124 = arith.constant 0 : i32
    %ne3A_125 = vector.broadcast %ne3A_124 : i32 to vector<16xi32>
    %ne3A_126 = arith.cmpi ne, %rem3A_123, %ne3A_125 : vector<16xi32>
    %and3A_127 = arith.andi %ne3A_121, %ne3A_126 : vector<16xi1>
    %sub3A_128 = arith.constant 1 : i32
    %sub3A_129 = vector.broadcast %sub3A_128 : i32 to vector<16xi32>
    %sub3A_130 = arith.subi %div3A_103, %sub3A_129 : vector<16xi32>
    %select_n3A_131 = arith.select %and3A_127, %sub3A_130, %div3A_103 : vector<16xi1>, vector<16xi32>
    %jit3A_132 = arith.constant 8 : i32
    %eq3A_133 = arith.constant 0 : i32
    %eq3A_134 = arith.cmpi eq, %jit3A_132, %eq3A_133 : i32
    %jit3A_135 = arith.constant 1 : i32
    %select_n3A_136 = arith.select %eq3A_134, %jit3A_135, %jit3A_132 : i32
    %rem3A_137 = vector.broadcast %select_n3A_136 : i32 to vector<16xi32>
    %rem3A_138 = arith.remsi %add3A_100, %rem3A_137 : vector<16xi32>
    %ne3A_139 = arith.constant 0 : i32
    %ne3A_140 = vector.broadcast %ne3A_139 : i32 to vector<16xi32>
    %ne3A_141 = arith.cmpi ne, %rem3A_138, %ne3A_140 : vector<16xi32>
    %lt3A_142 = arith.constant 0 : i32
    %lt3A_143 = vector.broadcast %lt3A_142 : i32 to vector<16xi32>
    %lt3A_144 = arith.cmpi slt, %rem3A_138, %lt3A_143 : vector<16xi32>
    %lt3A_145 = arith.constant 0 : i32
    %lt3A_146 = arith.cmpi slt, %select_n3A_136, %lt3A_145 : i32
    %ne3A_147 = vector.broadcast %lt3A_146 : i1 to vector<16xi1>
    %ne3A_148 = vector.broadcast %ne3A_147 : vector<16xi1> to vector<16xi1>
    %ne3A_149 = arith.xori %lt3A_144, %ne3A_148 : vector<16xi1>
    %and3A_150 = arith.andi %ne3A_149, %ne3A_141 : vector<16xi1>
    %add3A_151 = vector.broadcast %select_n3A_136 : i32 to vector<16xi32>
    %add3A_152 = arith.addi %rem3A_138, %add3A_151 : vector<16xi32>
    %select_n3A_153 = arith.select %and3A_150, %add3A_152, %rem3A_138 : vector<16xi1>, vector<16xi32>
    %add3A_154 = arith.constant 32 : i32
    %add3A_155 = vector.broadcast %add3A_154 : i32 to vector<16xi32>
    %add3A_156 = arith.addi %add3A_155, %iota3A : vector<16xi32>
    %jit3A_157 = arith.constant 8 : i32
    %div3A_158 = vector.broadcast %jit3A_157 : i32 to vector<16xi32>
    %div3A_159 = arith.divsi %add3A_156, %div3A_158 : vector<16xi32>
    %sign3A_160 = arith.constant 0 : i32
    %sign3A_161 = vector.broadcast %sign3A_160 : i32 to vector<16xi32>
    %sign3A_162 = arith.cmpi sgt, %add3A_156, %sign3A_161 : vector<16xi32>
    %sign3A_163 = arith.extui %sign3A_162 : vector<16xi1> to vector<16xi32>
    %sign3A_164 = arith.constant 0 : i32
    %sign3A_165 = vector.broadcast %sign3A_164 : i32 to vector<16xi32>
    %sign3A_166 = arith.cmpi slt, %add3A_156, %sign3A_165 : vector<16xi32>
    %sign3A_167 = arith.extui %sign3A_166 : vector<16xi1> to vector<16xi32>
    %sign3A_168 = arith.subi %sign3A_163, %sign3A_167 : vector<16xi32>
    %sign3A_169 = arith.constant 0 : i32
    %sign3A_170 = arith.cmpi sgt, %jit3A_157, %sign3A_169 : i32
    %sign3A_171 = arith.extui %sign3A_170 : i1 to i32
    %sign3A_172 = arith.constant 0 : i32
    %sign3A_173 = arith.cmpi slt, %jit3A_157, %sign3A_172 : i32
    %sign3A_174 = arith.extui %sign3A_173 : i1 to i32
    %sign3A_175 = arith.subi %sign3A_171, %sign3A_174 : i32
    %ne3A_176 = vector.broadcast %sign3A_175 : i32 to vector<16xi32>
    %ne3A_177 = arith.cmpi ne, %sign3A_168, %ne3A_176 : vector<16xi32>
    %rem3A_178 = vector.broadcast %jit3A_157 : i32 to vector<16xi32>
    %rem3A_179 = arith.remsi %add3A_156, %rem3A_178 : vector<16xi32>
    %ne3A_180 = arith.constant 0 : i32
    %ne3A_181 = vector.broadcast %ne3A_180 : i32 to vector<16xi32>
    %ne3A_182 = arith.cmpi ne, %rem3A_179, %ne3A_181 : vector<16xi32>
    %and3A_183 = arith.andi %ne3A_177, %ne3A_182 : vector<16xi1>
    %sub3A_184 = arith.constant 1 : i32
    %sub3A_185 = vector.broadcast %sub3A_184 : i32 to vector<16xi32>
    %sub3A_186 = arith.subi %div3A_159, %sub3A_185 : vector<16xi32>
    %select_n3A_187 = arith.select %and3A_183, %sub3A_186, %div3A_159 : vector<16xi1>, vector<16xi32>
    %jit3A_188 = arith.constant 8 : i32
    %eq3A_189 = arith.constant 0 : i32
    %eq3A_190 = arith.cmpi eq, %jit3A_188, %eq3A_189 : i32
    %jit3A_191 = arith.constant 1 : i32
    %select_n3A_192 = arith.select %eq3A_190, %jit3A_191, %jit3A_188 : i32
    %rem3A_193 = vector.broadcast %select_n3A_192 : i32 to vector<16xi32>
    %rem3A_194 = arith.remsi %add3A_156, %rem3A_193 : vector<16xi32>
    %ne3A_195 = arith.constant 0 : i32
    %ne3A_196 = vector.broadcast %ne3A_195 : i32 to vector<16xi32>
    %ne3A_197 = arith.cmpi ne, %rem3A_194, %ne3A_196 : vector<16xi32>
    %lt3A_198 = arith.constant 0 : i32
    %lt3A_199 = vector.broadcast %lt3A_198 : i32 to vector<16xi32>
    %lt3A_200 = arith.cmpi slt, %rem3A_194, %lt3A_199 : vector<16xi32>
    %lt3A_201 = arith.constant 0 : i32
    %lt3A_202 = arith.cmpi slt, %select_n3A_192, %lt3A_201 : i32
    %ne3A_203 = vector.broadcast %lt3A_202 : i1 to vector<16xi1>
    %ne3A_204 = vector.broadcast %ne3A_203 : vector<16xi1> to vector<16xi1>
    %ne3A_205 = arith.xori %lt3A_200, %ne3A_204 : vector<16xi1>
    %and3A_206 = arith.andi %ne3A_205, %ne3A_197 : vector<16xi1>
    %add3A_207 = vector.broadcast %select_n3A_192 : i32 to vector<16xi32>
    %add3A_208 = arith.addi %rem3A_194, %add3A_207 : vector<16xi32>
    %select_n3A_209 = arith.select %and3A_206, %add3A_208, %rem3A_194 : vector<16xi1>, vector<16xi32>
    %add3A_210 = arith.constant 48 : i32
    %add3A_211 = vector.broadcast %add3A_210 : i32 to vector<16xi32>
    %add3A_212 = arith.addi %add3A_211, %iota3A : vector<16xi32>
    %jit3A_213 = arith.constant 8 : i32
    %div3A_214 = vector.broadcast %jit3A_213 : i32 to vector<16xi32>
    %div3A_215 = arith.divsi %add3A_212, %div3A_214 : vector<16xi32>
    %sign3A_216 = arith.constant 0 : i32
    %sign3A_217 = vector.broadcast %sign3A_216 : i32 to vector<16xi32>
    %sign3A_218 = arith.cmpi sgt, %add3A_212, %sign3A_217 : vector<16xi32>
    %sign3A_219 = arith.extui %sign3A_218 : vector<16xi1> to vector<16xi32>
    %sign3A_220 = arith.constant 0 : i32
    %sign3A_221 = vector.broadcast %sign3A_220 : i32 to vector<16xi32>
    %sign3A_222 = arith.cmpi slt, %add3A_212, %sign3A_221 : vector<16xi32>
    %sign3A_223 = arith.extui %sign3A_222 : vector<16xi1> to vector<16xi32>
    %sign3A_224 = arith.subi %sign3A_219, %sign3A_223 : vector<16xi32>
    %sign3A_225 = arith.constant 0 : i32
    %sign3A_226 = arith.cmpi sgt, %jit3A_213, %sign3A_225 : i32
    %sign3A_227 = arith.extui %sign3A_226 : i1 to i32
    %sign3A_228 = arith.constant 0 : i32
    %sign3A_229 = arith.cmpi slt, %jit3A_213, %sign3A_228 : i32
    %sign3A_230 = arith.extui %sign3A_229 : i1 to i32
    %sign3A_231 = arith.subi %sign3A_227, %sign3A_230 : i32
    %ne3A_232 = vector.broadcast %sign3A_231 : i32 to vector<16xi32>
    %ne3A_233 = arith.cmpi ne, %sign3A_224, %ne3A_232 : vector<16xi32>
    %rem3A_234 = vector.broadcast %jit3A_213 : i32 to vector<16xi32>
    %rem3A_235 = arith.remsi %add3A_212, %rem3A_234 : vector<16xi32>
    %ne3A_236 = arith.constant 0 : i32
    %ne3A_237 = vector.broadcast %ne3A_236 : i32 to vector<16xi32>
    %ne3A_238 = arith.cmpi ne, %rem3A_235, %ne3A_237 : vector<16xi32>
    %and3A_239 = arith.andi %ne3A_233, %ne3A_238 : vector<16xi1>
    %sub3A_240 = arith.constant 1 : i32
    %sub3A_241 = vector.broadcast %sub3A_240 : i32 to vector<16xi32>
    %sub3A_242 = arith.subi %div3A_215, %sub3A_241 : vector<16xi32>
    %select_n3A_243 = arith.select %and3A_239, %sub3A_242, %div3A_215 : vector<16xi1>, vector<16xi32>
    %jit3A_244 = arith.constant 8 : i32
    %eq3A_245 = arith.constant 0 : i32
    %eq3A_246 = arith.cmpi eq, %jit3A_244, %eq3A_245 : i32
    %jit3A_247 = arith.constant 1 : i32
    %select_n3A_248 = arith.select %eq3A_246, %jit3A_247, %jit3A_244 : i32
    %rem3A_249 = vector.broadcast %select_n3A_248 : i32 to vector<16xi32>
    %rem3A_250 = arith.remsi %add3A_212, %rem3A_249 : vector<16xi32>
    %ne3A_251 = arith.constant 0 : i32
    %ne3A_252 = vector.broadcast %ne3A_251 : i32 to vector<16xi32>
    %ne3A_253 = arith.cmpi ne, %rem3A_250, %ne3A_252 : vector<16xi32>
    %lt3A_254 = arith.constant 0 : i32
    %lt3A_255 = vector.broadcast %lt3A_254 : i32 to vector<16xi32>
    %lt3A_256 = arith.cmpi slt, %rem3A_250, %lt3A_255 : vector<16xi32>
    %lt3A_257 = arith.constant 0 : i32
    %lt3A_258 = arith.cmpi slt, %select_n3A_248, %lt3A_257 : i32
    %ne3A_259 = vector.broadcast %lt3A_258 : i1 to vector<16xi1>
    %ne3A_260 = vector.broadcast %ne3A_259 : vector<16xi1> to vector<16xi1>
    %ne3A_261 = arith.xori %lt3A_256, %ne3A_260 : vector<16xi1>
    %and3A_262 = arith.andi %ne3A_261, %ne3A_253 : vector<16xi1>
    %add3A_263 = vector.broadcast %select_n3A_248 : i32 to vector<16xi32>
    %add3A_264 = arith.addi %rem3A_250, %add3A_263 : vector<16xi32>
    %select_n3A_265 = arith.select %and3A_262, %add3A_264, %rem3A_250 : vector<16xi1>, vector<16xi32>
    %dma_wait3A = arith.constant 0 : i32
    %dma_wait3A_266 = arith.constant 0 : i32
    %dma_wait3A_267 = tpu.memref_slice %arg13[%dma_wait3A, %dma_wait3A_266] : memref<20x128xi32, #tpu.memory_space<vmem>> -> memref<4x128xi32, #tpu.memory_space<vmem>>
    %dma_wait3A_268 = arith.constant 0 : i32
    %dma_wait3A_269 = tpu.memref_slice %arg2[%mul3A_2, %dma_wait3A_268] : memref<128x128xi32, #tpu.memory_space<hbm>> -> memref<4x128xi32, #tpu.memory_space<hbm>>
    %dma_wait3A_270 = arith.constant 0 : i32
    %dma_wait3A_271 = arith.constant 0 : i32
    %dma_wait3A_272 = tpu.memref_slice %arg13[%dma_wait3A_270, %dma_wait3A_271] : memref<20x128xi32, #tpu.memory_space<vmem>> -> memref<4x128xi32, #tpu.memory_space<vmem>>
    %dma_wait3A_273 = arith.constant 0 : i32
    %dma_wait3A_274 = tpu.memref_slice %arg2[%mul3A_2, %dma_wait3A_273] : memref<128x128xi32, #tpu.memory_space<hbm>> -> memref<4x128xi32, #tpu.memory_space<hbm>>
    tpu.wait_dma2 semaphore(%arg30 : memref<!tpu.dma_semaphore, #tpu.memory_space<semaphore_mem>>) src(%dma_wait3A_274 : memref<4x128xi32, #tpu.memory_space<hbm>>) dst(%dma_wait3A_272 : memref<4x128xi32, #tpu.memory_space<vmem>>)
    %dma_start3A_275 = arith.constant 0 : i32
    %dma_start3A_276 = arith.constant 0 : i32
    %dma_start3A_277 = tpu.memref_slice %arg13[%dma_start3A_275, %dma_start3A_276] : memref<20x128xi32, #tpu.memory_space<vmem>> -> memref<1x128xi32, #tpu.memory_space<vmem>>
    %dma_start3A_278 = tpu.memref_squeeze %dma_start3A_277 : memref<1x128xi32, #tpu.memory_space<vmem>> -> memref<128xi32, #tpu.memory_space<vmem>>
    %dma_start3A_279 = arith.constant 0 : i32
    %dma_start3A_280 = arith.constant 0 : i32
    %dma_start3A_281 = tpu.memref_slice %arg7[%dma_start3A_279, %dma_start3A_280] : memref<50048x128xf32, #tpu.memory_space<hbm>> -> memref<50048x128xf32, #tpu.memory_space<hbm>>
    tpu.enqueue_indirect_dma source(%dma_start3A_281 : memref<50048x128xf32, #tpu.memory_space<hbm>>) target(%arg14 : memref<128x128xf32, #tpu.memory_space<vmem>>) offsets(%dma_start3A_278 : memref<128xi32, #tpu.memory_space<vmem>>) semaphore(%arg22 : memref<!tpu.dma_semaphore, #tpu.memory_space<semaphore_mem>>)
    %dma_start3A_282 = arith.constant 1 : i32
    %dma_start3A_283 = arith.constant 0 : i32
    %dma_start3A_284 = tpu.memref_slice %arg13[%dma_start3A_282, %dma_start3A_283] : memref<20x128xi32, #tpu.memory_space<vmem>> -> memref<1x128xi32, #tpu.memory_space<vmem>>
    %dma_start3A_285 = tpu.memref_squeeze %dma_start3A_284 : memref<1x128xi32, #tpu.memory_space<vmem>> -> memref<128xi32, #tpu.memory_space<vmem>>
    %dma_start3A_286 = arith.constant 0 : i32
    %dma_start3A_287 = arith.constant 0 : i32
    %dma_start3A_288 = tpu.memref_slice %arg7[%dma_start3A_286, %dma_start3A_287] : memref<50048x128xf32, #tpu.memory_space<hbm>> -> memref<50048x128xf32, #tpu.memory_space<hbm>>
    tpu.enqueue_indirect_dma source(%dma_start3A_288 : memref<50048x128xf32, #tpu.memory_space<hbm>>) target(%arg15 : memref<128x128xf32, #tpu.memory_space<vmem>>) offsets(%dma_start3A_285 : memref<128xi32, #tpu.memory_space<vmem>>) semaphore(%arg23 : memref<!tpu.dma_semaphore, #tpu.memory_space<semaphore_mem>>)
    %dma_start3A_289 = arith.constant 2 : i32
    %dma_start3A_290 = arith.constant 0 : i32
    %dma_start3A_291 = tpu.memref_slice %arg13[%dma_start3A_289, %dma_start3A_290] : memref<20x128xi32, #tpu.memory_space<vmem>> -> memref<1x128xi32, #tpu.memory_space<vmem>>
    %dma_start3A_292 = tpu.memref_squeeze %dma_start3A_291 : memref<1x128xi32, #tpu.memory_space<vmem>> -> memref<128xi32, #tpu.memory_space<vmem>>
    %dma_start3A_293 = arith.constant 0 : i32
    %dma_start3A_294 = arith.constant 0 : i32
    %dma_start3A_295 = tpu.memref_slice %arg7[%dma_start3A_293, %dma_start3A_294] : memref<50048x128xf32, #tpu.memory_space<hbm>> -> memref<50048x128xf32, #tpu.memory_space<hbm>>
    tpu.enqueue_indirect_dma source(%dma_start3A_295 : memref<50048x128xf32, #tpu.memory_space<hbm>>) target(%arg16 : memref<128x128xf32, #tpu.memory_space<vmem>>) offsets(%dma_start3A_292 : memref<128xi32, #tpu.memory_space<vmem>>) semaphore(%arg24 : memref<!tpu.dma_semaphore, #tpu.memory_space<semaphore_mem>>)
    %dma_start3A_296 = arith.constant 3 : i32
    %dma_start3A_297 = arith.constant 0 : i32
    %dma_start3A_298 = tpu.memref_slice %arg13[%dma_start3A_296, %dma_start3A_297] : memref<20x128xi32, #tpu.memory_space<vmem>> -> memref<1x128xi32, #tpu.memory_space<vmem>>
    %dma_start3A_299 = tpu.memref_squeeze %dma_start3A_298 : memref<1x128xi32, #tpu.memory_space<vmem>> -> memref<128xi32, #tpu.memory_space<vmem>>
    %dma_start3A_300 = arith.constant 0 : i32
    %dma_start3A_301 = arith.constant 0 : i32
    %dma_start3A_302 = tpu.memref_slice %arg7[%dma_start3A_300, %dma_start3A_301] : memref<50048x128xf32, #tpu.memory_space<hbm>> -> memref<50048x128xf32, #tpu.memory_space<hbm>>
    tpu.enqueue_indirect_dma source(%dma_start3A_302 : memref<50048x128xf32, #tpu.memory_space<hbm>>) target(%arg17 : memref<128x128xf32, #tpu.memory_space<vmem>>) offsets(%dma_start3A_299 : memref<128xi32, #tpu.memory_space<vmem>>) semaphore(%arg25 : memref<!tpu.dma_semaphore, #tpu.memory_space<semaphore_mem>>)
    %dma_wait3A_303 = arith.constant 12 : i32
    %dma_wait3A_304 = arith.constant 0 : i32
    %dma_wait3A_305 = tpu.memref_slice %arg13[%dma_wait3A_303, %dma_wait3A_304] : memref<20x128xi32, #tpu.memory_space<vmem>> -> memref<4x128xi32, #tpu.memory_space<vmem>>
    %dma_wait3A_306 = arith.constant 0 : i32
    %dma_wait3A_307 = tpu.memref_slice %arg5[%mul3A_2, %dma_wait3A_306] : memref<128x128xi32, #tpu.memory_space<hbm>> -> memref<4x128xi32, #tpu.memory_space<hbm>>
    %dma_wait3A_308 = arith.constant 12 : i32
    %dma_wait3A_309 = arith.constant 0 : i32
    %dma_wait3A_310 = tpu.memref_slice %arg13[%dma_wait3A_308, %dma_wait3A_309] : memref<20x128xi32, #tpu.memory_space<vmem>> -> memref<4x128xi32, #tpu.memory_space<vmem>>
    %dma_wait3A_311 = arith.constant 0 : i32
    %dma_wait3A_312 = tpu.memref_slice %arg5[%mul3A_2, %dma_wait3A_311] : memref<128x128xi32, #tpu.memory_space<hbm>> -> memref<4x128xi32, #tpu.memory_space<hbm>>
    tpu.wait_dma2 semaphore(%arg33 : memref<!tpu.dma_semaphore, #tpu.memory_space<semaphore_mem>>) src(%dma_wait3A_312 : memref<4x128xi32, #tpu.memory_space<hbm>>) dst(%dma_wait3A_310 : memref<4x128xi32, #tpu.memory_space<vmem>>)
    %dma_wait3A_313 = arith.constant 0 : i32
    %dma_wait3A_314 = arith.constant 0 : i32
    %dma_wait3A_315 = tpu.memref_slice %arg13[%dma_wait3A_313, %dma_wait3A_314] : memref<20x128xi32, #tpu.memory_space<vmem>> -> memref<1x128xi32, #tpu.memory_space<vmem>>
    %dma_wait3A_316 = tpu.memref_squeeze %dma_wait3A_315 : memref<1x128xi32, #tpu.memory_space<vmem>> -> memref<128xi32, #tpu.memory_space<vmem>>
    %dma_wait3A_317 = arith.constant 0 : i32
    %dma_wait3A_318 = arith.constant 0 : i32
    %dma_wait3A_319 = tpu.memref_slice %arg7[%dma_wait3A_317, %dma_wait3A_318] : memref<50048x128xf32, #tpu.memory_space<hbm>> -> memref<50048x128xf32, #tpu.memory_space<hbm>>
    tpu.wait_indirect_dma semaphore(%arg22 : memref<!tpu.dma_semaphore, #tpu.memory_space<semaphore_mem>>) src(%dma_wait3A_319 : memref<50048x128xf32, #tpu.memory_space<hbm>>) dst(%arg14 : memref<128x128xf32, #tpu.memory_space<vmem>>)
    %scan3A = arith.constant 0 : i32
    %scan3A_320 = arith.constant 0 : i32
    %scan3A_321 = arith.constant 128 : i32
    %scan3A_322 = arith.addi %scan3A_320, %scan3A_321 : i32
    %scan3A_323 = arith.constant 4 : i32
    scf.for %scan3A_962 = %scan3A_320 to %scan3A_322 step %scan3A_323  : i32 {
      %broadcast_in_dim3A = vector.broadcast %scan3A_962 : i32 to vector<16xi32>
      %broadcast_in_dim3A_963 = arith.constant 12 : i32
      %broadcast_in_dim3A_964 = vector.broadcast %broadcast_in_dim3A_963 : i32 to vector<16xi32>
      %gather3A = tpu.vector_load_idx %arg13[%broadcast_in_dim3A_964, %broadcast_in_dim3A] : memref<20x128xi32, #tpu.memory_space<vmem>>[vector<16xi32>, vector<16xi32>], vector<16xi32>,
      %add3A_965 = arith.addi %add3A_54, %gather3A : vector<16xi32>
      %gather3A_966 = tpu.vector_load_idx %arg14[%broadcast_in_dim3A, %add3A_965] : memref<128x128xf32, #tpu.memory_space<vmem>>[vector<16xi32>, vector<16xi32>], vector<16xf32>,
      tpu.vector_store_idx %arg18[%select_n3A, %select_n3A_97, %broadcast_in_dim3A], %gather3A_966 : memref<8x8x129xf32, #tpu.memory_space<vmem>>[vector<16xi32>, vector<16xi32>, vector<16xi32>], vector<16xf32>,
      %add3A_967 = arith.addi %add3A_100, %gather3A : vector<16xi32>
      %gather3A_968 = tpu.vector_load_idx %arg14[%broadcast_in_dim3A, %add3A_967] : memref<128x128xf32, #tpu.memory_space<vmem>>[vector<16xi32>, vector<16xi32>], vector<16xf32>,
      tpu.vector_store_idx %arg18[%select_n3A_131, %select_n3A_153, %broadcast_in_dim3A], %gather3A_968 : memref<8x8x129xf32, #tpu.memory_space<vmem>>[vector<16xi32>, vector<16xi32>, vector<16xi32>], vector<16xf32>,
      %add3A_969 = arith.addi %add3A_156, %gather3A : vector<16xi32>
      %gather3A_970 = tpu.vector_load_idx %arg14[%broadcast_in_dim3A, %add3A_969] : memref<128x128xf32, #tpu.memory_space<vmem>>[vector<16xi32>, vector<16xi32>], vector<16xf32>,
      tpu.vector_store_idx %arg18[%select_n3A_187, %select_n3A_209, %broadcast_in_dim3A], %gather3A_970 : memref<8x8x129xf32, #tpu.memory_space<vmem>>[vector<16xi32>, vector<16xi32>, vector<16xi32>], vector<16xf32>,
      %add3A_971 = arith.addi %add3A_212, %gather3A : vector<16xi32>
      %gather3A_972 = tpu.vector_load_idx %arg14[%broadcast_in_dim3A, %add3A_971] : memref<128x128xf32, #tpu.memory_space<vmem>>[vector<16xi32>, vector<16xi32>], vector<16xf32>,
      tpu.vector_store_idx %arg18[%select_n3A_243, %select_n3A_265, %broadcast_in_dim3A], %gather3A_972 : memref<8x8x129xf32, #tpu.memory_space<vmem>>[vector<16xi32>, vector<16xi32>, vector<16xi32>], vector<16xf32>,
      %scan3A_973 = arith.constant 1 : i32
      %scan3A_974 = arith.addi %scan3A_962, %scan3A_973 : i32
      %broadcast_in_dim3A_975 = vector.broadcast %scan3A_974 : i32 to vector<16xi32>
      %broadcast_in_dim3A_976 = arith.constant 12 : i32
      %broadcast_in_dim3A_977 = vector.broadcast %broadcast_in_dim3A_976 : i32 to vector<16xi32>
      %gather3A_978 = tpu.vector_load_idx %arg13[%broadcast_in_dim3A_977, %broadcast_in_dim3A_975] : memref<20x128xi32, #tpu.memory_space<vmem>>[vector<16xi32>, vector<16xi32>], vector<16xi32>,
      %add3A_979 = arith.addi %add3A_54, %gather3A_978 : vector<16xi32>
      %gather3A_980 = tpu.vector_load_idx %arg14[%broadcast_in_dim3A_975, %add3A_979] : memref<128x128xf32, #tpu.memory_space<vmem>>[vector<16xi32>, vector<16xi32>], vector<16xf32>,
      tpu.vector_store_idx %arg18[%select_n3A, %select_n3A_97, %broadcast_in_dim3A_975], %gather3A_980 : memref<8x8x129xf32, #tpu.memory_space<vmem>>[vector<16xi32>, vector<16xi32>, vector<16xi32>], vector<16xf32>,
      %add3A_981 = arith.addi %add3A_100, %gather3A_978 : vector<16xi32>
      %gather3A_982 = tpu.vector_load_idx %arg14[%broadcast_in_dim3A_975, %add3A_981] : memref<128x128xf32, #tpu.memory_space<vmem>>[vector<16xi32>, vector<16xi32>], vector<16xf32>,
      tpu.vector_store_idx %arg18[%select_n3A_131, %select_n3A_153, %broadcast_in_dim3A_975], %gather3A_982 : memref<8x8x129xf32, #tpu.memory_space<vmem>>[vector<16xi32>, vector<16xi32>, vector<16xi32>], vector<16xf32>,
      %add3A_983 = arith.addi %add3A_156, %gather3A_978 : vector<16xi32>
      %gather3A_984 = tpu.vector_load_idx %arg14[%broadcast_in_dim3A_975, %add3A_983] : memref<128x128xf32, #tpu.memory_space<vmem>>[vector<16xi32>, vector<16xi32>], vector<16xf32>,
      tpu.vector_store_idx %arg18[%select_n3A_187, %select_n3A_209, %broadcast_in_dim3A_975], %gather3A_984 : memref<8x8x129xf32, #tpu.memory_space<vmem>>[vector<16xi32>, vector<16xi32>, vector<16xi32>], vector<16xf32>,
      %add3A_985 = arith.addi %add3A_212, %gather3A_978 : vector<16xi32>
      %gather3A_986 = tpu.vector_load_idx %arg14[%broadcast_in_dim3A_975, %add3A_985] : memref<128x128xf32, #tpu.memory_space<vmem>>[vector<16xi32>, vector<16xi32>], vector<16xf32>,
      tpu.vector_store_idx %arg18[%select_n3A_243, %select_n3A_265, %broadcast_in_dim3A_975], %gather3A_986 : memref<8x8x129xf32, #tpu.memory_space<vmem>>[vector<16xi32>, vector<16xi32>, vector<16xi32>], vector<16xf32>,
      %scan3A_987 = arith.constant 2 : i32
      %scan3A_988 = arith.addi %scan3A_962, %scan3A_987 : i32
      %broadcast_in_dim3A_989 = vector.broadcast %scan3A_988 : i32 to vector<16xi32>
      %broadcast_in_dim3A_990 = arith.constant 12 : i32
      %broadcast_in_dim3A_991 = vector.broadcast %broadcast_in_dim3A_990 : i32 to vector<16xi32>
      %gather3A_992 = tpu.vector_load_idx %arg13[%broadcast_in_dim3A_991, %broadcast_in_dim3A_989] : memref<20x128xi32, #tpu.memory_space<vmem>>[vector<16xi32>, vector<16xi32>], vector<16xi32>,
      %add3A_993 = arith.addi %add3A_54, %gather3A_992 : vector<16xi32>
      %gather3A_994 = tpu.vector_load_idx %arg14[%broadcast_in_dim3A_989, %add3A_993] : memref<128x128xf32, #tpu.memory_space<vmem>>[vector<16xi32>, vector<16xi32>], vector<16xf32>,
      tpu.vector_store_idx %arg18[%select_n3A, %select_n3A_97, %broadcast_in_dim3A_989], %gather3A_994 : memref<8x8x129xf32, #tpu.memory_space<vmem>>[vector<16xi32>, vector<16xi32>, vector<16xi32>], vector<16xf32>,
      %add3A_995 = arith.addi %add3A_100, %gather3A_992 : vector<16xi32>
      %gather3A_996 = tpu.vector_load_idx %arg14[%broadcast_in_dim3A_989, %add3A_995] : memref<128x128xf32, #tpu.memory_space<vmem>>[vector<16xi32>, vector<16xi32>], vector<16xf32>,
      tpu.vector_store_idx %arg18[%select_n3A_131, %select_n3A_153, %broadcast_in_dim3A_989], %gather3A_996 : memref<8x8x129xf32, #tpu.memory_space<vmem>>[vector<16xi32>, vector<16xi32>, vector<16xi32>], vector<16xf32>,
      %add3A_997 = arith.addi %add3A_156, %gather3A_992 : vector<16xi32>
      %gather3A_998 = tpu.vector_load_idx %arg14[%broadcast_in_dim3A_989, %add3A_997] : memref<128x128xf32, #tpu.memory_space<vmem>>[vector<16xi32>, vector<16xi32>], vector<16xf32>,
      tpu.vector_store_idx %arg18[%select_n3A_187, %select_n3A_209, %broadcast_in_dim3A_989], %gather3A_998 : memref<8x8x129xf32, #tpu.memory_space<vmem>>[vector<16xi32>, vector<16xi32>, vector<16xi32>], vector<16xf32>,
      %add3A_999 = arith.addi %add3A_212, %gather3A_992 : vector<16xi32>
      %gather3A_1000 = tpu.vector_load_idx %arg14[%broadcast_in_dim3A_989, %add3A_999] : memref<128x128xf32, #tpu.memory_space<vmem>>[vector<16xi32>, vector<16xi32>], vector<16xf32>,
      tpu.vector_store_idx %arg18[%select_n3A_243, %select_n3A_265, %broadcast_in_dim3A_989], %gather3A_1000 : memref<8x8x129xf32, #tpu.memory_space<vmem>>[vector<16xi32>, vector<16xi32>, vector<16xi32>], vector<16xf32>,
      %scan3A_1001 = arith.constant 3 : i32
      %scan3A_1002 = arith.addi %scan3A_962, %scan3A_1001 : i32
      %broadcast_in_dim3A_1003 = vector.broadcast %scan3A_1002 : i32 to vector<16xi32>
      %broadcast_in_dim3A_1004 = arith.constant 12 : i32
      %broadcast_in_dim3A_1005 = vector.broadcast %broadcast_in_dim3A_1004 : i32 to vector<16xi32>
      %gather3A_1006 = tpu.vector_load_idx %arg13[%broadcast_in_dim3A_1005, %broadcast_in_dim3A_1003] : memref<20x128xi32, #tpu.memory_space<vmem>>[vector<16xi32>, vector<16xi32>], vector<16xi32>,
      %add3A_1007 = arith.addi %add3A_54, %gather3A_1006 : vector<16xi32>
      %gather3A_1008 = tpu.vector_load_idx %arg14[%broadcast_in_dim3A_1003, %add3A_1007] : memref<128x128xf32, #tpu.memory_space<vmem>>[vector<16xi32>, vector<16xi32>], vector<16xf32>,
      tpu.vector_store_idx %arg18[%select_n3A, %select_n3A_97, %broadcast_in_dim3A_1003], %gather3A_1008 : memref<8x8x129xf32, #tpu.memory_space<vmem>>[vector<16xi32>, vector<16xi32>, vector<16xi32>], vector<16xf32>,
      %add3A_1009 = arith.addi %add3A_100, %gather3A_1006 : vector<16xi32>
      %gather3A_1010 = tpu.vector_load_idx %arg14[%broadcast_in_dim3A_1003, %add3A_1009] : memref<128x128xf32, #tpu.memory_space<vmem>>[vector<16xi32>, vector<16xi32>], vector<16xf32>,
      tpu.vector_store_idx %arg18[%select_n3A_131, %select_n3A_153, %broadcast_in_dim3A_1003], %gather3A_1010 : memref<8x8x129xf32, #tpu.memory_space<vmem>>[vector<16xi32>, vector<16xi32>, vector<16xi32>], vector<16xf32>,
      %add3A_1011 = arith.addi %add3A_156, %gather3A_1006 : vector<16xi32>
      %gather3A_1012 = tpu.vector_load_idx %arg14[%broadcast_in_dim3A_1003, %add3A_1011] : memref<128x128xf32, #tpu.memory_space<vmem>>[vector<16xi32>, vector<16xi32>], vector<16xf32>,
      tpu.vector_store_idx %arg18[%select_n3A_187, %select_n3A_209, %broadcast_in_dim3A_1003], %gather3A_1012 : memref<8x8x129xf32, #tpu.memory_space<vmem>>[vector<16xi32>, vector<16xi32>, vector<16xi32>], vector<16xf32>,
      %add3A_1013 = arith.addi %add3A_212, %gather3A_1006 : vector<16xi32>
      %gather3A_1014 = tpu.vector_load_idx %arg14[%broadcast_in_dim3A_1003, %add3A_1013] : memref<128x128xf32, #tpu.memory_space<vmem>>[vector<16xi32>, vector<16xi32>], vector<16xf32>,
      tpu.vector_store_idx %arg18[%select_n3A_243, %select_n3A_265, %broadcast_in_dim3A_1003], %gather3A_1014 : memref<8x8x129xf32, #tpu.memory_space<vmem>>[vector<16xi32>, vector<16xi32>, vector<16xi32>], vector<16xf32>,
    }
    %scan3A_324 = arith.constant 128 : i32
    %mul3A_325 = arith.constant 4 : i32
    %mul3A_326 = arith.muli %add3A, %mul3A_325 : i32
    %add3A_327 = arith.constant 0 : i32
    %add3A_328 = arith.addi %mul3A_326, %add3A_327 : i32
    %mul3A_329 = arith.constant 8 : i32
    %mul3A_330 = arith.muli %add3A_328, %mul3A_329 : i32
    %dma_start3A_331 = arith.constant 0 : i32
    %dma_start3A_332 = arith.constant 0 : i32
    %dma_start3A_333 = arith.constant 0 : i32
    %dma_start3A_334 = tpu.memref_slice %arg18[%dma_start3A_331, %dma_start3A_332, %dma_start3A_333] : memref<8x8x129xf32, #tpu.memory_space<vmem>> -> memref<8x8x128xf32, #tpu.memory_space<vmem>>
    %dma_start3A_335 = arith.constant 0 : i32
    %dma_start3A_336 = arith.constant 0 : i32
    %dma_start3A_337 = tpu.memref_slice %arg10[%dma_start3A_335, %mul3A_330, %dma_start3A_336] : memref<8x1024x128xf32, #tpu.memory_space<hbm>> -> memref<8x8x128xf32, #tpu.memory_space<hbm>>
    %dma_start3A_338 = arith.constant 0 : i32
    %dma_start3A_339 = arith.constant 0 : i32
    %dma_start3A_340 = tpu.memref_slice %arg10[%dma_start3A_338, %mul3A_330, %dma_start3A_339] : memref<8x1024x128xf32, #tpu.memory_space<hbm>> -> memref<8x8x128xf32, #tpu.memory_space<hbm>>
    %dma_start3A_341 = arith.constant 0 : i32
    %dma_start3A_342 = arith.constant 0 : i32
    %dma_start3A_343 = arith.constant 0 : i32
    %dma_start3A_344 = tpu.memref_slice %arg18[%dma_start3A_341, %dma_start3A_342, %dma_start3A_343] : memref<8x8x129xf32, #tpu.memory_space<vmem>> -> memref<8x8x128xf32, #tpu.memory_space<vmem>>
    tpu.enqueue_dma source(%dma_start3A_344 : memref<8x8x128xf32, #tpu.memory_space<vmem>>) target(%dma_start3A_340 : memref<8x8x128xf32, #tpu.memory_space<hbm>>) target_semaphore(%arg26 : memref<!tpu.dma_semaphore, #tpu.memory_space<semaphore_mem>>)
    %dma_wait3A_345 = arith.constant 0 : i32
    %dma_wait3A_346 = arith.constant 0 : i32
    %dma_wait3A_347 = arith.constant 0 : i32
    %dma_wait3A_348 = tpu.memref_slice %arg18[%dma_wait3A_345, %dma_wait3A_346, %dma_wait3A_347] : memref<8x8x129xf32, #tpu.memory_space<vmem>> -> memref<8x8x128xf32, #tpu.memory_space<vmem>>
    %dma_wait3A_349 = arith.constant 0 : i32
    %dma_wait3A_350 = arith.constant 0 : i32
    %dma_wait3A_351 = tpu.memref_slice %arg10[%dma_wait3A_349, %mul3A_330, %dma_wait3A_350] : memref<8x1024x128xf32, #tpu.memory_space<hbm>> -> memref<8x8x128xf32, #tpu.memory_space<hbm>>
    %dma_wait3A_352 = arith.constant 0 : i32
    %dma_wait3A_353 = arith.constant 0 : i32
    %dma_wait3A_354 = tpu.memref_slice %arg10[%dma_wait3A_352, %mul3A_330, %dma_wait3A_353] : memref<8x1024x128xf32, #tpu.memory_space<hbm>> -> memref<8x8x128xf32, #tpu.memory_space<hbm>>
    %dma_wait3A_355 = arith.constant 0 : i32
    %dma_wait3A_356 = arith.constant 0 : i32
    %dma_wait3A_357 = arith.constant 0 : i32
    %dma_wait3A_358 = tpu.memref_slice %arg18[%dma_wait3A_355, %dma_wait3A_356, %dma_wait3A_357] : memref<8x8x129xf32, #tpu.memory_space<vmem>> -> memref<8x8x128xf32, #tpu.memory_space<vmem>>
    tpu.wait_dma2 semaphore(%arg26 : memref<!tpu.dma_semaphore, #tpu.memory_space<semaphore_mem>>) src(%dma_wait3A_358 : memref<8x8x128xf32, #tpu.memory_space<vmem>>) dst(%dma_wait3A_354 : memref<8x8x128xf32, #tpu.memory_space<hbm>>)
    %dma_wait3A_359 = arith.constant 4 : i32
    %dma_wait3A_360 = arith.constant 0 : i32
    %dma_wait3A_361 = tpu.memref_slice %arg13[%dma_wait3A_359, %dma_wait3A_360] : memref<20x128xi32, #tpu.memory_space<vmem>> -> memref<4x128xi32, #tpu.memory_space<vmem>>
    %dma_wait3A_362 = arith.constant 0 : i32
    %dma_wait3A_363 = tpu.memref_slice %arg3[%mul3A_2, %dma_wait3A_362] : memref<128x128xi32, #tpu.memory_space<hbm>> -> memref<4x128xi32, #tpu.memory_space<hbm>>
    %dma_wait3A_364 = arith.constant 4 : i32
    %dma_wait3A_365 = arith.constant 0 : i32
    %dma_wait3A_366 = tpu.memref_slice %arg13[%dma_wait3A_364, %dma_wait3A_365] : memref<20x128xi32, #tpu.memory_space<vmem>> -> memref<4x128xi32, #tpu.memory_space<vmem>>
    %dma_wait3A_367 = arith.constant 0 : i32
    %dma_wait3A_368 = tpu.memref_slice %arg3[%mul3A_2, %dma_wait3A_367] : memref<128x128xi32, #tpu.memory_space<hbm>> -> memref<4x128xi32, #tpu.memory_space<hbm>>
    tpu.wait_dma2 semaphore(%arg31 : memref<!tpu.dma_semaphore, #tpu.memory_space<semaphore_mem>>) src(%dma_wait3A_368 : memref<4x128xi32, #tpu.memory_space<hbm>>) dst(%dma_wait3A_366 : memref<4x128xi32, #tpu.memory_space<vmem>>)
    %dma_start3A_369 = arith.constant 4 : i32
    %dma_start3A_370 = arith.constant 0 : i32
    %dma_start3A_371 = tpu.memref_slice %arg13[%dma_start3A_369, %dma_start3A_370] : memref<20x128xi32, #tpu.memory_space<vmem>> -> memref<1x128xi32, #tpu.memory_space<vmem>>
    %dma_start3A_372 = tpu.memref_squeeze %dma_start3A_371 : memref<1x128xi32, #tpu.memory_space<vmem>> -> memref<128xi32, #tpu.memory_space<vmem>>
    %dma_start3A_373 = arith.constant 0 : i32
    %dma_start3A_374 = arith.constant 0 : i32
    %dma_start3A_375 = tpu.memref_slice %arg8[%dma_start3A_373, %dma_start3A_374] : memref<50048x128xf32, #tpu.memory_space<hbm>> -> memref<50048x128xf32, #tpu.memory_space<hbm>>
    tpu.enqueue_indirect_dma source(%dma_start3A_375 : memref<50048x128xf32, #tpu.memory_space<hbm>>) target(%arg14 : memref<128x128xf32, #tpu.memory_space<vmem>>) offsets(%dma_start3A_372 : memref<128xi32, #tpu.memory_space<vmem>>) semaphore(%arg22 : memref<!tpu.dma_semaphore, #tpu.memory_space<semaphore_mem>>)
    %dma_wait3A_376 = arith.constant 1 : i32
    %dma_wait3A_377 = arith.constant 0 : i32
    %dma_wait3A_378 = tpu.memref_slice %arg13[%dma_wait3A_376, %dma_wait3A_377] : memref<20x128xi32, #tpu.memory_space<vmem>> -> memref<1x128xi32, #tpu.memory_space<vmem>>
    %dma_wait3A_379 = tpu.memref_squeeze %dma_wait3A_378 : memref<1x128xi32, #tpu.memory_space<vmem>> -> memref<128xi32, #tpu.memory_space<vmem>>
    %dma_wait3A_380 = arith.constant 0 : i32
    %dma_wait3A_381 = arith.constant 0 : i32
    %dma_wait3A_382 = tpu.memref_slice %arg7[%dma_wait3A_380, %dma_wait3A_381] : memref<50048x128xf32, #tpu.memory_space<hbm>> -> memref<50048x128xf32, #tpu.memory_space<hbm>>
    tpu.wait_indirect_dma semaphore(%arg23 : memref<!tpu.dma_semaphore, #tpu.memory_space<semaphore_mem>>) src(%dma_wait3A_382 : memref<50048x128xf32, #tpu.memory_space<hbm>>) dst(%arg15 : memref<128x128xf32, #tpu.memory_space<vmem>>)
    %scan3A_383 = arith.constant 0 : i32
    %scan3A_384 = arith.constant 0 : i32
    %scan3A_385 = arith.constant 128 : i32
    %scan3A_386 = arith.addi %scan3A_384, %scan3A_385 : i32
    %scan3A_387 = arith.constant 4 : i32
    scf.for %scan3A_962 = %scan3A_384 to %scan3A_386 step %scan3A_387  : i32 {
      %broadcast_in_dim3A = vector.broadcast %scan3A_962 : i32 to vector<16xi32>
      %broadcast_in_dim3A_963 = arith.constant 13 : i32
      %broadcast_in_dim3A_964 = vector.broadcast %broadcast_in_dim3A_963 : i32 to vector<16xi32>
      %gather3A = tpu.vector_load_idx %arg13[%broadcast_in_dim3A_964, %broadcast_in_dim3A] : memref<20x128xi32, #tpu.memory_space<vmem>>[vector<16xi32>, vector<16xi32>], vector<16xi32>,
      %add3A_965 = arith.addi %add3A_54, %gather3A : vector<16xi32>
      %gather3A_966 = tpu.vector_load_idx %arg15[%broadcast_in_dim3A, %add3A_965] : memref<128x128xf32, #tpu.memory_space<vmem>>[vector<16xi32>, vector<16xi32>], vector<16xf32>,
      tpu.vector_store_idx %arg19[%select_n3A, %select_n3A_97, %broadcast_in_dim3A], %gather3A_966 : memref<8x8x129xf32, #tpu.memory_space<vmem>>[vector<16xi32>, vector<16xi32>, vector<16xi32>], vector<16xf32>,
      %add3A_967 = arith.addi %add3A_100, %gather3A : vector<16xi32>
      %gather3A_968 = tpu.vector_load_idx %arg15[%broadcast_in_dim3A, %add3A_967] : memref<128x128xf32, #tpu.memory_space<vmem>>[vector<16xi32>, vector<16xi32>], vector<16xf32>,
      tpu.vector_store_idx %arg19[%select_n3A_131, %select_n3A_153, %broadcast_in_dim3A], %gather3A_968 : memref<8x8x129xf32, #tpu.memory_space<vmem>>[vector<16xi32>, vector<16xi32>, vector<16xi32>], vector<16xf32>,
      %add3A_969 = arith.addi %add3A_156, %gather3A : vector<16xi32>
      %gather3A_970 = tpu.vector_load_idx %arg15[%broadcast_in_dim3A, %add3A_969] : memref<128x128xf32, #tpu.memory_space<vmem>>[vector<16xi32>, vector<16xi32>], vector<16xf32>,
      tpu.vector_store_idx %arg19[%select_n3A_187, %select_n3A_209, %broadcast_in_dim3A], %gather3A_970 : memref<8x8x129xf32, #tpu.memory_space<vmem>>[vector<16xi32>, vector<16xi32>, vector<16xi32>], vector<16xf32>,
      %add3A_971 = arith.addi %add3A_212, %gather3A : vector<16xi32>
      %gather3A_972 = tpu.vector_load_idx %arg15[%broadcast_in_dim3A, %add3A_971] : memref<128x128xf32, #tpu.memory_space<vmem>>[vector<16xi32>, vector<16xi32>], vector<16xf32>,
      tpu.vector_store_idx %arg19[%select_n3A_243, %select_n3A_265, %broadcast_in_dim3A], %gather3A_972 : memref<8x8x129xf32, #tpu.memory_space<vmem>>[vector<16xi32>, vector<16xi32>, vector<16xi32>], vector<16xf32>,
      %scan3A_973 = arith.constant 1 : i32
      %scan3A_974 = arith.addi %scan3A_962, %scan3A_973 : i32
      %broadcast_in_dim3A_975 = vector.broadcast %scan3A_974 : i32 to vector<16xi32>
      %broadcast_in_dim3A_976 = arith.constant 13 : i32
      %broadcast_in_dim3A_977 = vector.broadcast %broadcast_in_dim3A_976 : i32 to vector<16xi32>
      %gather3A_978 = tpu.vector_load_idx %arg13[%broadcast_in_dim3A_977, %broadcast_in_dim3A_975] : memref<20x128xi32, #tpu.memory_space<vmem>>[vector<16xi32>, vector<16xi32>], vector<16xi32>,
      %add3A_979 = arith.addi %add3A_54, %gather3A_978 : vector<16xi32>
      %gather3A_980 = tpu.vector_load_idx %arg15[%broadcast_in_dim3A_975, %add3A_979] : memref<128x128xf32, #tpu.memory_space<vmem>>[vector<16xi32>, vector<16xi32>], vector<16xf32>,
      tpu.vector_store_idx %arg19[%select_n3A, %select_n3A_97, %broadcast_in_dim3A_975], %gather3A_980 : memref<8x8x129xf32, #tpu.memory_space<vmem>>[vector<16xi32>, vector<16xi32>, vector<16xi32>], vector<16xf32>,
      %add3A_981 = arith.addi %add3A_100, %gather3A_978 : vector<16xi32>
      %gather3A_982 = tpu.vector_load_idx %arg15[%broadcast_in_dim3A_975, %add3A_981] : memref<128x128xf32, #tpu.memory_space<vmem>>[vector<16xi32>, vector<16xi32>], vector<16xf32>,
      tpu.vector_store_idx %arg19[%select_n3A_131, %select_n3A_153, %broadcast_in_dim3A_975], %gather3A_982 : memref<8x8x129xf32, #tpu.memory_space<vmem>>[vector<16xi32>, vector<16xi32>, vector<16xi32>], vector<16xf32>,
      %add3A_983 = arith.addi %add3A_156, %gather3A_978 : vector<16xi32>
      %gather3A_984 = tpu.vector_load_idx %arg15[%broadcast_in_dim3A_975, %add3A_983] : memref<128x128xf32, #tpu.memory_space<vmem>>[vector<16xi32>, vector<16xi32>], vector<16xf32>,
      tpu.vector_store_idx %arg19[%select_n3A_187, %select_n3A_209, %broadcast_in_dim3A_975], %gather3A_984 : memref<8x8x129xf32, #tpu.memory_space<vmem>>[vector<16xi32>, vector<16xi32>, vector<16xi32>], vector<16xf32>,
      %add3A_985 = arith.addi %add3A_212, %gather3A_978 : vector<16xi32>
      %gather3A_986 = tpu.vector_load_idx %arg15[%broadcast_in_dim3A_975, %add3A_985] : memref<128x128xf32, #tpu.memory_space<vmem>>[vector<16xi32>, vector<16xi32>], vector<16xf32>,
      tpu.vector_store_idx %arg19[%select_n3A_243, %select_n3A_265, %broadcast_in_dim3A_975], %gather3A_986 : memref<8x8x129xf32, #tpu.memory_space<vmem>>[vector<16xi32>, vector<16xi32>, vector<16xi32>], vector<16xf32>,
      %scan3A_987 = arith.constant 2 : i32
      %scan3A_988 = arith.addi %scan3A_962, %scan3A_987 : i32
      %broadcast_in_dim3A_989 = vector.broadcast %scan3A_988 : i32 to vector<16xi32>
      %broadcast_in_dim3A_990 = arith.constant 13 : i32
      %broadcast_in_dim3A_991 = vector.broadcast %broadcast_in_dim3A_990 : i32 to vector<16xi32>
      %gather3A_992 = tpu.vector_load_idx %arg13[%broadcast_in_dim3A_991, %broadcast_in_dim3A_989] : memref<20x128xi32, #tpu.memory_space<vmem>>[vector<16xi32>, vector<16xi32>], vector<16xi32>,
      %add3A_993 = arith.addi %add3A_54, %gather3A_992 : vector<16xi32>
      %gather3A_994 = tpu.vector_load_idx %arg15[%broadcast_in_dim3A_989, %add3A_993] : memref<128x128xf32, #tpu.memory_space<vmem>>[vector<16xi32>, vector<16xi32>], vector<16xf32>,
      tpu.vector_store_idx %arg19[%select_n3A, %select_n3A_97, %broadcast_in_dim3A_989], %gather3A_994 : memref<8x8x129xf32, #tpu.memory_space<vmem>>[vector<16xi32>, vector<16xi32>, vector<16xi32>], vector<16xf32>,
      %add3A_995 = arith.addi %add3A_100, %gather3A_992 : vector<16xi32>
      %gather3A_996 = tpu.vector_load_idx %arg15[%broadcast_in_dim3A_989, %add3A_995] : memref<128x128xf32, #tpu.memory_space<vmem>>[vector<16xi32>, vector<16xi32>], vector<16xf32>,
      tpu.vector_store_idx %arg19[%select_n3A_131, %select_n3A_153, %broadcast_in_dim3A_989], %gather3A_996 : memref<8x8x129xf32, #tpu.memory_space<vmem>>[vector<16xi32>, vector<16xi32>, vector<16xi32>], vector<16xf32>,
      %add3A_997 = arith.addi %add3A_156, %gather3A_992 : vector<16xi32>
      %gather3A_998 = tpu.vector_load_idx %arg15[%broadcast_in_dim3A_989, %add3A_997] : memref<128x128xf32, #tpu.memory_space<vmem>>[vector<16xi32>, vector<16xi32>], vector<16xf32>,
      tpu.vector_store_idx %arg19[%select_n3A_187, %select_n3A_209, %broadcast_in_dim3A_989], %gather3A_998 : memref<8x8x129xf32, #tpu.memory_space<vmem>>[vector<16xi32>, vector<16xi32>, vector<16xi32>], vector<16xf32>,
      %add3A_999 = arith.addi %add3A_212, %gather3A_992 : vector<16xi32>
      %gather3A_1000 = tpu.vector_load_idx %arg15[%broadcast_in_dim3A_989, %add3A_999] : memref<128x128xf32, #tpu.memory_space<vmem>>[vector<16xi32>, vector<16xi32>], vector<16xf32>,
      tpu.vector_store_idx %arg19[%select_n3A_243, %select_n3A_265, %broadcast_in_dim3A_989], %gather3A_1000 : memref<8x8x129xf32, #tpu.memory_space<vmem>>[vector<16xi32>, vector<16xi32>, vector<16xi32>], vector<16xf32>,
      %scan3A_1001 = arith.constant 3 : i32
      %scan3A_1002 = arith.addi %scan3A_962, %scan3A_1001 : i32
      %broadcast_in_dim3A_1003 = vector.broadcast %scan3A_1002 : i32 to vector<16xi32>
      %broadcast_in_dim3A_1004 = arith.constant 13 : i32
      %broadcast_in_dim3A_1005 = vector.broadcast %broadcast_in_dim3A_1004 : i32 to vector<16xi32>
      %gather3A_1006 = tpu.vector_load_idx %arg13[%broadcast_in_dim3A_1005, %broadcast_in_dim3A_1003] : memref<20x128xi32, #tpu.memory_space<vmem>>[vector<16xi32>, vector<16xi32>], vector<16xi32>,
      %add3A_1007 = arith.addi %add3A_54, %gather3A_1006 : vector<16xi32>
      %gather3A_1008 = tpu.vector_load_idx %arg15[%broadcast_in_dim3A_1003, %add3A_1007] : memref<128x128xf32, #tpu.memory_space<vmem>>[vector<16xi32>, vector<16xi32>], vector<16xf32>,
      tpu.vector_store_idx %arg19[%select_n3A, %select_n3A_97, %broadcast_in_dim3A_1003], %gather3A_1008 : memref<8x8x129xf32, #tpu.memory_space<vmem>>[vector<16xi32>, vector<16xi32>, vector<16xi32>], vector<16xf32>,
      %add3A_1009 = arith.addi %add3A_100, %gather3A_1006 : vector<16xi32>
      %gather3A_1010 = tpu.vector_load_idx %arg15[%broadcast_in_dim3A_1003, %add3A_1009] : memref<128x128xf32, #tpu.memory_space<vmem>>[vector<16xi32>, vector<16xi32>], vector<16xf32>,
      tpu.vector_store_idx %arg19[%select_n3A_131, %select_n3A_153, %broadcast_in_dim3A_1003], %gather3A_1010 : memref<8x8x129xf32, #tpu.memory_space<vmem>>[vector<16xi32>, vector<16xi32>, vector<16xi32>], vector<16xf32>,
      %add3A_1011 = arith.addi %add3A_156, %gather3A_1006 : vector<16xi32>
      %gather3A_1012 = tpu.vector_load_idx %arg15[%broadcast_in_dim3A_1003, %add3A_1011] : memref<128x128xf32, #tpu.memory_space<vmem>>[vector<16xi32>, vector<16xi32>], vector<16xf32>,
      tpu.vector_store_idx %arg19[%select_n3A_187, %select_n3A_209, %broadcast_in_dim3A_1003], %gather3A_1012 : memref<8x8x129xf32, #tpu.memory_space<vmem>>[vector<16xi32>, vector<16xi32>, vector<16xi32>], vector<16xf32>,
      %add3A_1013 = arith.addi %add3A_212, %gather3A_1006 : vector<16xi32>
      %gather3A_1014 = tpu.vector_load_idx %arg15[%broadcast_in_dim3A_1003, %add3A_1013] : memref<128x128xf32, #tpu.memory_space<vmem>>[vector<16xi32>, vector<16xi32>], vector<16xf32>,
      tpu.vector_store_idx %arg19[%select_n3A_243, %select_n3A_265, %broadcast_in_dim3A_1003], %gather3A_1014 : memref<8x8x129xf32, #tpu.memory_space<vmem>>[vector<16xi32>, vector<16xi32>, vector<16xi32>], vector<16xf32>,
    }
    %scan3A_388 = arith.constant 128 : i32
    %mul3A_389 = arith.constant 4 : i32
    %mul3A_390 = arith.muli %add3A, %mul3A_389 : i32
    %add3A_391 = arith.constant 1 : i32
    %add3A_392 = arith.addi %mul3A_390, %add3A_391 : i32
    %mul3A_393 = arith.constant 8 : i32
    %mul3A_394 = arith.muli %add3A_392, %mul3A_393 : i32
    %dma_start3A_395 = arith.constant 0 : i32
    %dma_start3A_396 = arith.constant 0 : i32
    %dma_start3A_397 = arith.constant 0 : i32
    %dma_start3A_398 = tpu.memref_slice %arg19[%dma_start3A_395, %dma_start3A_396, %dma_start3A_397] : memref<8x8x129xf32, #tpu.memory_space<vmem>> -> memref<8x8x128xf32, #tpu.memory_space<vmem>>
    %dma_start3A_399 = arith.constant 0 : i32
    %dma_start3A_400 = arith.constant 0 : i32
    %dma_start3A_401 = tpu.memref_slice %arg10[%dma_start3A_399, %mul3A_394, %dma_start3A_400] : memref<8x1024x128xf32, #tpu.memory_space<hbm>> -> memref<8x8x128xf32, #tpu.memory_space<hbm>>
    %dma_start3A_402 = arith.constant 0 : i32
    %dma_start3A_403 = arith.constant 0 : i32
    %dma_start3A_404 = tpu.memref_slice %arg10[%dma_start3A_402, %mul3A_394, %dma_start3A_403] : memref<8x1024x128xf32, #tpu.memory_space<hbm>> -> memref<8x8x128xf32, #tpu.memory_space<hbm>>
    %dma_start3A_405 = arith.constant 0 : i32
    %dma_start3A_406 = arith.constant 0 : i32
    %dma_start3A_407 = arith.constant 0 : i32
    %dma_start3A_408 = tpu.memref_slice %arg19[%dma_start3A_405, %dma_start3A_406, %dma_start3A_407] : memref<8x8x129xf32, #tpu.memory_space<vmem>> -> memref<8x8x128xf32, #tpu.memory_space<vmem>>
    tpu.enqueue_dma source(%dma_start3A_408 : memref<8x8x128xf32, #tpu.memory_space<vmem>>) target(%dma_start3A_404 : memref<8x8x128xf32, #tpu.memory_space<hbm>>) target_semaphore(%arg27 : memref<!tpu.dma_semaphore, #tpu.memory_space<semaphore_mem>>)
    %dma_wait3A_409 = arith.constant 0 : i32
    %dma_wait3A_410 = arith.constant 0 : i32
    %dma_wait3A_411 = arith.constant 0 : i32
    %dma_wait3A_412 = tpu.memref_slice %arg19[%dma_wait3A_409, %dma_wait3A_410, %dma_wait3A_411] : memref<8x8x129xf32, #tpu.memory_space<vmem>> -> memref<8x8x128xf32, #tpu.memory_space<vmem>>
    %dma_wait3A_413 = arith.constant 0 : i32
    %dma_wait3A_414 = arith.constant 0 : i32
    %dma_wait3A_415 = tpu.memref_slice %arg10[%dma_wait3A_413, %mul3A_394, %dma_wait3A_414] : memref<8x1024x128xf32, #tpu.memory_space<hbm>> -> memref<8x8x128xf32, #tpu.memory_space<hbm>>
    %dma_wait3A_416 = arith.constant 0 : i32
    %dma_wait3A_417 = arith.constant 0 : i32
    %dma_wait3A_418 = tpu.memref_slice %arg10[%dma_wait3A_416, %mul3A_394, %dma_wait3A_417] : memref<8x1024x128xf32, #tpu.memory_space<hbm>> -> memref<8x8x128xf32, #tpu.memory_space<hbm>>
    %dma_wait3A_419 = arith.constant 0 : i32
    %dma_wait3A_420 = arith.constant 0 : i32
    %dma_wait3A_421 = arith.constant 0 : i32
    %dma_wait3A_422 = tpu.memref_slice %arg19[%dma_wait3A_419, %dma_wait3A_420, %dma_wait3A_421] : memref<8x8x129xf32, #tpu.memory_space<vmem>> -> memref<8x8x128xf32, #tpu.memory_space<vmem>>
    tpu.wait_dma2 semaphore(%arg27 : memref<!tpu.dma_semaphore, #tpu.memory_space<semaphore_mem>>) src(%dma_wait3A_422 : memref<8x8x128xf32, #tpu.memory_space<vmem>>) dst(%dma_wait3A_418 : memref<8x8x128xf32, #tpu.memory_space<hbm>>)
    %dma_start3A_423 = arith.constant 5 : i32
    %dma_start3A_424 = arith.constant 0 : i32
    %dma_start3A_425 = tpu.memref_slice %arg13[%dma_start3A_423, %dma_start3A_424] : memref<20x128xi32, #tpu.memory_space<vmem>> -> memref<1x128xi32, #tpu.memory_space<vmem>>
    %dma_start3A_426 = tpu.memref_squeeze %dma_start3A_425 : memref<1x128xi32, #tpu.memory_space<vmem>> -> memref<128xi32, #tpu.memory_space<vmem>>
    %dma_start3A_427 = arith.constant 0 : i32
    %dma_start3A_428 = arith.constant 0 : i32
    %dma_start3A_429 = tpu.memref_slice %arg8[%dma_start3A_427, %dma_start3A_428] : memref<50048x128xf32, #tpu.memory_space<hbm>> -> memref<50048x128xf32, #tpu.memory_space<hbm>>
    tpu.enqueue_indirect_dma source(%dma_start3A_429 : memref<50048x128xf32, #tpu.memory_space<hbm>>) target(%arg15 : memref<128x128xf32, #tpu.memory_space<vmem>>) offsets(%dma_start3A_426 : memref<128xi32, #tpu.memory_space<vmem>>) semaphore(%arg23 : memref<!tpu.dma_semaphore, #tpu.memory_space<semaphore_mem>>)
    %dma_wait3A_430 = arith.constant 2 : i32
    %dma_wait3A_431 = arith.constant 0 : i32
    %dma_wait3A_432 = tpu.memref_slice %arg13[%dma_wait3A_430, %dma_wait3A_431] : memref<20x128xi32, #tpu.memory_space<vmem>> -> memref<1x128xi32, #tpu.memory_space<vmem>>
    %dma_wait3A_433 = tpu.memref_squeeze %dma_wait3A_432 : memref<1x128xi32, #tpu.memory_space<vmem>> -> memref<128xi32, #tpu.memory_space<vmem>>
    %dma_wait3A_434 = arith.constant 0 : i32
    %dma_wait3A_435 = arith.constant 0 : i32
    %dma_wait3A_436 = tpu.memref_slice %arg7[%dma_wait3A_434, %dma_wait3A_435] : memref<50048x128xf32, #tpu.memory_space<hbm>> -> memref<50048x128xf32, #tpu.memory_space<hbm>>
    tpu.wait_indirect_dma semaphore(%arg24 : memref<!tpu.dma_semaphore, #tpu.memory_space<semaphore_mem>>) src(%dma_wait3A_436 : memref<50048x128xf32, #tpu.memory_space<hbm>>) dst(%arg16 : memref<128x128xf32, #tpu.memory_space<vmem>>)
    %scan3A_437 = arith.constant 0 : i32
    %scan3A_438 = arith.constant 0 : i32
    %scan3A_439 = arith.constant 128 : i32
    %scan3A_440 = arith.addi %scan3A_438, %scan3A_439 : i32
    %scan3A_441 = arith.constant 4 : i32
    scf.for %scan3A_962 = %scan3A_438 to %scan3A_440 step %scan3A_441  : i32 {
      %broadcast_in_dim3A = vector.broadcast %scan3A_962 : i32 to vector<16xi32>
      %broadcast_in_dim3A_963 = arith.constant 14 : i32
      %broadcast_in_dim3A_964 = vector.broadcast %broadcast_in_dim3A_963 : i32 to vector<16xi32>
      %gather3A = tpu.vector_load_idx %arg13[%broadcast_in_dim3A_964, %broadcast_in_dim3A] : memref<20x128xi32, #tpu.memory_space<vmem>>[vector<16xi32>, vector<16xi32>], vector<16xi32>,
      %add3A_965 = arith.addi %add3A_54, %gather3A : vector<16xi32>
      %gather3A_966 = tpu.vector_load_idx %arg16[%broadcast_in_dim3A, %add3A_965] : memref<128x128xf32, #tpu.memory_space<vmem>>[vector<16xi32>, vector<16xi32>], vector<16xf32>,
      tpu.vector_store_idx %arg20[%select_n3A, %select_n3A_97, %broadcast_in_dim3A], %gather3A_966 : memref<8x8x129xf32, #tpu.memory_space<vmem>>[vector<16xi32>, vector<16xi32>, vector<16xi32>], vector<16xf32>,
      %add3A_967 = arith.addi %add3A_100, %gather3A : vector<16xi32>
      %gather3A_968 = tpu.vector_load_idx %arg16[%broadcast_in_dim3A, %add3A_967] : memref<128x128xf32, #tpu.memory_space<vmem>>[vector<16xi32>, vector<16xi32>], vector<16xf32>,
      tpu.vector_store_idx %arg20[%select_n3A_131, %select_n3A_153, %broadcast_in_dim3A], %gather3A_968 : memref<8x8x129xf32, #tpu.memory_space<vmem>>[vector<16xi32>, vector<16xi32>, vector<16xi32>], vector<16xf32>,
      %add3A_969 = arith.addi %add3A_156, %gather3A : vector<16xi32>
      %gather3A_970 = tpu.vector_load_idx %arg16[%broadcast_in_dim3A, %add3A_969] : memref<128x128xf32, #tpu.memory_space<vmem>>[vector<16xi32>, vector<16xi32>], vector<16xf32>,
      tpu.vector_store_idx %arg20[%select_n3A_187, %select_n3A_209, %broadcast_in_dim3A], %gather3A_970 : memref<8x8x129xf32, #tpu.memory_space<vmem>>[vector<16xi32>, vector<16xi32>, vector<16xi32>], vector<16xf32>,
      %add3A_971 = arith.addi %add3A_212, %gather3A : vector<16xi32>
      %gather3A_972 = tpu.vector_load_idx %arg16[%broadcast_in_dim3A, %add3A_971] : memref<128x128xf32, #tpu.memory_space<vmem>>[vector<16xi32>, vector<16xi32>], vector<16xf32>,
      tpu.vector_store_idx %arg20[%select_n3A_243, %select_n3A_265, %broadcast_in_dim3A], %gather3A_972 : memref<8x8x129xf32, #tpu.memory_space<vmem>>[vector<16xi32>, vector<16xi32>, vector<16xi32>], vector<16xf32>,
      %scan3A_973 = arith.constant 1 : i32
      %scan3A_974 = arith.addi %scan3A_962, %scan3A_973 : i32
      %broadcast_in_dim3A_975 = vector.broadcast %scan3A_974 : i32 to vector<16xi32>
      %broadcast_in_dim3A_976 = arith.constant 14 : i32
      %broadcast_in_dim3A_977 = vector.broadcast %broadcast_in_dim3A_976 : i32 to vector<16xi32>
      %gather3A_978 = tpu.vector_load_idx %arg13[%broadcast_in_dim3A_977, %broadcast_in_dim3A_975] : memref<20x128xi32, #tpu.memory_space<vmem>>[vector<16xi32>, vector<16xi32>], vector<16xi32>,
      %add3A_979 = arith.addi %add3A_54, %gather3A_978 : vector<16xi32>
      %gather3A_980 = tpu.vector_load_idx %arg16[%broadcast_in_dim3A_975, %add3A_979] : memref<128x128xf32, #tpu.memory_space<vmem>>[vector<16xi32>, vector<16xi32>], vector<16xf32>,
      tpu.vector_store_idx %arg20[%select_n3A, %select_n3A_97, %broadcast_in_dim3A_975], %gather3A_980 : memref<8x8x129xf32, #tpu.memory_space<vmem>>[vector<16xi32>, vector<16xi32>, vector<16xi32>], vector<16xf32>,
      %add3A_981 = arith.addi %add3A_100, %gather3A_978 : vector<16xi32>
      %gather3A_982 = tpu.vector_load_idx %arg16[%broadcast_in_dim3A_975, %add3A_981] : memref<128x128xf32, #tpu.memory_space<vmem>>[vector<16xi32>, vector<16xi32>], vector<16xf32>,
      tpu.vector_store_idx %arg20[%select_n3A_131, %select_n3A_153, %broadcast_in_dim3A_975], %gather3A_982 : memref<8x8x129xf32, #tpu.memory_space<vmem>>[vector<16xi32>, vector<16xi32>, vector<16xi32>], vector<16xf32>,
      %add3A_983 = arith.addi %add3A_156, %gather3A_978 : vector<16xi32>
      %gather3A_984 = tpu.vector_load_idx %arg16[%broadcast_in_dim3A_975, %add3A_983] : memref<128x128xf32, #tpu.memory_space<vmem>>[vector<16xi32>, vector<16xi32>], vector<16xf32>,
      tpu.vector_store_idx %arg20[%select_n3A_187, %select_n3A_209, %broadcast_in_dim3A_975], %gather3A_984 : memref<8x8x129xf32, #tpu.memory_space<vmem>>[vector<16xi32>, vector<16xi32>, vector<16xi32>], vector<16xf32>,
      %add3A_985 = arith.addi %add3A_212, %gather3A_978 : vector<16xi32>
      %gather3A_986 = tpu.vector_load_idx %arg16[%broadcast_in_dim3A_975, %add3A_985] : memref<128x128xf32, #tpu.memory_space<vmem>>[vector<16xi32>, vector<16xi32>], vector<16xf32>,
      tpu.vector_store_idx %arg20[%select_n3A_243, %select_n3A_265, %broadcast_in_dim3A_975], %gather3A_986 : memref<8x8x129xf32, #tpu.memory_space<vmem>>[vector<16xi32>, vector<16xi32>, vector<16xi32>], vector<16xf32>,
      %scan3A_987 = arith.constant 2 : i32
      %scan3A_988 = arith.addi %scan3A_962, %scan3A_987 : i32
      %broadcast_in_dim3A_989 = vector.broadcast %scan3A_988 : i32 to vector<16xi32>
      %broadcast_in_dim3A_990 = arith.constant 14 : i32
      %broadcast_in_dim3A_991 = vector.broadcast %broadcast_in_dim3A_990 : i32 to vector<16xi32>
      %gather3A_992 = tpu.vector_load_idx %arg13[%broadcast_in_dim3A_991, %broadcast_in_dim3A_989] : memref<20x128xi32, #tpu.memory_space<vmem>>[vector<16xi32>, vector<16xi32>], vector<16xi32>,
      %add3A_993 = arith.addi %add3A_54, %gather3A_992 : vector<16xi32>
      %gather3A_994 = tpu.vector_load_idx %arg16[%broadcast_in_dim3A_989, %add3A_993] : memref<128x128xf32, #tpu.memory_space<vmem>>[vector<16xi32>, vector<16xi32>], vector<16xf32>,
      tpu.vector_store_idx %arg20[%select_n3A, %select_n3A_97, %broadcast_in_dim3A_989], %gather3A_994 : memref<8x8x129xf32, #tpu.memory_space<vmem>>[vector<16xi32>, vector<16xi32>, vector<16xi32>], vector<16xf32>,
      %add3A_995 = arith.addi %add3A_100, %gather3A_992 : vector<16xi32>
      %gather3A_996 = tpu.vector_load_idx %arg16[%broadcast_in_dim3A_989, %add3A_995] : memref<128x128xf32, #tpu.memory_space<vmem>>[vector<16xi32>, vector<16xi32>], vector<16xf32>,
      tpu.vector_store_idx %arg20[%select_n3A_131, %select_n3A_153, %broadcast_in_dim3A_989], %gather3A_996 : memref<8x8x129xf32, #tpu.memory_space<vmem>>[vector<16xi32>, vector<16xi32>, vector<16xi32>], vector<16xf32>,
      %add3A_997 = arith.addi %add3A_156, %gather3A_992 : vector<16xi32>
      %gather3A_998 = tpu.vector_load_idx %arg16[%broadcast_in_dim3A_989, %add3A_997] : memref<128x128xf32, #tpu.memory_space<vmem>>[vector<16xi32>, vector<16xi32>], vector<16xf32>,
      tpu.vector_store_idx %arg20[%select_n3A_187, %select_n3A_209, %broadcast_in_dim3A_989], %gather3A_998 : memref<8x8x129xf32, #tpu.memory_space<vmem>>[vector<16xi32>, vector<16xi32>, vector<16xi32>], vector<16xf32>,
      %add3A_999 = arith.addi %add3A_212, %gather3A_992 : vector<16xi32>
      %gather3A_1000 = tpu.vector_load_idx %arg16[%broadcast_in_dim3A_989, %add3A_999] : memref<128x128xf32, #tpu.memory_space<vmem>>[vector<16xi32>, vector<16xi32>], vector<16xf32>,
      tpu.vector_store_idx %arg20[%select_n3A_243, %select_n3A_265, %broadcast_in_dim3A_989], %gather3A_1000 : memref<8x8x129xf32, #tpu.memory_space<vmem>>[vector<16xi32>, vector<16xi32>, vector<16xi32>], vector<16xf32>,
      %scan3A_1001 = arith.constant 3 : i32
      %scan3A_1002 = arith.addi %scan3A_962, %scan3A_1001 : i32
      %broadcast_in_dim3A_1003 = vector.broadcast %scan3A_1002 : i32 to vector<16xi32>
      %broadcast_in_dim3A_1004 = arith.constant 14 : i32
      %broadcast_in_dim3A_1005 = vector.broadcast %broadcast_in_dim3A_1004 : i32 to vector<16xi32>
      %gather3A_1006 = tpu.vector_load_idx %arg13[%broadcast_in_dim3A_1005, %broadcast_in_dim3A_1003] : memref<20x128xi32, #tpu.memory_space<vmem>>[vector<16xi32>, vector<16xi32>], vector<16xi32>,
      %add3A_1007 = arith.addi %add3A_54, %gather3A_1006 : vector<16xi32>
      %gather3A_1008 = tpu.vector_load_idx %arg16[%broadcast_in_dim3A_1003, %add3A_1007] : memref<128x128xf32, #tpu.memory_space<vmem>>[vector<16xi32>, vector<16xi32>], vector<16xf32>,
      tpu.vector_store_idx %arg20[%select_n3A, %select_n3A_97, %broadcast_in_dim3A_1003], %gather3A_1008 : memref<8x8x129xf32, #tpu.memory_space<vmem>>[vector<16xi32>, vector<16xi32>, vector<16xi32>], vector<16xf32>,
      %add3A_1009 = arith.addi %add3A_100, %gather3A_1006 : vector<16xi32>
      %gather3A_1010 = tpu.vector_load_idx %arg16[%broadcast_in_dim3A_1003, %add3A_1009] : memref<128x128xf32, #tpu.memory_space<vmem>>[vector<16xi32>, vector<16xi32>], vector<16xf32>,
      tpu.vector_store_idx %arg20[%select_n3A_131, %select_n3A_153, %broadcast_in_dim3A_1003], %gather3A_1010 : memref<8x8x129xf32, #tpu.memory_space<vmem>>[vector<16xi32>, vector<16xi32>, vector<16xi32>], vector<16xf32>,
      %add3A_1011 = arith.addi %add3A_156, %gather3A_1006 : vector<16xi32>
      %gather3A_1012 = tpu.vector_load_idx %arg16[%broadcast_in_dim3A_1003, %add3A_1011] : memref<128x128xf32, #tpu.memory_space<vmem>>[vector<16xi32>, vector<16xi32>], vector<16xf32>,
      tpu.vector_store_idx %arg20[%select_n3A_187, %select_n3A_209, %broadcast_in_dim3A_1003], %gather3A_1012 : memref<8x8x129xf32, #tpu.memory_space<vmem>>[vector<16xi32>, vector<16xi32>, vector<16xi32>], vector<16xf32>,
      %add3A_1013 = arith.addi %add3A_212, %gather3A_1006 : vector<16xi32>
      %gather3A_1014 = tpu.vector_load_idx %arg16[%broadcast_in_dim3A_1003, %add3A_1013] : memref<128x128xf32, #tpu.memory_space<vmem>>[vector<16xi32>, vector<16xi32>], vector<16xf32>,
      tpu.vector_store_idx %arg20[%select_n3A_243, %select_n3A_265, %broadcast_in_dim3A_1003], %gather3A_1014 : memref<8x8x129xf32, #tpu.memory_space<vmem>>[vector<16xi32>, vector<16xi32>, vector<16xi32>], vector<16xf32>,
    }
    %scan3A_442 = arith.constant 128 : i32
    %mul3A_443 = arith.constant 4 : i32
    %mul3A_444 = arith.muli %add3A, %mul3A_443 : i32
    %add3A_445 = arith.constant 2 : i32
    %add3A_446 = arith.addi %mul3A_444, %add3A_445 : i32
    %mul3A_447 = arith.constant 8 : i32
    %mul3A_448 = arith.muli %add3A_446, %mul3A_447 : i32
    %dma_start3A_449 = arith.constant 0 : i32
    %dma_start3A_450 = arith.constant 0 : i32
    %dma_start3A_451 = arith.constant 0 : i32
    %dma_start3A_452 = tpu.memref_slice %arg20[%dma_start3A_449, %dma_start3A_450, %dma_start3A_451] : memref<8x8x129xf32, #tpu.memory_space<vmem>> -> memref<8x8x128xf32, #tpu.memory_space<vmem>>
    %dma_start3A_453 = arith.constant 0 : i32
    %dma_start3A_454 = arith.constant 0 : i32
    %dma_start3A_455 = tpu.memref_slice %arg10[%dma_start3A_453, %mul3A_448, %dma_start3A_454] : memref<8x1024x128xf32, #tpu.memory_space<hbm>> -> memref<8x8x128xf32, #tpu.memory_space<hbm>>
    %dma_start3A_456 = arith.constant 0 : i32
    %dma_start3A_457 = arith.constant 0 : i32
    %dma_start3A_458 = tpu.memref_slice %arg10[%dma_start3A_456, %mul3A_448, %dma_start3A_457] : memref<8x1024x128xf32, #tpu.memory_space<hbm>> -> memref<8x8x128xf32, #tpu.memory_space<hbm>>
    %dma_start3A_459 = arith.constant 0 : i32
    %dma_start3A_460 = arith.constant 0 : i32
    %dma_start3A_461 = arith.constant 0 : i32
    %dma_start3A_462 = tpu.memref_slice %arg20[%dma_start3A_459, %dma_start3A_460, %dma_start3A_461] : memref<8x8x129xf32, #tpu.memory_space<vmem>> -> memref<8x8x128xf32, #tpu.memory_space<vmem>>
    tpu.enqueue_dma source(%dma_start3A_462 : memref<8x8x128xf32, #tpu.memory_space<vmem>>) target(%dma_start3A_458 : memref<8x8x128xf32, #tpu.memory_space<hbm>>) target_semaphore(%arg28 : memref<!tpu.dma_semaphore, #tpu.memory_space<semaphore_mem>>)
    %dma_wait3A_463 = arith.constant 0 : i32
    %dma_wait3A_464 = arith.constant 0 : i32
    %dma_wait3A_465 = arith.constant 0 : i32
    %dma_wait3A_466 = tpu.memref_slice %arg20[%dma_wait3A_463, %dma_wait3A_464, %dma_wait3A_465] : memref<8x8x129xf32, #tpu.memory_space<vmem>> -> memref<8x8x128xf32, #tpu.memory_space<vmem>>
    %dma_wait3A_467 = arith.constant 0 : i32
    %dma_wait3A_468 = arith.constant 0 : i32
    %dma_wait3A_469 = tpu.memref_slice %arg10[%dma_wait3A_467, %mul3A_448, %dma_wait3A_468] : memref<8x1024x128xf32, #tpu.memory_space<hbm>> -> memref<8x8x128xf32, #tpu.memory_space<hbm>>
    %dma_wait3A_470 = arith.constant 0 : i32
    %dma_wait3A_471 = arith.constant 0 : i32
    %dma_wait3A_472 = tpu.memref_slice %arg10[%dma_wait3A_470, %mul3A_448, %dma_wait3A_471] : memref<8x1024x128xf32, #tpu.memory_space<hbm>> -> memref<8x8x128xf32, #tpu.memory_space<hbm>>
    %dma_wait3A_473 = arith.constant 0 : i32
    %dma_wait3A_474 = arith.constant 0 : i32
    %dma_wait3A_475 = arith.constant 0 : i32
    %dma_wait3A_476 = tpu.memref_slice %arg20[%dma_wait3A_473, %dma_wait3A_474, %dma_wait3A_475] : memref<8x8x129xf32, #tpu.memory_space<vmem>> -> memref<8x8x128xf32, #tpu.memory_space<vmem>>
    tpu.wait_dma2 semaphore(%arg28 : memref<!tpu.dma_semaphore, #tpu.memory_space<semaphore_mem>>) src(%dma_wait3A_476 : memref<8x8x128xf32, #tpu.memory_space<vmem>>) dst(%dma_wait3A_472 : memref<8x8x128xf32, #tpu.memory_space<hbm>>)
    %dma_start3A_477 = arith.constant 6 : i32
    %dma_start3A_478 = arith.constant 0 : i32
    %dma_start3A_479 = tpu.memref_slice %arg13[%dma_start3A_477, %dma_start3A_478] : memref<20x128xi32, #tpu.memory_space<vmem>> -> memref<1x128xi32, #tpu.memory_space<vmem>>
    %dma_start3A_480 = tpu.memref_squeeze %dma_start3A_479 : memref<1x128xi32, #tpu.memory_space<vmem>> -> memref<128xi32, #tpu.memory_space<vmem>>
    %dma_start3A_481 = arith.constant 0 : i32
    %dma_start3A_482 = arith.constant 0 : i32
    %dma_start3A_483 = tpu.memref_slice %arg8[%dma_start3A_481, %dma_start3A_482] : memref<50048x128xf32, #tpu.memory_space<hbm>> -> memref<50048x128xf32, #tpu.memory_space<hbm>>
    tpu.enqueue_indirect_dma source(%dma_start3A_483 : memref<50048x128xf32, #tpu.memory_space<hbm>>) target(%arg16 : memref<128x128xf32, #tpu.memory_space<vmem>>) offsets(%dma_start3A_480 : memref<128xi32, #tpu.memory_space<vmem>>) semaphore(%arg24 : memref<!tpu.dma_semaphore, #tpu.memory_space<semaphore_mem>>)
    %dma_wait3A_484 = arith.constant 3 : i32
    %dma_wait3A_485 = arith.constant 0 : i32
    %dma_wait3A_486 = tpu.memref_slice %arg13[%dma_wait3A_484, %dma_wait3A_485] : memref<20x128xi32, #tpu.memory_space<vmem>> -> memref<1x128xi32, #tpu.memory_space<vmem>>
    %dma_wait3A_487 = tpu.memref_squeeze %dma_wait3A_486 : memref<1x128xi32, #tpu.memory_space<vmem>> -> memref<128xi32, #tpu.memory_space<vmem>>
    %dma_wait3A_488 = arith.constant 0 : i32
    %dma_wait3A_489 = arith.constant 0 : i32
    %dma_wait3A_490 = tpu.memref_slice %arg7[%dma_wait3A_488, %dma_wait3A_489] : memref<50048x128xf32, #tpu.memory_space<hbm>> -> memref<50048x128xf32, #tpu.memory_space<hbm>>
    tpu.wait_indirect_dma semaphore(%arg25 : memref<!tpu.dma_semaphore, #tpu.memory_space<semaphore_mem>>) src(%dma_wait3A_490 : memref<50048x128xf32, #tpu.memory_space<hbm>>) dst(%arg17 : memref<128x128xf32, #tpu.memory_space<vmem>>)
    %scan3A_491 = arith.constant 0 : i32
    %scan3A_492 = arith.constant 0 : i32
    %scan3A_493 = arith.constant 128 : i32
    %scan3A_494 = arith.addi %scan3A_492, %scan3A_493 : i32
    %scan3A_495 = arith.constant 4 : i32
    scf.for %scan3A_962 = %scan3A_492 to %scan3A_494 step %scan3A_495  : i32 {
      %broadcast_in_dim3A = vector.broadcast %scan3A_962 : i32 to vector<16xi32>
      %broadcast_in_dim3A_963 = arith.constant 15 : i32
      %broadcast_in_dim3A_964 = vector.broadcast %broadcast_in_dim3A_963 : i32 to vector<16xi32>
      %gather3A = tpu.vector_load_idx %arg13[%broadcast_in_dim3A_964, %broadcast_in_dim3A] : memref<20x128xi32, #tpu.memory_space<vmem>>[vector<16xi32>, vector<16xi32>], vector<16xi32>,
      %add3A_965 = arith.addi %add3A_54, %gather3A : vector<16xi32>
      %gather3A_966 = tpu.vector_load_idx %arg17[%broadcast_in_dim3A, %add3A_965] : memref<128x128xf32, #tpu.memory_space<vmem>>[vector<16xi32>, vector<16xi32>], vector<16xf32>,
      tpu.vector_store_idx %arg21[%select_n3A, %select_n3A_97, %broadcast_in_dim3A], %gather3A_966 : memref<8x8x129xf32, #tpu.memory_space<vmem>>[vector<16xi32>, vector<16xi32>, vector<16xi32>], vector<16xf32>,
      %add3A_967 = arith.addi %add3A_100, %gather3A : vector<16xi32>
      %gather3A_968 = tpu.vector_load_idx %arg17[%broadcast_in_dim3A, %add3A_967] : memref<128x128xf32, #tpu.memory_space<vmem>>[vector<16xi32>, vector<16xi32>], vector<16xf32>,
      tpu.vector_store_idx %arg21[%select_n3A_131, %select_n3A_153, %broadcast_in_dim3A], %gather3A_968 : memref<8x8x129xf32, #tpu.memory_space<vmem>>[vector<16xi32>, vector<16xi32>, vector<16xi32>], vector<16xf32>,
      %add3A_969 = arith.addi %add3A_156, %gather3A : vector<16xi32>
      %gather3A_970 = tpu.vector_load_idx %arg17[%broadcast_in_dim3A, %add3A_969] : memref<128x128xf32, #tpu.memory_space<vmem>>[vector<16xi32>, vector<16xi32>], vector<16xf32>,
      tpu.vector_store_idx %arg21[%select_n3A_187, %select_n3A_209, %broadcast_in_dim3A], %gather3A_970 : memref<8x8x129xf32, #tpu.memory_space<vmem>>[vector<16xi32>, vector<16xi32>, vector<16xi32>], vector<16xf32>,
      %add3A_971 = arith.addi %add3A_212, %gather3A : vector<16xi32>
      %gather3A_972 = tpu.vector_load_idx %arg17[%broadcast_in_dim3A, %add3A_971] : memref<128x128xf32, #tpu.memory_space<vmem>>[vector<16xi32>, vector<16xi32>], vector<16xf32>,
      tpu.vector_store_idx %arg21[%select_n3A_243, %select_n3A_265, %broadcast_in_dim3A], %gather3A_972 : memref<8x8x129xf32, #tpu.memory_space<vmem>>[vector<16xi32>, vector<16xi32>, vector<16xi32>], vector<16xf32>,
      %scan3A_973 = arith.constant 1 : i32
      %scan3A_974 = arith.addi %scan3A_962, %scan3A_973 : i32
      %broadcast_in_dim3A_975 = vector.broadcast %scan3A_974 : i32 to vector<16xi32>
      %broadcast_in_dim3A_976 = arith.constant 15 : i32
      %broadcast_in_dim3A_977 = vector.broadcast %broadcast_in_dim3A_976 : i32 to vector<16xi32>
      %gather3A_978 = tpu.vector_load_idx %arg13[%broadcast_in_dim3A_977, %broadcast_in_dim3A_975] : memref<20x128xi32, #tpu.memory_space<vmem>>[vector<16xi32>, vector<16xi32>], vector<16xi32>,
      %add3A_979 = arith.addi %add3A_54, %gather3A_978 : vector<16xi32>
      %gather3A_980 = tpu.vector_load_idx %arg17[%broadcast_in_dim3A_975, %add3A_979] : memref<128x128xf32, #tpu.memory_space<vmem>>[vector<16xi32>, vector<16xi32>], vector<16xf32>,
      tpu.vector_store_idx %arg21[%select_n3A, %select_n3A_97, %broadcast_in_dim3A_975], %gather3A_980 : memref<8x8x129xf32, #tpu.memory_space<vmem>>[vector<16xi32>, vector<16xi32>, vector<16xi32>], vector<16xf32>,
      %add3A_981 = arith.addi %add3A_100, %gather3A_978 : vector<16xi32>
      %gather3A_982 = tpu.vector_load_idx %arg17[%broadcast_in_dim3A_975, %add3A_981] : memref<128x128xf32, #tpu.memory_space<vmem>>[vector<16xi32>, vector<16xi32>], vector<16xf32>,
      tpu.vector_store_idx %arg21[%select_n3A_131, %select_n3A_153, %broadcast_in_dim3A_975], %gather3A_982 : memref<8x8x129xf32, #tpu.memory_space<vmem>>[vector<16xi32>, vector<16xi32>, vector<16xi32>], vector<16xf32>,
      %add3A_983 = arith.addi %add3A_156, %gather3A_978 : vector<16xi32>
      %gather3A_984 = tpu.vector_load_idx %arg17[%broadcast_in_dim3A_975, %add3A_983] : memref<128x128xf32, #tpu.memory_space<vmem>>[vector<16xi32>, vector<16xi32>], vector<16xf32>,
      tpu.vector_store_idx %arg21[%select_n3A_187, %select_n3A_209, %broadcast_in_dim3A_975], %gather3A_984 : memref<8x8x129xf32, #tpu.memory_space<vmem>>[vector<16xi32>, vector<16xi32>, vector<16xi32>], vector<16xf32>,
      %add3A_985 = arith.addi %add3A_212, %gather3A_978 : vector<16xi32>
      %gather3A_986 = tpu.vector_load_idx %arg17[%broadcast_in_dim3A_975, %add3A_985] : memref<128x128xf32, #tpu.memory_space<vmem>>[vector<16xi32>, vector<16xi32>], vector<16xf32>,
      tpu.vector_store_idx %arg21[%select_n3A_243, %select_n3A_265, %broadcast_in_dim3A_975], %gather3A_986 : memref<8x8x129xf32, #tpu.memory_space<vmem>>[vector<16xi32>, vector<16xi32>, vector<16xi32>], vector<16xf32>,
      %scan3A_987 = arith.constant 2 : i32
      %scan3A_988 = arith.addi %scan3A_962, %scan3A_987 : i32
      %broadcast_in_dim3A_989 = vector.broadcast %scan3A_988 : i32 to vector<16xi32>
      %broadcast_in_dim3A_990 = arith.constant 15 : i32
      %broadcast_in_dim3A_991 = vector.broadcast %broadcast_in_dim3A_990 : i32 to vector<16xi32>
      %gather3A_992 = tpu.vector_load_idx %arg13[%broadcast_in_dim3A_991, %broadcast_in_dim3A_989] : memref<20x128xi32, #tpu.memory_space<vmem>>[vector<16xi32>, vector<16xi32>], vector<16xi32>,
      %add3A_993 = arith.addi %add3A_54, %gather3A_992 : vector<16xi32>
      %gather3A_994 = tpu.vector_load_idx %arg17[%broadcast_in_dim3A_989, %add3A_993] : memref<128x128xf32, #tpu.memory_space<vmem>>[vector<16xi32>, vector<16xi32>], vector<16xf32>,
      tpu.vector_store_idx %arg21[%select_n3A, %select_n3A_97, %broadcast_in_dim3A_989], %gather3A_994 : memref<8x8x129xf32, #tpu.memory_space<vmem>>[vector<16xi32>, vector<16xi32>, vector<16xi32>], vector<16xf32>,
      %add3A_995 = arith.addi %add3A_100, %gather3A_992 : vector<16xi32>
      %gather3A_996 = tpu.vector_load_idx %arg17[%broadcast_in_dim3A_989, %add3A_995] : memref<128x128xf32, #tpu.memory_space<vmem>>[vector<16xi32>, vector<16xi32>], vector<16xf32>,
      tpu.vector_store_idx %arg21[%select_n3A_131, %select_n3A_153, %broadcast_in_dim3A_989], %gather3A_996 : memref<8x8x129xf32, #tpu.memory_space<vmem>>[vector<16xi32>, vector<16xi32>, vector<16xi32>], vector<16xf32>,
      %add3A_997 = arith.addi %add3A_156, %gather3A_992 : vector<16xi32>
      %gather3A_998 = tpu.vector_load_idx %arg17[%broadcast_in_dim3A_989, %add3A_997] : memref<128x128xf32, #tpu.memory_space<vmem>>[vector<16xi32>, vector<16xi32>], vector<16xf32>,
      tpu.vector_store_idx %arg21[%select_n3A_187, %select_n3A_209, %broadcast_in_dim3A_989], %gather3A_998 : memref<8x8x129xf32, #tpu.memory_space<vmem>>[vector<16xi32>, vector<16xi32>, vector<16xi32>], vector<16xf32>,
      %add3A_999 = arith.addi %add3A_212, %gather3A_992 : vector<16xi32>
      %gather3A_1000 = tpu.vector_load_idx %arg17[%broadcast_in_dim3A_989, %add3A_999] : memref<128x128xf32, #tpu.memory_space<vmem>>[vector<16xi32>, vector<16xi32>], vector<16xf32>,
      tpu.vector_store_idx %arg21[%select_n3A_243, %select_n3A_265, %broadcast_in_dim3A_989], %gather3A_1000 : memref<8x8x129xf32, #tpu.memory_space<vmem>>[vector<16xi32>, vector<16xi32>, vector<16xi32>], vector<16xf32>,
      %scan3A_1001 = arith.constant 3 : i32
      %scan3A_1002 = arith.addi %scan3A_962, %scan3A_1001 : i32
      %broadcast_in_dim3A_1003 = vector.broadcast %scan3A_1002 : i32 to vector<16xi32>
      %broadcast_in_dim3A_1004 = arith.constant 15 : i32
      %broadcast_in_dim3A_1005 = vector.broadcast %broadcast_in_dim3A_1004 : i32 to vector<16xi32>
      %gather3A_1006 = tpu.vector_load_idx %arg13[%broadcast_in_dim3A_1005, %broadcast_in_dim3A_1003] : memref<20x128xi32, #tpu.memory_space<vmem>>[vector<16xi32>, vector<16xi32>], vector<16xi32>,
      %add3A_1007 = arith.addi %add3A_54, %gather3A_1006 : vector<16xi32>
      %gather3A_1008 = tpu.vector_load_idx %arg17[%broadcast_in_dim3A_1003, %add3A_1007] : memref<128x128xf32, #tpu.memory_space<vmem>>[vector<16xi32>, vector<16xi32>], vector<16xf32>,
      tpu.vector_store_idx %arg21[%select_n3A, %select_n3A_97, %broadcast_in_dim3A_1003], %gather3A_1008 : memref<8x8x129xf32, #tpu.memory_space<vmem>>[vector<16xi32>, vector<16xi32>, vector<16xi32>], vector<16xf32>,
      %add3A_1009 = arith.addi %add3A_100, %gather3A_1006 : vector<16xi32>
      %gather3A_1010 = tpu.vector_load_idx %arg17[%broadcast_in_dim3A_1003, %add3A_1009] : memref<128x128xf32, #tpu.memory_space<vmem>>[vector<16xi32>, vector<16xi32>], vector<16xf32>,
      tpu.vector_store_idx %arg21[%select_n3A_131, %select_n3A_153, %broadcast_in_dim3A_1003], %gather3A_1010 : memref<8x8x129xf32, #tpu.memory_space<vmem>>[vector<16xi32>, vector<16xi32>, vector<16xi32>], vector<16xf32>,
      %add3A_1011 = arith.addi %add3A_156, %gather3A_1006 : vector<16xi32>
      %gather3A_1012 = tpu.vector_load_idx %arg17[%broadcast_in_dim3A_1003, %add3A_1011] : memref<128x128xf32, #tpu.memory_space<vmem>>[vector<16xi32>, vector<16xi32>], vector<16xf32>,
      tpu.vector_store_idx %arg21[%select_n3A_187, %select_n3A_209, %broadcast_in_dim3A_1003], %gather3A_1012 : memref<8x8x129xf32, #tpu.memory_space<vmem>>[vector<16xi32>, vector<16xi32>, vector<16xi32>], vector<16xf32>,
      %add3A_1013 = arith.addi %add3A_212, %gather3A_1006 : vector<16xi32>
      %gather3A_1014 = tpu.vector_load_idx %arg17[%broadcast_in_dim3A_1003, %add3A_1013] : memref<128x128xf32, #tpu.memory_space<vmem>>[vector<16xi32>, vector<16xi32>], vector<16xf32>,
      tpu.vector_store_idx %arg21[%select_n3A_243, %select_n3A_265, %broadcast_in_dim3A_1003], %gather3A_1014 : memref<8x8x129xf32, #tpu.memory_space<vmem>>[vector<16xi32>, vector<16xi32>, vector<16xi32>], vector<16xf32>,
    }
    %scan3A_496 = arith.constant 128 : i32
    %mul3A_497 = arith.constant 4 : i32
    %mul3A_498 = arith.muli %add3A, %mul3A_497 : i32
    %add3A_499 = arith.constant 3 : i32
    %add3A_500 = arith.addi %mul3A_498, %add3A_499 : i32
    %mul3A_501 = arith.constant 8 : i32
    %mul3A_502 = arith.muli %add3A_500, %mul3A_501 : i32
    %dma_start3A_503 = arith.constant 0 : i32
    %dma_start3A_504 = arith.constant 0 : i32
    %dma_start3A_505 = arith.constant 0 : i32
    %dma_start3A_506 = tpu.memref_slice %arg21[%dma_start3A_503, %dma_start3A_504, %dma_start3A_505] : memref<8x8x129xf32, #tpu.memory_space<vmem>> -> memref<8x8x128xf32, #tpu.memory_space<vmem>>
    %dma_start3A_507 = arith.constant 0 : i32
    %dma_start3A_508 = arith.constant 0 : i32
    %dma_start3A_509 = tpu.memref_slice %arg10[%dma_start3A_507, %mul3A_502, %dma_start3A_508] : memref<8x1024x128xf32, #tpu.memory_space<hbm>> -> memref<8x8x128xf32, #tpu.memory_space<hbm>>
    %dma_start3A_510 = arith.constant 0 : i32
    %dma_start3A_511 = arith.constant 0 : i32
    %dma_start3A_512 = tpu.memref_slice %arg10[%dma_start3A_510, %mul3A_502, %dma_start3A_511] : memref<8x1024x128xf32, #tpu.memory_space<hbm>> -> memref<8x8x128xf32, #tpu.memory_space<hbm>>
    %dma_start3A_513 = arith.constant 0 : i32
    %dma_start3A_514 = arith.constant 0 : i32
    %dma_start3A_515 = arith.constant 0 : i32
    %dma_start3A_516 = tpu.memref_slice %arg21[%dma_start3A_513, %dma_start3A_514, %dma_start3A_515] : memref<8x8x129xf32, #tpu.memory_space<vmem>> -> memref<8x8x128xf32, #tpu.memory_space<vmem>>
    tpu.enqueue_dma source(%dma_start3A_516 : memref<8x8x128xf32, #tpu.memory_space<vmem>>) target(%dma_start3A_512 : memref<8x8x128xf32, #tpu.memory_space<hbm>>) target_semaphore(%arg29 : memref<!tpu.dma_semaphore, #tpu.memory_space<semaphore_mem>>)
    %dma_wait3A_517 = arith.constant 0 : i32
    %dma_wait3A_518 = arith.constant 0 : i32
    %dma_wait3A_519 = arith.constant 0 : i32
    %dma_wait3A_520 = tpu.memref_slice %arg21[%dma_wait3A_517, %dma_wait3A_518, %dma_wait3A_519] : memref<8x8x129xf32, #tpu.memory_space<vmem>> -> memref<8x8x128xf32, #tpu.memory_space<vmem>>
    %dma_wait3A_521 = arith.constant 0 : i32
    %dma_wait3A_522 = arith.constant 0 : i32
    %dma_wait3A_523 = tpu.memref_slice %arg10[%dma_wait3A_521, %mul3A_502, %dma_wait3A_522] : memref<8x1024x128xf32, #tpu.memory_space<hbm>> -> memref<8x8x128xf32, #tpu.memory_space<hbm>>
    %dma_wait3A_524 = arith.constant 0 : i32
    %dma_wait3A_525 = arith.constant 0 : i32
    %dma_wait3A_526 = tpu.memref_slice %arg10[%dma_wait3A_524, %mul3A_502, %dma_wait3A_525] : memref<8x1024x128xf32, #tpu.memory_space<hbm>> -> memref<8x8x128xf32, #tpu.memory_space<hbm>>
    %dma_wait3A_527 = arith.constant 0 : i32
    %dma_wait3A_528 = arith.constant 0 : i32
    %dma_wait3A_529 = arith.constant 0 : i32
    %dma_wait3A_530 = tpu.memref_slice %arg21[%dma_wait3A_527, %dma_wait3A_528, %dma_wait3A_529] : memref<8x8x129xf32, #tpu.memory_space<vmem>> -> memref<8x8x128xf32, #tpu.memory_space<vmem>>
    tpu.wait_dma2 semaphore(%arg29 : memref<!tpu.dma_semaphore, #tpu.memory_space<semaphore_mem>>) src(%dma_wait3A_530 : memref<8x8x128xf32, #tpu.memory_space<vmem>>) dst(%dma_wait3A_526 : memref<8x8x128xf32, #tpu.memory_space<hbm>>)
    %dma_start3A_531 = arith.constant 7 : i32
    %dma_start3A_532 = arith.constant 0 : i32
    %dma_start3A_533 = tpu.memref_slice %arg13[%dma_start3A_531, %dma_start3A_532] : memref<20x128xi32, #tpu.memory_space<vmem>> -> memref<1x128xi32, #tpu.memory_space<vmem>>
    %dma_start3A_534 = tpu.memref_squeeze %dma_start3A_533 : memref<1x128xi32, #tpu.memory_space<vmem>> -> memref<128xi32, #tpu.memory_space<vmem>>
    %dma_start3A_535 = arith.constant 0 : i32
    %dma_start3A_536 = arith.constant 0 : i32
    %dma_start3A_537 = tpu.memref_slice %arg8[%dma_start3A_535, %dma_start3A_536] : memref<50048x128xf32, #tpu.memory_space<hbm>> -> memref<50048x128xf32, #tpu.memory_space<hbm>>
    tpu.enqueue_indirect_dma source(%dma_start3A_537 : memref<50048x128xf32, #tpu.memory_space<hbm>>) target(%arg17 : memref<128x128xf32, #tpu.memory_space<vmem>>) offsets(%dma_start3A_534 : memref<128xi32, #tpu.memory_space<vmem>>) semaphore(%arg25 : memref<!tpu.dma_semaphore, #tpu.memory_space<semaphore_mem>>)
    %dma_wait3A_538 = arith.constant 16 : i32
    %dma_wait3A_539 = arith.constant 0 : i32
    %dma_wait3A_540 = tpu.memref_slice %arg13[%dma_wait3A_538, %dma_wait3A_539] : memref<20x128xi32, #tpu.memory_space<vmem>> -> memref<4x128xi32, #tpu.memory_space<vmem>>
    %dma_wait3A_541 = arith.constant 0 : i32
    %dma_wait3A_542 = tpu.memref_slice %arg6[%mul3A_2, %dma_wait3A_541] : memref<128x128xi32, #tpu.memory_space<hbm>> -> memref<4x128xi32, #tpu.memory_space<hbm>>
    %dma_wait3A_543 = arith.constant 16 : i32
    %dma_wait3A_544 = arith.constant 0 : i32
    %dma_wait3A_545 = tpu.memref_slice %arg13[%dma_wait3A_543, %dma_wait3A_544] : memref<20x128xi32, #tpu.memory_space<vmem>> -> memref<4x128xi32, #tpu.memory_space<vmem>>
    %dma_wait3A_546 = arith.constant 0 : i32
    %dma_wait3A_547 = tpu.memref_slice %arg6[%mul3A_2, %dma_wait3A_546] : memref<128x128xi32, #tpu.memory_space<hbm>> -> memref<4x128xi32, #tpu.memory_space<hbm>>
    tpu.wait_dma2 semaphore(%arg34 : memref<!tpu.dma_semaphore, #tpu.memory_space<semaphore_mem>>) src(%dma_wait3A_547 : memref<4x128xi32, #tpu.memory_space<hbm>>) dst(%dma_wait3A_545 : memref<4x128xi32, #tpu.memory_space<vmem>>)
    %dma_wait3A_548 = arith.constant 4 : i32
    %dma_wait3A_549 = arith.constant 0 : i32
    %dma_wait3A_550 = tpu.memref_slice %arg13[%dma_wait3A_548, %dma_wait3A_549] : memref<20x128xi32, #tpu.memory_space<vmem>> -> memref<1x128xi32, #tpu.memory_space<vmem>>
    %dma_wait3A_551 = tpu.memref_squeeze %dma_wait3A_550 : memref<1x128xi32, #tpu.memory_space<vmem>> -> memref<128xi32, #tpu.memory_space<vmem>>
    %dma_wait3A_552 = arith.constant 0 : i32
    %dma_wait3A_553 = arith.constant 0 : i32
    %dma_wait3A_554 = tpu.memref_slice %arg8[%dma_wait3A_552, %dma_wait3A_553] : memref<50048x128xf32, #tpu.memory_space<hbm>> -> memref<50048x128xf32, #tpu.memory_space<hbm>>
    tpu.wait_indirect_dma semaphore(%arg22 : memref<!tpu.dma_semaphore, #tpu.memory_space<semaphore_mem>>) src(%dma_wait3A_554 : memref<50048x128xf32, #tpu.memory_space<hbm>>) dst(%arg14 : memref<128x128xf32, #tpu.memory_space<vmem>>)
    %scan3A_555 = arith.constant 0 : i32
    %scan3A_556 = arith.constant 0 : i32
    %scan3A_557 = arith.constant 128 : i32
    %scan3A_558 = arith.addi %scan3A_556, %scan3A_557 : i32
    %scan3A_559 = arith.constant 4 : i32
    scf.for %scan3A_962 = %scan3A_556 to %scan3A_558 step %scan3A_559  : i32 {
      %broadcast_in_dim3A = vector.broadcast %scan3A_962 : i32 to vector<16xi32>
      %broadcast_in_dim3A_963 = arith.constant 16 : i32
      %broadcast_in_dim3A_964 = vector.broadcast %broadcast_in_dim3A_963 : i32 to vector<16xi32>
      %gather3A = tpu.vector_load_idx %arg13[%broadcast_in_dim3A_964, %broadcast_in_dim3A] : memref<20x128xi32, #tpu.memory_space<vmem>>[vector<16xi32>, vector<16xi32>], vector<16xi32>,
      %add3A_965 = arith.addi %add3A_54, %gather3A : vector<16xi32>
      %gather3A_966 = tpu.vector_load_idx %arg14[%broadcast_in_dim3A, %add3A_965] : memref<128x128xf32, #tpu.memory_space<vmem>>[vector<16xi32>, vector<16xi32>], vector<16xf32>,
      tpu.vector_store_idx %arg18[%select_n3A, %select_n3A_97, %broadcast_in_dim3A], %gather3A_966 : memref<8x8x129xf32, #tpu.memory_space<vmem>>[vector<16xi32>, vector<16xi32>, vector<16xi32>], vector<16xf32>,
      %add3A_967 = arith.addi %add3A_100, %gather3A : vector<16xi32>
      %gather3A_968 = tpu.vector_load_idx %arg14[%broadcast_in_dim3A, %add3A_967] : memref<128x128xf32, #tpu.memory_space<vmem>>[vector<16xi32>, vector<16xi32>], vector<16xf32>,
      tpu.vector_store_idx %arg18[%select_n3A_131, %select_n3A_153, %broadcast_in_dim3A], %gather3A_968 : memref<8x8x129xf32, #tpu.memory_space<vmem>>[vector<16xi32>, vector<16xi32>, vector<16xi32>], vector<16xf32>,
      %add3A_969 = arith.addi %add3A_156, %gather3A : vector<16xi32>
      %gather3A_970 = tpu.vector_load_idx %arg14[%broadcast_in_dim3A, %add3A_969] : memref<128x128xf32, #tpu.memory_space<vmem>>[vector<16xi32>, vector<16xi32>], vector<16xf32>,
      tpu.vector_store_idx %arg18[%select_n3A_187, %select_n3A_209, %broadcast_in_dim3A], %gather3A_970 : memref<8x8x129xf32, #tpu.memory_space<vmem>>[vector<16xi32>, vector<16xi32>, vector<16xi32>], vector<16xf32>,
      %add3A_971 = arith.addi %add3A_212, %gather3A : vector<16xi32>
      %gather3A_972 = tpu.vector_load_idx %arg14[%broadcast_in_dim3A, %add3A_971] : memref<128x128xf32, #tpu.memory_space<vmem>>[vector<16xi32>, vector<16xi32>], vector<16xf32>,
      tpu.vector_store_idx %arg18[%select_n3A_243, %select_n3A_265, %broadcast_in_dim3A], %gather3A_972 : memref<8x8x129xf32, #tpu.memory_space<vmem>>[vector<16xi32>, vector<16xi32>, vector<16xi32>], vector<16xf32>,
      %scan3A_973 = arith.constant 1 : i32
      %scan3A_974 = arith.addi %scan3A_962, %scan3A_973 : i32
      %broadcast_in_dim3A_975 = vector.broadcast %scan3A_974 : i32 to vector<16xi32>
      %broadcast_in_dim3A_976 = arith.constant 16 : i32
      %broadcast_in_dim3A_977 = vector.broadcast %broadcast_in_dim3A_976 : i32 to vector<16xi32>
      %gather3A_978 = tpu.vector_load_idx %arg13[%broadcast_in_dim3A_977, %broadcast_in_dim3A_975] : memref<20x128xi32, #tpu.memory_space<vmem>>[vector<16xi32>, vector<16xi32>], vector<16xi32>,
      %add3A_979 = arith.addi %add3A_54, %gather3A_978 : vector<16xi32>
      %gather3A_980 = tpu.vector_load_idx %arg14[%broadcast_in_dim3A_975, %add3A_979] : memref<128x128xf32, #tpu.memory_space<vmem>>[vector<16xi32>, vector<16xi32>], vector<16xf32>,
      tpu.vector_store_idx %arg18[%select_n3A, %select_n3A_97, %broadcast_in_dim3A_975], %gather3A_980 : memref<8x8x129xf32, #tpu.memory_space<vmem>>[vector<16xi32>, vector<16xi32>, vector<16xi32>], vector<16xf32>,
      %add3A_981 = arith.addi %add3A_100, %gather3A_978 : vector<16xi32>
      %gather3A_982 = tpu.vector_load_idx %arg14[%broadcast_in_dim3A_975, %add3A_981] : memref<128x128xf32, #tpu.memory_space<vmem>>[vector<16xi32>, vector<16xi32>], vector<16xf32>,
      tpu.vector_store_idx %arg18[%select_n3A_131, %select_n3A_153, %broadcast_in_dim3A_975], %gather3A_982 : memref<8x8x129xf32, #tpu.memory_space<vmem>>[vector<16xi32>, vector<16xi32>, vector<16xi32>], vector<16xf32>,
      %add3A_983 = arith.addi %add3A_156, %gather3A_978 : vector<16xi32>
      %gather3A_984 = tpu.vector_load_idx %arg14[%broadcast_in_dim3A_975, %add3A_983] : memref<128x128xf32, #tpu.memory_space<vmem>>[vector<16xi32>, vector<16xi32>], vector<16xf32>,
      tpu.vector_store_idx %arg18[%select_n3A_187, %select_n3A_209, %broadcast_in_dim3A_975], %gather3A_984 : memref<8x8x129xf32, #tpu.memory_space<vmem>>[vector<16xi32>, vector<16xi32>, vector<16xi32>], vector<16xf32>,
      %add3A_985 = arith.addi %add3A_212, %gather3A_978 : vector<16xi32>
      %gather3A_986 = tpu.vector_load_idx %arg14[%broadcast_in_dim3A_975, %add3A_985] : memref<128x128xf32, #tpu.memory_space<vmem>>[vector<16xi32>, vector<16xi32>], vector<16xf32>,
      tpu.vector_store_idx %arg18[%select_n3A_243, %select_n3A_265, %broadcast_in_dim3A_975], %gather3A_986 : memref<8x8x129xf32, #tpu.memory_space<vmem>>[vector<16xi32>, vector<16xi32>, vector<16xi32>], vector<16xf32>,
      %scan3A_987 = arith.constant 2 : i32
      %scan3A_988 = arith.addi %scan3A_962, %scan3A_987 : i32
      %broadcast_in_dim3A_989 = vector.broadcast %scan3A_988 : i32 to vector<16xi32>
      %broadcast_in_dim3A_990 = arith.constant 16 : i32
      %broadcast_in_dim3A_991 = vector.broadcast %broadcast_in_dim3A_990 : i32 to vector<16xi32>
      %gather3A_992 = tpu.vector_load_idx %arg13[%broadcast_in_dim3A_991, %broadcast_in_dim3A_989] : memref<20x128xi32, #tpu.memory_space<vmem>>[vector<16xi32>, vector<16xi32>], vector<16xi32>,
      %add3A_993 = arith.addi %add3A_54, %gather3A_992 : vector<16xi32>
      %gather3A_994 = tpu.vector_load_idx %arg14[%broadcast_in_dim3A_989, %add3A_993] : memref<128x128xf32, #tpu.memory_space<vmem>>[vector<16xi32>, vector<16xi32>], vector<16xf32>,
      tpu.vector_store_idx %arg18[%select_n3A, %select_n3A_97, %broadcast_in_dim3A_989], %gather3A_994 : memref<8x8x129xf32, #tpu.memory_space<vmem>>[vector<16xi32>, vector<16xi32>, vector<16xi32>], vector<16xf32>,
      %add3A_995 = arith.addi %add3A_100, %gather3A_992 : vector<16xi32>
      %gather3A_996 = tpu.vector_load_idx %arg14[%broadcast_in_dim3A_989, %add3A_995] : memref<128x128xf32, #tpu.memory_space<vmem>>[vector<16xi32>, vector<16xi32>], vector<16xf32>,
      tpu.vector_store_idx %arg18[%select_n3A_131, %select_n3A_153, %broadcast_in_dim3A_989], %gather3A_996 : memref<8x8x129xf32, #tpu.memory_space<vmem>>[vector<16xi32>, vector<16xi32>, vector<16xi32>], vector<16xf32>,
      %add3A_997 = arith.addi %add3A_156, %gather3A_992 : vector<16xi32>
      %gather3A_998 = tpu.vector_load_idx %arg14[%broadcast_in_dim3A_989, %add3A_997] : memref<128x128xf32, #tpu.memory_space<vmem>>[vector<16xi32>, vector<16xi32>], vector<16xf32>,
      tpu.vector_store_idx %arg18[%select_n3A_187, %select_n3A_209, %broadcast_in_dim3A_989], %gather3A_998 : memref<8x8x129xf32, #tpu.memory_space<vmem>>[vector<16xi32>, vector<16xi32>, vector<16xi32>], vector<16xf32>,
      %add3A_999 = arith.addi %add3A_212, %gather3A_992 : vector<16xi32>
      %gather3A_1000 = tpu.vector_load_idx %arg14[%broadcast_in_dim3A_989, %add3A_999] : memref<128x128xf32, #tpu.memory_space<vmem>>[vector<16xi32>, vector<16xi32>], vector<16xf32>,
      tpu.vector_store_idx %arg18[%select_n3A_243, %select_n3A_265, %broadcast_in_dim3A_989], %gather3A_1000 : memref<8x8x129xf32, #tpu.memory_space<vmem>>[vector<16xi32>, vector<16xi32>, vector<16xi32>], vector<16xf32>,
      %scan3A_1001 = arith.constant 3 : i32
      %scan3A_1002 = arith.addi %scan3A_962, %scan3A_1001 : i32
      %broadcast_in_dim3A_1003 = vector.broadcast %scan3A_1002 : i32 to vector<16xi32>
      %broadcast_in_dim3A_1004 = arith.constant 16 : i32
      %broadcast_in_dim3A_1005 = vector.broadcast %broadcast_in_dim3A_1004 : i32 to vector<16xi32>
      %gather3A_1006 = tpu.vector_load_idx %arg13[%broadcast_in_dim3A_1005, %broadcast_in_dim3A_1003] : memref<20x128xi32, #tpu.memory_space<vmem>>[vector<16xi32>, vector<16xi32>], vector<16xi32>,
      %add3A_1007 = arith.addi %add3A_54, %gather3A_1006 : vector<16xi32>
      %gather3A_1008 = tpu.vector_load_idx %arg14[%broadcast_in_dim3A_1003, %add3A_1007] : memref<128x128xf32, #tpu.memory_space<vmem>>[vector<16xi32>, vector<16xi32>], vector<16xf32>,
      tpu.vector_store_idx %arg18[%select_n3A, %select_n3A_97, %broadcast_in_dim3A_1003], %gather3A_1008 : memref<8x8x129xf32, #tpu.memory_space<vmem>>[vector<16xi32>, vector<16xi32>, vector<16xi32>], vector<16xf32>,
      %add3A_1009 = arith.addi %add3A_100, %gather3A_1006 : vector<16xi32>
      %gather3A_1010 = tpu.vector_load_idx %arg14[%broadcast_in_dim3A_1003, %add3A_1009] : memref<128x128xf32, #tpu.memory_space<vmem>>[vector<16xi32>, vector<16xi32>], vector<16xf32>,
      tpu.vector_store_idx %arg18[%select_n3A_131, %select_n3A_153, %broadcast_in_dim3A_1003], %gather3A_1010 : memref<8x8x129xf32, #tpu.memory_space<vmem>>[vector<16xi32>, vector<16xi32>, vector<16xi32>], vector<16xf32>,
      %add3A_1011 = arith.addi %add3A_156, %gather3A_1006 : vector<16xi32>
      %gather3A_1012 = tpu.vector_load_idx %arg14[%broadcast_in_dim3A_1003, %add3A_1011] : memref<128x128xf32, #tpu.memory_space<vmem>>[vector<16xi32>, vector<16xi32>], vector<16xf32>,
      tpu.vector_store_idx %arg18[%select_n3A_187, %select_n3A_209, %broadcast_in_dim3A_1003], %gather3A_1012 : memref<8x8x129xf32, #tpu.memory_space<vmem>>[vector<16xi32>, vector<16xi32>, vector<16xi32>], vector<16xf32>,
      %add3A_1013 = arith.addi %add3A_212, %gather3A_1006 : vector<16xi32>
      %gather3A_1014 = tpu.vector_load_idx %arg14[%broadcast_in_dim3A_1003, %add3A_1013] : memref<128x128xf32, #tpu.memory_space<vmem>>[vector<16xi32>, vector<16xi32>], vector<16xf32>,
      tpu.vector_store_idx %arg18[%select_n3A_243, %select_n3A_265, %broadcast_in_dim3A_1003], %gather3A_1014 : memref<8x8x129xf32, #tpu.memory_space<vmem>>[vector<16xi32>, vector<16xi32>, vector<16xi32>], vector<16xf32>,
    }
    %scan3A_560 = arith.constant 128 : i32
    %mul3A_561 = arith.constant 4 : i32
    %mul3A_562 = arith.muli %add3A, %mul3A_561 : i32
    %add3A_563 = arith.constant 0 : i32
    %add3A_564 = arith.addi %mul3A_562, %add3A_563 : i32
    %mul3A_565 = arith.constant 8 : i32
    %mul3A_566 = arith.muli %add3A_564, %mul3A_565 : i32
    %dma_start3A_567 = arith.constant 0 : i32
    %dma_start3A_568 = arith.constant 0 : i32
    %dma_start3A_569 = arith.constant 0 : i32
    %dma_start3A_570 = tpu.memref_slice %arg18[%dma_start3A_567, %dma_start3A_568, %dma_start3A_569] : memref<8x8x129xf32, #tpu.memory_space<vmem>> -> memref<8x8x128xf32, #tpu.memory_space<vmem>>
    %dma_start3A_571 = arith.constant 0 : i32
    %dma_start3A_572 = arith.constant 0 : i32
    %dma_start3A_573 = tpu.memref_slice %arg11[%dma_start3A_571, %mul3A_566, %dma_start3A_572] : memref<8x1024x128xf32, #tpu.memory_space<hbm>> -> memref<8x8x128xf32, #tpu.memory_space<hbm>>
    %dma_start3A_574 = arith.constant 0 : i32
    %dma_start3A_575 = arith.constant 0 : i32
    %dma_start3A_576 = tpu.memref_slice %arg11[%dma_start3A_574, %mul3A_566, %dma_start3A_575] : memref<8x1024x128xf32, #tpu.memory_space<hbm>> -> memref<8x8x128xf32, #tpu.memory_space<hbm>>
    %dma_start3A_577 = arith.constant 0 : i32
    %dma_start3A_578 = arith.constant 0 : i32
    %dma_start3A_579 = arith.constant 0 : i32
    %dma_start3A_580 = tpu.memref_slice %arg18[%dma_start3A_577, %dma_start3A_578, %dma_start3A_579] : memref<8x8x129xf32, #tpu.memory_space<vmem>> -> memref<8x8x128xf32, #tpu.memory_space<vmem>>
    tpu.enqueue_dma source(%dma_start3A_580 : memref<8x8x128xf32, #tpu.memory_space<vmem>>) target(%dma_start3A_576 : memref<8x8x128xf32, #tpu.memory_space<hbm>>) target_semaphore(%arg26 : memref<!tpu.dma_semaphore, #tpu.memory_space<semaphore_mem>>)
    %dma_wait3A_581 = arith.constant 0 : i32
    %dma_wait3A_582 = arith.constant 0 : i32
    %dma_wait3A_583 = arith.constant 0 : i32
    %dma_wait3A_584 = tpu.memref_slice %arg18[%dma_wait3A_581, %dma_wait3A_582, %dma_wait3A_583] : memref<8x8x129xf32, #tpu.memory_space<vmem>> -> memref<8x8x128xf32, #tpu.memory_space<vmem>>
    %dma_wait3A_585 = arith.constant 0 : i32
    %dma_wait3A_586 = arith.constant 0 : i32
    %dma_wait3A_587 = tpu.memref_slice %arg11[%dma_wait3A_585, %mul3A_566, %dma_wait3A_586] : memref<8x1024x128xf32, #tpu.memory_space<hbm>> -> memref<8x8x128xf32, #tpu.memory_space<hbm>>
    %dma_wait3A_588 = arith.constant 0 : i32
    %dma_wait3A_589 = arith.constant 0 : i32
    %dma_wait3A_590 = tpu.memref_slice %arg11[%dma_wait3A_588, %mul3A_566, %dma_wait3A_589] : memref<8x1024x128xf32, #tpu.memory_space<hbm>> -> memref<8x8x128xf32, #tpu.memory_space<hbm>>
    %dma_wait3A_591 = arith.constant 0 : i32
    %dma_wait3A_592 = arith.constant 0 : i32
    %dma_wait3A_593 = arith.constant 0 : i32
    %dma_wait3A_594 = tpu.memref_slice %arg18[%dma_wait3A_591, %dma_wait3A_592, %dma_wait3A_593] : memref<8x8x129xf32, #tpu.memory_space<vmem>> -> memref<8x8x128xf32, #tpu.memory_space<vmem>>
    tpu.wait_dma2 semaphore(%arg26 : memref<!tpu.dma_semaphore, #tpu.memory_space<semaphore_mem>>) src(%dma_wait3A_594 : memref<8x8x128xf32, #tpu.memory_space<vmem>>) dst(%dma_wait3A_590 : memref<8x8x128xf32, #tpu.memory_space<hbm>>)
    %dma_wait3A_595 = arith.constant 8 : i32
    %dma_wait3A_596 = arith.constant 0 : i32
    %dma_wait3A_597 = tpu.memref_slice %arg13[%dma_wait3A_595, %dma_wait3A_596] : memref<20x128xi32, #tpu.memory_space<vmem>> -> memref<4x128xi32, #tpu.memory_space<vmem>>
    %dma_wait3A_598 = arith.constant 0 : i32
    %dma_wait3A_599 = tpu.memref_slice %arg4[%mul3A_2, %dma_wait3A_598] : memref<128x128xi32, #tpu.memory_space<hbm>> -> memref<4x128xi32, #tpu.memory_space<hbm>>
    %dma_wait3A_600 = arith.constant 8 : i32
    %dma_wait3A_601 = arith.constant 0 : i32
    %dma_wait3A_602 = tpu.memref_slice %arg13[%dma_wait3A_600, %dma_wait3A_601] : memref<20x128xi32, #tpu.memory_space<vmem>> -> memref<4x128xi32, #tpu.memory_space<vmem>>
    %dma_wait3A_603 = arith.constant 0 : i32
    %dma_wait3A_604 = tpu.memref_slice %arg4[%mul3A_2, %dma_wait3A_603] : memref<128x128xi32, #tpu.memory_space<hbm>> -> memref<4x128xi32, #tpu.memory_space<hbm>>
    tpu.wait_dma2 semaphore(%arg32 : memref<!tpu.dma_semaphore, #tpu.memory_space<semaphore_mem>>) src(%dma_wait3A_604 : memref<4x128xi32, #tpu.memory_space<hbm>>) dst(%dma_wait3A_602 : memref<4x128xi32, #tpu.memory_space<vmem>>)
    %dma_start3A_605 = arith.constant 8 : i32
    %dma_start3A_606 = arith.constant 0 : i32
    %dma_start3A_607 = tpu.memref_slice %arg13[%dma_start3A_605, %dma_start3A_606] : memref<20x128xi32, #tpu.memory_space<vmem>> -> memref<1x128xi32, #tpu.memory_space<vmem>>
    %dma_start3A_608 = tpu.memref_squeeze %dma_start3A_607 : memref<1x128xi32, #tpu.memory_space<vmem>> -> memref<128xi32, #tpu.memory_space<vmem>>
    %dma_start3A_609 = arith.constant 0 : i32
    %dma_start3A_610 = arith.constant 0 : i32
    %dma_start3A_611 = tpu.memref_slice %arg9[%dma_start3A_609, %dma_start3A_610] : memref<1024x128xf32, #tpu.memory_space<hbm>> -> memref<1024x128xf32, #tpu.memory_space<hbm>>
    tpu.enqueue_indirect_dma source(%dma_start3A_611 : memref<1024x128xf32, #tpu.memory_space<hbm>>) target(%arg14 : memref<128x128xf32, #tpu.memory_space<vmem>>) offsets(%dma_start3A_608 : memref<128xi32, #tpu.memory_space<vmem>>) semaphore(%arg22 : memref<!tpu.dma_semaphore, #tpu.memory_space<semaphore_mem>>)
    %dma_wait3A_612 = arith.constant 5 : i32
    %dma_wait3A_613 = arith.constant 0 : i32
    %dma_wait3A_614 = tpu.memref_slice %arg13[%dma_wait3A_612, %dma_wait3A_613] : memref<20x128xi32, #tpu.memory_space<vmem>> -> memref<1x128xi32, #tpu.memory_space<vmem>>
    %dma_wait3A_615 = tpu.memref_squeeze %dma_wait3A_614 : memref<1x128xi32, #tpu.memory_space<vmem>> -> memref<128xi32, #tpu.memory_space<vmem>>
    %dma_wait3A_616 = arith.constant 0 : i32
    %dma_wait3A_617 = arith.constant 0 : i32
    %dma_wait3A_618 = tpu.memref_slice %arg8[%dma_wait3A_616, %dma_wait3A_617] : memref<50048x128xf32, #tpu.memory_space<hbm>> -> memref<50048x128xf32, #tpu.memory_space<hbm>>
    tpu.wait_indirect_dma semaphore(%arg23 : memref<!tpu.dma_semaphore, #tpu.memory_space<semaphore_mem>>) src(%dma_wait3A_618 : memref<50048x128xf32, #tpu.memory_space<hbm>>) dst(%arg15 : memref<128x128xf32, #tpu.memory_space<vmem>>)
    %scan3A_619 = arith.constant 0 : i32
    %scan3A_620 = arith.constant 0 : i32
    %scan3A_621 = arith.constant 128 : i32
    %scan3A_622 = arith.addi %scan3A_620, %scan3A_621 : i32
    %scan3A_623 = arith.constant 4 : i32
    scf.for %scan3A_962 = %scan3A_620 to %scan3A_622 step %scan3A_623  : i32 {
      %broadcast_in_dim3A = vector.broadcast %scan3A_962 : i32 to vector<16xi32>
      %broadcast_in_dim3A_963 = arith.constant 17 : i32
      %broadcast_in_dim3A_964 = vector.broadcast %broadcast_in_dim3A_963 : i32 to vector<16xi32>
      %gather3A = tpu.vector_load_idx %arg13[%broadcast_in_dim3A_964, %broadcast_in_dim3A] : memref<20x128xi32, #tpu.memory_space<vmem>>[vector<16xi32>, vector<16xi32>], vector<16xi32>,
      %add3A_965 = arith.addi %add3A_54, %gather3A : vector<16xi32>
      %gather3A_966 = tpu.vector_load_idx %arg15[%broadcast_in_dim3A, %add3A_965] : memref<128x128xf32, #tpu.memory_space<vmem>>[vector<16xi32>, vector<16xi32>], vector<16xf32>,
      tpu.vector_store_idx %arg19[%select_n3A, %select_n3A_97, %broadcast_in_dim3A], %gather3A_966 : memref<8x8x129xf32, #tpu.memory_space<vmem>>[vector<16xi32>, vector<16xi32>, vector<16xi32>], vector<16xf32>,
      %add3A_967 = arith.addi %add3A_100, %gather3A : vector<16xi32>
      %gather3A_968 = tpu.vector_load_idx %arg15[%broadcast_in_dim3A, %add3A_967] : memref<128x128xf32, #tpu.memory_space<vmem>>[vector<16xi32>, vector<16xi32>], vector<16xf32>,
      tpu.vector_store_idx %arg19[%select_n3A_131, %select_n3A_153, %broadcast_in_dim3A], %gather3A_968 : memref<8x8x129xf32, #tpu.memory_space<vmem>>[vector<16xi32>, vector<16xi32>, vector<16xi32>], vector<16xf32>,
      %add3A_969 = arith.addi %add3A_156, %gather3A : vector<16xi32>
      %gather3A_970 = tpu.vector_load_idx %arg15[%broadcast_in_dim3A, %add3A_969] : memref<128x128xf32, #tpu.memory_space<vmem>>[vector<16xi32>, vector<16xi32>], vector<16xf32>,
      tpu.vector_store_idx %arg19[%select_n3A_187, %select_n3A_209, %broadcast_in_dim3A], %gather3A_970 : memref<8x8x129xf32, #tpu.memory_space<vmem>>[vector<16xi32>, vector<16xi32>, vector<16xi32>], vector<16xf32>,
      %add3A_971 = arith.addi %add3A_212, %gather3A : vector<16xi32>
      %gather3A_972 = tpu.vector_load_idx %arg15[%broadcast_in_dim3A, %add3A_971] : memref<128x128xf32, #tpu.memory_space<vmem>>[vector<16xi32>, vector<16xi32>], vector<16xf32>,
      tpu.vector_store_idx %arg19[%select_n3A_243, %select_n3A_265, %broadcast_in_dim3A], %gather3A_972 : memref<8x8x129xf32, #tpu.memory_space<vmem>>[vector<16xi32>, vector<16xi32>, vector<16xi32>], vector<16xf32>,
      %scan3A_973 = arith.constant 1 : i32
      %scan3A_974 = arith.addi %scan3A_962, %scan3A_973 : i32
      %broadcast_in_dim3A_975 = vector.broadcast %scan3A_974 : i32 to vector<16xi32>
      %broadcast_in_dim3A_976 = arith.constant 17 : i32
      %broadcast_in_dim3A_977 = vector.broadcast %broadcast_in_dim3A_976 : i32 to vector<16xi32>
      %gather3A_978 = tpu.vector_load_idx %arg13[%broadcast_in_dim3A_977, %broadcast_in_dim3A_975] : memref<20x128xi32, #tpu.memory_space<vmem>>[vector<16xi32>, vector<16xi32>], vector<16xi32>,
      %add3A_979 = arith.addi %add3A_54, %gather3A_978 : vector<16xi32>
      %gather3A_980 = tpu.vector_load_idx %arg15[%broadcast_in_dim3A_975, %add3A_979] : memref<128x128xf32, #tpu.memory_space<vmem>>[vector<16xi32>, vector<16xi32>], vector<16xf32>,
      tpu.vector_store_idx %arg19[%select_n3A, %select_n3A_97, %broadcast_in_dim3A_975], %gather3A_980 : memref<8x8x129xf32, #tpu.memory_space<vmem>>[vector<16xi32>, vector<16xi32>, vector<16xi32>], vector<16xf32>,
      %add3A_981 = arith.addi %add3A_100, %gather3A_978 : vector<16xi32>
      %gather3A_982 = tpu.vector_load_idx %arg15[%broadcast_in_dim3A_975, %add3A_981] : memref<128x128xf32, #tpu.memory_space<vmem>>[vector<16xi32>, vector<16xi32>], vector<16xf32>,
      tpu.vector_store_idx %arg19[%select_n3A_131, %select_n3A_153, %broadcast_in_dim3A_975], %gather3A_982 : memref<8x8x129xf32, #tpu.memory_space<vmem>>[vector<16xi32>, vector<16xi32>, vector<16xi32>], vector<16xf32>,
      %add3A_983 = arith.addi %add3A_156, %gather3A_978 : vector<16xi32>
      %gather3A_984 = tpu.vector_load_idx %arg15[%broadcast_in_dim3A_975, %add3A_983] : memref<128x128xf32, #tpu.memory_space<vmem>>[vector<16xi32>, vector<16xi32>], vector<16xf32>,
      tpu.vector_store_idx %arg19[%select_n3A_187, %select_n3A_209, %broadcast_in_dim3A_975], %gather3A_984 : memref<8x8x129xf32, #tpu.memory_space<vmem>>[vector<16xi32>, vector<16xi32>, vector<16xi32>], vector<16xf32>,
      %add3A_985 = arith.addi %add3A_212, %gather3A_978 : vector<16xi32>
      %gather3A_986 = tpu.vector_load_idx %arg15[%broadcast_in_dim3A_975, %add3A_985] : memref<128x128xf32, #tpu.memory_space<vmem>>[vector<16xi32>, vector<16xi32>], vector<16xf32>,
      tpu.vector_store_idx %arg19[%select_n3A_243, %select_n3A_265, %broadcast_in_dim3A_975], %gather3A_986 : memref<8x8x129xf32, #tpu.memory_space<vmem>>[vector<16xi32>, vector<16xi32>, vector<16xi32>], vector<16xf32>,
      %scan3A_987 = arith.constant 2 : i32
      %scan3A_988 = arith.addi %scan3A_962, %scan3A_987 : i32
      %broadcast_in_dim3A_989 = vector.broadcast %scan3A_988 : i32 to vector<16xi32>
      %broadcast_in_dim3A_990 = arith.constant 17 : i32
      %broadcast_in_dim3A_991 = vector.broadcast %broadcast_in_dim3A_990 : i32 to vector<16xi32>
      %gather3A_992 = tpu.vector_load_idx %arg13[%broadcast_in_dim3A_991, %broadcast_in_dim3A_989] : memref<20x128xi32, #tpu.memory_space<vmem>>[vector<16xi32>, vector<16xi32>], vector<16xi32>,
      %add3A_993 = arith.addi %add3A_54, %gather3A_992 : vector<16xi32>
      %gather3A_994 = tpu.vector_load_idx %arg15[%broadcast_in_dim3A_989, %add3A_993] : memref<128x128xf32, #tpu.memory_space<vmem>>[vector<16xi32>, vector<16xi32>], vector<16xf32>,
      tpu.vector_store_idx %arg19[%select_n3A, %select_n3A_97, %broadcast_in_dim3A_989], %gather3A_994 : memref<8x8x129xf32, #tpu.memory_space<vmem>>[vector<16xi32>, vector<16xi32>, vector<16xi32>], vector<16xf32>,
      %add3A_995 = arith.addi %add3A_100, %gather3A_992 : vector<16xi32>
      %gather3A_996 = tpu.vector_load_idx %arg15[%broadcast_in_dim3A_989, %add3A_995] : memref<128x128xf32, #tpu.memory_space<vmem>>[vector<16xi32>, vector<16xi32>], vector<16xf32>,
      tpu.vector_store_idx %arg19[%select_n3A_131, %select_n3A_153, %broadcast_in_dim3A_989], %gather3A_996 : memref<8x8x129xf32, #tpu.memory_space<vmem>>[vector<16xi32>, vector<16xi32>, vector<16xi32>], vector<16xf32>,
      %add3A_997 = arith.addi %add3A_156, %gather3A_992 : vector<16xi32>
      %gather3A_998 = tpu.vector_load_idx %arg15[%broadcast_in_dim3A_989, %add3A_997] : memref<128x128xf32, #tpu.memory_space<vmem>>[vector<16xi32>, vector<16xi32>], vector<16xf32>,
      tpu.vector_store_idx %arg19[%select_n3A_187, %select_n3A_209, %broadcast_in_dim3A_989], %gather3A_998 : memref<8x8x129xf32, #tpu.memory_space<vmem>>[vector<16xi32>, vector<16xi32>, vector<16xi32>], vector<16xf32>,
      %add3A_999 = arith.addi %add3A_212, %gather3A_992 : vector<16xi32>
      %gather3A_1000 = tpu.vector_load_idx %arg15[%broadcast_in_dim3A_989, %add3A_999] : memref<128x128xf32, #tpu.memory_space<vmem>>[vector<16xi32>, vector<16xi32>], vector<16xf32>,
      tpu.vector_store_idx %arg19[%select_n3A_243, %select_n3A_265, %broadcast_in_dim3A_989], %gather3A_1000 : memref<8x8x129xf32, #tpu.memory_space<vmem>>[vector<16xi32>, vector<16xi32>, vector<16xi32>], vector<16xf32>,
      %scan3A_1001 = arith.constant 3 : i32
      %scan3A_1002 = arith.addi %scan3A_962, %scan3A_1001 : i32
      %broadcast_in_dim3A_1003 = vector.broadcast %scan3A_1002 : i32 to vector<16xi32>
      %broadcast_in_dim3A_1004 = arith.constant 17 : i32
      %broadcast_in_dim3A_1005 = vector.broadcast %broadcast_in_dim3A_1004 : i32 to vector<16xi32>
      %gather3A_1006 = tpu.vector_load_idx %arg13[%broadcast_in_dim3A_1005, %broadcast_in_dim3A_1003] : memref<20x128xi32, #tpu.memory_space<vmem>>[vector<16xi32>, vector<16xi32>], vector<16xi32>,
      %add3A_1007 = arith.addi %add3A_54, %gather3A_1006 : vector<16xi32>
      %gather3A_1008 = tpu.vector_load_idx %arg15[%broadcast_in_dim3A_1003, %add3A_1007] : memref<128x128xf32, #tpu.memory_space<vmem>>[vector<16xi32>, vector<16xi32>], vector<16xf32>,
      tpu.vector_store_idx %arg19[%select_n3A, %select_n3A_97, %broadcast_in_dim3A_1003], %gather3A_1008 : memref<8x8x129xf32, #tpu.memory_space<vmem>>[vector<16xi32>, vector<16xi32>, vector<16xi32>], vector<16xf32>,
      %add3A_1009 = arith.addi %add3A_100, %gather3A_1006 : vector<16xi32>
      %gather3A_1010 = tpu.vector_load_idx %arg15[%broadcast_in_dim3A_1003, %add3A_1009] : memref<128x128xf32, #tpu.memory_space<vmem>>[vector<16xi32>, vector<16xi32>], vector<16xf32>,
      tpu.vector_store_idx %arg19[%select_n3A_131, %select_n3A_153, %broadcast_in_dim3A_1003], %gather3A_1010 : memref<8x8x129xf32, #tpu.memory_space<vmem>>[vector<16xi32>, vector<16xi32>, vector<16xi32>], vector<16xf32>,
      %add3A_1011 = arith.addi %add3A_156, %gather3A_1006 : vector<16xi32>
      %gather3A_1012 = tpu.vector_load_idx %arg15[%broadcast_in_dim3A_1003, %add3A_1011] : memref<128x128xf32, #tpu.memory_space<vmem>>[vector<16xi32>, vector<16xi32>], vector<16xf32>,
      tpu.vector_store_idx %arg19[%select_n3A_187, %select_n3A_209, %broadcast_in_dim3A_1003], %gather3A_1012 : memref<8x8x129xf32, #tpu.memory_space<vmem>>[vector<16xi32>, vector<16xi32>, vector<16xi32>], vector<16xf32>,
      %add3A_1013 = arith.addi %add3A_212, %gather3A_1006 : vector<16xi32>
      %gather3A_1014 = tpu.vector_load_idx %arg15[%broadcast_in_dim3A_1003, %add3A_1013] : memref<128x128xf32, #tpu.memory_space<vmem>>[vector<16xi32>, vector<16xi32>], vector<16xf32>,
      tpu.vector_store_idx %arg19[%select_n3A_243, %select_n3A_265, %broadcast_in_dim3A_1003], %gather3A_1014 : memref<8x8x129xf32, #tpu.memory_space<vmem>>[vector<16xi32>, vector<16xi32>, vector<16xi32>], vector<16xf32>,
    }
    %scan3A_624 = arith.constant 128 : i32
    %mul3A_625 = arith.constant 4 : i32
    %mul3A_626 = arith.muli %add3A, %mul3A_625 : i32
    %add3A_627 = arith.constant 1 : i32
    %add3A_628 = arith.addi %mul3A_626, %add3A_627 : i32
    %mul3A_629 = arith.constant 8 : i32
    %mul3A_630 = arith.muli %add3A_628, %mul3A_629 : i32
    %dma_start3A_631 = arith.constant 0 : i32
    %dma_start3A_632 = arith.constant 0 : i32
    %dma_start3A_633 = arith.constant 0 : i32
    %dma_start3A_634 = tpu.memref_slice %arg19[%dma_start3A_631, %dma_start3A_632, %dma_start3A_633] : memref<8x8x129xf32, #tpu.memory_space<vmem>> -> memref<8x8x128xf32, #tpu.memory_space<vmem>>
    %dma_start3A_635 = arith.constant 0 : i32
    %dma_start3A_636 = arith.constant 0 : i32
    %dma_start3A_637 = tpu.memref_slice %arg11[%dma_start3A_635, %mul3A_630, %dma_start3A_636] : memref<8x1024x128xf32, #tpu.memory_space<hbm>> -> memref<8x8x128xf32, #tpu.memory_space<hbm>>
    %dma_start3A_638 = arith.constant 0 : i32
    %dma_start3A_639 = arith.constant 0 : i32
    %dma_start3A_640 = tpu.memref_slice %arg11[%dma_start3A_638, %mul3A_630, %dma_start3A_639] : memref<8x1024x128xf32, #tpu.memory_space<hbm>> -> memref<8x8x128xf32, #tpu.memory_space<hbm>>
    %dma_start3A_641 = arith.constant 0 : i32
    %dma_start3A_642 = arith.constant 0 : i32
    %dma_start3A_643 = arith.constant 0 : i32
    %dma_start3A_644 = tpu.memref_slice %arg19[%dma_start3A_641, %dma_start3A_642, %dma_start3A_643] : memref<8x8x129xf32, #tpu.memory_space<vmem>> -> memref<8x8x128xf32, #tpu.memory_space<vmem>>
    tpu.enqueue_dma source(%dma_start3A_644 : memref<8x8x128xf32, #tpu.memory_space<vmem>>) target(%dma_start3A_640 : memref<8x8x128xf32, #tpu.memory_space<hbm>>) target_semaphore(%arg27 : memref<!tpu.dma_semaphore, #tpu.memory_space<semaphore_mem>>)
    %dma_wait3A_645 = arith.constant 0 : i32
    %dma_wait3A_646 = arith.constant 0 : i32
    %dma_wait3A_647 = arith.constant 0 : i32
    %dma_wait3A_648 = tpu.memref_slice %arg19[%dma_wait3A_645, %dma_wait3A_646, %dma_wait3A_647] : memref<8x8x129xf32, #tpu.memory_space<vmem>> -> memref<8x8x128xf32, #tpu.memory_space<vmem>>
    %dma_wait3A_649 = arith.constant 0 : i32
    %dma_wait3A_650 = arith.constant 0 : i32
    %dma_wait3A_651 = tpu.memref_slice %arg11[%dma_wait3A_649, %mul3A_630, %dma_wait3A_650] : memref<8x1024x128xf32, #tpu.memory_space<hbm>> -> memref<8x8x128xf32, #tpu.memory_space<hbm>>
    %dma_wait3A_652 = arith.constant 0 : i32
    %dma_wait3A_653 = arith.constant 0 : i32
    %dma_wait3A_654 = tpu.memref_slice %arg11[%dma_wait3A_652, %mul3A_630, %dma_wait3A_653] : memref<8x1024x128xf32, #tpu.memory_space<hbm>> -> memref<8x8x128xf32, #tpu.memory_space<hbm>>
    %dma_wait3A_655 = arith.constant 0 : i32
    %dma_wait3A_656 = arith.constant 0 : i32
    %dma_wait3A_657 = arith.constant 0 : i32
    %dma_wait3A_658 = tpu.memref_slice %arg19[%dma_wait3A_655, %dma_wait3A_656, %dma_wait3A_657] : memref<8x8x129xf32, #tpu.memory_space<vmem>> -> memref<8x8x128xf32, #tpu.memory_space<vmem>>
    tpu.wait_dma2 semaphore(%arg27 : memref<!tpu.dma_semaphore, #tpu.memory_space<semaphore_mem>>) src(%dma_wait3A_658 : memref<8x8x128xf32, #tpu.memory_space<vmem>>) dst(%dma_wait3A_654 : memref<8x8x128xf32, #tpu.memory_space<hbm>>)
    %dma_start3A_659 = arith.constant 9 : i32
    %dma_start3A_660 = arith.constant 0 : i32
    %dma_start3A_661 = tpu.memref_slice %arg13[%dma_start3A_659, %dma_start3A_660] : memref<20x128xi32, #tpu.memory_space<vmem>> -> memref<1x128xi32, #tpu.memory_space<vmem>>
    %dma_start3A_662 = tpu.memref_squeeze %dma_start3A_661 : memref<1x128xi32, #tpu.memory_space<vmem>> -> memref<128xi32, #tpu.memory_space<vmem>>
    %dma_start3A_663 = arith.constant 0 : i32
    %dma_start3A_664 = arith.constant 0 : i32
    %dma_start3A_665 = tpu.memref_slice %arg9[%dma_start3A_663, %dma_start3A_664] : memref<1024x128xf32, #tpu.memory_space<hbm>> -> memref<1024x128xf32, #tpu.memory_space<hbm>>
    tpu.enqueue_indirect_dma source(%dma_start3A_665 : memref<1024x128xf32, #tpu.memory_space<hbm>>) target(%arg15 : memref<128x128xf32, #tpu.memory_space<vmem>>) offsets(%dma_start3A_662 : memref<128xi32, #tpu.memory_space<vmem>>) semaphore(%arg23 : memref<!tpu.dma_semaphore, #tpu.memory_space<semaphore_mem>>)
    %dma_wait3A_666 = arith.constant 6 : i32
    %dma_wait3A_667 = arith.constant 0 : i32
    %dma_wait3A_668 = tpu.memref_slice %arg13[%dma_wait3A_666, %dma_wait3A_667] : memref<20x128xi32, #tpu.memory_space<vmem>> -> memref<1x128xi32, #tpu.memory_space<vmem>>
    %dma_wait3A_669 = tpu.memref_squeeze %dma_wait3A_668 : memref<1x128xi32, #tpu.memory_space<vmem>> -> memref<128xi32, #tpu.memory_space<vmem>>
    %dma_wait3A_670 = arith.constant 0 : i32
    %dma_wait3A_671 = arith.constant 0 : i32
    %dma_wait3A_672 = tpu.memref_slice %arg8[%dma_wait3A_670, %dma_wait3A_671] : memref<50048x128xf32, #tpu.memory_space<hbm>> -> memref<50048x128xf32, #tpu.memory_space<hbm>>
    tpu.wait_indirect_dma semaphore(%arg24 : memref<!tpu.dma_semaphore, #tpu.memory_space<semaphore_mem>>) src(%dma_wait3A_672 : memref<50048x128xf32, #tpu.memory_space<hbm>>) dst(%arg16 : memref<128x128xf32, #tpu.memory_space<vmem>>)
    %scan3A_673 = arith.constant 0 : i32
    %scan3A_674 = arith.constant 0 : i32
    %scan3A_675 = arith.constant 128 : i32
    %scan3A_676 = arith.addi %scan3A_674, %scan3A_675 : i32
    %scan3A_677 = arith.constant 4 : i32
    scf.for %scan3A_962 = %scan3A_674 to %scan3A_676 step %scan3A_677  : i32 {
      %broadcast_in_dim3A = vector.broadcast %scan3A_962 : i32 to vector<16xi32>
      %broadcast_in_dim3A_963 = arith.constant 18 : i32
      %broadcast_in_dim3A_964 = vector.broadcast %broadcast_in_dim3A_963 : i32 to vector<16xi32>
      %gather3A = tpu.vector_load_idx %arg13[%broadcast_in_dim3A_964, %broadcast_in_dim3A] : memref<20x128xi32, #tpu.memory_space<vmem>>[vector<16xi32>, vector<16xi32>], vector<16xi32>,
      %add3A_965 = arith.addi %add3A_54, %gather3A : vector<16xi32>
      %gather3A_966 = tpu.vector_load_idx %arg16[%broadcast_in_dim3A, %add3A_965] : memref<128x128xf32, #tpu.memory_space<vmem>>[vector<16xi32>, vector<16xi32>], vector<16xf32>,
      tpu.vector_store_idx %arg20[%select_n3A, %select_n3A_97, %broadcast_in_dim3A], %gather3A_966 : memref<8x8x129xf32, #tpu.memory_space<vmem>>[vector<16xi32>, vector<16xi32>, vector<16xi32>], vector<16xf32>,
      %add3A_967 = arith.addi %add3A_100, %gather3A : vector<16xi32>
      %gather3A_968 = tpu.vector_load_idx %arg16[%broadcast_in_dim3A, %add3A_967] : memref<128x128xf32, #tpu.memory_space<vmem>>[vector<16xi32>, vector<16xi32>], vector<16xf32>,
      tpu.vector_store_idx %arg20[%select_n3A_131, %select_n3A_153, %broadcast_in_dim3A], %gather3A_968 : memref<8x8x129xf32, #tpu.memory_space<vmem>>[vector<16xi32>, vector<16xi32>, vector<16xi32>], vector<16xf32>,
      %add3A_969 = arith.addi %add3A_156, %gather3A : vector<16xi32>
      %gather3A_970 = tpu.vector_load_idx %arg16[%broadcast_in_dim3A, %add3A_969] : memref<128x128xf32, #tpu.memory_space<vmem>>[vector<16xi32>, vector<16xi32>], vector<16xf32>,
      tpu.vector_store_idx %arg20[%select_n3A_187, %select_n3A_209, %broadcast_in_dim3A], %gather3A_970 : memref<8x8x129xf32, #tpu.memory_space<vmem>>[vector<16xi32>, vector<16xi32>, vector<16xi32>], vector<16xf32>,
      %add3A_971 = arith.addi %add3A_212, %gather3A : vector<16xi32>
      %gather3A_972 = tpu.vector_load_idx %arg16[%broadcast_in_dim3A, %add3A_971] : memref<128x128xf32, #tpu.memory_space<vmem>>[vector<16xi32>, vector<16xi32>], vector<16xf32>,
      tpu.vector_store_idx %arg20[%select_n3A_243, %select_n3A_265, %broadcast_in_dim3A], %gather3A_972 : memref<8x8x129xf32, #tpu.memory_space<vmem>>[vector<16xi32>, vector<16xi32>, vector<16xi32>], vector<16xf32>,
      %scan3A_973 = arith.constant 1 : i32
      %scan3A_974 = arith.addi %scan3A_962, %scan3A_973 : i32
      %broadcast_in_dim3A_975 = vector.broadcast %scan3A_974 : i32 to vector<16xi32>
      %broadcast_in_dim3A_976 = arith.constant 18 : i32
      %broadcast_in_dim3A_977 = vector.broadcast %broadcast_in_dim3A_976 : i32 to vector<16xi32>
      %gather3A_978 = tpu.vector_load_idx %arg13[%broadcast_in_dim3A_977, %broadcast_in_dim3A_975] : memref<20x128xi32, #tpu.memory_space<vmem>>[vector<16xi32>, vector<16xi32>], vector<16xi32>,
      %add3A_979 = arith.addi %add3A_54, %gather3A_978 : vector<16xi32>
      %gather3A_980 = tpu.vector_load_idx %arg16[%broadcast_in_dim3A_975, %add3A_979] : memref<128x128xf32, #tpu.memory_space<vmem>>[vector<16xi32>, vector<16xi32>], vector<16xf32>,
      tpu.vector_store_idx %arg20[%select_n3A, %select_n3A_97, %broadcast_in_dim3A_975], %gather3A_980 : memref<8x8x129xf32, #tpu.memory_space<vmem>>[vector<16xi32>, vector<16xi32>, vector<16xi32>], vector<16xf32>,
      %add3A_981 = arith.addi %add3A_100, %gather3A_978 : vector<16xi32>
      %gather3A_982 = tpu.vector_load_idx %arg16[%broadcast_in_dim3A_975, %add3A_981] : memref<128x128xf32, #tpu.memory_space<vmem>>[vector<16xi32>, vector<16xi32>], vector<16xf32>,
      tpu.vector_store_idx %arg20[%select_n3A_131, %select_n3A_153, %broadcast_in_dim3A_975], %gather3A_982 : memref<8x8x129xf32, #tpu.memory_space<vmem>>[vector<16xi32>, vector<16xi32>, vector<16xi32>], vector<16xf32>,
      %add3A_983 = arith.addi %add3A_156, %gather3A_978 : vector<16xi32>
      %gather3A_984 = tpu.vector_load_idx %arg16[%broadcast_in_dim3A_975, %add3A_983] : memref<128x128xf32, #tpu.memory_space<vmem>>[vector<16xi32>, vector<16xi32>], vector<16xf32>,
      tpu.vector_store_idx %arg20[%select_n3A_187, %select_n3A_209, %broadcast_in_dim3A_975], %gather3A_984 : memref<8x8x129xf32, #tpu.memory_space<vmem>>[vector<16xi32>, vector<16xi32>, vector<16xi32>], vector<16xf32>,
      %add3A_985 = arith.addi %add3A_212, %gather3A_978 : vector<16xi32>
      %gather3A_986 = tpu.vector_load_idx %arg16[%broadcast_in_dim3A_975, %add3A_985] : memref<128x128xf32, #tpu.memory_space<vmem>>[vector<16xi32>, vector<16xi32>], vector<16xf32>,
      tpu.vector_store_idx %arg20[%select_n3A_243, %select_n3A_265, %broadcast_in_dim3A_975], %gather3A_986 : memref<8x8x129xf32, #tpu.memory_space<vmem>>[vector<16xi32>, vector<16xi32>, vector<16xi32>], vector<16xf32>,
      %scan3A_987 = arith.constant 2 : i32
      %scan3A_988 = arith.addi %scan3A_962, %scan3A_987 : i32
      %broadcast_in_dim3A_989 = vector.broadcast %scan3A_988 : i32 to vector<16xi32>
      %broadcast_in_dim3A_990 = arith.constant 18 : i32
      %broadcast_in_dim3A_991 = vector.broadcast %broadcast_in_dim3A_990 : i32 to vector<16xi32>
      %gather3A_992 = tpu.vector_load_idx %arg13[%broadcast_in_dim3A_991, %broadcast_in_dim3A_989] : memref<20x128xi32, #tpu.memory_space<vmem>>[vector<16xi32>, vector<16xi32>], vector<16xi32>,
      %add3A_993 = arith.addi %add3A_54, %gather3A_992 : vector<16xi32>
      %gather3A_994 = tpu.vector_load_idx %arg16[%broadcast_in_dim3A_989, %add3A_993] : memref<128x128xf32, #tpu.memory_space<vmem>>[vector<16xi32>, vector<16xi32>], vector<16xf32>,
      tpu.vector_store_idx %arg20[%select_n3A, %select_n3A_97, %broadcast_in_dim3A_989], %gather3A_994 : memref<8x8x129xf32, #tpu.memory_space<vmem>>[vector<16xi32>, vector<16xi32>, vector<16xi32>], vector<16xf32>,
      %add3A_995 = arith.addi %add3A_100, %gather3A_992 : vector<16xi32>
      %gather3A_996 = tpu.vector_load_idx %arg16[%broadcast_in_dim3A_989, %add3A_995] : memref<128x128xf32, #tpu.memory_space<vmem>>[vector<16xi32>, vector<16xi32>], vector<16xf32>,
      tpu.vector_store_idx %arg20[%select_n3A_131, %select_n3A_153, %broadcast_in_dim3A_989], %gather3A_996 : memref<8x8x129xf32, #tpu.memory_space<vmem>>[vector<16xi32>, vector<16xi32>, vector<16xi32>], vector<16xf32>,
      %add3A_997 = arith.addi %add3A_156, %gather3A_992 : vector<16xi32>
      %gather3A_998 = tpu.vector_load_idx %arg16[%broadcast_in_dim3A_989, %add3A_997] : memref<128x128xf32, #tpu.memory_space<vmem>>[vector<16xi32>, vector<16xi32>], vector<16xf32>,
      tpu.vector_store_idx %arg20[%select_n3A_187, %select_n3A_209, %broadcast_in_dim3A_989], %gather3A_998 : memref<8x8x129xf32, #tpu.memory_space<vmem>>[vector<16xi32>, vector<16xi32>, vector<16xi32>], vector<16xf32>,
      %add3A_999 = arith.addi %add3A_212, %gather3A_992 : vector<16xi32>
      %gather3A_1000 = tpu.vector_load_idx %arg16[%broadcast_in_dim3A_989, %add3A_999] : memref<128x128xf32, #tpu.memory_space<vmem>>[vector<16xi32>, vector<16xi32>], vector<16xf32>,
      tpu.vector_store_idx %arg20[%select_n3A_243, %select_n3A_265, %broadcast_in_dim3A_989], %gather3A_1000 : memref<8x8x129xf32, #tpu.memory_space<vmem>>[vector<16xi32>, vector<16xi32>, vector<16xi32>], vector<16xf32>,
      %scan3A_1001 = arith.constant 3 : i32
      %scan3A_1002 = arith.addi %scan3A_962, %scan3A_1001 : i32
      %broadcast_in_dim3A_1003 = vector.broadcast %scan3A_1002 : i32 to vector<16xi32>
      %broadcast_in_dim3A_1004 = arith.constant 18 : i32
      %broadcast_in_dim3A_1005 = vector.broadcast %broadcast_in_dim3A_1004 : i32 to vector<16xi32>
      %gather3A_1006 = tpu.vector_load_idx %arg13[%broadcast_in_dim3A_1005, %broadcast_in_dim3A_1003] : memref<20x128xi32, #tpu.memory_space<vmem>>[vector<16xi32>, vector<16xi32>], vector<16xi32>,
      %add3A_1007 = arith.addi %add3A_54, %gather3A_1006 : vector<16xi32>
      %gather3A_1008 = tpu.vector_load_idx %arg16[%broadcast_in_dim3A_1003, %add3A_1007] : memref<128x128xf32, #tpu.memory_space<vmem>>[vector<16xi32>, vector<16xi32>], vector<16xf32>,
      tpu.vector_store_idx %arg20[%select_n3A, %select_n3A_97, %broadcast_in_dim3A_1003], %gather3A_1008 : memref<8x8x129xf32, #tpu.memory_space<vmem>>[vector<16xi32>, vector<16xi32>, vector<16xi32>], vector<16xf32>,
      %add3A_1009 = arith.addi %add3A_100, %gather3A_1006 : vector<16xi32>
      %gather3A_1010 = tpu.vector_load_idx %arg16[%broadcast_in_dim3A_1003, %add3A_1009] : memref<128x128xf32, #tpu.memory_space<vmem>>[vector<16xi32>, vector<16xi32>], vector<16xf32>,
      tpu.vector_store_idx %arg20[%select_n3A_131, %select_n3A_153, %broadcast_in_dim3A_1003], %gather3A_1010 : memref<8x8x129xf32, #tpu.memory_space<vmem>>[vector<16xi32>, vector<16xi32>, vector<16xi32>], vector<16xf32>,
      %add3A_1011 = arith.addi %add3A_156, %gather3A_1006 : vector<16xi32>
      %gather3A_1012 = tpu.vector_load_idx %arg16[%broadcast_in_dim3A_1003, %add3A_1011] : memref<128x128xf32, #tpu.memory_space<vmem>>[vector<16xi32>, vector<16xi32>], vector<16xf32>,
      tpu.vector_store_idx %arg20[%select_n3A_187, %select_n3A_209, %broadcast_in_dim3A_1003], %gather3A_1012 : memref<8x8x129xf32, #tpu.memory_space<vmem>>[vector<16xi32>, vector<16xi32>, vector<16xi32>], vector<16xf32>,
      %add3A_1013 = arith.addi %add3A_212, %gather3A_1006 : vector<16xi32>
      %gather3A_1014 = tpu.vector_load_idx %arg16[%broadcast_in_dim3A_1003, %add3A_1013] : memref<128x128xf32, #tpu.memory_space<vmem>>[vector<16xi32>, vector<16xi32>], vector<16xf32>,
      tpu.vector_store_idx %arg20[%select_n3A_243, %select_n3A_265, %broadcast_in_dim3A_1003], %gather3A_1014 : memref<8x8x129xf32, #tpu.memory_space<vmem>>[vector<16xi32>, vector<16xi32>, vector<16xi32>], vector<16xf32>,
    }
    %scan3A_678 = arith.constant 128 : i32
    %mul3A_679 = arith.constant 4 : i32
    %mul3A_680 = arith.muli %add3A, %mul3A_679 : i32
    %add3A_681 = arith.constant 2 : i32
    %add3A_682 = arith.addi %mul3A_680, %add3A_681 : i32
    %mul3A_683 = arith.constant 8 : i32
    %mul3A_684 = arith.muli %add3A_682, %mul3A_683 : i32
    %dma_start3A_685 = arith.constant 0 : i32
    %dma_start3A_686 = arith.constant 0 : i32
    %dma_start3A_687 = arith.constant 0 : i32
    %dma_start3A_688 = tpu.memref_slice %arg20[%dma_start3A_685, %dma_start3A_686, %dma_start3A_687] : memref<8x8x129xf32, #tpu.memory_space<vmem>> -> memref<8x8x128xf32, #tpu.memory_space<vmem>>
    %dma_start3A_689 = arith.constant 0 : i32
    %dma_start3A_690 = arith.constant 0 : i32
    %dma_start3A_691 = tpu.memref_slice %arg11[%dma_start3A_689, %mul3A_684, %dma_start3A_690] : memref<8x1024x128xf32, #tpu.memory_space<hbm>> -> memref<8x8x128xf32, #tpu.memory_space<hbm>>
    %dma_start3A_692 = arith.constant 0 : i32
    %dma_start3A_693 = arith.constant 0 : i32
    %dma_start3A_694 = tpu.memref_slice %arg11[%dma_start3A_692, %mul3A_684, %dma_start3A_693] : memref<8x1024x128xf32, #tpu.memory_space<hbm>> -> memref<8x8x128xf32, #tpu.memory_space<hbm>>
    %dma_start3A_695 = arith.constant 0 : i32
    %dma_start3A_696 = arith.constant 0 : i32
    %dma_start3A_697 = arith.constant 0 : i32
    %dma_start3A_698 = tpu.memref_slice %arg20[%dma_start3A_695, %dma_start3A_696, %dma_start3A_697] : memref<8x8x129xf32, #tpu.memory_space<vmem>> -> memref<8x8x128xf32, #tpu.memory_space<vmem>>
    tpu.enqueue_dma source(%dma_start3A_698 : memref<8x8x128xf32, #tpu.memory_space<vmem>>) target(%dma_start3A_694 : memref<8x8x128xf32, #tpu.memory_space<hbm>>) target_semaphore(%arg28 : memref<!tpu.dma_semaphore, #tpu.memory_space<semaphore_mem>>)
    %dma_wait3A_699 = arith.constant 0 : i32
    %dma_wait3A_700 = arith.constant 0 : i32
    %dma_wait3A_701 = arith.constant 0 : i32
    %dma_wait3A_702 = tpu.memref_slice %arg20[%dma_wait3A_699, %dma_wait3A_700, %dma_wait3A_701] : memref<8x8x129xf32, #tpu.memory_space<vmem>> -> memref<8x8x128xf32, #tpu.memory_space<vmem>>
    %dma_wait3A_703 = arith.constant 0 : i32
    %dma_wait3A_704 = arith.constant 0 : i32
    %dma_wait3A_705 = tpu.memref_slice %arg11[%dma_wait3A_703, %mul3A_684, %dma_wait3A_704] : memref<8x1024x128xf32, #tpu.memory_space<hbm>> -> memref<8x8x128xf32, #tpu.memory_space<hbm>>
    %dma_wait3A_706 = arith.constant 0 : i32
    %dma_wait3A_707 = arith.constant 0 : i32
    %dma_wait3A_708 = tpu.memref_slice %arg11[%dma_wait3A_706, %mul3A_684, %dma_wait3A_707] : memref<8x1024x128xf32, #tpu.memory_space<hbm>> -> memref<8x8x128xf32, #tpu.memory_space<hbm>>
    %dma_wait3A_709 = arith.constant 0 : i32
    %dma_wait3A_710 = arith.constant 0 : i32
    %dma_wait3A_711 = arith.constant 0 : i32
    %dma_wait3A_712 = tpu.memref_slice %arg20[%dma_wait3A_709, %dma_wait3A_710, %dma_wait3A_711] : memref<8x8x129xf32, #tpu.memory_space<vmem>> -> memref<8x8x128xf32, #tpu.memory_space<vmem>>
    tpu.wait_dma2 semaphore(%arg28 : memref<!tpu.dma_semaphore, #tpu.memory_space<semaphore_mem>>) src(%dma_wait3A_712 : memref<8x8x128xf32, #tpu.memory_space<vmem>>) dst(%dma_wait3A_708 : memref<8x8x128xf32, #tpu.memory_space<hbm>>)
    %dma_start3A_713 = arith.constant 10 : i32
    %dma_start3A_714 = arith.constant 0 : i32
    %dma_start3A_715 = tpu.memref_slice %arg13[%dma_start3A_713, %dma_start3A_714] : memref<20x128xi32, #tpu.memory_space<vmem>> -> memref<1x128xi32, #tpu.memory_space<vmem>>
    %dma_start3A_716 = tpu.memref_squeeze %dma_start3A_715 : memref<1x128xi32, #tpu.memory_space<vmem>> -> memref<128xi32, #tpu.memory_space<vmem>>
    %dma_start3A_717 = arith.constant 0 : i32
    %dma_start3A_718 = arith.constant 0 : i32
    %dma_start3A_719 = tpu.memref_slice %arg9[%dma_start3A_717, %dma_start3A_718] : memref<1024x128xf32, #tpu.memory_space<hbm>> -> memref<1024x128xf32, #tpu.memory_space<hbm>>
    tpu.enqueue_indirect_dma source(%dma_start3A_719 : memref<1024x128xf32, #tpu.memory_space<hbm>>) target(%arg16 : memref<128x128xf32, #tpu.memory_space<vmem>>) offsets(%dma_start3A_716 : memref<128xi32, #tpu.memory_space<vmem>>) semaphore(%arg24 : memref<!tpu.dma_semaphore, #tpu.memory_space<semaphore_mem>>)
    %dma_wait3A_720 = arith.constant 7 : i32
    %dma_wait3A_721 = arith.constant 0 : i32
    %dma_wait3A_722 = tpu.memref_slice %arg13[%dma_wait3A_720, %dma_wait3A_721] : memref<20x128xi32, #tpu.memory_space<vmem>> -> memref<1x128xi32, #tpu.memory_space<vmem>>
    %dma_wait3A_723 = tpu.memref_squeeze %dma_wait3A_722 : memref<1x128xi32, #tpu.memory_space<vmem>> -> memref<128xi32, #tpu.memory_space<vmem>>
    %dma_wait3A_724 = arith.constant 0 : i32
    %dma_wait3A_725 = arith.constant 0 : i32
    %dma_wait3A_726 = tpu.memref_slice %arg8[%dma_wait3A_724, %dma_wait3A_725] : memref<50048x128xf32, #tpu.memory_space<hbm>> -> memref<50048x128xf32, #tpu.memory_space<hbm>>
    tpu.wait_indirect_dma semaphore(%arg25 : memref<!tpu.dma_semaphore, #tpu.memory_space<semaphore_mem>>) src(%dma_wait3A_726 : memref<50048x128xf32, #tpu.memory_space<hbm>>) dst(%arg17 : memref<128x128xf32, #tpu.memory_space<vmem>>)
    %scan3A_727 = arith.constant 0 : i32
    %scan3A_728 = arith.constant 0 : i32
    %scan3A_729 = arith.constant 128 : i32
    %scan3A_730 = arith.addi %scan3A_728, %scan3A_729 : i32
    %scan3A_731 = arith.constant 4 : i32
    scf.for %scan3A_962 = %scan3A_728 to %scan3A_730 step %scan3A_731  : i32 {
      %broadcast_in_dim3A = vector.broadcast %scan3A_962 : i32 to vector<16xi32>
      %broadcast_in_dim3A_963 = arith.constant 19 : i32
      %broadcast_in_dim3A_964 = vector.broadcast %broadcast_in_dim3A_963 : i32 to vector<16xi32>
      %gather3A = tpu.vector_load_idx %arg13[%broadcast_in_dim3A_964, %broadcast_in_dim3A] : memref<20x128xi32, #tpu.memory_space<vmem>>[vector<16xi32>, vector<16xi32>], vector<16xi32>,
      %add3A_965 = arith.addi %add3A_54, %gather3A : vector<16xi32>
      %gather3A_966 = tpu.vector_load_idx %arg17[%broadcast_in_dim3A, %add3A_965] : memref<128x128xf32, #tpu.memory_space<vmem>>[vector<16xi32>, vector<16xi32>], vector<16xf32>,
      tpu.vector_store_idx %arg21[%select_n3A, %select_n3A_97, %broadcast_in_dim3A], %gather3A_966 : memref<8x8x129xf32, #tpu.memory_space<vmem>>[vector<16xi32>, vector<16xi32>, vector<16xi32>], vector<16xf32>,
      %add3A_967 = arith.addi %add3A_100, %gather3A : vector<16xi32>
      %gather3A_968 = tpu.vector_load_idx %arg17[%broadcast_in_dim3A, %add3A_967] : memref<128x128xf32, #tpu.memory_space<vmem>>[vector<16xi32>, vector<16xi32>], vector<16xf32>,
      tpu.vector_store_idx %arg21[%select_n3A_131, %select_n3A_153, %broadcast_in_dim3A], %gather3A_968 : memref<8x8x129xf32, #tpu.memory_space<vmem>>[vector<16xi32>, vector<16xi32>, vector<16xi32>], vector<16xf32>,
      %add3A_969 = arith.addi %add3A_156, %gather3A : vector<16xi32>
      %gather3A_970 = tpu.vector_load_idx %arg17[%broadcast_in_dim3A, %add3A_969] : memref<128x128xf32, #tpu.memory_space<vmem>>[vector<16xi32>, vector<16xi32>], vector<16xf32>,
      tpu.vector_store_idx %arg21[%select_n3A_187, %select_n3A_209, %broadcast_in_dim3A], %gather3A_970 : memref<8x8x129xf32, #tpu.memory_space<vmem>>[vector<16xi32>, vector<16xi32>, vector<16xi32>], vector<16xf32>,
      %add3A_971 = arith.addi %add3A_212, %gather3A : vector<16xi32>
      %gather3A_972 = tpu.vector_load_idx %arg17[%broadcast_in_dim3A, %add3A_971] : memref<128x128xf32, #tpu.memory_space<vmem>>[vector<16xi32>, vector<16xi32>], vector<16xf32>,
      tpu.vector_store_idx %arg21[%select_n3A_243, %select_n3A_265, %broadcast_in_dim3A], %gather3A_972 : memref<8x8x129xf32, #tpu.memory_space<vmem>>[vector<16xi32>, vector<16xi32>, vector<16xi32>], vector<16xf32>,
      %scan3A_973 = arith.constant 1 : i32
      %scan3A_974 = arith.addi %scan3A_962, %scan3A_973 : i32
      %broadcast_in_dim3A_975 = vector.broadcast %scan3A_974 : i32 to vector<16xi32>
      %broadcast_in_dim3A_976 = arith.constant 19 : i32
      %broadcast_in_dim3A_977 = vector.broadcast %broadcast_in_dim3A_976 : i32 to vector<16xi32>
      %gather3A_978 = tpu.vector_load_idx %arg13[%broadcast_in_dim3A_977, %broadcast_in_dim3A_975] : memref<20x128xi32, #tpu.memory_space<vmem>>[vector<16xi32>, vector<16xi32>], vector<16xi32>,
      %add3A_979 = arith.addi %add3A_54, %gather3A_978 : vector<16xi32>
      %gather3A_980 = tpu.vector_load_idx %arg17[%broadcast_in_dim3A_975, %add3A_979] : memref<128x128xf32, #tpu.memory_space<vmem>>[vector<16xi32>, vector<16xi32>], vector<16xf32>,
      tpu.vector_store_idx %arg21[%select_n3A, %select_n3A_97, %broadcast_in_dim3A_975], %gather3A_980 : memref<8x8x129xf32, #tpu.memory_space<vmem>>[vector<16xi32>, vector<16xi32>, vector<16xi32>], vector<16xf32>,
      %add3A_981 = arith.addi %add3A_100, %gather3A_978 : vector<16xi32>
      %gather3A_982 = tpu.vector_load_idx %arg17[%broadcast_in_dim3A_975, %add3A_981] : memref<128x128xf32, #tpu.memory_space<vmem>>[vector<16xi32>, vector<16xi32>], vector<16xf32>,
      tpu.vector_store_idx %arg21[%select_n3A_131, %select_n3A_153, %broadcast_in_dim3A_975], %gather3A_982 : memref<8x8x129xf32, #tpu.memory_space<vmem>>[vector<16xi32>, vector<16xi32>, vector<16xi32>], vector<16xf32>,
      %add3A_983 = arith.addi %add3A_156, %gather3A_978 : vector<16xi32>
      %gather3A_984 = tpu.vector_load_idx %arg17[%broadcast_in_dim3A_975, %add3A_983] : memref<128x128xf32, #tpu.memory_space<vmem>>[vector<16xi32>, vector<16xi32>], vector<16xf32>,
      tpu.vector_store_idx %arg21[%select_n3A_187, %select_n3A_209, %broadcast_in_dim3A_975], %gather3A_984 : memref<8x8x129xf32, #tpu.memory_space<vmem>>[vector<16xi32>, vector<16xi32>, vector<16xi32>], vector<16xf32>,
      %add3A_985 = arith.addi %add3A_212, %gather3A_978 : vector<16xi32>
      %gather3A_986 = tpu.vector_load_idx %arg17[%broadcast_in_dim3A_975, %add3A_985] : memref<128x128xf32, #tpu.memory_space<vmem>>[vector<16xi32>, vector<16xi32>], vector<16xf32>,
      tpu.vector_store_idx %arg21[%select_n3A_243, %select_n3A_265, %broadcast_in_dim3A_975], %gather3A_986 : memref<8x8x129xf32, #tpu.memory_space<vmem>>[vector<16xi32>, vector<16xi32>, vector<16xi32>], vector<16xf32>,
      %scan3A_987 = arith.constant 2 : i32
      %scan3A_988 = arith.addi %scan3A_962, %scan3A_987 : i32
      %broadcast_in_dim3A_989 = vector.broadcast %scan3A_988 : i32 to vector<16xi32>
      %broadcast_in_dim3A_990 = arith.constant 19 : i32
      %broadcast_in_dim3A_991 = vector.broadcast %broadcast_in_dim3A_990 : i32 to vector<16xi32>
      %gather3A_992 = tpu.vector_load_idx %arg13[%broadcast_in_dim3A_991, %broadcast_in_dim3A_989] : memref<20x128xi32, #tpu.memory_space<vmem>>[vector<16xi32>, vector<16xi32>], vector<16xi32>,
      %add3A_993 = arith.addi %add3A_54, %gather3A_992 : vector<16xi32>
      %gather3A_994 = tpu.vector_load_idx %arg17[%broadcast_in_dim3A_989, %add3A_993] : memref<128x128xf32, #tpu.memory_space<vmem>>[vector<16xi32>, vector<16xi32>], vector<16xf32>,
      tpu.vector_store_idx %arg21[%select_n3A, %select_n3A_97, %broadcast_in_dim3A_989], %gather3A_994 : memref<8x8x129xf32, #tpu.memory_space<vmem>>[vector<16xi32>, vector<16xi32>, vector<16xi32>], vector<16xf32>,
      %add3A_995 = arith.addi %add3A_100, %gather3A_992 : vector<16xi32>
      %gather3A_996 = tpu.vector_load_idx %arg17[%broadcast_in_dim3A_989, %add3A_995] : memref<128x128xf32, #tpu.memory_space<vmem>>[vector<16xi32>, vector<16xi32>], vector<16xf32>,
      tpu.vector_store_idx %arg21[%select_n3A_131, %select_n3A_153, %broadcast_in_dim3A_989], %gather3A_996 : memref<8x8x129xf32, #tpu.memory_space<vmem>>[vector<16xi32>, vector<16xi32>, vector<16xi32>], vector<16xf32>,
      %add3A_997 = arith.addi %add3A_156, %gather3A_992 : vector<16xi32>
      %gather3A_998 = tpu.vector_load_idx %arg17[%broadcast_in_dim3A_989, %add3A_997] : memref<128x128xf32, #tpu.memory_space<vmem>>[vector<16xi32>, vector<16xi32>], vector<16xf32>,
      tpu.vector_store_idx %arg21[%select_n3A_187, %select_n3A_209, %broadcast_in_dim3A_989], %gather3A_998 : memref<8x8x129xf32, #tpu.memory_space<vmem>>[vector<16xi32>, vector<16xi32>, vector<16xi32>], vector<16xf32>,
      %add3A_999 = arith.addi %add3A_212, %gather3A_992 : vector<16xi32>
      %gather3A_1000 = tpu.vector_load_idx %arg17[%broadcast_in_dim3A_989, %add3A_999] : memref<128x128xf32, #tpu.memory_space<vmem>>[vector<16xi32>, vector<16xi32>], vector<16xf32>,
      tpu.vector_store_idx %arg21[%select_n3A_243, %select_n3A_265, %broadcast_in_dim3A_989], %gather3A_1000 : memref<8x8x129xf32, #tpu.memory_space<vmem>>[vector<16xi32>, vector<16xi32>, vector<16xi32>], vector<16xf32>,
      %scan3A_1001 = arith.constant 3 : i32
      %scan3A_1002 = arith.addi %scan3A_962, %scan3A_1001 : i32
      %broadcast_in_dim3A_1003 = vector.broadcast %scan3A_1002 : i32 to vector<16xi32>
      %broadcast_in_dim3A_1004 = arith.constant 19 : i32
      %broadcast_in_dim3A_1005 = vector.broadcast %broadcast_in_dim3A_1004 : i32 to vector<16xi32>
      %gather3A_1006 = tpu.vector_load_idx %arg13[%broadcast_in_dim3A_1005, %broadcast_in_dim3A_1003] : memref<20x128xi32, #tpu.memory_space<vmem>>[vector<16xi32>, vector<16xi32>], vector<16xi32>,
      %add3A_1007 = arith.addi %add3A_54, %gather3A_1006 : vector<16xi32>
      %gather3A_1008 = tpu.vector_load_idx %arg17[%broadcast_in_dim3A_1003, %add3A_1007] : memref<128x128xf32, #tpu.memory_space<vmem>>[vector<16xi32>, vector<16xi32>], vector<16xf32>,
      tpu.vector_store_idx %arg21[%select_n3A, %select_n3A_97, %broadcast_in_dim3A_1003], %gather3A_1008 : memref<8x8x129xf32, #tpu.memory_space<vmem>>[vector<16xi32>, vector<16xi32>, vector<16xi32>], vector<16xf32>,
      %add3A_1009 = arith.addi %add3A_100, %gather3A_1006 : vector<16xi32>
      %gather3A_1010 = tpu.vector_load_idx %arg17[%broadcast_in_dim3A_1003, %add3A_1009] : memref<128x128xf32, #tpu.memory_space<vmem>>[vector<16xi32>, vector<16xi32>], vector<16xf32>,
      tpu.vector_store_idx %arg21[%select_n3A_131, %select_n3A_153, %broadcast_in_dim3A_1003], %gather3A_1010 : memref<8x8x129xf32, #tpu.memory_space<vmem>>[vector<16xi32>, vector<16xi32>, vector<16xi32>], vector<16xf32>,
      %add3A_1011 = arith.addi %add3A_156, %gather3A_1006 : vector<16xi32>
      %gather3A_1012 = tpu.vector_load_idx %arg17[%broadcast_in_dim3A_1003, %add3A_1011] : memref<128x128xf32, #tpu.memory_space<vmem>>[vector<16xi32>, vector<16xi32>], vector<16xf32>,
      tpu.vector_store_idx %arg21[%select_n3A_187, %select_n3A_209, %broadcast_in_dim3A_1003], %gather3A_1012 : memref<8x8x129xf32, #tpu.memory_space<vmem>>[vector<16xi32>, vector<16xi32>, vector<16xi32>], vector<16xf32>,
      %add3A_1013 = arith.addi %add3A_212, %gather3A_1006 : vector<16xi32>
      %gather3A_1014 = tpu.vector_load_idx %arg17[%broadcast_in_dim3A_1003, %add3A_1013] : memref<128x128xf32, #tpu.memory_space<vmem>>[vector<16xi32>, vector<16xi32>], vector<16xf32>,
      tpu.vector_store_idx %arg21[%select_n3A_243, %select_n3A_265, %broadcast_in_dim3A_1003], %gather3A_1014 : memref<8x8x129xf32, #tpu.memory_space<vmem>>[vector<16xi32>, vector<16xi32>, vector<16xi32>], vector<16xf32>,
    }
    %scan3A_732 = arith.constant 128 : i32
    %mul3A_733 = arith.constant 4 : i32
    %mul3A_734 = arith.muli %add3A, %mul3A_733 : i32
    %add3A_735 = arith.constant 3 : i32
    %add3A_736 = arith.addi %mul3A_734, %add3A_735 : i32
    %mul3A_737 = arith.constant 8 : i32
    %mul3A_738 = arith.muli %add3A_736, %mul3A_737 : i32
    %dma_start3A_739 = arith.constant 0 : i32
    %dma_start3A_740 = arith.constant 0 : i32
    %dma_start3A_741 = arith.constant 0 : i32
    %dma_start3A_742 = tpu.memref_slice %arg21[%dma_start3A_739, %dma_start3A_740, %dma_start3A_741] : memref<8x8x129xf32, #tpu.memory_space<vmem>> -> memref<8x8x128xf32, #tpu.memory_space<vmem>>
    %dma_start3A_743 = arith.constant 0 : i32
    %dma_start3A_744 = arith.constant 0 : i32
    %dma_start3A_745 = tpu.memref_slice %arg11[%dma_start3A_743, %mul3A_738, %dma_start3A_744] : memref<8x1024x128xf32, #tpu.memory_space<hbm>> -> memref<8x8x128xf32, #tpu.memory_space<hbm>>
    %dma_start3A_746 = arith.constant 0 : i32
    %dma_start3A_747 = arith.constant 0 : i32
    %dma_start3A_748 = tpu.memref_slice %arg11[%dma_start3A_746, %mul3A_738, %dma_start3A_747] : memref<8x1024x128xf32, #tpu.memory_space<hbm>> -> memref<8x8x128xf32, #tpu.memory_space<hbm>>
    %dma_start3A_749 = arith.constant 0 : i32
    %dma_start3A_750 = arith.constant 0 : i32
    %dma_start3A_751 = arith.constant 0 : i32
    %dma_start3A_752 = tpu.memref_slice %arg21[%dma_start3A_749, %dma_start3A_750, %dma_start3A_751] : memref<8x8x129xf32, #tpu.memory_space<vmem>> -> memref<8x8x128xf32, #tpu.memory_space<vmem>>
    tpu.enqueue_dma source(%dma_start3A_752 : memref<8x8x128xf32, #tpu.memory_space<vmem>>) target(%dma_start3A_748 : memref<8x8x128xf32, #tpu.memory_space<hbm>>) target_semaphore(%arg29 : memref<!tpu.dma_semaphore, #tpu.memory_space<semaphore_mem>>)
    %dma_wait3A_753 = arith.constant 0 : i32
    %dma_wait3A_754 = arith.constant 0 : i32
    %dma_wait3A_755 = arith.constant 0 : i32
    %dma_wait3A_756 = tpu.memref_slice %arg21[%dma_wait3A_753, %dma_wait3A_754, %dma_wait3A_755] : memref<8x8x129xf32, #tpu.memory_space<vmem>> -> memref<8x8x128xf32, #tpu.memory_space<vmem>>
    %dma_wait3A_757 = arith.constant 0 : i32
    %dma_wait3A_758 = arith.constant 0 : i32
    %dma_wait3A_759 = tpu.memref_slice %arg11[%dma_wait3A_757, %mul3A_738, %dma_wait3A_758] : memref<8x1024x128xf32, #tpu.memory_space<hbm>> -> memref<8x8x128xf32, #tpu.memory_space<hbm>>
    %dma_wait3A_760 = arith.constant 0 : i32
    %dma_wait3A_761 = arith.constant 0 : i32
    %dma_wait3A_762 = tpu.memref_slice %arg11[%dma_wait3A_760, %mul3A_738, %dma_wait3A_761] : memref<8x1024x128xf32, #tpu.memory_space<hbm>> -> memref<8x8x128xf32, #tpu.memory_space<hbm>>
    %dma_wait3A_763 = arith.constant 0 : i32
    %dma_wait3A_764 = arith.constant 0 : i32
    %dma_wait3A_765 = arith.constant 0 : i32
    %dma_wait3A_766 = tpu.memref_slice %arg21[%dma_wait3A_763, %dma_wait3A_764, %dma_wait3A_765] : memref<8x8x129xf32, #tpu.memory_space<vmem>> -> memref<8x8x128xf32, #tpu.memory_space<vmem>>
    tpu.wait_dma2 semaphore(%arg29 : memref<!tpu.dma_semaphore, #tpu.memory_space<semaphore_mem>>) src(%dma_wait3A_766 : memref<8x8x128xf32, #tpu.memory_space<vmem>>) dst(%dma_wait3A_762 : memref<8x8x128xf32, #tpu.memory_space<hbm>>)
    %dma_start3A_767 = arith.constant 11 : i32
    %dma_start3A_768 = arith.constant 0 : i32
    %dma_start3A_769 = tpu.memref_slice %arg13[%dma_start3A_767, %dma_start3A_768] : memref<20x128xi32, #tpu.memory_space<vmem>> -> memref<1x128xi32, #tpu.memory_space<vmem>>
    %dma_start3A_770 = tpu.memref_squeeze %dma_start3A_769 : memref<1x128xi32, #tpu.memory_space<vmem>> -> memref<128xi32, #tpu.memory_space<vmem>>
    %dma_start3A_771 = arith.constant 0 : i32
    %dma_start3A_772 = arith.constant 0 : i32
    %dma_start3A_773 = tpu.memref_slice %arg9[%dma_start3A_771, %dma_start3A_772] : memref<1024x128xf32, #tpu.memory_space<hbm>> -> memref<1024x128xf32, #tpu.memory_space<hbm>>
    tpu.enqueue_indirect_dma source(%dma_start3A_773 : memref<1024x128xf32, #tpu.memory_space<hbm>>) target(%arg17 : memref<128x128xf32, #tpu.memory_space<vmem>>) offsets(%dma_start3A_770 : memref<128xi32, #tpu.memory_space<vmem>>) semaphore(%arg25 : memref<!tpu.dma_semaphore, #tpu.memory_space<semaphore_mem>>)
    %dma_wait3A_774 = arith.constant 8 : i32
    %dma_wait3A_775 = arith.constant 0 : i32
    %dma_wait3A_776 = tpu.memref_slice %arg13[%dma_wait3A_774, %dma_wait3A_775] : memref<20x128xi32, #tpu.memory_space<vmem>> -> memref<1x128xi32, #tpu.memory_space<vmem>>
    %dma_wait3A_777 = tpu.memref_squeeze %dma_wait3A_776 : memref<1x128xi32, #tpu.memory_space<vmem>> -> memref<128xi32, #tpu.memory_space<vmem>>
    %dma_wait3A_778 = arith.constant 0 : i32
    %dma_wait3A_779 = arith.constant 0 : i32
    %dma_wait3A_780 = tpu.memref_slice %arg9[%dma_wait3A_778, %dma_wait3A_779] : memref<1024x128xf32, #tpu.memory_space<hbm>> -> memref<1024x128xf32, #tpu.memory_space<hbm>>
    tpu.wait_indirect_dma semaphore(%arg22 : memref<!tpu.dma_semaphore, #tpu.memory_space<semaphore_mem>>) src(%dma_wait3A_780 : memref<1024x128xf32, #tpu.memory_space<hbm>>) dst(%arg14 : memref<128x128xf32, #tpu.memory_space<vmem>>)
    %scan3A_781 = arith.constant 0 : i32
    %scan3A_782 = arith.constant 0 : i32
    %scan3A_783 = arith.constant 128 : i32
    %scan3A_784 = arith.addi %scan3A_782, %scan3A_783 : i32
    %scan3A_785 = arith.constant 4 : i32
    scf.for %scan3A_962 = %scan3A_782 to %scan3A_784 step %scan3A_785  : i32 {
      %broadcast_in_dim3A = vector.broadcast %scan3A_962 : i32 to vector<16xi32>
      %gather3A = tpu.vector_load_idx %arg14[%broadcast_in_dim3A, %add3A_54] : memref<128x128xf32, #tpu.memory_space<vmem>>[vector<16xi32>, vector<16xi32>], vector<16xf32>,
      tpu.vector_store_idx %arg18[%select_n3A, %select_n3A_97, %broadcast_in_dim3A], %gather3A : memref<8x8x129xf32, #tpu.memory_space<vmem>>[vector<16xi32>, vector<16xi32>, vector<16xi32>], vector<16xf32>,
      %gather3A_963 = tpu.vector_load_idx %arg14[%broadcast_in_dim3A, %add3A_100] : memref<128x128xf32, #tpu.memory_space<vmem>>[vector<16xi32>, vector<16xi32>], vector<16xf32>,
      tpu.vector_store_idx %arg18[%select_n3A_131, %select_n3A_153, %broadcast_in_dim3A], %gather3A_963 : memref<8x8x129xf32, #tpu.memory_space<vmem>>[vector<16xi32>, vector<16xi32>, vector<16xi32>], vector<16xf32>,
      %gather3A_964 = tpu.vector_load_idx %arg14[%broadcast_in_dim3A, %add3A_156] : memref<128x128xf32, #tpu.memory_space<vmem>>[vector<16xi32>, vector<16xi32>], vector<16xf32>,
      tpu.vector_store_idx %arg18[%select_n3A_187, %select_n3A_209, %broadcast_in_dim3A], %gather3A_964 : memref<8x8x129xf32, #tpu.memory_space<vmem>>[vector<16xi32>, vector<16xi32>, vector<16xi32>], vector<16xf32>,
      %gather3A_965 = tpu.vector_load_idx %arg14[%broadcast_in_dim3A, %add3A_212] : memref<128x128xf32, #tpu.memory_space<vmem>>[vector<16xi32>, vector<16xi32>], vector<16xf32>,
      tpu.vector_store_idx %arg18[%select_n3A_243, %select_n3A_265, %broadcast_in_dim3A], %gather3A_965 : memref<8x8x129xf32, #tpu.memory_space<vmem>>[vector<16xi32>, vector<16xi32>, vector<16xi32>], vector<16xf32>,
      %scan3A_966 = arith.constant 1 : i32
      %scan3A_967 = arith.addi %scan3A_962, %scan3A_966 : i32
      %broadcast_in_dim3A_968 = vector.broadcast %scan3A_967 : i32 to vector<16xi32>
      %gather3A_969 = tpu.vector_load_idx %arg14[%broadcast_in_dim3A_968, %add3A_54] : memref<128x128xf32, #tpu.memory_space<vmem>>[vector<16xi32>, vector<16xi32>], vector<16xf32>,
      tpu.vector_store_idx %arg18[%select_n3A, %select_n3A_97, %broadcast_in_dim3A_968], %gather3A_969 : memref<8x8x129xf32, #tpu.memory_space<vmem>>[vector<16xi32>, vector<16xi32>, vector<16xi32>], vector<16xf32>,
      %gather3A_970 = tpu.vector_load_idx %arg14[%broadcast_in_dim3A_968, %add3A_100] : memref<128x128xf32, #tpu.memory_space<vmem>>[vector<16xi32>, vector<16xi32>], vector<16xf32>,
      tpu.vector_store_idx %arg18[%select_n3A_131, %select_n3A_153, %broadcast_in_dim3A_968], %gather3A_970 : memref<8x8x129xf32, #tpu.memory_space<vmem>>[vector<16xi32>, vector<16xi32>, vector<16xi32>], vector<16xf32>,
      %gather3A_971 = tpu.vector_load_idx %arg14[%broadcast_in_dim3A_968, %add3A_156] : memref<128x128xf32, #tpu.memory_space<vmem>>[vector<16xi32>, vector<16xi32>], vector<16xf32>,
      tpu.vector_store_idx %arg18[%select_n3A_187, %select_n3A_209, %broadcast_in_dim3A_968], %gather3A_971 : memref<8x8x129xf32, #tpu.memory_space<vmem>>[vector<16xi32>, vector<16xi32>, vector<16xi32>], vector<16xf32>,
      %gather3A_972 = tpu.vector_load_idx %arg14[%broadcast_in_dim3A_968, %add3A_212] : memref<128x128xf32, #tpu.memory_space<vmem>>[vector<16xi32>, vector<16xi32>], vector<16xf32>,
      tpu.vector_store_idx %arg18[%select_n3A_243, %select_n3A_265, %broadcast_in_dim3A_968], %gather3A_972 : memref<8x8x129xf32, #tpu.memory_space<vmem>>[vector<16xi32>, vector<16xi32>, vector<16xi32>], vector<16xf32>,
      %scan3A_973 = arith.constant 2 : i32
      %scan3A_974 = arith.addi %scan3A_962, %scan3A_973 : i32
      %broadcast_in_dim3A_975 = vector.broadcast %scan3A_974 : i32 to vector<16xi32>
      %gather3A_976 = tpu.vector_load_idx %arg14[%broadcast_in_dim3A_975, %add3A_54] : memref<128x128xf32, #tpu.memory_space<vmem>>[vector<16xi32>, vector<16xi32>], vector<16xf32>,
      tpu.vector_store_idx %arg18[%select_n3A, %select_n3A_97, %broadcast_in_dim3A_975], %gather3A_976 : memref<8x8x129xf32, #tpu.memory_space<vmem>>[vector<16xi32>, vector<16xi32>, vector<16xi32>], vector<16xf32>,
      %gather3A_977 = tpu.vector_load_idx %arg14[%broadcast_in_dim3A_975, %add3A_100] : memref<128x128xf32, #tpu.memory_space<vmem>>[vector<16xi32>, vector<16xi32>], vector<16xf32>,
      tpu.vector_store_idx %arg18[%select_n3A_131, %select_n3A_153, %broadcast_in_dim3A_975], %gather3A_977 : memref<8x8x129xf32, #tpu.memory_space<vmem>>[vector<16xi32>, vector<16xi32>, vector<16xi32>], vector<16xf32>,
      %gather3A_978 = tpu.vector_load_idx %arg14[%broadcast_in_dim3A_975, %add3A_156] : memref<128x128xf32, #tpu.memory_space<vmem>>[vector<16xi32>, vector<16xi32>], vector<16xf32>,
      tpu.vector_store_idx %arg18[%select_n3A_187, %select_n3A_209, %broadcast_in_dim3A_975], %gather3A_978 : memref<8x8x129xf32, #tpu.memory_space<vmem>>[vector<16xi32>, vector<16xi32>, vector<16xi32>], vector<16xf32>,
      %gather3A_979 = tpu.vector_load_idx %arg14[%broadcast_in_dim3A_975, %add3A_212] : memref<128x128xf32, #tpu.memory_space<vmem>>[vector<16xi32>, vector<16xi32>], vector<16xf32>,
      tpu.vector_store_idx %arg18[%select_n3A_243, %select_n3A_265, %broadcast_in_dim3A_975], %gather3A_979 : memref<8x8x129xf32, #tpu.memory_space<vmem>>[vector<16xi32>, vector<16xi32>, vector<16xi32>], vector<16xf32>,
      %scan3A_980 = arith.constant 3 : i32
      %scan3A_981 = arith.addi %scan3A_962, %scan3A_980 : i32
      %broadcast_in_dim3A_982 = vector.broadcast %scan3A_981 : i32 to vector<16xi32>
      %gather3A_983 = tpu.vector_load_idx %arg14[%broadcast_in_dim3A_982, %add3A_54] : memref<128x128xf32, #tpu.memory_space<vmem>>[vector<16xi32>, vector<16xi32>], vector<16xf32>,
      tpu.vector_store_idx %arg18[%select_n3A, %select_n3A_97, %broadcast_in_dim3A_982], %gather3A_983 : memref<8x8x129xf32, #tpu.memory_space<vmem>>[vector<16xi32>, vector<16xi32>, vector<16xi32>], vector<16xf32>,
      %gather3A_984 = tpu.vector_load_idx %arg14[%broadcast_in_dim3A_982, %add3A_100] : memref<128x128xf32, #tpu.memory_space<vmem>>[vector<16xi32>, vector<16xi32>], vector<16xf32>,
      tpu.vector_store_idx %arg18[%select_n3A_131, %select_n3A_153, %broadcast_in_dim3A_982], %gather3A_984 : memref<8x8x129xf32, #tpu.memory_space<vmem>>[vector<16xi32>, vector<16xi32>, vector<16xi32>], vector<16xf32>,
      %gather3A_985 = tpu.vector_load_idx %arg14[%broadcast_in_dim3A_982, %add3A_156] : memref<128x128xf32, #tpu.memory_space<vmem>>[vector<16xi32>, vector<16xi32>], vector<16xf32>,
      tpu.vector_store_idx %arg18[%select_n3A_187, %select_n3A_209, %broadcast_in_dim3A_982], %gather3A_985 : memref<8x8x129xf32, #tpu.memory_space<vmem>>[vector<16xi32>, vector<16xi32>, vector<16xi32>], vector<16xf32>,
      %gather3A_986 = tpu.vector_load_idx %arg14[%broadcast_in_dim3A_982, %add3A_212] : memref<128x128xf32, #tpu.memory_space<vmem>>[vector<16xi32>, vector<16xi32>], vector<16xf32>,
      tpu.vector_store_idx %arg18[%select_n3A_243, %select_n3A_265, %broadcast_in_dim3A_982], %gather3A_986 : memref<8x8x129xf32, #tpu.memory_space<vmem>>[vector<16xi32>, vector<16xi32>, vector<16xi32>], vector<16xf32>,
    }
    %scan3A_786 = arith.constant 128 : i32
    %mul3A_787 = arith.constant 4 : i32
    %mul3A_788 = arith.muli %add3A, %mul3A_787 : i32
    %add3A_789 = arith.constant 0 : i32
    %add3A_790 = arith.addi %mul3A_788, %add3A_789 : i32
    %mul3A_791 = arith.constant 8 : i32
    %mul3A_792 = arith.muli %add3A_790, %mul3A_791 : i32
    %dma_start3A_793 = arith.constant 0 : i32
    %dma_start3A_794 = arith.constant 0 : i32
    %dma_start3A_795 = arith.constant 0 : i32
    %dma_start3A_796 = tpu.memref_slice %arg18[%dma_start3A_793, %dma_start3A_794, %dma_start3A_795] : memref<8x8x129xf32, #tpu.memory_space<vmem>> -> memref<8x8x128xf32, #tpu.memory_space<vmem>>
    %dma_start3A_797 = arith.constant 0 : i32
    %dma_start3A_798 = arith.constant 0 : i32
    %dma_start3A_799 = tpu.memref_slice %arg12[%dma_start3A_797, %mul3A_792, %dma_start3A_798] : memref<8x1024x128xf32, #tpu.memory_space<hbm>> -> memref<8x8x128xf32, #tpu.memory_space<hbm>>
    %dma_start3A_800 = arith.constant 0 : i32
    %dma_start3A_801 = arith.constant 0 : i32
    %dma_start3A_802 = tpu.memref_slice %arg12[%dma_start3A_800, %mul3A_792, %dma_start3A_801] : memref<8x1024x128xf32, #tpu.memory_space<hbm>> -> memref<8x8x128xf32, #tpu.memory_space<hbm>>
    %dma_start3A_803 = arith.constant 0 : i32
    %dma_start3A_804 = arith.constant 0 : i32
    %dma_start3A_805 = arith.constant 0 : i32
    %dma_start3A_806 = tpu.memref_slice %arg18[%dma_start3A_803, %dma_start3A_804, %dma_start3A_805] : memref<8x8x129xf32, #tpu.memory_space<vmem>> -> memref<8x8x128xf32, #tpu.memory_space<vmem>>
    tpu.enqueue_dma source(%dma_start3A_806 : memref<8x8x128xf32, #tpu.memory_space<vmem>>) target(%dma_start3A_802 : memref<8x8x128xf32, #tpu.memory_space<hbm>>) target_semaphore(%arg26 : memref<!tpu.dma_semaphore, #tpu.memory_space<semaphore_mem>>)
    %dma_wait3A_807 = arith.constant 9 : i32
    %dma_wait3A_808 = arith.constant 0 : i32
    %dma_wait3A_809 = tpu.memref_slice %arg13[%dma_wait3A_807, %dma_wait3A_808] : memref<20x128xi32, #tpu.memory_space<vmem>> -> memref<1x128xi32, #tpu.memory_space<vmem>>
    %dma_wait3A_810 = tpu.memref_squeeze %dma_wait3A_809 : memref<1x128xi32, #tpu.memory_space<vmem>> -> memref<128xi32, #tpu.memory_space<vmem>>
    %dma_wait3A_811 = arith.constant 0 : i32
    %dma_wait3A_812 = arith.constant 0 : i32
    %dma_wait3A_813 = tpu.memref_slice %arg9[%dma_wait3A_811, %dma_wait3A_812] : memref<1024x128xf32, #tpu.memory_space<hbm>> -> memref<1024x128xf32, #tpu.memory_space<hbm>>
    tpu.wait_indirect_dma semaphore(%arg23 : memref<!tpu.dma_semaphore, #tpu.memory_space<semaphore_mem>>) src(%dma_wait3A_813 : memref<1024x128xf32, #tpu.memory_space<hbm>>) dst(%arg15 : memref<128x128xf32, #tpu.memory_space<vmem>>)
    %scan3A_814 = arith.constant 0 : i32
    %scan3A_815 = arith.constant 0 : i32
    %scan3A_816 = arith.constant 128 : i32
    %scan3A_817 = arith.addi %scan3A_815, %scan3A_816 : i32
    %scan3A_818 = arith.constant 4 : i32
    scf.for %scan3A_962 = %scan3A_815 to %scan3A_817 step %scan3A_818  : i32 {
      %broadcast_in_dim3A = vector.broadcast %scan3A_962 : i32 to vector<16xi32>
      %gather3A = tpu.vector_load_idx %arg15[%broadcast_in_dim3A, %add3A_54] : memref<128x128xf32, #tpu.memory_space<vmem>>[vector<16xi32>, vector<16xi32>], vector<16xf32>,
      tpu.vector_store_idx %arg19[%select_n3A, %select_n3A_97, %broadcast_in_dim3A], %gather3A : memref<8x8x129xf32, #tpu.memory_space<vmem>>[vector<16xi32>, vector<16xi32>, vector<16xi32>], vector<16xf32>,
      %gather3A_963 = tpu.vector_load_idx %arg15[%broadcast_in_dim3A, %add3A_100] : memref<128x128xf32, #tpu.memory_space<vmem>>[vector<16xi32>, vector<16xi32>], vector<16xf32>,
      tpu.vector_store_idx %arg19[%select_n3A_131, %select_n3A_153, %broadcast_in_dim3A], %gather3A_963 : memref<8x8x129xf32, #tpu.memory_space<vmem>>[vector<16xi32>, vector<16xi32>, vector<16xi32>], vector<16xf32>,
      %gather3A_964 = tpu.vector_load_idx %arg15[%broadcast_in_dim3A, %add3A_156] : memref<128x128xf32, #tpu.memory_space<vmem>>[vector<16xi32>, vector<16xi32>], vector<16xf32>,
      tpu.vector_store_idx %arg19[%select_n3A_187, %select_n3A_209, %broadcast_in_dim3A], %gather3A_964 : memref<8x8x129xf32, #tpu.memory_space<vmem>>[vector<16xi32>, vector<16xi32>, vector<16xi32>], vector<16xf32>,
      %gather3A_965 = tpu.vector_load_idx %arg15[%broadcast_in_dim3A, %add3A_212] : memref<128x128xf32, #tpu.memory_space<vmem>>[vector<16xi32>, vector<16xi32>], vector<16xf32>,
      tpu.vector_store_idx %arg19[%select_n3A_243, %select_n3A_265, %broadcast_in_dim3A], %gather3A_965 : memref<8x8x129xf32, #tpu.memory_space<vmem>>[vector<16xi32>, vector<16xi32>, vector<16xi32>], vector<16xf32>,
      %scan3A_966 = arith.constant 1 : i32
      %scan3A_967 = arith.addi %scan3A_962, %scan3A_966 : i32
      %broadcast_in_dim3A_968 = vector.broadcast %scan3A_967 : i32 to vector<16xi32>
      %gather3A_969 = tpu.vector_load_idx %arg15[%broadcast_in_dim3A_968, %add3A_54] : memref<128x128xf32, #tpu.memory_space<vmem>>[vector<16xi32>, vector<16xi32>], vector<16xf32>,
      tpu.vector_store_idx %arg19[%select_n3A, %select_n3A_97, %broadcast_in_dim3A_968], %gather3A_969 : memref<8x8x129xf32, #tpu.memory_space<vmem>>[vector<16xi32>, vector<16xi32>, vector<16xi32>], vector<16xf32>,
      %gather3A_970 = tpu.vector_load_idx %arg15[%broadcast_in_dim3A_968, %add3A_100] : memref<128x128xf32, #tpu.memory_space<vmem>>[vector<16xi32>, vector<16xi32>], vector<16xf32>,
      tpu.vector_store_idx %arg19[%select_n3A_131, %select_n3A_153, %broadcast_in_dim3A_968], %gather3A_970 : memref<8x8x129xf32, #tpu.memory_space<vmem>>[vector<16xi32>, vector<16xi32>, vector<16xi32>], vector<16xf32>,
      %gather3A_971 = tpu.vector_load_idx %arg15[%broadcast_in_dim3A_968, %add3A_156] : memref<128x128xf32, #tpu.memory_space<vmem>>[vector<16xi32>, vector<16xi32>], vector<16xf32>,
      tpu.vector_store_idx %arg19[%select_n3A_187, %select_n3A_209, %broadcast_in_dim3A_968], %gather3A_971 : memref<8x8x129xf32, #tpu.memory_space<vmem>>[vector<16xi32>, vector<16xi32>, vector<16xi32>], vector<16xf32>,
      %gather3A_972 = tpu.vector_load_idx %arg15[%broadcast_in_dim3A_968, %add3A_212] : memref<128x128xf32, #tpu.memory_space<vmem>>[vector<16xi32>, vector<16xi32>], vector<16xf32>,
      tpu.vector_store_idx %arg19[%select_n3A_243, %select_n3A_265, %broadcast_in_dim3A_968], %gather3A_972 : memref<8x8x129xf32, #tpu.memory_space<vmem>>[vector<16xi32>, vector<16xi32>, vector<16xi32>], vector<16xf32>,
      %scan3A_973 = arith.constant 2 : i32
      %scan3A_974 = arith.addi %scan3A_962, %scan3A_973 : i32
      %broadcast_in_dim3A_975 = vector.broadcast %scan3A_974 : i32 to vector<16xi32>
      %gather3A_976 = tpu.vector_load_idx %arg15[%broadcast_in_dim3A_975, %add3A_54] : memref<128x128xf32, #tpu.memory_space<vmem>>[vector<16xi32>, vector<16xi32>], vector<16xf32>,
      tpu.vector_store_idx %arg19[%select_n3A, %select_n3A_97, %broadcast_in_dim3A_975], %gather3A_976 : memref<8x8x129xf32, #tpu.memory_space<vmem>>[vector<16xi32>, vector<16xi32>, vector<16xi32>], vector<16xf32>,
      %gather3A_977 = tpu.vector_load_idx %arg15[%broadcast_in_dim3A_975, %add3A_100] : memref<128x128xf32, #tpu.memory_space<vmem>>[vector<16xi32>, vector<16xi32>], vector<16xf32>,
      tpu.vector_store_idx %arg19[%select_n3A_131, %select_n3A_153, %broadcast_in_dim3A_975], %gather3A_977 : memref<8x8x129xf32, #tpu.memory_space<vmem>>[vector<16xi32>, vector<16xi32>, vector<16xi32>], vector<16xf32>,
      %gather3A_978 = tpu.vector_load_idx %arg15[%broadcast_in_dim3A_975, %add3A_156] : memref<128x128xf32, #tpu.memory_space<vmem>>[vector<16xi32>, vector<16xi32>], vector<16xf32>,
      tpu.vector_store_idx %arg19[%select_n3A_187, %select_n3A_209, %broadcast_in_dim3A_975], %gather3A_978 : memref<8x8x129xf32, #tpu.memory_space<vmem>>[vector<16xi32>, vector<16xi32>, vector<16xi32>], vector<16xf32>,
      %gather3A_979 = tpu.vector_load_idx %arg15[%broadcast_in_dim3A_975, %add3A_212] : memref<128x128xf32, #tpu.memory_space<vmem>>[vector<16xi32>, vector<16xi32>], vector<16xf32>,
      tpu.vector_store_idx %arg19[%select_n3A_243, %select_n3A_265, %broadcast_in_dim3A_975], %gather3A_979 : memref<8x8x129xf32, #tpu.memory_space<vmem>>[vector<16xi32>, vector<16xi32>, vector<16xi32>], vector<16xf32>,
      %scan3A_980 = arith.constant 3 : i32
      %scan3A_981 = arith.addi %scan3A_962, %scan3A_980 : i32
      %broadcast_in_dim3A_982 = vector.broadcast %scan3A_981 : i32 to vector<16xi32>
      %gather3A_983 = tpu.vector_load_idx %arg15[%broadcast_in_dim3A_982, %add3A_54] : memref<128x128xf32, #tpu.memory_space<vmem>>[vector<16xi32>, vector<16xi32>], vector<16xf32>,
      tpu.vector_store_idx %arg19[%select_n3A, %select_n3A_97, %broadcast_in_dim3A_982], %gather3A_983 : memref<8x8x129xf32, #tpu.memory_space<vmem>>[vector<16xi32>, vector<16xi32>, vector<16xi32>], vector<16xf32>,
      %gather3A_984 = tpu.vector_load_idx %arg15[%broadcast_in_dim3A_982, %add3A_100] : memref<128x128xf32, #tpu.memory_space<vmem>>[vector<16xi32>, vector<16xi32>], vector<16xf32>,
      tpu.vector_store_idx %arg19[%select_n3A_131, %select_n3A_153, %broadcast_in_dim3A_982], %gather3A_984 : memref<8x8x129xf32, #tpu.memory_space<vmem>>[vector<16xi32>, vector<16xi32>, vector<16xi32>], vector<16xf32>,
      %gather3A_985 = tpu.vector_load_idx %arg15[%broadcast_in_dim3A_982, %add3A_156] : memref<128x128xf32, #tpu.memory_space<vmem>>[vector<16xi32>, vector<16xi32>], vector<16xf32>,
      tpu.vector_store_idx %arg19[%select_n3A_187, %select_n3A_209, %broadcast_in_dim3A_982], %gather3A_985 : memref<8x8x129xf32, #tpu.memory_space<vmem>>[vector<16xi32>, vector<16xi32>, vector<16xi32>], vector<16xf32>,
      %gather3A_986 = tpu.vector_load_idx %arg15[%broadcast_in_dim3A_982, %add3A_212] : memref<128x128xf32, #tpu.memory_space<vmem>>[vector<16xi32>, vector<16xi32>], vector<16xf32>,
      tpu.vector_store_idx %arg19[%select_n3A_243, %select_n3A_265, %broadcast_in_dim3A_982], %gather3A_986 : memref<8x8x129xf32, #tpu.memory_space<vmem>>[vector<16xi32>, vector<16xi32>, vector<16xi32>], vector<16xf32>,
    }
    %scan3A_819 = arith.constant 128 : i32
    %mul3A_820 = arith.constant 4 : i32
    %mul3A_821 = arith.muli %add3A, %mul3A_820 : i32
    %add3A_822 = arith.constant 1 : i32
    %add3A_823 = arith.addi %mul3A_821, %add3A_822 : i32
    %mul3A_824 = arith.constant 8 : i32
    %mul3A_825 = arith.muli %add3A_823, %mul3A_824 : i32
    %dma_start3A_826 = arith.constant 0 : i32
    %dma_start3A_827 = arith.constant 0 : i32
    %dma_start3A_828 = arith.constant 0 : i32
    %dma_start3A_829 = tpu.memref_slice %arg19[%dma_start3A_826, %dma_start3A_827, %dma_start3A_828] : memref<8x8x129xf32, #tpu.memory_space<vmem>> -> memref<8x8x128xf32, #tpu.memory_space<vmem>>
    %dma_start3A_830 = arith.constant 0 : i32
    %dma_start3A_831 = arith.constant 0 : i32
    %dma_start3A_832 = tpu.memref_slice %arg12[%dma_start3A_830, %mul3A_825, %dma_start3A_831] : memref<8x1024x128xf32, #tpu.memory_space<hbm>> -> memref<8x8x128xf32, #tpu.memory_space<hbm>>
    %dma_start3A_833 = arith.constant 0 : i32
    %dma_start3A_834 = arith.constant 0 : i32
    %dma_start3A_835 = tpu.memref_slice %arg12[%dma_start3A_833, %mul3A_825, %dma_start3A_834] : memref<8x1024x128xf32, #tpu.memory_space<hbm>> -> memref<8x8x128xf32, #tpu.memory_space<hbm>>
    %dma_start3A_836 = arith.constant 0 : i32
    %dma_start3A_837 = arith.constant 0 : i32
    %dma_start3A_838 = arith.constant 0 : i32
    %dma_start3A_839 = tpu.memref_slice %arg19[%dma_start3A_836, %dma_start3A_837, %dma_start3A_838] : memref<8x8x129xf32, #tpu.memory_space<vmem>> -> memref<8x8x128xf32, #tpu.memory_space<vmem>>
    tpu.enqueue_dma source(%dma_start3A_839 : memref<8x8x128xf32, #tpu.memory_space<vmem>>) target(%dma_start3A_835 : memref<8x8x128xf32, #tpu.memory_space<hbm>>) target_semaphore(%arg27 : memref<!tpu.dma_semaphore, #tpu.memory_space<semaphore_mem>>)
    %dma_wait3A_840 = arith.constant 10 : i32
    %dma_wait3A_841 = arith.constant 0 : i32
    %dma_wait3A_842 = tpu.memref_slice %arg13[%dma_wait3A_840, %dma_wait3A_841] : memref<20x128xi32, #tpu.memory_space<vmem>> -> memref<1x128xi32, #tpu.memory_space<vmem>>
    %dma_wait3A_843 = tpu.memref_squeeze %dma_wait3A_842 : memref<1x128xi32, #tpu.memory_space<vmem>> -> memref<128xi32, #tpu.memory_space<vmem>>
    %dma_wait3A_844 = arith.constant 0 : i32
    %dma_wait3A_845 = arith.constant 0 : i32
    %dma_wait3A_846 = tpu.memref_slice %arg9[%dma_wait3A_844, %dma_wait3A_845] : memref<1024x128xf32, #tpu.memory_space<hbm>> -> memref<1024x128xf32, #tpu.memory_space<hbm>>
    tpu.wait_indirect_dma semaphore(%arg24 : memref<!tpu.dma_semaphore, #tpu.memory_space<semaphore_mem>>) src(%dma_wait3A_846 : memref<1024x128xf32, #tpu.memory_space<hbm>>) dst(%arg16 : memref<128x128xf32, #tpu.memory_space<vmem>>)
    %scan3A_847 = arith.constant 0 : i32
    %scan3A_848 = arith.constant 0 : i32
    %scan3A_849 = arith.constant 128 : i32
    %scan3A_850 = arith.addi %scan3A_848, %scan3A_849 : i32
    %scan3A_851 = arith.constant 4 : i32
    scf.for %scan3A_962 = %scan3A_848 to %scan3A_850 step %scan3A_851  : i32 {
      %broadcast_in_dim3A = vector.broadcast %scan3A_962 : i32 to vector<16xi32>
      %gather3A = tpu.vector_load_idx %arg16[%broadcast_in_dim3A, %add3A_54] : memref<128x128xf32, #tpu.memory_space<vmem>>[vector<16xi32>, vector<16xi32>], vector<16xf32>,
      tpu.vector_store_idx %arg20[%select_n3A, %select_n3A_97, %broadcast_in_dim3A], %gather3A : memref<8x8x129xf32, #tpu.memory_space<vmem>>[vector<16xi32>, vector<16xi32>, vector<16xi32>], vector<16xf32>,
      %gather3A_963 = tpu.vector_load_idx %arg16[%broadcast_in_dim3A, %add3A_100] : memref<128x128xf32, #tpu.memory_space<vmem>>[vector<16xi32>, vector<16xi32>], vector<16xf32>,
      tpu.vector_store_idx %arg20[%select_n3A_131, %select_n3A_153, %broadcast_in_dim3A], %gather3A_963 : memref<8x8x129xf32, #tpu.memory_space<vmem>>[vector<16xi32>, vector<16xi32>, vector<16xi32>], vector<16xf32>,
      %gather3A_964 = tpu.vector_load_idx %arg16[%broadcast_in_dim3A, %add3A_156] : memref<128x128xf32, #tpu.memory_space<vmem>>[vector<16xi32>, vector<16xi32>], vector<16xf32>,
      tpu.vector_store_idx %arg20[%select_n3A_187, %select_n3A_209, %broadcast_in_dim3A], %gather3A_964 : memref<8x8x129xf32, #tpu.memory_space<vmem>>[vector<16xi32>, vector<16xi32>, vector<16xi32>], vector<16xf32>,
      %gather3A_965 = tpu.vector_load_idx %arg16[%broadcast_in_dim3A, %add3A_212] : memref<128x128xf32, #tpu.memory_space<vmem>>[vector<16xi32>, vector<16xi32>], vector<16xf32>,
      tpu.vector_store_idx %arg20[%select_n3A_243, %select_n3A_265, %broadcast_in_dim3A], %gather3A_965 : memref<8x8x129xf32, #tpu.memory_space<vmem>>[vector<16xi32>, vector<16xi32>, vector<16xi32>], vector<16xf32>,
      %scan3A_966 = arith.constant 1 : i32
      %scan3A_967 = arith.addi %scan3A_962, %scan3A_966 : i32
      %broadcast_in_dim3A_968 = vector.broadcast %scan3A_967 : i32 to vector<16xi32>
      %gather3A_969 = tpu.vector_load_idx %arg16[%broadcast_in_dim3A_968, %add3A_54] : memref<128x128xf32, #tpu.memory_space<vmem>>[vector<16xi32>, vector<16xi32>], vector<16xf32>,
      tpu.vector_store_idx %arg20[%select_n3A, %select_n3A_97, %broadcast_in_dim3A_968], %gather3A_969 : memref<8x8x129xf32, #tpu.memory_space<vmem>>[vector<16xi32>, vector<16xi32>, vector<16xi32>], vector<16xf32>,
      %gather3A_970 = tpu.vector_load_idx %arg16[%broadcast_in_dim3A_968, %add3A_100] : memref<128x128xf32, #tpu.memory_space<vmem>>[vector<16xi32>, vector<16xi32>], vector<16xf32>,
      tpu.vector_store_idx %arg20[%select_n3A_131, %select_n3A_153, %broadcast_in_dim3A_968], %gather3A_970 : memref<8x8x129xf32, #tpu.memory_space<vmem>>[vector<16xi32>, vector<16xi32>, vector<16xi32>], vector<16xf32>,
      %gather3A_971 = tpu.vector_load_idx %arg16[%broadcast_in_dim3A_968, %add3A_156] : memref<128x128xf32, #tpu.memory_space<vmem>>[vector<16xi32>, vector<16xi32>], vector<16xf32>,
      tpu.vector_store_idx %arg20[%select_n3A_187, %select_n3A_209, %broadcast_in_dim3A_968], %gather3A_971 : memref<8x8x129xf32, #tpu.memory_space<vmem>>[vector<16xi32>, vector<16xi32>, vector<16xi32>], vector<16xf32>,
      %gather3A_972 = tpu.vector_load_idx %arg16[%broadcast_in_dim3A_968, %add3A_212] : memref<128x128xf32, #tpu.memory_space<vmem>>[vector<16xi32>, vector<16xi32>], vector<16xf32>,
      tpu.vector_store_idx %arg20[%select_n3A_243, %select_n3A_265, %broadcast_in_dim3A_968], %gather3A_972 : memref<8x8x129xf32, #tpu.memory_space<vmem>>[vector<16xi32>, vector<16xi32>, vector<16xi32>], vector<16xf32>,
      %scan3A_973 = arith.constant 2 : i32
      %scan3A_974 = arith.addi %scan3A_962, %scan3A_973 : i32
      %broadcast_in_dim3A_975 = vector.broadcast %scan3A_974 : i32 to vector<16xi32>
      %gather3A_976 = tpu.vector_load_idx %arg16[%broadcast_in_dim3A_975, %add3A_54] : memref<128x128xf32, #tpu.memory_space<vmem>>[vector<16xi32>, vector<16xi32>], vector<16xf32>,
      tpu.vector_store_idx %arg20[%select_n3A, %select_n3A_97, %broadcast_in_dim3A_975], %gather3A_976 : memref<8x8x129xf32, #tpu.memory_space<vmem>>[vector<16xi32>, vector<16xi32>, vector<16xi32>], vector<16xf32>,
      %gather3A_977 = tpu.vector_load_idx %arg16[%broadcast_in_dim3A_975, %add3A_100] : memref<128x128xf32, #tpu.memory_space<vmem>>[vector<16xi32>, vector<16xi32>], vector<16xf32>,
      tpu.vector_store_idx %arg20[%select_n3A_131, %select_n3A_153, %broadcast_in_dim3A_975], %gather3A_977 : memref<8x8x129xf32, #tpu.memory_space<vmem>>[vector<16xi32>, vector<16xi32>, vector<16xi32>], vector<16xf32>,
      %gather3A_978 = tpu.vector_load_idx %arg16[%broadcast_in_dim3A_975, %add3A_156] : memref<128x128xf32, #tpu.memory_space<vmem>>[vector<16xi32>, vector<16xi32>], vector<16xf32>,
      tpu.vector_store_idx %arg20[%select_n3A_187, %select_n3A_209, %broadcast_in_dim3A_975], %gather3A_978 : memref<8x8x129xf32, #tpu.memory_space<vmem>>[vector<16xi32>, vector<16xi32>, vector<16xi32>], vector<16xf32>,
      %gather3A_979 = tpu.vector_load_idx %arg16[%broadcast_in_dim3A_975, %add3A_212] : memref<128x128xf32, #tpu.memory_space<vmem>>[vector<16xi32>, vector<16xi32>], vector<16xf32>,
      tpu.vector_store_idx %arg20[%select_n3A_243, %select_n3A_265, %broadcast_in_dim3A_975], %gather3A_979 : memref<8x8x129xf32, #tpu.memory_space<vmem>>[vector<16xi32>, vector<16xi32>, vector<16xi32>], vector<16xf32>,
      %scan3A_980 = arith.constant 3 : i32
      %scan3A_981 = arith.addi %scan3A_962, %scan3A_980 : i32
      %broadcast_in_dim3A_982 = vector.broadcast %scan3A_981 : i32 to vector<16xi32>
      %gather3A_983 = tpu.vector_load_idx %arg16[%broadcast_in_dim3A_982, %add3A_54] : memref<128x128xf32, #tpu.memory_space<vmem>>[vector<16xi32>, vector<16xi32>], vector<16xf32>,
      tpu.vector_store_idx %arg20[%select_n3A, %select_n3A_97, %broadcast_in_dim3A_982], %gather3A_983 : memref<8x8x129xf32, #tpu.memory_space<vmem>>[vector<16xi32>, vector<16xi32>, vector<16xi32>], vector<16xf32>,
      %gather3A_984 = tpu.vector_load_idx %arg16[%broadcast_in_dim3A_982, %add3A_100] : memref<128x128xf32, #tpu.memory_space<vmem>>[vector<16xi32>, vector<16xi32>], vector<16xf32>,
      tpu.vector_store_idx %arg20[%select_n3A_131, %select_n3A_153, %broadcast_in_dim3A_982], %gather3A_984 : memref<8x8x129xf32, #tpu.memory_space<vmem>>[vector<16xi32>, vector<16xi32>, vector<16xi32>], vector<16xf32>,
      %gather3A_985 = tpu.vector_load_idx %arg16[%broadcast_in_dim3A_982, %add3A_156] : memref<128x128xf32, #tpu.memory_space<vmem>>[vector<16xi32>, vector<16xi32>], vector<16xf32>,
      tpu.vector_store_idx %arg20[%select_n3A_187, %select_n3A_209, %broadcast_in_dim3A_982], %gather3A_985 : memref<8x8x129xf32, #tpu.memory_space<vmem>>[vector<16xi32>, vector<16xi32>, vector<16xi32>], vector<16xf32>,
      %gather3A_986 = tpu.vector_load_idx %arg16[%broadcast_in_dim3A_982, %add3A_212] : memref<128x128xf32, #tpu.memory_space<vmem>>[vector<16xi32>, vector<16xi32>], vector<16xf32>,
      tpu.vector_store_idx %arg20[%select_n3A_243, %select_n3A_265, %broadcast_in_dim3A_982], %gather3A_986 : memref<8x8x129xf32, #tpu.memory_space<vmem>>[vector<16xi32>, vector<16xi32>, vector<16xi32>], vector<16xf32>,
    }
    %scan3A_852 = arith.constant 128 : i32
    %mul3A_853 = arith.constant 4 : i32
    %mul3A_854 = arith.muli %add3A, %mul3A_853 : i32
    %add3A_855 = arith.constant 2 : i32
    %add3A_856 = arith.addi %mul3A_854, %add3A_855 : i32
    %mul3A_857 = arith.constant 8 : i32
    %mul3A_858 = arith.muli %add3A_856, %mul3A_857 : i32
    %dma_start3A_859 = arith.constant 0 : i32
    %dma_start3A_860 = arith.constant 0 : i32
    %dma_start3A_861 = arith.constant 0 : i32
    %dma_start3A_862 = tpu.memref_slice %arg20[%dma_start3A_859, %dma_start3A_860, %dma_start3A_861] : memref<8x8x129xf32, #tpu.memory_space<vmem>> -> memref<8x8x128xf32, #tpu.memory_space<vmem>>
    %dma_start3A_863 = arith.constant 0 : i32
    %dma_start3A_864 = arith.constant 0 : i32
    %dma_start3A_865 = tpu.memref_slice %arg12[%dma_start3A_863, %mul3A_858, %dma_start3A_864] : memref<8x1024x128xf32, #tpu.memory_space<hbm>> -> memref<8x8x128xf32, #tpu.memory_space<hbm>>
    %dma_start3A_866 = arith.constant 0 : i32
    %dma_start3A_867 = arith.constant 0 : i32
    %dma_start3A_868 = tpu.memref_slice %arg12[%dma_start3A_866, %mul3A_858, %dma_start3A_867] : memref<8x1024x128xf32, #tpu.memory_space<hbm>> -> memref<8x8x128xf32, #tpu.memory_space<hbm>>
    %dma_start3A_869 = arith.constant 0 : i32
    %dma_start3A_870 = arith.constant 0 : i32
    %dma_start3A_871 = arith.constant 0 : i32
    %dma_start3A_872 = tpu.memref_slice %arg20[%dma_start3A_869, %dma_start3A_870, %dma_start3A_871] : memref<8x8x129xf32, #tpu.memory_space<vmem>> -> memref<8x8x128xf32, #tpu.memory_space<vmem>>
    tpu.enqueue_dma source(%dma_start3A_872 : memref<8x8x128xf32, #tpu.memory_space<vmem>>) target(%dma_start3A_868 : memref<8x8x128xf32, #tpu.memory_space<hbm>>) target_semaphore(%arg28 : memref<!tpu.dma_semaphore, #tpu.memory_space<semaphore_mem>>)
    %dma_wait3A_873 = arith.constant 11 : i32
    %dma_wait3A_874 = arith.constant 0 : i32
    %dma_wait3A_875 = tpu.memref_slice %arg13[%dma_wait3A_873, %dma_wait3A_874] : memref<20x128xi32, #tpu.memory_space<vmem>> -> memref<1x128xi32, #tpu.memory_space<vmem>>
    %dma_wait3A_876 = tpu.memref_squeeze %dma_wait3A_875 : memref<1x128xi32, #tpu.memory_space<vmem>> -> memref<128xi32, #tpu.memory_space<vmem>>
    %dma_wait3A_877 = arith.constant 0 : i32
    %dma_wait3A_878 = arith.constant 0 : i32
    %dma_wait3A_879 = tpu.memref_slice %arg9[%dma_wait3A_877, %dma_wait3A_878] : memref<1024x128xf32, #tpu.memory_space<hbm>> -> memref<1024x128xf32, #tpu.memory_space<hbm>>
    tpu.wait_indirect_dma semaphore(%arg25 : memref<!tpu.dma_semaphore, #tpu.memory_space<semaphore_mem>>) src(%dma_wait3A_879 : memref<1024x128xf32, #tpu.memory_space<hbm>>) dst(%arg17 : memref<128x128xf32, #tpu.memory_space<vmem>>)
    %scan3A_880 = arith.constant 0 : i32
    %scan3A_881 = arith.constant 0 : i32
    %scan3A_882 = arith.constant 128 : i32
    %scan3A_883 = arith.addi %scan3A_881, %scan3A_882 : i32
    %scan3A_884 = arith.constant 4 : i32
    scf.for %scan3A_962 = %scan3A_881 to %scan3A_883 step %scan3A_884  : i32 {
      %broadcast_in_dim3A = vector.broadcast %scan3A_962 : i32 to vector<16xi32>
      %gather3A = tpu.vector_load_idx %arg17[%broadcast_in_dim3A, %add3A_54] : memref<128x128xf32, #tpu.memory_space<vmem>>[vector<16xi32>, vector<16xi32>], vector<16xf32>,
      tpu.vector_store_idx %arg21[%select_n3A, %select_n3A_97, %broadcast_in_dim3A], %gather3A : memref<8x8x129xf32, #tpu.memory_space<vmem>>[vector<16xi32>, vector<16xi32>, vector<16xi32>], vector<16xf32>,
      %gather3A_963 = tpu.vector_load_idx %arg17[%broadcast_in_dim3A, %add3A_100] : memref<128x128xf32, #tpu.memory_space<vmem>>[vector<16xi32>, vector<16xi32>], vector<16xf32>,
      tpu.vector_store_idx %arg21[%select_n3A_131, %select_n3A_153, %broadcast_in_dim3A], %gather3A_963 : memref<8x8x129xf32, #tpu.memory_space<vmem>>[vector<16xi32>, vector<16xi32>, vector<16xi32>], vector<16xf32>,
      %gather3A_964 = tpu.vector_load_idx %arg17[%broadcast_in_dim3A, %add3A_156] : memref<128x128xf32, #tpu.memory_space<vmem>>[vector<16xi32>, vector<16xi32>], vector<16xf32>,
      tpu.vector_store_idx %arg21[%select_n3A_187, %select_n3A_209, %broadcast_in_dim3A], %gather3A_964 : memref<8x8x129xf32, #tpu.memory_space<vmem>>[vector<16xi32>, vector<16xi32>, vector<16xi32>], vector<16xf32>,
      %gather3A_965 = tpu.vector_load_idx %arg17[%broadcast_in_dim3A, %add3A_212] : memref<128x128xf32, #tpu.memory_space<vmem>>[vector<16xi32>, vector<16xi32>], vector<16xf32>,
      tpu.vector_store_idx %arg21[%select_n3A_243, %select_n3A_265, %broadcast_in_dim3A], %gather3A_965 : memref<8x8x129xf32, #tpu.memory_space<vmem>>[vector<16xi32>, vector<16xi32>, vector<16xi32>], vector<16xf32>,
      %scan3A_966 = arith.constant 1 : i32
      %scan3A_967 = arith.addi %scan3A_962, %scan3A_966 : i32
      %broadcast_in_dim3A_968 = vector.broadcast %scan3A_967 : i32 to vector<16xi32>
      %gather3A_969 = tpu.vector_load_idx %arg17[%broadcast_in_dim3A_968, %add3A_54] : memref<128x128xf32, #tpu.memory_space<vmem>>[vector<16xi32>, vector<16xi32>], vector<16xf32>,
      tpu.vector_store_idx %arg21[%select_n3A, %select_n3A_97, %broadcast_in_dim3A_968], %gather3A_969 : memref<8x8x129xf32, #tpu.memory_space<vmem>>[vector<16xi32>, vector<16xi32>, vector<16xi32>], vector<16xf32>,
      %gather3A_970 = tpu.vector_load_idx %arg17[%broadcast_in_dim3A_968, %add3A_100] : memref<128x128xf32, #tpu.memory_space<vmem>>[vector<16xi32>, vector<16xi32>], vector<16xf32>,
      tpu.vector_store_idx %arg21[%select_n3A_131, %select_n3A_153, %broadcast_in_dim3A_968], %gather3A_970 : memref<8x8x129xf32, #tpu.memory_space<vmem>>[vector<16xi32>, vector<16xi32>, vector<16xi32>], vector<16xf32>,
      %gather3A_971 = tpu.vector_load_idx %arg17[%broadcast_in_dim3A_968, %add3A_156] : memref<128x128xf32, #tpu.memory_space<vmem>>[vector<16xi32>, vector<16xi32>], vector<16xf32>,
      tpu.vector_store_idx %arg21[%select_n3A_187, %select_n3A_209, %broadcast_in_dim3A_968], %gather3A_971 : memref<8x8x129xf32, #tpu.memory_space<vmem>>[vector<16xi32>, vector<16xi32>, vector<16xi32>], vector<16xf32>,
      %gather3A_972 = tpu.vector_load_idx %arg17[%broadcast_in_dim3A_968, %add3A_212] : memref<128x128xf32, #tpu.memory_space<vmem>>[vector<16xi32>, vector<16xi32>], vector<16xf32>,
      tpu.vector_store_idx %arg21[%select_n3A_243, %select_n3A_265, %broadcast_in_dim3A_968], %gather3A_972 : memref<8x8x129xf32, #tpu.memory_space<vmem>>[vector<16xi32>, vector<16xi32>, vector<16xi32>], vector<16xf32>,
      %scan3A_973 = arith.constant 2 : i32
      %scan3A_974 = arith.addi %scan3A_962, %scan3A_973 : i32
      %broadcast_in_dim3A_975 = vector.broadcast %scan3A_974 : i32 to vector<16xi32>
      %gather3A_976 = tpu.vector_load_idx %arg17[%broadcast_in_dim3A_975, %add3A_54] : memref<128x128xf32, #tpu.memory_space<vmem>>[vector<16xi32>, vector<16xi32>], vector<16xf32>,
      tpu.vector_store_idx %arg21[%select_n3A, %select_n3A_97, %broadcast_in_dim3A_975], %gather3A_976 : memref<8x8x129xf32, #tpu.memory_space<vmem>>[vector<16xi32>, vector<16xi32>, vector<16xi32>], vector<16xf32>,
      %gather3A_977 = tpu.vector_load_idx %arg17[%broadcast_in_dim3A_975, %add3A_100] : memref<128x128xf32, #tpu.memory_space<vmem>>[vector<16xi32>, vector<16xi32>], vector<16xf32>,
      tpu.vector_store_idx %arg21[%select_n3A_131, %select_n3A_153, %broadcast_in_dim3A_975], %gather3A_977 : memref<8x8x129xf32, #tpu.memory_space<vmem>>[vector<16xi32>, vector<16xi32>, vector<16xi32>], vector<16xf32>,
      %gather3A_978 = tpu.vector_load_idx %arg17[%broadcast_in_dim3A_975, %add3A_156] : memref<128x128xf32, #tpu.memory_space<vmem>>[vector<16xi32>, vector<16xi32>], vector<16xf32>,
      tpu.vector_store_idx %arg21[%select_n3A_187, %select_n3A_209, %broadcast_in_dim3A_975], %gather3A_978 : memref<8x8x129xf32, #tpu.memory_space<vmem>>[vector<16xi32>, vector<16xi32>, vector<16xi32>], vector<16xf32>,
      %gather3A_979 = tpu.vector_load_idx %arg17[%broadcast_in_dim3A_975, %add3A_212] : memref<128x128xf32, #tpu.memory_space<vmem>>[vector<16xi32>, vector<16xi32>], vector<16xf32>,
      tpu.vector_store_idx %arg21[%select_n3A_243, %select_n3A_265, %broadcast_in_dim3A_975], %gather3A_979 : memref<8x8x129xf32, #tpu.memory_space<vmem>>[vector<16xi32>, vector<16xi32>, vector<16xi32>], vector<16xf32>,
      %scan3A_980 = arith.constant 3 : i32
      %scan3A_981 = arith.addi %scan3A_962, %scan3A_980 : i32
      %broadcast_in_dim3A_982 = vector.broadcast %scan3A_981 : i32 to vector<16xi32>
      %gather3A_983 = tpu.vector_load_idx %arg17[%broadcast_in_dim3A_982, %add3A_54] : memref<128x128xf32, #tpu.memory_space<vmem>>[vector<16xi32>, vector<16xi32>], vector<16xf32>,
      tpu.vector_store_idx %arg21[%select_n3A, %select_n3A_97, %broadcast_in_dim3A_982], %gather3A_983 : memref<8x8x129xf32, #tpu.memory_space<vmem>>[vector<16xi32>, vector<16xi32>, vector<16xi32>], vector<16xf32>,
      %gather3A_984 = tpu.vector_load_idx %arg17[%broadcast_in_dim3A_982, %add3A_100] : memref<128x128xf32, #tpu.memory_space<vmem>>[vector<16xi32>, vector<16xi32>], vector<16xf32>,
      tpu.vector_store_idx %arg21[%select_n3A_131, %select_n3A_153, %broadcast_in_dim3A_982], %gather3A_984 : memref<8x8x129xf32, #tpu.memory_space<vmem>>[vector<16xi32>, vector<16xi32>, vector<16xi32>], vector<16xf32>,
      %gather3A_985 = tpu.vector_load_idx %arg17[%broadcast_in_dim3A_982, %add3A_156] : memref<128x128xf32, #tpu.memory_space<vmem>>[vector<16xi32>, vector<16xi32>], vector<16xf32>,
      tpu.vector_store_idx %arg21[%select_n3A_187, %select_n3A_209, %broadcast_in_dim3A_982], %gather3A_985 : memref<8x8x129xf32, #tpu.memory_space<vmem>>[vector<16xi32>, vector<16xi32>, vector<16xi32>], vector<16xf32>,
      %gather3A_986 = tpu.vector_load_idx %arg17[%broadcast_in_dim3A_982, %add3A_212] : memref<128x128xf32, #tpu.memory_space<vmem>>[vector<16xi32>, vector<16xi32>], vector<16xf32>,
      tpu.vector_store_idx %arg21[%select_n3A_243, %select_n3A_265, %broadcast_in_dim3A_982], %gather3A_986 : memref<8x8x129xf32, #tpu.memory_space<vmem>>[vector<16xi32>, vector<16xi32>, vector<16xi32>], vector<16xf32>,
    }
    %scan3A_885 = arith.constant 128 : i32
    %mul3A_886 = arith.constant 4 : i32
    %mul3A_887 = arith.muli %add3A, %mul3A_886 : i32
    %add3A_888 = arith.constant 3 : i32
    %add3A_889 = arith.addi %mul3A_887, %add3A_888 : i32
    %mul3A_890 = arith.constant 8 : i32
    %mul3A_891 = arith.muli %add3A_889, %mul3A_890 : i32
    %dma_start3A_892 = arith.constant 0 : i32
    %dma_start3A_893 = arith.constant 0 : i32
    %dma_start3A_894 = arith.constant 0 : i32
    %dma_start3A_895 = tpu.memref_slice %arg21[%dma_start3A_892, %dma_start3A_893, %dma_start3A_894] : memref<8x8x129xf32, #tpu.memory_space<vmem>> -> memref<8x8x128xf32, #tpu.memory_space<vmem>>
    %dma_start3A_896 = arith.constant 0 : i32
    %dma_start3A_897 = arith.constant 0 : i32
    %dma_start3A_898 = tpu.memref_slice %arg12[%dma_start3A_896, %mul3A_891, %dma_start3A_897] : memref<8x1024x128xf32, #tpu.memory_space<hbm>> -> memref<8x8x128xf32, #tpu.memory_space<hbm>>
    %dma_start3A_899 = arith.constant 0 : i32
    %dma_start3A_900 = arith.constant 0 : i32
    %dma_start3A_901 = tpu.memref_slice %arg12[%dma_start3A_899, %mul3A_891, %dma_start3A_900] : memref<8x1024x128xf32, #tpu.memory_space<hbm>> -> memref<8x8x128xf32, #tpu.memory_space<hbm>>
    %dma_start3A_902 = arith.constant 0 : i32
    %dma_start3A_903 = arith.constant 0 : i32
    %dma_start3A_904 = arith.constant 0 : i32
    %dma_start3A_905 = tpu.memref_slice %arg21[%dma_start3A_902, %dma_start3A_903, %dma_start3A_904] : memref<8x8x129xf32, #tpu.memory_space<vmem>> -> memref<8x8x128xf32, #tpu.memory_space<vmem>>
    tpu.enqueue_dma source(%dma_start3A_905 : memref<8x8x128xf32, #tpu.memory_space<vmem>>) target(%dma_start3A_901 : memref<8x8x128xf32, #tpu.memory_space<hbm>>) target_semaphore(%arg29 : memref<!tpu.dma_semaphore, #tpu.memory_space<semaphore_mem>>)
    %dma_wait3A_906 = arith.constant 0 : i32
    %dma_wait3A_907 = arith.constant 0 : i32
    %dma_wait3A_908 = arith.constant 0 : i32
    %dma_wait3A_909 = tpu.memref_slice %arg18[%dma_wait3A_906, %dma_wait3A_907, %dma_wait3A_908] : memref<8x8x129xf32, #tpu.memory_space<vmem>> -> memref<8x8x128xf32, #tpu.memory_space<vmem>>
    %dma_wait3A_910 = arith.constant 0 : i32
    %dma_wait3A_911 = arith.constant 0 : i32
    %dma_wait3A_912 = tpu.memref_slice %arg12[%dma_wait3A_910, %mul3A_792, %dma_wait3A_911] : memref<8x1024x128xf32, #tpu.memory_space<hbm>> -> memref<8x8x128xf32, #tpu.memory_space<hbm>>
    %dma_wait3A_913 = arith.constant 0 : i32
    %dma_wait3A_914 = arith.constant 0 : i32
    %dma_wait3A_915 = tpu.memref_slice %arg12[%dma_wait3A_913, %mul3A_792, %dma_wait3A_914] : memref<8x1024x128xf32, #tpu.memory_space<hbm>> -> memref<8x8x128xf32, #tpu.memory_space<hbm>>
    %dma_wait3A_916 = arith.constant 0 : i32
    %dma_wait3A_917 = arith.constant 0 : i32
    %dma_wait3A_918 = arith.constant 0 : i32
    %dma_wait3A_919 = tpu.memref_slice %arg18[%dma_wait3A_916, %dma_wait3A_917, %dma_wait3A_918] : memref<8x8x129xf32, #tpu.memory_space<vmem>> -> memref<8x8x128xf32, #tpu.memory_space<vmem>>
    tpu.wait_dma2 semaphore(%arg26 : memref<!tpu.dma_semaphore, #tpu.memory_space<semaphore_mem>>) src(%dma_wait3A_919 : memref<8x8x128xf32, #tpu.memory_space<vmem>>) dst(%dma_wait3A_915 : memref<8x8x128xf32, #tpu.memory_space<hbm>>)
    %dma_wait3A_920 = arith.constant 0 : i32
    %dma_wait3A_921 = arith.constant 0 : i32
    %dma_wait3A_922 = arith.constant 0 : i32
    %dma_wait3A_923 = tpu.memref_slice %arg19[%dma_wait3A_920, %dma_wait3A_921, %dma_wait3A_922] : memref<8x8x129xf32, #tpu.memory_space<vmem>> -> memref<8x8x128xf32, #tpu.memory_space<vmem>>
    %dma_wait3A_924 = arith.constant 0 : i32
    %dma_wait3A_925 = arith.constant 0 : i32
    %dma_wait3A_926 = tpu.memref_slice %arg12[%dma_wait3A_924, %mul3A_825, %dma_wait3A_925] : memref<8x1024x128xf32, #tpu.memory_space<hbm>> -> memref<8x8x128xf32, #tpu.memory_space<hbm>>
    %dma_wait3A_927 = arith.constant 0 : i32
    %dma_wait3A_928 = arith.constant 0 : i32
    %dma_wait3A_929 = tpu.memref_slice %arg12[%dma_wait3A_927, %mul3A_825, %dma_wait3A_928] : memref<8x1024x128xf32, #tpu.memory_space<hbm>> -> memref<8x8x128xf32, #tpu.memory_space<hbm>>
    %dma_wait3A_930 = arith.constant 0 : i32
    %dma_wait3A_931 = arith.constant 0 : i32
    %dma_wait3A_932 = arith.constant 0 : i32
    %dma_wait3A_933 = tpu.memref_slice %arg19[%dma_wait3A_930, %dma_wait3A_931, %dma_wait3A_932] : memref<8x8x129xf32, #tpu.memory_space<vmem>> -> memref<8x8x128xf32, #tpu.memory_space<vmem>>
    tpu.wait_dma2 semaphore(%arg27 : memref<!tpu.dma_semaphore, #tpu.memory_space<semaphore_mem>>) src(%dma_wait3A_933 : memref<8x8x128xf32, #tpu.memory_space<vmem>>) dst(%dma_wait3A_929 : memref<8x8x128xf32, #tpu.memory_space<hbm>>)
    %dma_wait3A_934 = arith.constant 0 : i32
    %dma_wait3A_935 = arith.constant 0 : i32
    %dma_wait3A_936 = arith.constant 0 : i32
    %dma_wait3A_937 = tpu.memref_slice %arg20[%dma_wait3A_934, %dma_wait3A_935, %dma_wait3A_936] : memref<8x8x129xf32, #tpu.memory_space<vmem>> -> memref<8x8x128xf32, #tpu.memory_space<vmem>>
    %dma_wait3A_938 = arith.constant 0 : i32
    %dma_wait3A_939 = arith.constant 0 : i32
    %dma_wait3A_940 = tpu.memref_slice %arg12[%dma_wait3A_938, %mul3A_858, %dma_wait3A_939] : memref<8x1024x128xf32, #tpu.memory_space<hbm>> -> memref<8x8x128xf32, #tpu.memory_space<hbm>>
    %dma_wait3A_941 = arith.constant 0 : i32
    %dma_wait3A_942 = arith.constant 0 : i32
    %dma_wait3A_943 = tpu.memref_slice %arg12[%dma_wait3A_941, %mul3A_858, %dma_wait3A_942] : memref<8x1024x128xf32, #tpu.memory_space<hbm>> -> memref<8x8x128xf32, #tpu.memory_space<hbm>>
    %dma_wait3A_944 = arith.constant 0 : i32
    %dma_wait3A_945 = arith.constant 0 : i32
    %dma_wait3A_946 = arith.constant 0 : i32
    %dma_wait3A_947 = tpu.memref_slice %arg20[%dma_wait3A_944, %dma_wait3A_945, %dma_wait3A_946] : memref<8x8x129xf32, #tpu.memory_space<vmem>> -> memref<8x8x128xf32, #tpu.memory_space<vmem>>
    tpu.wait_dma2 semaphore(%arg28 : memref<!tpu.dma_semaphore, #tpu.memory_space<semaphore_mem>>) src(%dma_wait3A_947 : memref<8x8x128xf32, #tpu.memory_space<vmem>>) dst(%dma_wait3A_943 : memref<8x8x128xf32, #tpu.memory_space<hbm>>)
    %dma_wait3A_948 = arith.constant 0 : i32
    %dma_wait3A_949 = arith.constant 0 : i32
    %dma_wait3A_950 = arith.constant 0 : i32
    %dma_wait3A_951 = tpu.memref_slice %arg21[%dma_wait3A_948, %dma_wait3A_949, %dma_wait3A_950] : memref<8x8x129xf32, #tpu.memory_space<vmem>> -> memref<8x8x128xf32, #tpu.memory_space<vmem>>
    %dma_wait3A_952 = arith.constant 0 : i32
    %dma_wait3A_953 = arith.constant 0 : i32
    %dma_wait3A_954 = tpu.memref_slice %arg12[%dma_wait3A_952, %mul3A_891, %dma_wait3A_953] : memref<8x1024x128xf32, #tpu.memory_space<hbm>> -> memref<8x8x128xf32, #tpu.memory_space<hbm>>
    %dma_wait3A_955 = arith.constant 0 : i32
    %dma_wait3A_956 = arith.constant 0 : i32
    %dma_wait3A_957 = tpu.memref_slice %arg12[%dma_wait3A_955, %mul3A_891, %dma_wait3A_956] : memref<8x1024x128xf32, #tpu.memory_space<hbm>> -> memref<8x8x128xf32, #tpu.memory_space<hbm>>
    %dma_wait3A_958 = arith.constant 0 : i32
    %dma_wait3A_959 = arith.constant 0 : i32
    %dma_wait3A_960 = arith.constant 0 : i32
    %dma_wait3A_961 = tpu.memref_slice %arg21[%dma_wait3A_958, %dma_wait3A_959, %dma_wait3A_960] : memref<8x8x129xf32, #tpu.memory_space<vmem>> -> memref<8x8x128xf32, #tpu.memory_space<vmem>>
    tpu.wait_dma2 semaphore(%arg29 : memref<!tpu.dma_semaphore, #tpu.memory_space<semaphore_mem>>) src(%dma_wait3A_961 : memref<8x8x128xf32, #tpu.memory_space<vmem>>) dst(%dma_wait3A_957 : memref<8x8x128xf32, #tpu.memory_space<hbm>>)
    return
  }
}

module attributes {stable_mosaic.version = 14 : i64} {
  func.func @_ent_repack_body(%arg0: i32, %arg1: memref<64x2944xf32, #tpu.memory_space<vmem>>, %arg2: memref<64x2944xf32, #tpu.memory_space<vmem>>, %arg3: memref<2944x128xf32, #tpu.memory_space<vmem>>) attributes {dimension_semantics = [#tpu.dimension_semantics<arbitrary>], iteration_bounds = array<i64: 17>, scalar_prefetch = 0 : i64, scratch_operands = 0 : i64, tpu.core_type = #tpu.core_type<tc>, window_params = [{transform_indices = @transform_0, window_bounds = array<i64: 64, 2944>}, {transform_indices = @transform_1, window_bounds = array<i64: 64, 2944>}, {transform_indices = @transform_2, window_bounds = array<i64: 2944, 128>}]} {
    %iota3A = tpu.iota {dimensions = array<i32: 0>} : vector<64x64xi32>
    %iota3A_0 = tpu.iota {dimensions = array<i32: 1>} : vector<64x64xi32>
    %eq3A = arith.cmpi eq, %iota3A, %iota3A_0 : vector<64x64xi32>
    %convert_element_type3A = arith.extui %eq3A : vector<64x64xi1> to vector<64x64xi32>
    %convert_element_type3A_1 = arith.sitofp %convert_element_type3A : vector<64x64xi32> to vector<64x64xf32>
    %get3A = arith.constant 0 : index
    %get3A_2 = arith.constant 0 : index
    %get3A_3 = vector.load %arg1[%get3A, %get3A_2] : memref<64x2944xf32, #tpu.memory_space<vmem>>, vector<64x2944xf32>
    %dot_general3A = arith.constant dense<0.000000e+00> : vector<2944x64xf32>
    %dot_general3A_4 = tpu.matmul %get3A_3, %convert_element_type3A_1, %dot_general3A {dimension_numbers = #tpu.dot_dimension_numbers<[0], [0], [1], [1], [0, 1, 1, 1], [], []>, precision = #tpu.contract_precision<fp32>, transpose_lhs_hint = false} : vector<64x2944xf32>, vector<64x64xf32>, vector<2944x64xf32> -> vector<2944x64xf32>
    %get3A_5 = arith.constant 0 : index
    %get3A_6 = arith.constant 0 : index
    %get3A_7 = vector.load %arg2[%get3A_5, %get3A_6] : memref<64x2944xf32, #tpu.memory_space<vmem>>, vector<64x2944xf32>
    %dot_general3A_8 = arith.constant dense<0.000000e+00> : vector<2944x64xf32>
    %dot_general3A_9 = tpu.matmul %get3A_7, %convert_element_type3A_1, %dot_general3A_8 {dimension_numbers = #tpu.dot_dimension_numbers<[0], [0], [1], [1], [0, 1, 1, 1], [], []>, precision = #tpu.contract_precision<fp32>, transpose_lhs_hint = false} : vector<64x2944xf32>, vector<64x64xf32>, vector<2944x64xf32> -> vector<2944x64xf32>
    %concatenate3A = tpu.concatenate %dot_general3A_4, %dot_general3A_9 in 1 : vector<2944x64xf32>, vector<2944x64xf32> -> vector<2944x128xf32>
    %swap3A = arith.constant 0 : index
    %swap3A_10 = arith.constant 0 : index
    %swap3A_11 = vector.load %arg3[%swap3A, %swap3A_10] : memref<2944x128xf32, #tpu.memory_space<vmem>>, vector<2944x128xf32>
    tpu.vector_store %arg3[%swap3A, %swap3A_10], %concatenate3A {strides = array<i32>} : memref<2944x128xf32, #tpu.memory_space<vmem>>, vector<2944x128xf32>,
    return
  }
  func.func @transform_0(%arg0: i32) -> (i32, i32) {
    %c0_i32 = arith.constant 0 : i32
    %c0_i32_0 = arith.constant 0 : i32
    return %c0_i32, %arg0 : i32, i32
  }
  func.func @transform_1(%arg0: i32) -> (i32, i32) {
    %add3A = arith.constant 17 : i32
    %add3A_0 = arith.addi %arg0, %add3A : i32
    %c0_i32 = arith.constant 0 : i32
    %c0_i32_1 = arith.constant 0 : i32
    return %c0_i32, %add3A_0 : i32, i32
  }
  func.func @transform_2(%arg0: i32) -> (i32, i32) {
    %c0_i32 = arith.constant 0 : i32
    %c0_i32_0 = arith.constant 0 : i32
    return %arg0, %c0_i32 : i32, i32
  }
}

module attributes {stable_mosaic.version = 14 : i64} {
  func.func @_rel_lookup_body(%arg0: i32, %arg1: memref<8x1x128xi32, #tpu.memory_space<vmem>>, %arg2: memref<64x64xf32, #tpu.memory_space<vmem>>, %arg3: memref<8x64x128xf32, #tpu.memory_space<vmem>>) attributes {dimension_semantics = [#tpu.dimension_semantics<arbitrary>], iteration_bounds = array<i64: 16>, scalar_prefetch = 0 : i64, scratch_operands = 0 : i64, tpu.core_type = #tpu.core_type<tc>, window_params = [{transform_indices = @transform_0, window_bounds = array<i64: 8, 1, 128>}, {pipeline_mode = #tpu.pipeline_mode<synchronous>, transform_indices = @transform_1, window_bounds = array<i64: 64, 64>}, {transform_indices = @transform_2, window_bounds = array<i64: 8, 64, 128>}]} {
    %get3A = arith.constant 0 : index
    %get3A_0 = arith.constant 0 : index
    %get3A_1 = arith.constant 0 : index
    %get3A_2 = vector.load %arg1[%get3A, %get3A_0, %get3A_1] : memref<8x1x128xi32, #tpu.memory_space<vmem>>, vector<1x1x128xi32>
    %get3A_3 = vector.shape_cast %get3A_2 : vector<1x1x128xi32> to vector<1x128xi32>
    %iota3A = tpu.iota {dimensions = array<i32: 0>} : vector<64x128xi32>
    %eq3A = vector.broadcast %get3A_3 : vector<1x128xi32> to vector<64x128xi32>
    %eq3A_4 = arith.cmpi eq, %iota3A, %eq3A : vector<64x128xi32>
    %convert_element_type3A = arith.extui %eq3A_4 : vector<64x128xi1> to vector<64x128xi32>
    %convert_element_type3A_5 = arith.sitofp %convert_element_type3A : vector<64x128xi32> to vector<64x128xf32>
    %get3A_6 = arith.constant 1 : index
    %get3A_7 = arith.constant 0 : index
    %get3A_8 = arith.constant 0 : index
    %get3A_9 = vector.load %arg1[%get3A_6, %get3A_7, %get3A_8] : memref<8x1x128xi32, #tpu.memory_space<vmem>>, vector<1x1x128xi32>
    %get3A_10 = vector.shape_cast %get3A_9 : vector<1x1x128xi32> to vector<1x128xi32>
    %iota3A_11 = tpu.iota {dimensions = array<i32: 0>} : vector<64x128xi32>
    %eq3A_12 = vector.broadcast %get3A_10 : vector<1x128xi32> to vector<64x128xi32>
    %eq3A_13 = arith.cmpi eq, %iota3A_11, %eq3A_12 : vector<64x128xi32>
    %convert_element_type3A_14 = arith.extui %eq3A_13 : vector<64x128xi1> to vector<64x128xi32>
    %convert_element_type3A_15 = arith.sitofp %convert_element_type3A_14 : vector<64x128xi32> to vector<64x128xf32>
    %get3A_16 = arith.constant 2 : index
    %get3A_17 = arith.constant 0 : index
    %get3A_18 = arith.constant 0 : index
    %get3A_19 = vector.load %arg1[%get3A_16, %get3A_17, %get3A_18] : memref<8x1x128xi32, #tpu.memory_space<vmem>>, vector<1x1x128xi32>
    %get3A_20 = vector.shape_cast %get3A_19 : vector<1x1x128xi32> to vector<1x128xi32>
    %iota3A_21 = tpu.iota {dimensions = array<i32: 0>} : vector<64x128xi32>
    %eq3A_22 = vector.broadcast %get3A_20 : vector<1x128xi32> to vector<64x128xi32>
    %eq3A_23 = arith.cmpi eq, %iota3A_21, %eq3A_22 : vector<64x128xi32>
    %convert_element_type3A_24 = arith.extui %eq3A_23 : vector<64x128xi1> to vector<64x128xi32>
    %convert_element_type3A_25 = arith.sitofp %convert_element_type3A_24 : vector<64x128xi32> to vector<64x128xf32>
    %get3A_26 = arith.constant 3 : index
    %get3A_27 = arith.constant 0 : index
    %get3A_28 = arith.constant 0 : index
    %get3A_29 = vector.load %arg1[%get3A_26, %get3A_27, %get3A_28] : memref<8x1x128xi32, #tpu.memory_space<vmem>>, vector<1x1x128xi32>
    %get3A_30 = vector.shape_cast %get3A_29 : vector<1x1x128xi32> to vector<1x128xi32>
    %iota3A_31 = tpu.iota {dimensions = array<i32: 0>} : vector<64x128xi32>
    %eq3A_32 = vector.broadcast %get3A_30 : vector<1x128xi32> to vector<64x128xi32>
    %eq3A_33 = arith.cmpi eq, %iota3A_31, %eq3A_32 : vector<64x128xi32>
    %convert_element_type3A_34 = arith.extui %eq3A_33 : vector<64x128xi1> to vector<64x128xi32>
    %convert_element_type3A_35 = arith.sitofp %convert_element_type3A_34 : vector<64x128xi32> to vector<64x128xf32>
    %get3A_36 = arith.constant 4 : index
    %get3A_37 = arith.constant 0 : index
    %get3A_38 = arith.constant 0 : index
    %get3A_39 = vector.load %arg1[%get3A_36, %get3A_37, %get3A_38] : memref<8x1x128xi32, #tpu.memory_space<vmem>>, vector<1x1x128xi32>
    %get3A_40 = vector.shape_cast %get3A_39 : vector<1x1x128xi32> to vector<1x128xi32>
    %iota3A_41 = tpu.iota {dimensions = array<i32: 0>} : vector<64x128xi32>
    %eq3A_42 = vector.broadcast %get3A_40 : vector<1x128xi32> to vector<64x128xi32>
    %eq3A_43 = arith.cmpi eq, %iota3A_41, %eq3A_42 : vector<64x128xi32>
    %convert_element_type3A_44 = arith.extui %eq3A_43 : vector<64x128xi1> to vector<64x128xi32>
    %convert_element_type3A_45 = arith.sitofp %convert_element_type3A_44 : vector<64x128xi32> to vector<64x128xf32>
    %get3A_46 = arith.constant 5 : index
    %get3A_47 = arith.constant 0 : index
    %get3A_48 = arith.constant 0 : index
    %get3A_49 = vector.load %arg1[%get3A_46, %get3A_47, %get3A_48] : memref<8x1x128xi32, #tpu.memory_space<vmem>>, vector<1x1x128xi32>
    %get3A_50 = vector.shape_cast %get3A_49 : vector<1x1x128xi32> to vector<1x128xi32>
    %iota3A_51 = tpu.iota {dimensions = array<i32: 0>} : vector<64x128xi32>
    %eq3A_52 = vector.broadcast %get3A_50 : vector<1x128xi32> to vector<64x128xi32>
    %eq3A_53 = arith.cmpi eq, %iota3A_51, %eq3A_52 : vector<64x128xi32>
    %convert_element_type3A_54 = arith.extui %eq3A_53 : vector<64x128xi1> to vector<64x128xi32>
    %convert_element_type3A_55 = arith.sitofp %convert_element_type3A_54 : vector<64x128xi32> to vector<64x128xf32>
    %get3A_56 = arith.constant 6 : index
    %get3A_57 = arith.constant 0 : index
    %get3A_58 = arith.constant 0 : index
    %get3A_59 = vector.load %arg1[%get3A_56, %get3A_57, %get3A_58] : memref<8x1x128xi32, #tpu.memory_space<vmem>>, vector<1x1x128xi32>
    %get3A_60 = vector.shape_cast %get3A_59 : vector<1x1x128xi32> to vector<1x128xi32>
    %iota3A_61 = tpu.iota {dimensions = array<i32: 0>} : vector<64x128xi32>
    %eq3A_62 = vector.broadcast %get3A_60 : vector<1x128xi32> to vector<64x128xi32>
    %eq3A_63 = arith.cmpi eq, %iota3A_61, %eq3A_62 : vector<64x128xi32>
    %convert_element_type3A_64 = arith.extui %eq3A_63 : vector<64x128xi1> to vector<64x128xi32>
    %convert_element_type3A_65 = arith.sitofp %convert_element_type3A_64 : vector<64x128xi32> to vector<64x128xf32>
    %get3A_66 = arith.constant 7 : index
    %get3A_67 = arith.constant 0 : index
    %get3A_68 = arith.constant 0 : index
    %get3A_69 = vector.load %arg1[%get3A_66, %get3A_67, %get3A_68] : memref<8x1x128xi32, #tpu.memory_space<vmem>>, vector<1x1x128xi32>
    %get3A_70 = vector.shape_cast %get3A_69 : vector<1x1x128xi32> to vector<1x128xi32>
    %iota3A_71 = tpu.iota {dimensions = array<i32: 0>} : vector<64x128xi32>
    %eq3A_72 = vector.broadcast %get3A_70 : vector<1x128xi32> to vector<64x128xi32>
    %eq3A_73 = arith.cmpi eq, %iota3A_71, %eq3A_72 : vector<64x128xi32>
    %convert_element_type3A_74 = arith.extui %eq3A_73 : vector<64x128xi1> to vector<64x128xi32>
    %convert_element_type3A_75 = arith.sitofp %convert_element_type3A_74 : vector<64x128xi32> to vector<64x128xf32>
    %concatenate3A = tpu.concatenate %convert_element_type3A_5, %convert_element_type3A_15, %convert_element_type3A_25, %convert_element_type3A_35, %convert_element_type3A_45, %convert_element_type3A_55, %convert_element_type3A_65, %convert_element_type3A_75 in 1 : vector<64x128xf32>, vector<64x128xf32>, vector<64x128xf32>, vector<64x128xf32>, vector<64x128xf32>, vector<64x128xf32>, vector<64x128xf32>, vector<64x128xf32> -> vector<64x1024xf32>
    %get3A_76 = arith.constant 0 : index
    %get3A_77 = arith.constant 0 : index
    %get3A_78 = vector.load %arg2[%get3A_76, %get3A_77] : memref<64x64xf32, #tpu.memory_space<vmem>>, vector<64x64xf32>
    %dot_general3A = arith.constant dense<0.000000e+00> : vector<64x1024xf32>
    %dot_general3A_79 = tpu.matmul %get3A_78, %concatenate3A, %dot_general3A {dimension_numbers = #tpu.dot_dimension_numbers<[1], [0], [0], [1], [0, 0, 1, 1], [], []>, precision = #tpu.contract_precision<fp32>, transpose_lhs_hint = false} : vector<64x64xf32>, vector<64x1024xf32>, vector<64x1024xf32> -> vector<64x1024xf32>
    %slice3A = vector.extract_strided_slice %dot_general3A_79 {offsets = [0, 0], sizes = [64, 128], strides = [1, 1]} : vector<64x1024xf32> to vector<64x128xf32>
    %reshape3A = vector.shape_cast %slice3A : vector<64x128xf32> to vector<8x8x128xf32>
    %swap3A = arith.constant 0 : index
    %swap3A_80 = arith.constant 0 : index
    %swap3A_81 = arith.constant 0 : index
    %swap3A_82 = vector.load %arg3[%swap3A, %swap3A_80, %swap3A_81] : memref<8x64x128xf32, #tpu.memory_space<vmem>>, vector<8x8x128xf32>
    tpu.vector_store %arg3[%swap3A, %swap3A_80, %swap3A_81], %reshape3A {strides = array<i32>} : memref<8x64x128xf32, #tpu.memory_space<vmem>>, vector<8x8x128xf32>,
    %slice3A_83 = vector.extract_strided_slice %dot_general3A_79 {offsets = [0, 128], sizes = [64, 128], strides = [1, 1]} : vector<64x1024xf32> to vector<64x128xf32>
    %reshape3A_84 = vector.shape_cast %slice3A_83 : vector<64x128xf32> to vector<8x8x128xf32>
    %swap3A_85 = arith.constant 0 : index
    %swap3A_86 = arith.constant 8 : index
    %swap3A_87 = arith.constant 0 : index
    %swap3A_88 = vector.load %arg3[%swap3A_85, %swap3A_86, %swap3A_87] : memref<8x64x128xf32, #tpu.memory_space<vmem>>, vector<8x8x128xf32>
    tpu.vector_store %arg3[%swap3A_85, %swap3A_86, %swap3A_87], %reshape3A_84 {strides = array<i32>} : memref<8x64x128xf32, #tpu.memory_space<vmem>>, vector<8x8x128xf32>,
    %slice3A_89 = vector.extract_strided_slice %dot_general3A_79 {offsets = [0, 256], sizes = [64, 128], strides = [1, 1]} : vector<64x1024xf32> to vector<64x128xf32>
    %reshape3A_90 = vector.shape_cast %slice3A_89 : vector<64x128xf32> to vector<8x8x128xf32>
    %swap3A_91 = arith.constant 0 : index
    %swap3A_92 = arith.constant 16 : index
    %swap3A_93 = arith.constant 0 : index
    %swap3A_94 = vector.load %arg3[%swap3A_91, %swap3A_92, %swap3A_93] : memref<8x64x128xf32, #tpu.memory_space<vmem>>, vector<8x8x128xf32>
    tpu.vector_store %arg3[%swap3A_91, %swap3A_92, %swap3A_93], %reshape3A_90 {strides = array<i32>} : memref<8x64x128xf32, #tpu.memory_space<vmem>>, vector<8x8x128xf32>,
    %slice3A_95 = vector.extract_strided_slice %dot_general3A_79 {offsets = [0, 384], sizes = [64, 128], strides = [1, 1]} : vector<64x1024xf32> to vector<64x128xf32>
    %reshape3A_96 = vector.shape_cast %slice3A_95 : vector<64x128xf32> to vector<8x8x128xf32>
    %swap3A_97 = arith.constant 0 : index
    %swap3A_98 = arith.constant 24 : index
    %swap3A_99 = arith.constant 0 : index
    %swap3A_100 = vector.load %arg3[%swap3A_97, %swap3A_98, %swap3A_99] : memref<8x64x128xf32, #tpu.memory_space<vmem>>, vector<8x8x128xf32>
    tpu.vector_store %arg3[%swap3A_97, %swap3A_98, %swap3A_99], %reshape3A_96 {strides = array<i32>} : memref<8x64x128xf32, #tpu.memory_space<vmem>>, vector<8x8x128xf32>,
    %slice3A_101 = vector.extract_strided_slice %dot_general3A_79 {offsets = [0, 512], sizes = [64, 128], strides = [1, 1]} : vector<64x1024xf32> to vector<64x128xf32>
    %reshape3A_102 = vector.shape_cast %slice3A_101 : vector<64x128xf32> to vector<8x8x128xf32>
    %swap3A_103 = arith.constant 0 : index
    %swap3A_104 = arith.constant 32 : index
    %swap3A_105 = arith.constant 0 : index
    %swap3A_106 = vector.load %arg3[%swap3A_103, %swap3A_104, %swap3A_105] : memref<8x64x128xf32, #tpu.memory_space<vmem>>, vector<8x8x128xf32>
    tpu.vector_store %arg3[%swap3A_103, %swap3A_104, %swap3A_105], %reshape3A_102 {strides = array<i32>} : memref<8x64x128xf32, #tpu.memory_space<vmem>>, vector<8x8x128xf32>,
    %slice3A_107 = vector.extract_strided_slice %dot_general3A_79 {offsets = [0, 640], sizes = [64, 128], strides = [1, 1]} : vector<64x1024xf32> to vector<64x128xf32>
    %reshape3A_108 = vector.shape_cast %slice3A_107 : vector<64x128xf32> to vector<8x8x128xf32>
    %swap3A_109 = arith.constant 0 : index
    %swap3A_110 = arith.constant 40 : index
    %swap3A_111 = arith.constant 0 : index
    %swap3A_112 = vector.load %arg3[%swap3A_109, %swap3A_110, %swap3A_111] : memref<8x64x128xf32, #tpu.memory_space<vmem>>, vector<8x8x128xf32>
    tpu.vector_store %arg3[%swap3A_109, %swap3A_110, %swap3A_111], %reshape3A_108 {strides = array<i32>} : memref<8x64x128xf32, #tpu.memory_space<vmem>>, vector<8x8x128xf32>,
    %slice3A_113 = vector.extract_strided_slice %dot_general3A_79 {offsets = [0, 768], sizes = [64, 128], strides = [1, 1]} : vector<64x1024xf32> to vector<64x128xf32>
    %reshape3A_114 = vector.shape_cast %slice3A_113 : vector<64x128xf32> to vector<8x8x128xf32>
    %swap3A_115 = arith.constant 0 : index
    %swap3A_116 = arith.constant 48 : index
    %swap3A_117 = arith.constant 0 : index
    %swap3A_118 = vector.load %arg3[%swap3A_115, %swap3A_116, %swap3A_117] : memref<8x64x128xf32, #tpu.memory_space<vmem>>, vector<8x8x128xf32>
    tpu.vector_store %arg3[%swap3A_115, %swap3A_116, %swap3A_117], %reshape3A_114 {strides = array<i32>} : memref<8x64x128xf32, #tpu.memory_space<vmem>>, vector<8x8x128xf32>,
    %slice3A_119 = vector.extract_strided_slice %dot_general3A_79 {offsets = [0, 896], sizes = [64, 128], strides = [1, 1]} : vector<64x1024xf32> to vector<64x128xf32>
    %reshape3A_120 = vector.shape_cast %slice3A_119 : vector<64x128xf32> to vector<8x8x128xf32>
    %swap3A_121 = arith.constant 0 : index
    %swap3A_122 = arith.constant 56 : index
    %swap3A_123 = arith.constant 0 : index
    %swap3A_124 = vector.load %arg3[%swap3A_121, %swap3A_122, %swap3A_123] : memref<8x64x128xf32, #tpu.memory_space<vmem>>, vector<8x8x128xf32>
    tpu.vector_store %arg3[%swap3A_121, %swap3A_122, %swap3A_123], %reshape3A_120 {strides = array<i32>} : memref<8x64x128xf32, #tpu.memory_space<vmem>>, vector<8x8x128xf32>,
    return
  }
  func.func @transform_0(%arg0: i32) -> (i32, i32, i32) {
    %c0_i32 = arith.constant 0 : i32
    %c0_i32_0 = arith.constant 0 : i32
    %c0_i32_1 = arith.constant 0 : i32
    return %arg0, %c0_i32, %c0_i32_0 : i32, i32, i32
  }
  func.func @transform_1(%arg0: i32) -> (i32, i32) {
    %c0_i32 = arith.constant 0 : i32
    %c0_i32_0 = arith.constant 0 : i32
    %c0_i32_1 = arith.constant 0 : i32
    return %c0_i32, %c0_i32_0 : i32, i32
  }
  func.func @transform_2(%arg0: i32) -> (i32, i32, i32) {
    %c0_i32 = arith.constant 0 : i32
    %c0_i32_0 = arith.constant 0 : i32
    %c0_i32_1 = arith.constant 0 : i32
    return %c0_i32, %arg0, %c0_i32_0 : i32, i32, i32
  }
}

</mosaic_0001>

<sc_bundles>
// kernel: kernel.5.cloned.1.call-start
scs
__scs_entry_jumppad:
0x0: {  	(pc) =	sbr.rel $0x88, $3  }
0x1: {  	(tag) =	ssettag $0x0;
	lr =	simm.s32 $0x1  }
0x2: {  	[smem:$0x3F9A] =	sst lr;
	_ =	strace $0xD0000000  }
0x3: {  	_ = 	snop  }
0x4: {  	_ = 	snop  }
0x5: {  	_ = 	snop  }
0x6: {  	_ = 	snop  }
0x7: {  	_ = 	snop  }
__scs_overlays_trampoline_lowered:
0x8: {  	[smem:$0x3FA9] =	sst s0  }
0x9: {  	[smem:$0x3FAA] =	sst s1  }
0xa: {  	[smem:$0x3FAB] =	sst s2  }
0xb: {  	[smem:$0x3FAC] =	sst s3  }
0xc: {  	[smem:$0x3FAD] =	sst s4  }
0xd: {  	[smem:$0x3FAE] =	sst s5  }
0xe: {  	[smem:$0x3FAF] =	sst s6  }
0xf: {  	[smem:$0x3FB0] =	sst s7  }
0x10: {  	[smem:$0x3FB1] =	sst s8  }
0x11: {  	[smem:$0x3FB2] =	sst s9;
	s0 =	simm.s32 @!p0 $0x0  }
0x12: {  	s1 =	sld [smem:$0x3F98];
	s0 =	simm.s32 @p0 $0x1  }
0x13: {  	[smem:$0x3FB3] =	sst s0;
	s0 =	simm.s32 @!p1 $0x0  }
0x14: {  	s2 =	sld [smem:$0x3F97];
	s0 =	simm.s32 @p1 $0x1  }
0x15: {  	[smem:$0x3FB4] =	sst s0;
	s0 =	simm.s32 @!p2 $0x0  }
0x16: {  	s3 =	sld [smem:$0x3FDB];
	s0 =	simm.s32 @p2 $0x1  }
0x17: {  	s4 =	simm.s32 $0x1BF5;
	[smem:$0x3FB6] =	sst s0  }
0x18: {  	s0 =	sld [smem:$0x3F99];
	_ =	swait.ge [sflag:s4], $0x0  }
0x19: {  	s7 =	sld [smem:$0x3F9A]  }
0x1a: {  	s8 =	sadd.s32 $0xFFFFE003, lr  }
0x1b: {  	s9 =	sadd.s32 $0xFFFFFEF7, lr;
	s5 =	simm.s32 $0xFFFFFFFF;
	p2 =	slt.u32 s8, $0xFFFFF086  }
0x1c: {  	p1 =	slt.u32 s9, $0xF7A;
	s5 =	simm.s32 @!p2 $0x0  }
0x1d: {  	s5 =	simm.s32 @p1 $0x1;
	p0 =	seq.s32 s7, s2  }
0x1e: {  	s7 =	smul.u32 @!p0 $0xF7A, s2;
	p2 =	seq.s32 @!p0 s5, $0x0  }
0x1f: {  	s9 =	smul.u32 $0xF7A, s1;
	s8 =	simm.s32 @!p0 $0x1BF5;
	p2 =	por !p2, p0  }
0x20: {  	[sflag:s8] =	ssyncset.s32 @!p0 $0xFFFFF086;
	s6 =	sadd.s32 @!p0 s3, s7;
	s7 =	simm.s32 @!p0 $0x108  }
0x21: {  	s3 =	sadd.s32 s3, s9;
	s6 =	sadd.s32 @!p0 $0x88, s6;
	s7 =	simm.s32 @p2 $0x1082  }
0x22: {  	[simem:s7], [sflag:s8] =	dma.local @!p0 [hbm:s6], $0xF7A  }
0x23: {  	s9 =	sor.u32 $0xD0000000, s2;
	s6 =	simm.s32 $0x108;
	_ =	swait.ge @!p0 [sflag:s8], $0x0  }
0x24: {  	s3 =	sadd.s32 $0x88, s3;
	s6 =	simm.s32 @!p1 $0x1082;
	[sflag:s4] =	ssyncset.s32 $0xFFFFF086  }
0x25: {  	[simem:s6], [sflag:s4] =	dma.local [hbm:s3], $0xF7A  }
0x26: {  	[smem:$0x3F9A] =	sst s1;
	(tag) =	ssettag s2;
	_ =	strace s9  }
0x27: {  	s1 =	sld [smem:$0x3FAA]  }
0x28: {  	s2 =	sld [smem:$0x3FAB]  }
0x29: {  	s4 =	sld [smem:$0x3FAD]  }
0x2a: {  	p0 =	seq.s32 s5, $0x0;
	s5 =	sld [smem:$0x3FAE]  }
0x2b: {  	s6 =	sld [smem:$0x3FAF]  }
0x2c: {  	s7 =	sld [smem:$0x3FB0]  }
0x2d: {  	s3 =	simm.s32 $0x108;
	s8 =	sld [smem:$0x3FB1]  }
0x2e: {  	s3 =	simm.s32 @!p0 $0x1082;
	s9 =	sld [smem:$0x3FB2]  }
0x2f: {  	lr =	sadd.s32 s0, s3;
	s0 =	sld [smem:$0x3FA9]  }
0x30: {  	s3 =	sld [smem:$0x3FAC]  }
0x31: {  	[smem:$0x3FB5] =	sst s10  }
0x32: {  	s10 =	sld [smem:$0x3FB3];
	_ =	sdelay $0x3  }
0x33: {  	p0 =	seq.s32 s10, $0x1;
	s10 =	sld [smem:$0x3FB5];
	_ =	sdelay $0x3  }
0x34: {  	[smem:$0x3FB5] =	sst s10  }
0x35: {  	s10 =	sld [smem:$0x3FB4];
	_ =	sdelay $0x3  }
0x36: {  	p1 =	seq.s32 s10, $0x1;
	s10 =	sld [smem:$0x3FB5];
	_ =	sdelay $0x3  }
0x37: {  	[smem:$0x3FB5] =	sst s10  }
0x38: {  	s10 =	sld [smem:$0x3FB6]  }
0x39: {  	_ = 	snop;
	(pc) =	sbr.ind lr, $3  }
0x3a: {  	_ = 	snop  }
0x3b: {  	_ = 	snop  }
0x3c: {  	p2 =	seq.s32 s10, $0x1;
	s10 =	sld [smem:$0x3FB5]  }
0x3d: {  	_ =	shalt  }
0x3e: {  	_ =	shalt  }
0x3f: {  	_ =	shalt  }
0x40: {  	_ =	shalt  }
0x41: {  	_ =	shalt  }
0x42: {  	_ =	shalt  }
0x43: {  	_ =	shalt  }
0x44: {  	_ =	shalt  }
0x45: {  	_ =	shalt  }
0x46: {  	_ =	shalt  }
0x47: {  	_ =	shalt  }
0x48: {  	_ =	shalt  }
0x49: {  	_ =	shalt  }
0x4a: {  	_ =	shalt  }
0x4b: {  	_ =	shalt  }
0x4c: {  	_ =	shalt  }
0x4d: {  	_ =	shalt  }
0x4e: {  	_ =	shalt  }
0x4f: {  	_ =	shalt  }
0x50: {  	_ =	shalt  }
0x51: {  	_ =	shalt  }
0x52: {  	_ =	shalt  }
0x53: {  	_ =	shalt  }
0x54: {  	_ =	shalt  }
0x55: {  	_ =	shalt  }
0x56: {  	_ =	shalt  }
0x57: {  	_ =	shalt  }
0x58: {  	_ =	shalt  }
0x59: {  	_ =	shalt  }
0x5a: {  	_ =	shalt  }
0x5b: {  	_ =	shalt  }
0x5c: {  	_ =	shalt  }
0x5d: {  	_ =	shalt  }
0x5e: {  	_ =	shalt  }
0x5f: {  	_ =	shalt  }
0x60: {  	_ =	shalt  }
0x61: {  	_ =	shalt  }
0x62: {  	_ =	shalt  }
0x63: {  	_ =	shalt  }
0x64: {  	_ =	shalt  }
0x65: {  	_ =	shalt  }
0x66: {  	_ =	shalt  }
0x67: {  	_ =	shalt  }
0x68: {  	_ =	shalt  }
0x69: {  	_ =	shalt  }
0x6a: {  	_ =	shalt  }
0x6b: {  	_ =	shalt  }
0x6c: {  	_ =	shalt  }
0x6d: {  	_ =	shalt  }
0x6e: {  	_ =	shalt  }
0x6f: {  	_ =	shalt  }
0x70: {  	_ =	shalt  }
0x71: {  	_ =	shalt  }
0x72: {  	_ =	shalt  }
0x73: {  	_ =	shalt  }
0x74: {  	_ =	shalt  }
0x75: {  	_ =	shalt  }
0x76: {  	_ =	shalt  }
0x77: {  	_ =	shalt  }
0x78: {  	_ =	shalt  }
0x79: {  	_ =	shalt  }
0x7a: {  	_ =	shalt  }
0x7b: {  	_ =	shalt  }
0x7c: {  	_ =	shalt  }
0x7d: {  	_ =	shalt  }
0x7e: {  	_ =	shalt  }
0x7f: {  	_ =	shalt  }
0x80: {  	_ =	shalt  }
0x81: {  	_ =	shalt  }
0x82: {  	_ =	shalt  }
0x83: {  	_ =	shalt  }
0x84: {  	_ =	shalt  }
0x85: {  	_ =	shalt  }
0x86: {  	_ =	shalt  }
0x87: {  	_ =	shalt  }
.Lfunc_end0:
.L_simem_size_0:
called_computation_lowered:
.L_overlay_start_0:
0x88: {  	s2 =	sld [smem:$0x3FD9]  }
0x89: {  	s3 =	sld [smem:$0x3FFE];
	_ =	sdelay $0x1  }
0x8a: {  	s1 =	srdreg.scid  }
0x8b: {  	s0 =	sand.u32 $0x1, s1  }
0x8c: {  	s14 =	sshll.u32 s0, $0xA;
	s2 =	sadd.s32 s3, s2  }
0x8d: {  	s2 =	sadd.s32 s2, s14  }
0x8e: {  	[smem:$0x3FC1] =	sst s2  }
0x8f: {  	_ = 	snop  }
0x90: {  	s2 =	sld [smem:$0x3FD0];
	_ =	sdelay $0x2  }
0x91: {  	s4 =	simm.s32 $0xA;
	s5 =	simm.s32 $0x10;
	s15 =	sld [smem:$0x3FC6]  }
0x92: {  	[smem:s5], [sflag:s4] =	dma.local [hbm:s2], $0x1  }
0x93: {  	_ =	swait.eq [sflag:s4], $0x1  }
0x94: {  	s16 =	sld [smem:$0x10];
	[sflag:s4] =	ssyncset.done $0x0  }
0x95: {  	s17 =	sld [smem:$0x12];
	[sflag:s4] =	ssyncadd.s32 $0xFFFFFFFF  }
0x96: {  	s18 =	sld [smem:$0x13];
	(tm) =	ssettm $0x1  }
0x97: {  	s6 =	sld [smem:$0x3FFB];
	_ =	sdelay $0x3  }
0x98: {  	_ =	strace s6  }
0x99: {  	s6 =	sld [smem:$0x3FFC];
	_ =	sdelay $0x3  }
0x9a: {  	_ =	strace s6  }
0x9b: {  	s6 =	sld [smem:$0x3FFD];
	_ =	sdelay $0x3  }
0x9c: {  	_ =	strace s6  }
0x9d: {  	_ =	strace $0x8FFFFFFF  }
0x9e: {  	s19 =	sld [smem:$0x3FDB];
	_ =	sdelay $0x1  }
0x9f: {  	s7 =	simm.s32 $_scs_section_size  }
0xa0: {  	s8 =	simm.s32 $_size__tile_overlayer_lowered;
	s9 =	simm.s32 $_tile_overlayer_lowered  }
0xa1: {  	s22 =	simm.s32 $0x1BFF;
	s21 =	sshll.u32 s9, $0x1;
	s6 =	sadd.s32 s7, s19  }
0xa2: {  	s10 =	simm.s32 $0x0;
	s20 =	sshll.u32 s8, $0x1;
	s8 =	sadd.s32 s21, s6  }
0xa3: {  	[timem:s10], [sflag:s22] =	dma.local [hbm:s8], s20  }
0xa4: {  	_ =	swait.ge [sflag:s22], s20  }
0xa5: {  	s7 =	ssub.s32 $0x0, s20;
	[sflag:s22] =	ssyncset.done $0x0  }
0xa6: {  	[sflag:s22] =	ssyncadd.s32 s7;
	_ =	sdelay $0x1  }
0xa7: {  	s23 =	simm.s32 $0x1B8B  }
0xa8: {  	_ =	swait.ge [sflag:s23], $0x1  }
0xa9: {  	[sflag:s23] =	ssyncset.done $0x0  }
0xaa: {  	s25 =	simm.s32 $0x1B8E;
	s24 =	sld [smem:$0x3FFE];
	[sflag:s23] =	ssyncadd.s32 $0xFFFFFFFF  }
0xab: {  	s26 =	simm.s32 $execute0_lowered;
	[smem:$0x3FD2] =	sst s25  }
0xac: {  	s8 =	sshll.u32 s26, $0x1;
	_ =	strace $0x80000046;
	[dreg:$0x1] =	wrdreg $0xFFFFFFFF  }
0xad: {  	s28 =	simm.s32 $_size_execute0_lowered;
	s6 =	sadd.s32 s6, s8;
	[dreg:$0x0] =	wrdreg $0x0  }
0xae: {  	s8 =	sshll.u32 s28, $0x1;
	[dreg:$0x2] =	wrdreg s6  }
0xaf: {  	[dreg:$0x3] =	wrdreg s8  }
0xb0: {  	[dreg:$0x4] =	wrdreg $0xC0  }
0xb1: {  	_ =	task [dreg:s10], $0x5FFFF  }
0xb2: {  	[dreg:$0x1] =	wrdreg $0xFFFFFFFF  }
0xb3: {  	[dreg:$0x0] =	wrdreg $0x60  }
0xb4: {  	[dreg:$0x2] =	wrdreg s24  }
0xb5: {  	[dreg:$0x3] =	wrdreg s15  }
0xb6: {  	[dreg:$0x4] =	wrdreg s16  }
0xb7: {  	[dreg:$0x5] =	wrdreg s17  }
0xb8: {  	[dreg:$0x6] =	wrdreg s18  }
0xb9: {  	[dreg:$0x7] =	wrdreg $0x9  }
0xba: {  	_ =	task.clear_ibuf [dreg:s10], $0x8FFFF;
	_ =	strace $0x90000046  }
0xbb: {  	s29 =	simm.s32 $0x9;
	_ =	strace $0x80000048  }
0xbc: {  	_ =	swait.ge [sflag:s29], $0x1  }
0xbd: {  	[sflag:s29] =	ssyncadd.s32 $0xFFFFFFFF  }
0xbe: {  	_ =	strace $0x90000048  }
0xbf: {  	_ =	sfence  }
0xc0: {  	s30 =	sld [smem:$0x0];
	_ =	sdelay $0x2  }
0xc1: {  	s31 =	sshll.u32 s1, $0xD;
	s1 =	sshrl.u32 s1, $0x2  }
0xc2: {  	s3 =	sand.u32 $0x4000, s31;
	s1 =	sadd.s32 s1, s30  }
0xc3: {  	s0 =	sor.u32 s3, s0;
	s1 =	sshll.u32 s1, $0x11  }
0xc4: {  	s0 =	sor.u32 s1, s0  }
0xc5: {  	s0 =	sadd.s32 $0x8F2B, s0  }
0xc6: {  	[sflag:s0] =	ssyncadd.remote.s32 $0x1  }
0xc7: {  	_ =	sfence.sel $0xFFFF  }
0xc8: {  	[dreg:$0x0] =	wrdreg $0xFFFFFFFF;
	(pc) =	sbr.abs _section_cstart, $3  }
0xc9: {  	[dreg:$0x1] =	wrdreg $0xFFFFFFFF  }
0xca: {  	_ =	task.clear_ibuf [dreg:s10], $0x2FFFF;
	_ =	strace $0x9FFFFFFF  }
0xcb: {  	(tm) =	ssettm $0x7FFFFFFF  }
tec
execute0_lowered:
.L_overlay_start_1:
0x0: {  	(tag) =	ssettag $0x1  }
0x1: {  	s0 =	rddreg [dreg:$0x0]  }
0x2: {  	s1 =	rddreg [dreg:$0x1]  }
0x3: {  	s4 =	rddreg [dreg:$0x2]  }
0x4: {  	s5 =	rddreg [dreg:$0x3]  }
0x5: {  	s2 =	srdreg.scid;
	s7 =	stileid.u32  }
0x6: {  	s6 =	rddreg [dreg:$0x4];
	s29 =	simm.s32 $0x80;
	s30 =	simm.s32 $0xA00  }
0x7: {  	s3 =	sand.u32 $0x1, s2;
	s7 =	sshll.u32 s7, $0x1;
	s2 =	simm.s32 $0x0  }
0x8: {  	s31 =	simm.s32 $0x4A00;
	s7 =	sor.u32 s3, s7;
	[smem:$0x7FF] =	sst s2  }
0x9: {  	s9 =	ssub.s32 $0x2, s3;
	s3 =	sadd.s32 $0x3200, s0;
	s8 =	sshll.u32 s7, $0x6  }
0xa: {  	_ =	strace $0x80000047;
	s11 =	sshrl.u32 s9, $0x1;
	s25 =	sshll.u32 s7, $0x9  }
0xb: {  	s10 =	sadd.s32 s8, s0;
	s0 =	sadd.s32 $0xC6A00, s0;
	s1 =	sadd.s32 s1, s8  }
0xc: {  	s7 =	sor.u32 $0x80, s25;
	s26 =	sor.u32 $0x100, s25;
	s28 =	sor.u32 $0x180, s25  }
0xd: {  	s14 =	sadd.s32 s5, s25;
	s18 =	sadd.s32 s6, s25;
	[dreg:$0x6] =	wrdreg s0  }
0xe: {  	s0 =	ssub.s32 s9, s11;
	s21 =	sadd.s32 $0x1A00, s10;
	s22 =	sadd.s32 $0x2A00, s10  }
0xf: {  	[dreg:$0x9] =	wrdreg s1;
	s23 =	sadd.s32 $0x1200, s10;
	s24 =	sadd.s32 $0x2200, s10  }
0x10: {  	s10 =	sadd.s32 s4, s25;
	s11 =	sadd.s32 s4, s7;
	s12 =	sadd.s32 s4, s26  }
0x11: {  	s13 =	sadd.s32 s4, s28;
	s15 =	sadd.s32 s5, s7;
	s16 =	sadd.s32 s5, s26  }
0x12: {  	s17 =	sadd.s32 s5, s28;
	s19 =	sadd.s32 s6, s7;
	[dreg:$0x7] =	wrdreg s21  }
0x13: {  	s20 =	sadd.s32 s6, s26;
	s4 =	simm.s32 $0x200;
	[dreg:$0x8] =	wrdreg s22  }
0x14: {  	v0 =	vlaneseq.u32;
	s26 =	simm.s32 $0xCA00;
	s7 =	simm.s32 $0x12C00;
	[dreg:$0xa] =	wrdreg s23  }
0x15: {  	v1 =	vmul.u32 $0x88, v0;
	s5 =	simm.s32 $0x17000;
	s25 =	simm.s32 $0x0;
	[dreg:$0xb] =	wrdreg s24  }
0x16: {  	v2 =	vor.u32 $0x10, v0;
	v4 =	vor.u32 $0x20, v0;
	v6 =	vor.u32 $0x30, v0;
	s21 =	sadd.s32 s6, s28;
	s0 =	smax.u32 s0, $0x1;
	s23 =	simm.s32 $0x10A00  }
0x17: {  	v3 =	vadd.s32 $0x880, v1;
	v5 =	vadd.s32 $0x1100, v1;
	v7 =	vadd.s32 $0x1980, v1;
	s22 =	simm.s32 $0x14E00;
	[dreg:$0xc] =	wrdreg s0;
	s0 =	simm.s32 $0x8A00  }
.LBB2_1:
0x18: {  	s1 =	rddreg [dreg:$0x7]  }
0x19: {  	[tilespmem:s2], [sflag:$0x9] =	stream.linear.gather [hbm4b:s1+s2], $0x200, $0x38;
	[tilespmem:$0x19200] =	vst v63  }
0x1a: {  	s24 =	rddreg [dreg:$0x8]  }
0x1b: {  	[tilespmem:s4], [sflag:$0xA] =	stream.linear.gather [hbm4b:s24+s2], $0x200, $0x38;
	[tilespmem:$0x19200] =	vst v63  }
0x1c: {  	s28 =	rddreg [dreg:$0x9];
	s6 =	simm.s32 $0x400  }
0x1d: {  	[tilespmem:s6], [sflag:$0xB] =	stream.linear.gather [hbm4b:s28+s2], $0x200, $0x38;
	[tilespmem:$0x19200] =	vst v63  }
0x1e: {  	s8 =	rddreg [dreg:$0xa];
	s9 =	simm.s32 $0x600  }
0x1f: {  	[tilespmem:s9], [sflag:$0xC] =	stream.linear.gather [hbm4b:s8+s2], $0x200, $0x38;
	[tilespmem:$0x19200] =	vst v63  }
0x20: {  	s24 =	rddreg [dreg:$0xb];
	s28 =	simm.s32 $0x800;
	s6 =	simm.s32 $0x9  }
0x21: {  	[tilespmem:s28], [sflag:$0xD] =	stream.linear.gather [hbm4b:s24+s2], $0x200, $0x38;
	[tilespmem:$0x19200] =	vst v63  }
0x22: {  	_ =	swait.ge [sflag:s6], $0x200  }
0x23: {  	[sflag:s6] =	ssyncset.done $0x0  }
0x24: {  	[sflag:s6] =	ssyncadd.s32 $0xFFFFFE00  }
0x25: {  	[tilespmem:s30], [sflag:$0x1] =	stream.indirect.gather [hbm4b:s3+s29], $0x80, s2, s29, $0xb8;
	[tilespmem:$0x19200] =	vst v63  }
0x26: {  	_ = 	snop  }
0x27: {  	[tilespmem:s31], [sflag:$0x2] =	stream.indirect.gather [hbm4b:s3+s29], $0x80, s29, s29, $0xb8;
	[tilespmem:$0x19200] =	vst v63  }
0x28: {  	s8 =	simm.s32 $0x100  }
0x29: {  	[tilespmem:s0], [sflag:$0x3] =	stream.indirect.gather [hbm4b:s3+s29], $0x80, s8, s29, $0xb8;
	[tilespmem:$0x19200] =	vst v63  }
0x2a: {  	s9 =	simm.s32 $0x180;
	s24 =	simm.s32 $0xC  }
0x2b: {  	[tilespmem:s26], [sflag:$0x4] =	stream.indirect.gather [hbm4b:s3+s29], $0x80, s9, s29, $0xb8;
	[tilespmem:$0x19200] =	vst v63  }
0x2c: {  	_ =	swait.ge [sflag:s24], $0x200  }
0x2d: {  	[sflag:s24] =	ssyncset.done $0x0  }
0x2e: {  	s28 =	simm.s32 $0x1;
	[sflag:s24] =	ssyncadd.s32 $0xFFFFFE00  }
0x2f: {  	_ =	swait.ge [sflag:s28], $0x4000  }
0x30: {  	[sflag:s28] =	ssyncset.done $0x0  }
0x31: {  	s6 =	simm.s32 $0x0;
	[sflag:s28] =	ssyncadd.s32 $0xFFFFC000  }
.LBB2_2:
0x32: {  	v8 =	vmov s6  }
0x33: {  	v9 =	vand.u32 $0x7C, v8  }
0x34: {  	v10 =	vor.u32 $0x600, v9;
	_ =	sdelay $0x4  }
0x35: {  	v10 =	vld.idx.msk [tilespmem:v10+s2+$0x0], $0xffff;
	_ =	sdelay $0x4  }
0x36: {  	v11 =	vadd.s32 v0, v10  }
0x37: {  	v8 =	vshll.u32 v8, $0x7;
	v12 =	vand.u32 $0xFFFFFFF8, v11  }
0x38: {  	v11 =	vand.u32 $0x7, v11;
	v12 =	vadd.s32 v8, v12  }
0x39: {  	v11 =	vor.u32 v11, v12;
	_ =	sdelay $0x2  }
0x3a: {  	v16 =	vadd.s32 v2, v10  }
0x3b: {  	v13 =	vand.u32 $0xFFFFFFF8, v16  }
0x3c: {  	v14 =	vadd.s32 v1, v9;
	v13 =	vadd.s32 v8, v13;
	v12 =	vand.u32 $0x7, v16;
	v11 =	vld.idx.msk [tilespmem:v11+s30+$0x0], $0xffff  }
0x3d: {  	v12 =	vor.u32 v12, v13;
	_ =	sdelay $0x2  }
0x3e: {  	v17 =	vadd.s32 v4, v10  }
0x3f: {  	v18 =	vand.u32 $0xFFFFFFF8, v17;
	[tilespmem:v14+s23+$0x0] =	vst.idx.msk $0xffff, v11  }
0x40: {  	v19 =	vadd.s32 v3, v9;
	v13 =	vand.u32 $0x7, v17;
	v11 =	vadd.s32 v8, v18;
	v12 =	vld.idx.msk [tilespmem:v12+s30+$0x0], $0xffff  }
0x41: {  	v11 =	vor.u32 v13, v11;
	_ =	sdelay $0x2  }
0x42: {  	v10 =	vadd.s32 v6, v10  }
0x43: {  	v20 =	vand.u32 $0xFFFFFFF8, v10;
	[tilespmem:v19+s23+$0x0] =	vst.idx.msk $0xffff, v12  }
0x44: {  	v21 =	vadd.s32 v5, v9;
	v10 =	vand.u32 $0x7, v10;
	v8 =	vadd.s32 v8, v20;
	v11 =	vld.idx.msk [tilespmem:v11+s30+$0x0], $0xffff  }
0x45: {  	v8 =	vor.u32 v10, v8;
	_ =	sdelay $0x2  }
0x46: {  	s8 =	sadd.s32 $0x1, s6  }
0x47: {  	v22 =	vmov s8;
	[tilespmem:v21+s23+$0x0] =	vst.idx.msk $0xffff, v11  }
0x48: {  	v9 =	vadd.s32 v7, v9;
	v23 =	vand.u32 $0x7D, v22;
	v8 =	vld.idx.msk [tilespmem:v8+s30+$0x0], $0xffff  }
0x49: {  	v24 =	vor.u32 $0x600, v23;
	_ =	sdelay $0x3  }
0x4a: {  	[tilespmem:v9+s23+$0x0] =	vst.idx.msk $0xffff, v8  }
0x4b: {  	v8 =	vld.idx.msk [tilespmem:v24+s2+$0x0], $0xffff;
	_ =	sdelay $0x4  }
0x4c: {  	v25 =	vadd.s32 v0, v8  }
0x4d: {  	v10 =	vshll.u32 v22, $0x7;
	v26 =	vand.u32 $0xFFFFFFF8, v25  }
0x4e: {  	v9 =	vand.u32 $0x7, v25;
	v12 =	vadd.s32 v10, v26  }
0x4f: {  	v9 =	vor.u32 v9, v12;
	_ =	sdelay $0x2  }
0x50: {  	v27 =	vadd.s32 v2, v8  }
0x51: {  	v28 =	vand.u32 $0xFFFFFFF8, v27  }
0x52: {  	v29 =	vadd.s32 v1, v23;
	v13 =	vadd.s32 v10, v28;
	v12 =	vand.u32 $0x7, v27;
	v9 =	vld.idx.msk [tilespmem:v9+s30+$0x0], $0xffff  }
0x53: {  	v12 =	vor.u32 v12, v13;
	_ =	sdelay $0x2  }
0x54: {  	v30 =	vadd.s32 v4, v8  }
0x55: {  	v31 =	vand.u32 $0xFFFFFFF8, v30;
	[tilespmem:v29+s23+$0x0] =	vst.idx.msk $0xffff, v9  }
0x56: {  	v32 =	vadd.s32 v3, v23;
	v13 =	vand.u32 $0x7, v30;
	v9 =	vadd.s32 v10, v31;
	v12 =	vld.idx.msk [tilespmem:v12+s30+$0x0], $0xffff  }
0x57: {  	v9 =	vor.u32 v13, v9;
	_ =	sdelay $0x2  }
0x58: {  	v8 =	vadd.s32 v6, v8  }
0x59: {  	v33 =	vand.u32 $0xFFFFFFF8, v8;
	[tilespmem:v32+s23+$0x0] =	vst.idx.msk $0xffff, v12  }
0x5a: {  	v34 =	vadd.s32 v5, v23;
	v8 =	vand.u32 $0x7, v8;
	v10 =	vadd.s32 v10, v33;
	v9 =	vld.idx.msk [tilespmem:v9+s30+$0x0], $0xffff  }
0x5b: {  	v8 =	vor.u32 v8, v10;
	_ =	sdelay $0x2  }
0x5c: {  	s24 =	sadd.s32 $0x2, s6  }
0x5d: {  	v35 =	vmov s24;
	[tilespmem:v34+s23+$0x0] =	vst.idx.msk $0xffff, v9  }
0x5e: {  	v37 =	vand.u32 $0x7E, v35;
	v36 =	vadd.s32 v7, v23;
	v8 =	vld.idx.msk [tilespmem:v8+s30+$0x0], $0xffff  }
0x5f: {  	v38 =	vor.u32 $0x600, v37;
	_ =	sdelay $0x3  }
0x60: {  	[tilespmem:v36+s23+$0x0] =	vst.idx.msk $0xffff, v8  }
0x61: {  	v8 =	vld.idx.msk [tilespmem:v38+s2+$0x0], $0xffff;
	_ =	sdelay $0x4  }
0x62: {  	v39 =	vadd.s32 v0, v8  }
0x63: {  	v9 =	vshll.u32 v35, $0x7;
	v40 =	vand.u32 $0xFFFFFFF8, v39  }
0x64: {  	v10 =	vand.u32 $0x7, v39;
	v12 =	vadd.s32 v9, v40  }
0x65: {  	v10 =	vor.u32 v10, v12;
	_ =	sdelay $0x2  }
0x66: {  	v41 =	vadd.s32 v2, v8  }
0x67: {  	v42 =	vand.u32 $0xFFFFFFF8, v41  }
0x68: {  	v43 =	vadd.s32 v1, v37;
	v13 =	vadd.s32 v9, v42;
	v12 =	vand.u32 $0x7, v41;
	v10 =	vld.idx.msk [tilespmem:v10+s30+$0x0], $0xffff  }
0x69: {  	v12 =	vor.u32 v12, v13;
	_ =	sdelay $0x2  }
0x6a: {  	v44 =	vadd.s32 v4, v8  }
0x6b: {  	v45 =	vand.u32 $0xFFFFFFF8, v44;
	[tilespmem:v43+s23+$0x0] =	vst.idx.msk $0xffff, v10  }
0x6c: {  	v46 =	vadd.s32 v3, v37;
	v13 =	vand.u32 $0x7, v44;
	v10 =	vadd.s32 v9, v45;
	v12 =	vld.idx.msk [tilespmem:v12+s30+$0x0], $0xffff  }
0x6d: {  	v10 =	vor.u32 v13, v10;
	_ =	sdelay $0x2  }
0x6e: {  	v8 =	vadd.s32 v6, v8  }
0x6f: {  	v47 =	vand.u32 $0xFFFFFFF8, v8;
	[tilespmem:v46+s23+$0x0] =	vst.idx.msk $0xffff, v12  }
0x70: {  	v48 =	vadd.s32 v5, v37;
	v8 =	vand.u32 $0x7, v8;
	v9 =	vadd.s32 v9, v47;
	v10 =	vld.idx.msk [tilespmem:v10+s30+$0x0], $0xffff  }
0x71: {  	v8 =	vor.u32 v8, v9;
	_ =	sdelay $0x2  }
0x72: {  	s28 =	sadd.s32 $0x3, s6  }
0x73: {  	v49 =	vmov s28;
	[tilespmem:v48+s23+$0x0] =	vst.idx.msk $0xffff, v10  }
0x74: {  	v51 =	vand.u32 $0x7F, v49;
	v50 =	vadd.s32 v7, v37;
	v8 =	vld.idx.msk [tilespmem:v8+s30+$0x0], $0xffff  }
0x75: {  	v52 =	vor.u32 $0x600, v51;
	_ =	sdelay $0x3  }
0x76: {  	[tilespmem:v50+s23+$0x0] =	vst.idx.msk $0xffff, v8  }
0x77: {  	v8 =	vld.idx.msk [tilespmem:v52+s2+$0x0], $0xffff;
	_ =	sdelay $0x4  }
0x78: {  	v53 =	vadd.s32 v0, v8  }
0x79: {  	v9 =	vshll.u32 v49, $0x7;
	v54 =	vand.u32 $0xFFFFFFF8, v53  }
0x7a: {  	v10 =	vand.u32 $0x7, v53;
	v12 =	vadd.s32 v9, v54  }
0x7b: {  	v10 =	vor.u32 v10, v12;
	_ =	sdelay $0x2  }
0x7c: {  	v55 =	vadd.s32 v2, v8  }
0x7d: {  	v56 =	vand.u32 $0xFFFFFFF8, v55  }
0x7e: {  	v57 =	vadd.s32 v1, v51;
	v13 =	vadd.s32 v9, v56;
	v12 =	vand.u32 $0x7, v55;
	v10 =	vld.idx.msk [tilespmem:v10+s30+$0x0], $0xffff  }
0x7f: {  	v12 =	vor.u32 v12, v13;
	_ =	sdelay $0x2  }
0x80: {  	v58 =	vadd.s32 v4, v8  }
0x81: {  	v59 =	vand.u32 $0xFFFFFFF8, v58;
	[tilespmem:v57+s23+$0x0] =	vst.idx.msk $0xffff, v10  }
0x82: {  	v60 =	vadd.s32 v3, v51;
	v13 =	vand.u32 $0x7, v58;
	v10 =	vadd.s32 v9, v59;
	v12 =	vld.idx.msk [tilespmem:v12+s30+$0x0], $0xffff  }
0x83: {  	v10 =	vor.u32 v13, v10;
	_ =	sdelay $0x2  }
0x84: {  	v8 =	vadd.s32 v6, v8  }
0x85: {  	v61 =	vand.u32 $0xFFFFFFF8, v8;
	[tilespmem:v60+s23+$0x0] =	vst.idx.msk $0xffff, v12  }
0x86: {  	v62 =	vadd.s32 v5, v51;
	v8 =	vand.u32 $0x7, v8;
	v9 =	vadd.s32 v9, v61;
	v10 =	vld.idx.msk [tilespmem:v10+s30+$0x0], $0xffff  }
0x87: {  	v8 =	vor.u32 v8, v9;
	_ =	sdelay $0x3  }
0x88: {  	[tilespmem:v62+s23+$0x0] =	vst.idx.msk $0xffff, v10  }
0x89: {  	p0 =	slt.u32 s6, $0x7C;
	v63 =	vadd.s32 v7, v51;
	v8 =	vld.idx.msk [tilespmem:v8+s30+$0x0], $0xffff  }
.Ltmp0:
0x8a: {  	_ = 	snop;
	(pc) =	sbr.rel @p0 .LBB2_2-.Ltmp0, $2  }
0x8b: {  	_ =	sdelay $0x2  }
0x8c: {  	s6 =	sadd.s32 $0x4, s6;
	[tilespmem:v63+s23+$0x0] =	vst.idx.msk $0xffff, v8  }
0x8d: {  	s6 =	simm.s32 $0x10A00  }
0x8e: {  	[hbm4b:s10+s2] =	stream.linear.scatter [tilespmem:s6], [sflag:$0x5], $0x80, $0x38;
	[tilespmem:$0x19200] =	vst v63  }
0x8f: {  	s1 =	simm.s32 $0x10A88;
	s8 =	sadd.s32 $0x10, s10  }
0x90: {  	[hbm4b:s8+s2] =	stream.linear.scatter [tilespmem:s1], [sflag:$0x5], $0x80, $0x38;
	[tilespmem:$0x19200] =	vst v63  }
0x91: {  	s9 =	sadd.s32 $0x20, s10;
	s8 =	simm.s32 $0x10B10  }
0x92: {  	[hbm4b:s9+s2] =	stream.linear.scatter [tilespmem:s8], [sflag:$0x5], $0x80, $0x38;
	[tilespmem:$0x19200] =	vst v63  }
0x93: {  	s24 =	simm.s32 $0x10B98;
	s1 =	sadd.s32 $0x30, s10  }
0x94: {  	[hbm4b:s1+s2] =	stream.linear.scatter [tilespmem:s24], [sflag:$0x5], $0x80, $0x38;
	[tilespmem:$0x19200] =	vst v63  }
0x95: {  	s8 =	simm.s32 $0x10C20;
	s9 =	sadd.s32 $0x40, s10  }
0x96: {  	[hbm4b:s9+s2] =	stream.linear.scatter [tilespmem:s8], [sflag:$0x5], $0x80, $0x38;
	[tilespmem:$0x19200] =	vst v63  }
0x97: {  	s28 =	sadd.s32 $0x70, s10;
	s24 =	simm.s32 $0x10CA8;
	s1 =	sadd.s32 $0x50, s10  }
0x98: {  	[hbm4b:s1+s2] =	stream.linear.scatter [tilespmem:s24], [sflag:$0x5], $0x80, $0x38;
	[tilespmem:$0x19200] =	vst v63  }
0x99: {  	s6 =	simm.s32 $0x440;
	s9 =	simm.s32 $0x10D30;
	s24 =	sadd.s32 $0x60, s10  }
0x9a: {  	[hbm4b:s24+s2] =	stream.linear.scatter [tilespmem:s9], [sflag:$0x5], $0x80, $0x38;
	[tilespmem:$0x19200] =	vst v63  }
0x9b: {  	s8 =	simm.s32 $0x2200;
	s9 =	simm.s32 $0x10DB8;
	s24 =	sadd.s32 $0x4000, s10  }
.LBB2_4:
0x9c: {  	[hbm4b:s28+s2] =	stream.linear.scatter [tilespmem:s9], [sflag:$0x5], $0x80, $0x38;
	[tilespmem:$0x19200] =	vst v63  }
0x9d: {  	s9 =	smov.u32 s6;
	s6 =	smov.u32 s8  }
0x9e: {  	s1 =	sadd.s32 $0x1100, s8;
	s6 =	sshra.s32 s6, $0x2;
	s28 =	sadd.s32 $0x10A00, s9  }
0x9f: {  	[hbm4b:s24+s2] =	stream.linear.scatter [tilespmem:s28], [sflag:$0x5], $0x80, $0x38;
	[tilespmem:$0x19200] =	vst v63  }
0xa0: {  	p0 =	sne.s32 s8, $0x7700;
	s8 =	sadd.s32 $0x10A88, s9;
	s28 =	sadd.s32 $0x10, s24  }
0xa1: {  	[hbm4b:s28+s2] =	stream.linear.scatter [tilespmem:s8], [sflag:$0x5], $0x80, $0x38;
	[tilespmem:$0x19200] =	vst v63  }
0xa2: {  	s8 =	sadd.s32 $0x10B10, s9;
	s28 =	sadd.s32 $0x20, s24  }
0xa3: {  	[hbm4b:s28+s2] =	stream.linear.scatter [tilespmem:s8], [sflag:$0x5], $0x80, $0x38;
	[tilespmem:$0x19200] =	vst v63  }
0xa4: {  	s8 =	sadd.s32 $0x10B98, s9;
	s28 =	sadd.s32 $0x30, s24  }
0xa5: {  	[hbm4b:s28+s2] =	stream.linear.scatter [tilespmem:s8], [sflag:$0x5], $0x80, $0x38;
	[tilespmem:$0x19200] =	vst v63  }
0xa6: {  	s8 =	sadd.s32 $0x10C20, s9;
	s28 =	sadd.s32 $0x40, s24  }
0xa7: {  	[hbm4b:s28+s2] =	stream.linear.scatter [tilespmem:s8], [sflag:$0x5], $0x80, $0x38;
	[tilespmem:$0x19200] =	vst v63  }
.Ltmp1:
0xa8: {  	s8 =	sadd.s32 $0x10CA8, s9;
	s28 =	sadd.s32 $0x50, s24;
	(pc) =	sbr.rel @p0 .LBB2_4-.Ltmp1, $4  }
0xa9: {  	[hbm4b:s28+s2] =	stream.linear.scatter [tilespmem:s8], [sflag:$0x5], $0x80, $0x38;
	[tilespmem:$0x19200] =	vst v63  }
0xaa: {  	s8 =	sadd.s32 $0x10D30, s9;
	s28 =	sadd.s32 $0x60, s24;
	s9 =	sadd.s32 $0x10DB8, s9  }
0xab: {  	[hbm4b:s28+s2] =	stream.linear.scatter [tilespmem:s8], [sflag:$0x5], $0x80, $0x38;
	[tilespmem:$0x19200] =	vst v63  }
0xac: {  	s28 =	sadd.s32 $0x70, s24;
	s24 =	sadd.s32 $0x4000, s24;
	s8 =	smov.u32 s1  }
0xad: {  	[hbm4b:s28+s2] =	stream.linear.scatter [tilespmem:s9], [sflag:$0x5], $0x80, $0x38;
	[tilespmem:$0x19200] =	vst v63  }
0xae: {  	s1 =	sadd.s32 $0x10A00, s6  }
0xaf: {  	[hbm4b:s24+s2] =	stream.linear.scatter [tilespmem:s1], [sflag:$0x5], $0x80, $0x38;
	[tilespmem:$0x19200] =	vst v63  }
0xb0: {  	s28 =	sadd.s32 $0x10A88, s6;
	s8 =	sadd.s32 $0x10, s24  }
0xb1: {  	[hbm4b:s8+s2] =	stream.linear.scatter [tilespmem:s28], [sflag:$0x5], $0x80, $0x38;
	[tilespmem:$0x19200] =	vst v63  }
0xb2: {  	s9 =	sadd.s32 $0x10B10, s6;
	s28 =	sadd.s32 $0x20, s24  }
0xb3: {  	[hbm4b:s28+s2] =	stream.linear.scatter [tilespmem:s9], [sflag:$0x5], $0x80, $0x38;
	[tilespmem:$0x19200] =	vst v63  }
0xb4: {  	s9 =	sadd.s32 $0x10B98, s6;
	s28 =	sadd.s32 $0x30, s24  }
0xb5: {  	[hbm4b:s28+s2] =	stream.linear.scatter [tilespmem:s9], [sflag:$0x5], $0x80, $0x38;
	[tilespmem:$0x19200] =	vst v63  }
0xb6: {  	s9 =	sadd.s32 $0x10C20, s6;
	s28 =	sadd.s32 $0x40, s24  }
0xb7: {  	[hbm4b:s28+s2] =	stream.linear.scatter [tilespmem:s9], [sflag:$0x5], $0x80, $0x38;
	[tilespmem:$0x19200] =	vst v63  }
0xb8: {  	s9 =	sadd.s32 $0x10CA8, s6;
	s28 =	sadd.s32 $0x50, s24  }
0xb9: {  	[hbm4b:s28+s2] =	stream.linear.scatter [tilespmem:s9], [sflag:$0x5], $0x80, $0x38;
	[tilespmem:$0x19200] =	vst v63  }
0xba: {  	s9 =	sadd.s32 $0x10D30, s6;
	s28 =	sadd.s32 $0x60, s24  }
0xbb: {  	[hbm4b:s28+s2] =	stream.linear.scatter [tilespmem:s9], [sflag:$0x5], $0x80, $0x38;
	[tilespmem:$0x19200] =	vst v63  }
0xbc: {  	s8 =	sadd.s32 $0x70, s24;
	s6 =	sadd.s32 $0x10DB8, s6;
	s9 =	simm.s32 $0x5  }
0xbd: {  	[hbm4b:s8+s2] =	stream.linear.scatter [tilespmem:s6], [sflag:$0x5], $0x80, $0x38;
	[tilespmem:$0x19200] =	vst v63  }
0xbe: {  	_ =	swait.ge [sflag:s9], $0x2000  }
0xbf: {  	[sflag:s9] =	ssyncset.done $0x0  }
0xc0: {  	s24 =	simm.s32 $0xA;
	[sflag:s9] =	ssyncadd.s32 $0xFFFFE000  }
0xc1: {  	_ =	swait.ge [sflag:s24], $0x200  }
0xc2: {  	[sflag:s24] =	ssyncset.done $0x0  }
0xc3: {  	s28 =	simm.s32 $0x2;
	[sflag:s24] =	ssyncadd.s32 $0xFFFFFE00  }
0xc4: {  	[tilespmem:s30], [sflag:$0x1] =	stream.indirect.gather [hbm4b:s3+s29], $0x80, s4, s29, $0xb8;
	[tilespmem:$0x19200] =	vst v63  }
0xc5: {  	_ =	swait.ge [sflag:s28], $0x4000  }
0xc6: {  	[sflag:s28] =	ssyncset.done $0x0  }
0xc7: {  	s6 =	simm.s32 $0x0;
	[sflag:s28] =	ssyncadd.s32 $0xFFFFC000  }
.LBB2_6:
0xc8: {  	v8 =	vmov s6  }
0xc9: {  	v9 =	vand.u32 $0x7C, v8  }
0xca: {  	v10 =	vor.u32 $0x680, v9;
	_ =	sdelay $0x4  }
0xcb: {  	v10 =	vld.idx.msk [tilespmem:v10+s2+$0x0], $0xffff;
	_ =	sdelay $0x4  }
0xcc: {  	v11 =	vadd.s32 v0, v10  }
0xcd: {  	v8 =	vshll.u32 v8, $0x7;
	v12 =	vand.u32 $0xFFFFFFF8, v11  }
0xce: {  	v11 =	vand.u32 $0x7, v11;
	v12 =	vadd.s32 v8, v12  }
0xcf: {  	v11 =	vor.u32 v11, v12;
	_ =	sdelay $0x2  }
0xd0: {  	v16 =	vadd.s32 v2, v10  }
0xd1: {  	v13 =	vand.u32 $0xFFFFFFF8, v16  }
0xd2: {  	v14 =	vadd.s32 v1, v9;
	v13 =	vadd.s32 v8, v13;
	v12 =	vand.u32 $0x7, v16;
	v11 =	vld.idx.msk [tilespmem:v11+s31+$0x0], $0xffff  }
0xd3: {  	v12 =	vor.u32 v12, v13;
	_ =	sdelay $0x2  }
0xd4: {  	v17 =	vadd.s32 v4, v10  }
0xd5: {  	v18 =	vand.u32 $0xFFFFFFF8, v17;
	[tilespmem:v14+s7+$0x0] =	vst.idx.msk $0xffff, v11  }
0xd6: {  	v19 =	vadd.s32 v3, v9;
	v13 =	vand.u32 $0x7, v17;
	v11 =	vadd.s32 v8, v18;
	v12 =	vld.idx.msk [tilespmem:v12+s31+$0x0], $0xffff  }
0xd7: {  	v11 =	vor.u32 v13, v11;
	_ =	sdelay $0x2  }
0xd8: {  	v10 =	vadd.s32 v6, v10  }
0xd9: {  	v20 =	vand.u32 $0xFFFFFFF8, v10;
	[tilespmem:v19+s7+$0x0] =	vst.idx.msk $0xffff, v12  }
0xda: {  	v21 =	vadd.s32 v5, v9;
	v10 =	vand.u32 $0x7, v10;
	v8 =	vadd.s32 v8, v20;
	v11 =	vld.idx.msk [tilespmem:v11+s31+$0x0], $0xffff  }
0xdb: {  	v8 =	vor.u32 v10, v8;
	_ =	sdelay $0x2  }
0xdc: {  	s1 =	sadd.s32 $0x1, s6  }
0xdd: {  	v22 =	vmov s1;
	[tilespmem:v21+s7+$0x0] =	vst.idx.msk $0xffff, v11  }
0xde: {  	v9 =	vadd.s32 v7, v9;
	v23 =	vand.u32 $0x7D, v22;
	v8 =	vld.idx.msk [tilespmem:v8+s31+$0x0], $0xffff  }
0xdf: {  	v24 =	vor.u32 $0x680, v23;
	_ =	sdelay $0x3  }
0xe0: {  	[tilespmem:v9+s7+$0x0] =	vst.idx.msk $0xffff, v8  }
0xe1: {  	v8 =	vld.idx.msk [tilespmem:v24+s2+$0x0], $0xffff;
	_ =	sdelay $0x4  }
0xe2: {  	v25 =	vadd.s32 v0, v8  }
0xe3: {  	v10 =	vshll.u32 v22, $0x7;
	v26 =	vand.u32 $0xFFFFFFF8, v25  }
0xe4: {  	v9 =	vand.u32 $0x7, v25;
	v12 =	vadd.s32 v10, v26  }
0xe5: {  	v9 =	vor.u32 v9, v12;
	_ =	sdelay $0x2  }
0xe6: {  	v27 =	vadd.s32 v2, v8  }
0xe7: {  	v28 =	vand.u32 $0xFFFFFFF8, v27  }
0xe8: {  	v29 =	vadd.s32 v1, v23;
	v13 =	vadd.s32 v10, v28;
	v12 =	vand.u32 $0x7, v27;
	v9 =	vld.idx.msk [tilespmem:v9+s31+$0x0], $0xffff  }
0xe9: {  	v12 =	vor.u32 v12, v13;
	_ =	sdelay $0x2  }
0xea: {  	v30 =	vadd.s32 v4, v8  }
0xeb: {  	v31 =	vand.u32 $0xFFFFFFF8, v30;
	[tilespmem:v29+s7+$0x0] =	vst.idx.msk $0xffff, v9  }
0xec: {  	v32 =	vadd.s32 v3, v23;
	v13 =	vand.u32 $0x7, v30;
	v9 =	vadd.s32 v10, v31;
	v12 =	vld.idx.msk [tilespmem:v12+s31+$0x0], $0xffff  }
0xed: {  	v9 =	vor.u32 v13, v9;
	_ =	sdelay $0x2  }
0xee: {  	v8 =	vadd.s32 v6, v8  }
0xef: {  	v33 =	vand.u32 $0xFFFFFFF8, v8;
	[tilespmem:v32+s7+$0x0] =	vst.idx.msk $0xffff, v12  }
0xf0: {  	v34 =	vadd.s32 v5, v23;
	v8 =	vand.u32 $0x7, v8;
	v10 =	vadd.s32 v10, v33;
	v9 =	vld.idx.msk [tilespmem:v9+s31+$0x0], $0xffff  }
0xf1: {  	v8 =	vor.u32 v8, v10;
	_ =	sdelay $0x2  }
0xf2: {  	s24 =	sadd.s32 $0x2, s6  }
0xf3: {  	v35 =	vmov s24;
	[tilespmem:v34+s7+$0x0] =	vst.idx.msk $0xffff, v9  }
0xf4: {  	v37 =	vand.u32 $0x7E, v35;
	v36 =	vadd.s32 v7, v23;
	v8 =	vld.idx.msk [tilespmem:v8+s31+$0x0], $0xffff  }
0xf5: {  	v38 =	vor.u32 $0x680, v37;
	_ =	sdelay $0x3  }
0xf6: {  	[tilespmem:v36+s7+$0x0] =	vst.idx.msk $0xffff, v8  }
0xf7: {  	v8 =	vld.idx.msk [tilespmem:v38+s2+$0x0], $0xffff;
	_ =	sdelay $0x4  }
0xf8: {  	v39 =	vadd.s32 v0, v8  }
0xf9: {  	v9 =	vshll.u32 v35, $0x7;
	v40 =	vand.u32 $0xFFFFFFF8, v39  }
0xfa: {  	v10 =	vand.u32 $0x7, v39;
	v12 =	vadd.s32 v9, v40  }
0xfb: {  	v10 =	vor.u32 v10, v12;
	_ =	sdelay $0x2  }
0xfc: {  	v41 =	vadd.s32 v2, v8  }
0xfd: {  	v42 =	vand.u32 $0xFFFFFFF8, v41  }
0xfe: {  	v43 =	vadd.s32 v1, v37;
	v13 =	vadd.s32 v9, v42;
	v12 =	vand.u32 $0x7, v41;
	v10 =	vld.idx.msk [tilespmem:v10+s31+$0x0], $0xffff  }
0xff: {  	v12 =	vor.u32 v12, v13;
	_ =	sdelay $0x2  }
0x100: {  	v44 =	vadd.s32 v4, v8  }
0x101: {  	v45 =	vand.u32 $0xFFFFFFF8, v44;
	[tilespmem:v43+s7+$0x0] =	vst.idx.msk $0xffff, v10  }
0x102: {  	v46 =	vadd.s32 v3, v37;
	v13 =	vand.u32 $0x7, v44;
	v10 =	vadd.s32 v9, v45;
	v12 =	vld.idx.msk [tilespmem:v12+s31+$0x0], $0xffff  }
0x103: {  	v10 =	vor.u32 v13, v10;
	_ =	sdelay $0x2  }
0x104: {  	v8 =	vadd.s32 v6, v8  }
0x105: {  	v47 =	vand.u32 $0xFFFFFFF8, v8;
	[tilespmem:v46+s7+$0x0] =	vst.idx.msk $0xffff, v12  }
0x106: {  	v48 =	vadd.s32 v5, v37;
	v8 =	vand.u32 $0x7, v8;
	v9 =	vadd.s32 v9, v47;
	v10 =	vld.idx.msk [tilespmem:v10+s31+$0x0], $0xffff  }
0x107: {  	v8 =	vor.u32 v8, v9;
	_ =	sdelay $0x2  }
0x108: {  	s28 =	sadd.s32 $0x3, s6  }
0x109: {  	v49 =	vmov s28;
	[tilespmem:v48+s7+$0x0] =	vst.idx.msk $0xffff, v10  }
0x10a: {  	v51 =	vand.u32 $0x7F, v49;
	v50 =	vadd.s32 v7, v37;
	v8 =	vld.idx.msk [tilespmem:v8+s31+$0x0], $0xffff  }
0x10b: {  	v52 =	vor.u32 $0x680, v51;
	_ =	sdelay $0x3  }
0x10c: {  	[tilespmem:v50+s7+$0x0] =	vst.idx.msk $0xffff, v8  }
0x10d: {  	v8 =	vld.idx.msk [tilespmem:v52+s2+$0x0], $0xffff;
	_ =	sdelay $0x4  }
0x10e: {  	v53 =	vadd.s32 v0, v8  }
0x10f: {  	v9 =	vshll.u32 v49, $0x7;
	v54 =	vand.u32 $0xFFFFFFF8, v53  }
0x110: {  	v10 =	vand.u32 $0x7, v53;
	v12 =	vadd.s32 v9, v54  }
0x111: {  	v10 =	vor.u32 v10, v12;
	_ =	sdelay $0x2  }
0x112: {  	v55 =	vadd.s32 v2, v8  }
0x113: {  	v56 =	vand.u32 $0xFFFFFFF8, v55  }
0x114: {  	v57 =	vadd.s32 v1, v51;
	v13 =	vadd.s32 v9, v56;
	v12 =	vand.u32 $0x7, v55;
	v10 =	vld.idx.msk [tilespmem:v10+s31+$0x0], $0xffff  }
0x115: {  	v12 =	vor.u32 v12, v13;
	_ =	sdelay $0x2  }
0x116: {  	v58 =	vadd.s32 v4, v8  }
0x117: {  	v59 =	vand.u32 $0xFFFFFFF8, v58;
	[tilespmem:v57+s7+$0x0] =	vst.idx.msk $0xffff, v10  }
0x118: {  	v60 =	vadd.s32 v3, v51;
	v13 =	vand.u32 $0x7, v58;
	v10 =	vadd.s32 v9, v59;
	v12 =	vld.idx.msk [tilespmem:v12+s31+$0x0], $0xffff  }
0x119: {  	v10 =	vor.u32 v13, v10;
	_ =	sdelay $0x2  }
0x11a: {  	v8 =	vadd.s32 v6, v8  }
0x11b: {  	v61 =	vand.u32 $0xFFFFFFF8, v8;
	[tilespmem:v60+s7+$0x0] =	vst.idx.msk $0xffff, v12  }
0x11c: {  	v62 =	vadd.s32 v5, v51;
	v8 =	vand.u32 $0x7, v8;
	v9 =	vadd.s32 v9, v61;
	v10 =	vld.idx.msk [tilespmem:v10+s31+$0x0], $0xffff  }
0x11d: {  	v8 =	vor.u32 v8, v9;
	_ =	sdelay $0x3  }
0x11e: {  	[tilespmem:v62+s7+$0x0] =	vst.idx.msk $0xffff, v10  }
0x11f: {  	p0 =	slt.u32 s6, $0x7C;
	v63 =	vadd.s32 v7, v51;
	v8 =	vld.idx.msk [tilespmem:v8+s31+$0x0], $0xffff  }
.Ltmp2:
0x120: {  	_ = 	snop;
	(pc) =	sbr.rel @p0 .LBB2_6-.Ltmp2, $2  }
0x121: {  	_ =	sdelay $0x2  }
0x122: {  	s6 =	sadd.s32 $0x4, s6;
	[tilespmem:v63+s7+$0x0] =	vst.idx.msk $0xffff, v8  }
0x123: {  	s1 =	simm.s32 $0x12C00  }
0x124: {  	[hbm4b:s11+s2] =	stream.linear.scatter [tilespmem:s1], [sflag:$0x6], $0x80, $0x38;
	[tilespmem:$0x19200] =	vst v63  }
0x125: {  	s9 =	simm.s32 $0x12C88;
	s6 =	sadd.s32 $0x10, s11  }
0x126: {  	[hbm4b:s6+s2] =	stream.linear.scatter [tilespmem:s9], [sflag:$0x6], $0x80, $0x38;
	[tilespmem:$0x19200] =	vst v63  }
0x127: {  	s24 =	simm.s32 $0x12D10;
	s4 =	sadd.s32 $0x20, s11  }
0x128: {  	[hbm4b:s4+s2] =	stream.linear.scatter [tilespmem:s24], [sflag:$0x6], $0x80, $0x38;
	[tilespmem:$0x19200] =	vst v63  }
0x129: {  	s8 =	simm.s32 $0x12D98;
	s9 =	sadd.s32 $0x30, s11  }
0x12a: {  	[hbm4b:s9+s2] =	stream.linear.scatter [tilespmem:s8], [sflag:$0x6], $0x80, $0x38;
	[tilespmem:$0x19200] =	vst v63  }
0x12b: {  	s24 =	simm.s32 $0x12E20;
	s4 =	sadd.s32 $0x40, s11  }
0x12c: {  	[hbm4b:s4+s2] =	stream.linear.scatter [tilespmem:s24], [sflag:$0x6], $0x80, $0x38;
	[tilespmem:$0x19200] =	vst v63  }
0x12d: {  	s28 =	sadd.s32 $0x70, s11;
	s6 =	simm.s32 $0x12EA8;
	s8 =	sadd.s32 $0x50, s11  }
0x12e: {  	[hbm4b:s8+s2] =	stream.linear.scatter [tilespmem:s6], [sflag:$0x6], $0x80, $0x38;
	[tilespmem:$0x19200] =	vst v63  }
0x12f: {  	s9 =	simm.s32 $0x12F30;
	s24 =	sadd.s32 $0x60, s11;
	s6 =	simm.s32 $0x440  }
0x130: {  	[hbm4b:s24+s2] =	stream.linear.scatter [tilespmem:s9], [sflag:$0x6], $0x80, $0x38;
	[tilespmem:$0x19200] =	vst v63  }
0x131: {  	s8 =	simm.s32 $0x2200;
	s9 =	simm.s32 $0x12FB8;
	s24 =	sadd.s32 $0x4000, s11  }
.LBB2_8:
0x132: {  	[hbm4b:s28+s2] =	stream.linear.scatter [tilespmem:s9], [sflag:$0x6], $0x80, $0x38;
	[tilespmem:$0x19200] =	vst v63  }
0x133: {  	s1 =	smov.u32 s6;
	s6 =	smov.u32 s8  }
0x134: {  	s4 =	sadd.s32 $0x1100, s8;
	s6 =	sshra.s32 s6, $0x2;
	s9 =	sadd.s32 $0x12C00, s1  }
0x135: {  	[hbm4b:s24+s2] =	stream.linear.scatter [tilespmem:s9], [sflag:$0x6], $0x80, $0x38;
	[tilespmem:$0x19200] =	vst v63  }
0x136: {  	p0 =	sne.s32 s8, $0x7700;
	s8 =	sadd.s32 $0x12C88, s1;
	s9 =	sadd.s32 $0x10, s24  }
0x137: {  	[hbm4b:s9+s2] =	stream.linear.scatter [tilespmem:s8], [sflag:$0x6], $0x80, $0x38;
	[tilespmem:$0x19200] =	vst v63  }
0x138: {  	s8 =	sadd.s32 $0x12D10, s1;
	s9 =	sadd.s32 $0x20, s24  }
0x139: {  	[hbm4b:s9+s2] =	stream.linear.scatter [tilespmem:s8], [sflag:$0x6], $0x80, $0x38;
	[tilespmem:$0x19200] =	vst v63  }
0x13a: {  	s8 =	sadd.s32 $0x12D98, s1;
	s9 =	sadd.s32 $0x30, s24  }
0x13b: {  	[hbm4b:s9+s2] =	stream.linear.scatter [tilespmem:s8], [sflag:$0x6], $0x80, $0x38;
	[tilespmem:$0x19200] =	vst v63  }
0x13c: {  	s8 =	sadd.s32 $0x12E20, s1;
	s9 =	sadd.s32 $0x40, s24  }
0x13d: {  	[hbm4b:s9+s2] =	stream.linear.scatter [tilespmem:s8], [sflag:$0x6], $0x80, $0x38;
	[tilespmem:$0x19200] =	vst v63  }
.Ltmp3:
0x13e: {  	s8 =	sadd.s32 $0x12EA8, s1;
	s9 =	sadd.s32 $0x50, s24;
	(pc) =	sbr.rel @p0 .LBB2_8-.Ltmp3, $4  }
0x13f: {  	[hbm4b:s9+s2] =	stream.linear.scatter [tilespmem:s8], [sflag:$0x6], $0x80, $0x38;
	[tilespmem:$0x19200] =	vst v63  }
0x140: {  	s28 =	sadd.s32 $0x70, s24;
	s8 =	sadd.s32 $0x12F30, s1;
	s9 =	sadd.s32 $0x60, s24  }
0x141: {  	[hbm4b:s9+s2] =	stream.linear.scatter [tilespmem:s8], [sflag:$0x6], $0x80, $0x38;
	[tilespmem:$0x19200] =	vst v63  }
0x142: {  	s24 =	sadd.s32 $0x4000, s24;
	s9 =	sadd.s32 $0x12FB8, s1;
	s8 =	smov.u32 s4  }
0x143: {  	[hbm4b:s28+s2] =	stream.linear.scatter [tilespmem:s9], [sflag:$0x6], $0x80, $0x38;
	[tilespmem:$0x19200] =	vst v63  }
0x144: {  	s1 =	sadd.s32 $0x12C00, s6  }
0x145: {  	[hbm4b:s24+s2] =	stream.linear.scatter [tilespmem:s1], [sflag:$0x6], $0x80, $0x38;
	[tilespmem:$0x19200] =	vst v63  }
0x146: {  	s8 =	sadd.s32 $0x12C88, s6;
	s4 =	sadd.s32 $0x10, s24  }
0x147: {  	[hbm4b:s4+s2] =	stream.linear.scatter [tilespmem:s8], [sflag:$0x6], $0x80, $0x38;
	[tilespmem:$0x19200] =	vst v63  }
0x148: {  	s9 =	sadd.s32 $0x12D10, s6;
	s28 =	sadd.s32 $0x20, s24  }
0x149: {  	[hbm4b:s28+s2] =	stream.linear.scatter [tilespmem:s9], [sflag:$0x6], $0x80, $0x38;
	[tilespmem:$0x19200] =	vst v63  }
0x14a: {  	s4 =	sadd.s32 $0x12D98, s6;
	s8 =	sadd.s32 $0x30, s24  }
0x14b: {  	[hbm4b:s8+s2] =	stream.linear.scatter [tilespmem:s4], [sflag:$0x6], $0x80, $0x38;
	[tilespmem:$0x19200] =	vst v63  }
0x14c: {  	s9 =	sadd.s32 $0x12E20, s6;
	s28 =	sadd.s32 $0x40, s24  }
0x14d: {  	[hbm4b:s28+s2] =	stream.linear.scatter [tilespmem:s9], [sflag:$0x6], $0x80, $0x38;
	[tilespmem:$0x19200] =	vst v63  }
0x14e: {  	s4 =	sadd.s32 $0x12EA8, s6;
	s8 =	sadd.s32 $0x50, s24  }
0x14f: {  	[hbm4b:s8+s2] =	stream.linear.scatter [tilespmem:s4], [sflag:$0x6], $0x80, $0x38;
	[tilespmem:$0x19200] =	vst v63  }
0x150: {  	s9 =	sadd.s32 $0x12F30, s6;
	s28 =	sadd.s32 $0x60, s24  }
0x151: {  	[hbm4b:s28+s2] =	stream.linear.scatter [tilespmem:s9], [sflag:$0x6], $0x80, $0x38;
	[tilespmem:$0x19200] =	vst v63  }
0x152: {  	s6 =	sadd.s32 $0x12FB8, s6;
	s8 =	sadd.s32 $0x70, s24;
	s9 =	simm.s32 $0x6  }
0x153: {  	[hbm4b:s8+s2] =	stream.linear.scatter [tilespmem:s6], [sflag:$0x6], $0x80, $0x38;
	[tilespmem:$0x19200] =	vst v63  }
0x154: {  	_ =	swait.ge [sflag:s9], $0x2000  }
0x155: {  	[sflag:s9] =	ssyncset.done $0x0  }
0x156: {  	s24 =	simm.s32 $0x280;
	s28 =	simm.s32 $0x3;
	[sflag:s9] =	ssyncadd.s32 $0xFFFFE000  }
0x157: {  	[tilespmem:s31], [sflag:$0x2] =	stream.indirect.gather [hbm4b:s3+s29], $0x80, s24, s29, $0xb8;
	[tilespmem:$0x19200] =	vst v63  }
0x158: {  	_ =	swait.ge [sflag:s28], $0x4000  }
0x159: {  	[sflag:s28] =	ssyncset.done $0x0  }
0x15a: {  	s6 =	simm.s32 $0x0;
	[sflag:s28] =	ssyncadd.s32 $0xFFFFC000  }
.LBB2_10:
0x15b: {  	v8 =	vmov s6  }
0x15c: {  	v9 =	vand.u32 $0x7C, v8  }
0x15d: {  	v10 =	vor.u32 $0x700, v9;
	_ =	sdelay $0x4  }
0x15e: {  	v10 =	vld.idx.msk [tilespmem:v10+s2+$0x0], $0xffff;
	_ =	sdelay $0x4  }
0x15f: {  	v11 =	vadd.s32 v0, v10  }
0x160: {  	v8 =	vshll.u32 v8, $0x7;
	v12 =	vand.u32 $0xFFFFFFF8, v11  }
0x161: {  	v11 =	vand.u32 $0x7, v11;
	v12 =	vadd.s32 v8, v12  }
0x162: {  	v11 =	vor.u32 v11, v12;
	_ =	sdelay $0x2  }
0x163: {  	v16 =	vadd.s32 v2, v10  }
0x164: {  	v13 =	vand.u32 $0xFFFFFFF8, v16  }
0x165: {  	v14 =	vadd.s32 v1, v9;
	v13 =	vadd.s32 v8, v13;
	v12 =	vand.u32 $0x7, v16;
	v11 =	vld.idx.msk [tilespmem:v11+s0+$0x0], $0xffff  }
0x166: {  	v12 =	vor.u32 v12, v13;
	_ =	sdelay $0x2  }
0x167: {  	v17 =	vadd.s32 v4, v10  }
0x168: {  	v18 =	vand.u32 $0xFFFFFFF8, v17;
	[tilespmem:v14+s22+$0x0] =	vst.idx.msk $0xffff, v11  }
0x169: {  	v19 =	vadd.s32 v3, v9;
	v13 =	vand.u32 $0x7, v17;
	v11 =	vadd.s32 v8, v18;
	v12 =	vld.idx.msk [tilespmem:v12+s0+$0x0], $0xffff  }
0x16a: {  	v11 =	vor.u32 v13, v11;
	_ =	sdelay $0x2  }
0x16b: {  	v10 =	vadd.s32 v6, v10  }
0x16c: {  	v20 =	vand.u32 $0xFFFFFFF8, v10;
	[tilespmem:v19+s22+$0x0] =	vst.idx.msk $0xffff, v12  }
0x16d: {  	v21 =	vadd.s32 v5, v9;
	v10 =	vand.u32 $0x7, v10;
	v8 =	vadd.s32 v8, v20;
	v11 =	vld.idx.msk [tilespmem:v11+s0+$0x0], $0xffff  }
0x16e: {  	v8 =	vor.u32 v10, v8;
	_ =	sdelay $0x2  }
0x16f: {  	s1 =	sadd.s32 $0x1, s6  }
0x170: {  	v22 =	vmov s1;
	[tilespmem:v21+s22+$0x0] =	vst.idx.msk $0xffff, v11  }
0x171: {  	v9 =	vadd.s32 v7, v9;
	v23 =	vand.u32 $0x7D, v22;
	v8 =	vld.idx.msk [tilespmem:v8+s0+$0x0], $0xffff  }
0x172: {  	v24 =	vor.u32 $0x700, v23;
	_ =	sdelay $0x3  }
0x173: {  	[tilespmem:v9+s22+$0x0] =	vst.idx.msk $0xffff, v8  }
0x174: {  	v8 =	vld.idx.msk [tilespmem:v24+s2+$0x0], $0xffff;
	_ =	sdelay $0x4  }
0x175: {  	v25 =	vadd.s32 v0, v8  }
0x176: {  	v10 =	vshll.u32 v22, $0x7;
	v26 =	vand.u32 $0xFFFFFFF8, v25  }
0x177: {  	v9 =	vand.u32 $0x7, v25;
	v12 =	vadd.s32 v10, v26  }
0x178: {  	v9 =	vor.u32 v9, v12;
	_ =	sdelay $0x2  }
0x179: {  	v27 =	vadd.s32 v2, v8  }
0x17a: {  	v28 =	vand.u32 $0xFFFFFFF8, v27  }
0x17b: {  	v29 =	vadd.s32 v1, v23;
	v13 =	vadd.s32 v10, v28;
	v12 =	vand.u32 $0x7, v27;
	v9 =	vld.idx.msk [tilespmem:v9+s0+$0x0], $0xffff  }
0x17c: {  	v12 =	vor.u32 v12, v13;
	_ =	sdelay $0x2  }
0x17d: {  	v30 =	vadd.s32 v4, v8  }
0x17e: {  	v31 =	vand.u32 $0xFFFFFFF8, v30;
	[tilespmem:v29+s22+$0x0] =	vst.idx.msk $0xffff, v9  }
0x17f: {  	v32 =	vadd.s32 v3, v23;
	v13 =	vand.u32 $0x7, v30;
	v9 =	vadd.s32 v10, v31;
	v12 =	vld.idx.msk [tilespmem:v12+s0+$0x0], $0xffff  }
0x180: {  	v9 =	vor.u32 v13, v9;
	_ =	sdelay $0x2  }
0x181: {  	v8 =	vadd.s32 v6, v8  }
0x182: {  	v33 =	vand.u32 $0xFFFFFFF8, v8;
	[tilespmem:v32+s22+$0x0] =	vst.idx.msk $0xffff, v12  }
0x183: {  	v34 =	vadd.s32 v5, v23;
	v8 =	vand.u32 $0x7, v8;
	v10 =	vadd.s32 v10, v33;
	v9 =	vld.idx.msk [tilespmem:v9+s0+$0x0], $0xffff  }
0x184: {  	v8 =	vor.u32 v8, v10;
	_ =	sdelay $0x2  }
0x185: {  	s24 =	sadd.s32 $0x2, s6  }
0x186: {  	v35 =	vmov s24;
	[tilespmem:v34+s22+$0x0] =	vst.idx.msk $0xffff, v9  }
0x187: {  	v37 =	vand.u32 $0x7E, v35;
	v36 =	vadd.s32 v7, v23;
	v8 =	vld.idx.msk [tilespmem:v8+s0+$0x0], $0xffff  }
0x188: {  	v38 =	vor.u32 $0x700, v37;
	_ =	sdelay $0x3  }
0x189: {  	[tilespmem:v36+s22+$0x0] =	vst.idx.msk $0xffff, v8  }
0x18a: {  	v8 =	vld.idx.msk [tilespmem:v38+s2+$0x0], $0xffff;
	_ =	sdelay $0x4  }
0x18b: {  	v39 =	vadd.s32 v0, v8  }
0x18c: {  	v9 =	vshll.u32 v35, $0x7;
	v40 =	vand.u32 $0xFFFFFFF8, v39  }
0x18d: {  	v10 =	vand.u32 $0x7, v39;
	v12 =	vadd.s32 v9, v40  }
0x18e: {  	v10 =	vor.u32 v10, v12;
	_ =	sdelay $0x2  }
0x18f: {  	v41 =	vadd.s32 v2, v8  }
0x190: {  	v42 =	vand.u32 $0xFFFFFFF8, v41  }
0x191: {  	v43 =	vadd.s32 v1, v37;
	v13 =	vadd.s32 v9, v42;
	v12 =	vand.u32 $0x7, v41;
	v10 =	vld.idx.msk [tilespmem:v10+s0+$0x0], $0xffff  }
0x192: {  	v12 =	vor.u32 v12, v13;
	_ =	sdelay $0x2  }
0x193: {  	v44 =	vadd.s32 v4, v8  }
0x194: {  	v45 =	vand.u32 $0xFFFFFFF8, v44;
	[tilespmem:v43+s22+$0x0] =	vst.idx.msk $0xffff, v10  }
0x195: {  	v46 =	vadd.s32 v3, v37;
	v13 =	vand.u32 $0x7, v44;
	v10 =	vadd.s32 v9, v45;
	v12 =	vld.idx.msk [tilespmem:v12+s0+$0x0], $0xffff  }
0x196: {  	v10 =	vor.u32 v13, v10;
	_ =	sdelay $0x2  }
0x197: {  	v8 =	vadd.s32 v6, v8  }
0x198: {  	v47 =	vand.u32 $0xFFFFFFF8, v8;
	[tilespmem:v46+s22+$0x0] =	vst.idx.msk $0xffff, v12  }
0x199: {  	v48 =	vadd.s32 v5, v37;
	v8 =	vand.u32 $0x7, v8;
	v9 =	vadd.s32 v9, v47;
	v10 =	vld.idx.msk [tilespmem:v10+s0+$0x0], $0xffff  }
0x19a: {  	v8 =	vor.u32 v8, v9;
	_ =	sdelay $0x2  }
0x19b: {  	s28 =	sadd.s32 $0x3, s6  }
0x19c: {  	v49 =	vmov s28;
	[tilespmem:v48+s22+$0x0] =	vst.idx.msk $0xffff, v10  }
0x19d: {  	v51 =	vand.u32 $0x7F, v49;
	v50 =	vadd.s32 v7, v37;
	v8 =	vld.idx.msk [tilespmem:v8+s0+$0x0], $0xffff  }
0x19e: {  	v52 =	vor.u32 $0x700, v51;
	_ =	sdelay $0x3  }
0x19f: {  	[tilespmem:v50+s22+$0x0] =	vst.idx.msk $0xffff, v8  }
0x1a0: {  	v8 =	vld.idx.msk [tilespmem:v52+s2+$0x0], $0xffff;
	_ =	sdelay $0x4  }
0x1a1: {  	v53 =	vadd.s32 v0, v8  }
0x1a2: {  	v9 =	vshll.u32 v49, $0x7;
	v54 =	vand.u32 $0xFFFFFFF8, v53  }
0x1a3: {  	v10 =	vand.u32 $0x7, v53;
	v12 =	vadd.s32 v9, v54  }
0x1a4: {  	v10 =	vor.u32 v10, v12;
	_ =	sdelay $0x2  }
0x1a5: {  	v55 =	vadd.s32 v2, v8  }
0x1a6: {  	v56 =	vand.u32 $0xFFFFFFF8, v55  }
0x1a7: {  	v57 =	vadd.s32 v1, v51;
	v13 =	vadd.s32 v9, v56;
	v12 =	vand.u32 $0x7, v55;
	v10 =	vld.idx.msk [tilespmem:v10+s0+$0x0], $0xffff  }
0x1a8: {  	v12 =	vor.u32 v12, v13;
	_ =	sdelay $0x2  }
0x1a9: {  	v58 =	vadd.s32 v4, v8  }
0x1aa: {  	v59 =	vand.u32 $0xFFFFFFF8, v58;
	[tilespmem:v57+s22+$0x0] =	vst.idx.msk $0xffff, v10  }
0x1ab: {  	v60 =	vadd.s32 v3, v51;
	v13 =	vand.u32 $0x7, v58;
	v10 =	vadd.s32 v9, v59;
	v12 =	vld.idx.msk [tilespmem:v12+s0+$0x0], $0xffff  }
0x1ac: {  	v10 =	vor.u32 v13, v10;
	_ =	sdelay $0x2  }
0x1ad: {  	v8 =	vadd.s32 v6, v8  }
0x1ae: {  	v61 =	vand.u32 $0xFFFFFFF8, v8;
	[tilespmem:v60+s22+$0x0] =	vst.idx.msk $0xffff, v12  }
0x1af: {  	v62 =	vadd.s32 v5, v51;
	v8 =	vand.u32 $0x7, v8;
	v9 =	vadd.s32 v9, v61;
	v10 =	vld.idx.msk [tilespmem:v10+s0+$0x0], $0xffff  }
0x1b0: {  	v8 =	vor.u32 v8, v9;
	_ =	sdelay $0x3  }
0x1b1: {  	[tilespmem:v62+s22+$0x0] =	vst.idx.msk $0xffff, v10  }
0x1b2: {  	p0 =	slt.u32 s6, $0x7C;
	v63 =	vadd.s32 v7, v51;
	v8 =	vld.idx.msk [tilespmem:v8+s0+$0x0], $0xffff  }
.Ltmp4:
0x1b3: {  	_ = 	snop;
	(pc) =	sbr.rel @p0 .LBB2_10-.Ltmp4, $2  }
0x1b4: {  	_ =	sdelay $0x2  }
0x1b5: {  	s6 =	sadd.s32 $0x4, s6;
	[tilespmem:v63+s22+$0x0] =	vst.idx.msk $0xffff, v8  }
0x1b6: {  	s1 =	simm.s32 $0x14E00  }
0x1b7: {  	[hbm4b:s12+s2] =	stream.linear.scatter [tilespmem:s1], [sflag:$0x7], $0x80, $0x38;
	[tilespmem:$0x19200] =	vst v63  }
0x1b8: {  	s8 =	simm.s32 $0x14E88;
	s4 =	sadd.s32 $0x10, s12  }
0x1b9: {  	[hbm4b:s4+s2] =	stream.linear.scatter [tilespmem:s8], [sflag:$0x7], $0x80, $0x38;
	[tilespmem:$0x19200] =	vst v63  }
0x1ba: {  	s9 =	simm.s32 $0x14F10;
	s24 =	sadd.s32 $0x20, s12  }
0x1bb: {  	[hbm4b:s24+s2] =	stream.linear.scatter [tilespmem:s9], [sflag:$0x7], $0x80, $0x38;
	[tilespmem:$0x19200] =	vst v63  }
0x1bc: {  	s6 =	simm.s32 $0x14F98;
	s8 =	sadd.s32 $0x30, s12  }
0x1bd: {  	[hbm4b:s8+s2] =	stream.linear.scatter [tilespmem:s6], [sflag:$0x7], $0x80, $0x38;
	[tilespmem:$0x19200] =	vst v63  }
0x1be: {  	s9 =	simm.s32 $0x15020;
	s24 =	sadd.s32 $0x40, s12  }
0x1bf: {  	[hbm4b:s24+s2] =	stream.linear.scatter [tilespmem:s9], [sflag:$0x7], $0x80, $0x38;
	[tilespmem:$0x19200] =	vst v63  }
0x1c0: {  	s28 =	sadd.s32 $0x70, s12;
	s6 =	simm.s32 $0x150A8;
	s8 =	sadd.s32 $0x50, s12  }
0x1c1: {  	[hbm4b:s8+s2] =	stream.linear.scatter [tilespmem:s6], [sflag:$0x7], $0x80, $0x38;
	[tilespmem:$0x19200] =	vst v63  }
0x1c2: {  	s9 =	simm.s32 $0x15130;
	s24 =	sadd.s32 $0x60, s12;
	s6 =	simm.s32 $0x440  }
0x1c3: {  	[hbm4b:s24+s2] =	stream.linear.scatter [tilespmem:s9], [sflag:$0x7], $0x80, $0x38;
	[tilespmem:$0x19200] =	vst v63  }
0x1c4: {  	s8 =	simm.s32 $0x2200;
	s9 =	simm.s32 $0x151B8;
	s24 =	sadd.s32 $0x4000, s12  }
.LBB2_12:
0x1c5: {  	[hbm4b:s28+s2] =	stream.linear.scatter [tilespmem:s9], [sflag:$0x7], $0x80, $0x38;
	[tilespmem:$0x19200] =	vst v63  }
0x1c6: {  	s1 =	smov.u32 s6;
	s4 =	smov.u32 s8  }
0x1c7: {  	s6 =	sshra.s32 s4, $0x2;
	s4 =	sadd.s32 $0x1100, s8;
	s9 =	sadd.s32 $0x14E00, s1  }
0x1c8: {  	[hbm4b:s24+s2] =	stream.linear.scatter [tilespmem:s9], [sflag:$0x7], $0x80, $0x38;
	[tilespmem:$0x19200] =	vst v63  }
0x1c9: {  	p0 =	sne.s32 s8, $0x7700;
	s8 =	sadd.s32 $0x14E88, s1;
	s9 =	sadd.s32 $0x10, s24  }
0x1ca: {  	[hbm4b:s9+s2] =	stream.linear.scatter [tilespmem:s8], [sflag:$0x7], $0x80, $0x38;
	[tilespmem:$0x19200] =	vst v63  }
0x1cb: {  	s8 =	sadd.s32 $0x14F10, s1;
	s9 =	sadd.s32 $0x20, s24  }
0x1cc: {  	[hbm4b:s9+s2] =	stream.linear.scatter [tilespmem:s8], [sflag:$0x7], $0x80, $0x38;
	[tilespmem:$0x19200] =	vst v63  }
0x1cd: {  	s8 =	sadd.s32 $0x14F98, s1;
	s9 =	sadd.s32 $0x30, s24  }
0x1ce: {  	[hbm4b:s9+s2] =	stream.linear.scatter [tilespmem:s8], [sflag:$0x7], $0x80, $0x38;
	[tilespmem:$0x19200] =	vst v63  }
0x1cf: {  	s8 =	sadd.s32 $0x15020, s1;
	s9 =	sadd.s32 $0x40, s24  }
0x1d0: {  	[hbm4b:s9+s2] =	stream.linear.scatter [tilespmem:s8], [sflag:$0x7], $0x80, $0x38;
	[tilespmem:$0x19200] =	vst v63  }
.Ltmp5:
0x1d1: {  	s8 =	sadd.s32 $0x150A8, s1;
	s9 =	sadd.s32 $0x50, s24;
	(pc) =	sbr.rel @p0 .LBB2_12-.Ltmp5, $4  }
0x1d2: {  	[hbm4b:s9+s2] =	stream.linear.scatter [tilespmem:s8], [sflag:$0x7], $0x80, $0x38;
	[tilespmem:$0x19200] =	vst v63  }
0x1d3: {  	s28 =	sadd.s32 $0x70, s24;
	s8 =	sadd.s32 $0x15130, s1;
	s9 =	sadd.s32 $0x60, s24  }
0x1d4: {  	[hbm4b:s9+s2] =	stream.linear.scatter [tilespmem:s8], [sflag:$0x7], $0x80, $0x38;
	[tilespmem:$0x19200] =	vst v63  }
0x1d5: {  	s24 =	sadd.s32 $0x4000, s24;
	s9 =	sadd.s32 $0x151B8, s1;
	s8 =	smov.u32 s4  }
0x1d6: {  	[hbm4b:s28+s2] =	stream.linear.scatter [tilespmem:s9], [sflag:$0x7], $0x80, $0x38;
	[tilespmem:$0x19200] =	vst v63  }
0x1d7: {  	s1 =	sadd.s32 $0x14E00, s6  }
0x1d8: {  	[hbm4b:s24+s2] =	stream.linear.scatter [tilespmem:s1], [sflag:$0x7], $0x80, $0x38;
	[tilespmem:$0x19200] =	vst v63  }
0x1d9: {  	s8 =	sadd.s32 $0x14E88, s6;
	s4 =	sadd.s32 $0x10, s24  }
0x1da: {  	[hbm4b:s4+s2] =	stream.linear.scatter [tilespmem:s8], [sflag:$0x7], $0x80, $0x38;
	[tilespmem:$0x19200] =	vst v63  }
0x1db: {  	s9 =	sadd.s32 $0x14F10, s6;
	s28 =	sadd.s32 $0x20, s24  }
0x1dc: {  	[hbm4b:s28+s2] =	stream.linear.scatter [tilespmem:s9], [sflag:$0x7], $0x80, $0x38;
	[tilespmem:$0x19200] =	vst v63  }
0x1dd: {  	s4 =	sadd.s32 $0x14F98, s6;
	s8 =	sadd.s32 $0x30, s24  }
0x1de: {  	[hbm4b:s8+s2] =	stream.linear.scatter [tilespmem:s4], [sflag:$0x7], $0x80, $0x38;
	[tilespmem:$0x19200] =	vst v63  }
0x1df: {  	s9 =	sadd.s32 $0x15020, s6;
	s28 =	sadd.s32 $0x40, s24  }
0x1e0: {  	[hbm4b:s28+s2] =	stream.linear.scatter [tilespmem:s9], [sflag:$0x7], $0x80, $0x38;
	[tilespmem:$0x19200] =	vst v63  }
0x1e1: {  	s4 =	sadd.s32 $0x150A8, s6;
	s8 =	sadd.s32 $0x50, s24  }
0x1e2: {  	[hbm4b:s8+s2] =	stream.linear.scatter [tilespmem:s4], [sflag:$0x7], $0x80, $0x38;
	[tilespmem:$0x19200] =	vst v63  }
0x1e3: {  	s9 =	sadd.s32 $0x15130, s6;
	s28 =	sadd.s32 $0x60, s24  }
0x1e4: {  	[hbm4b:s28+s2] =	stream.linear.scatter [tilespmem:s9], [sflag:$0x7], $0x80, $0x38;
	[tilespmem:$0x19200] =	vst v63  }
0x1e5: {  	s6 =	sadd.s32 $0x151B8, s6;
	s8 =	sadd.s32 $0x70, s24;
	s9 =	simm.s32 $0x7  }
0x1e6: {  	[hbm4b:s8+s2] =	stream.linear.scatter [tilespmem:s6], [sflag:$0x7], $0x80, $0x38;
	[tilespmem:$0x19200] =	vst v63  }
0x1e7: {  	_ =	swait.ge [sflag:s9], $0x2000  }
0x1e8: {  	[sflag:s9] =	ssyncset.done $0x0  }
0x1e9: {  	s24 =	simm.s32 $0x300;
	s28 =	simm.s32 $0x4;
	[sflag:s9] =	ssyncadd.s32 $0xFFFFE000  }
0x1ea: {  	[tilespmem:s0], [sflag:$0x3] =	stream.indirect.gather [hbm4b:s3+s29], $0x80, s24, s29, $0xb8;
	[tilespmem:$0x19200] =	vst v63  }
0x1eb: {  	_ =	swait.ge [sflag:s28], $0x4000  }
0x1ec: {  	[sflag:s28] =	ssyncset.done $0x0  }
0x1ed: {  	s6 =	simm.s32 $0x0;
	[sflag:s28] =	ssyncadd.s32 $0xFFFFC000  }
.LBB2_14:
0x1ee: {  	v8 =	vmov s6  }
0x1ef: {  	v9 =	vand.u32 $0x7C, v8  }
0x1f0: {  	v10 =	vor.u32 $0x780, v9;
	_ =	sdelay $0x4  }
0x1f1: {  	v10 =	vld.idx.msk [tilespmem:v10+s2+$0x0], $0xffff;
	_ =	sdelay $0x4  }
0x1f2: {  	v11 =	vadd.s32 v0, v10  }
0x1f3: {  	v8 =	vshll.u32 v8, $0x7;
	v12 =	vand.u32 $0xFFFFFFF8, v11  }
0x1f4: {  	v11 =	vand.u32 $0x7, v11;
	v12 =	vadd.s32 v8, v12  }
0x1f5: {  	v11 =	vor.u32 v11, v12;
	_ =	sdelay $0x2  }
0x1f6: {  	v16 =	vadd.s32 v2, v10  }
0x1f7: {  	v13 =	vand.u32 $0xFFFFFFF8, v16  }
0x1f8: {  	v14 =	vadd.s32 v1, v9;
	v13 =	vadd.s32 v8, v13;
	v12 =	vand.u32 $0x7, v16;
	v11 =	vld.idx.msk [tilespmem:v11+s26+$0x0], $0xffff  }
0x1f9: {  	v12 =	vor.u32 v12, v13;
	_ =	sdelay $0x2  }
0x1fa: {  	v17 =	vadd.s32 v4, v10  }
0x1fb: {  	v18 =	vand.u32 $0xFFFFFFF8, v17;
	[tilespmem:v14+s5+$0x0] =	vst.idx.msk $0xffff, v11  }
0x1fc: {  	v19 =	vadd.s32 v3, v9;
	v13 =	vand.u32 $0x7, v17;
	v11 =	vadd.s32 v8, v18;
	v12 =	vld.idx.msk [tilespmem:v12+s26+$0x0], $0xffff  }
0x1fd: {  	v11 =	vor.u32 v13, v11;
	_ =	sdelay $0x2  }
0x1fe: {  	v10 =	vadd.s32 v6, v10  }
0x1ff: {  	v20 =	vand.u32 $0xFFFFFFF8, v10;
	[tilespmem:v19+s5+$0x0] =	vst.idx.msk $0xffff, v12  }
0x200: {  	v21 =	vadd.s32 v5, v9;
	v10 =	vand.u32 $0x7, v10;
	v8 =	vadd.s32 v8, v20;
	v11 =	vld.idx.msk [tilespmem:v11+s26+$0x0], $0xffff  }
0x201: {  	v8 =	vor.u32 v10, v8;
	_ =	sdelay $0x2  }
0x202: {  	s1 =	sadd.s32 $0x1, s6  }
0x203: {  	v22 =	vmov s1;
	[tilespmem:v21+s5+$0x0] =	vst.idx.msk $0xffff, v11  }
0x204: {  	v9 =	vadd.s32 v7, v9;
	v23 =	vand.u32 $0x7D, v22;
	v8 =	vld.idx.msk [tilespmem:v8+s26+$0x0], $0xffff  }
0x205: {  	v24 =	vor.u32 $0x780, v23;
	_ =	sdelay $0x3  }
0x206: {  	[tilespmem:v9+s5+$0x0] =	vst.idx.msk $0xffff, v8  }
0x207: {  	v8 =	vld.idx.msk [tilespmem:v24+s2+$0x0], $0xffff;
	_ =	sdelay $0x4  }
0x208: {  	v25 =	vadd.s32 v0, v8  }
0x209: {  	v10 =	vshll.u32 v22, $0x7;
	v26 =	vand.u32 $0xFFFFFFF8, v25  }
0x20a: {  	v9 =	vand.u32 $0x7, v25;
	v12 =	vadd.s32 v10, v26  }
0x20b: {  	v9 =	vor.u32 v9, v12;
	_ =	sdelay $0x2  }
0x20c: {  	v27 =	vadd.s32 v2, v8  }
0x20d: {  	v28 =	vand.u32 $0xFFFFFFF8, v27  }
0x20e: {  	v29 =	vadd.s32 v1, v23;
	v13 =	vadd.s32 v10, v28;
	v12 =	vand.u32 $0x7, v27;
	v9 =	vld.idx.msk [tilespmem:v9+s26+$0x0], $0xffff  }
0x20f: {  	v12 =	vor.u32 v12, v13;
	_ =	sdelay $0x2  }
0x210: {  	v30 =	vadd.s32 v4, v8  }
0x211: {  	v31 =	vand.u32 $0xFFFFFFF8, v30;
	[tilespmem:v29+s5+$0x0] =	vst.idx.msk $0xffff, v9  }
0x212: {  	v32 =	vadd.s32 v3, v23;
	v13 =	vand.u32 $0x7, v30;
	v9 =	vadd.s32 v10, v31;
	v12 =	vld.idx.msk [tilespmem:v12+s26+$0x0], $0xffff  }
0x213: {  	v9 =	vor.u32 v13, v9;
	_ =	sdelay $0x2  }
0x214: {  	v8 =	vadd.s32 v6, v8  }
0x215: {  	v33 =	vand.u32 $0xFFFFFFF8, v8;
	[tilespmem:v32+s5+$0x0] =	vst.idx.msk $0xffff, v12  }
0x216: {  	v34 =	vadd.s32 v5, v23;
	v8 =	vand.u32 $0x7, v8;
	v10 =	vadd.s32 v10, v33;
	v9 =	vld.idx.msk [tilespmem:v9+s26+$0x0], $0xffff  }
0x217: {  	v8 =	vor.u32 v8, v10;
	_ =	sdelay $0x2  }
0x218: {  	s24 =	sadd.s32 $0x2, s6  }
0x219: {  	v35 =	vmov s24;
	[tilespmem:v34+s5+$0x0] =	vst.idx.msk $0xffff, v9  }
0x21a: {  	v37 =	vand.u32 $0x7E, v35;
	v36 =	vadd.s32 v7, v23;
	v8 =	vld.idx.msk [tilespmem:v8+s26+$0x0], $0xffff  }
0x21b: {  	v38 =	vor.u32 $0x780, v37;
	_ =	sdelay $0x3  }
0x21c: {  	[tilespmem:v36+s5+$0x0] =	vst.idx.msk $0xffff, v8  }
0x21d: {  	v8 =	vld.idx.msk [tilespmem:v38+s2+$0x0], $0xffff;
	_ =	sdelay $0x4  }
0x21e: {  	v39 =	vadd.s32 v0, v8  }
0x21f: {  	v9 =	vshll.u32 v35, $0x7;
	v40 =	vand.u32 $0xFFFFFFF8, v39  }
0x220: {  	v10 =	vand.u32 $0x7, v39;
	v12 =	vadd.s32 v9, v40  }
0x221: {  	v10 =	vor.u32 v10, v12;
	_ =	sdelay $0x2  }
0x222: {  	v41 =	vadd.s32 v2, v8  }
0x223: {  	v42 =	vand.u32 $0xFFFFFFF8, v41  }
0x224: {  	v43 =	vadd.s32 v1, v37;
	v13 =	vadd.s32 v9, v42;
	v12 =	vand.u32 $0x7, v41;
	v10 =	vld.idx.msk [tilespmem:v10+s26+$0x0], $0xffff  }
0x225: {  	v12 =	vor.u32 v12, v13;
	_ =	sdelay $0x2  }
0x226: {  	v44 =	vadd.s32 v4, v8  }
0x227: {  	v45 =	vand.u32 $0xFFFFFFF8, v44;
	[tilespmem:v43+s5+$0x0] =	vst.idx.msk $0xffff, v10  }
0x228: {  	v46 =	vadd.s32 v3, v37;
	v13 =	vand.u32 $0x7, v44;
	v10 =	vadd.s32 v9, v45;
	v12 =	vld.idx.msk [tilespmem:v12+s26+$0x0], $0xffff  }
0x229: {  	v10 =	vor.u32 v13, v10;
	_ =	sdelay $0x2  }
0x22a: {  	v8 =	vadd.s32 v6, v8  }
0x22b: {  	v47 =	vand.u32 $0xFFFFFFF8, v8;
	[tilespmem:v46+s5+$0x0] =	vst.idx.msk $0xffff, v12  }
0x22c: {  	v48 =	vadd.s32 v5, v37;
	v8 =	vand.u32 $0x7, v8;
	v9 =	vadd.s32 v9, v47;
	v10 =	vld.idx.msk [tilespmem:v10+s26+$0x0], $0xffff  }
0x22d: {  	v8 =	vor.u32 v8, v9;
	_ =	sdelay $0x2  }
0x22e: {  	s28 =	sadd.s32 $0x3, s6  }
0x22f: {  	v49 =	vmov s28;
	[tilespmem:v48+s5+$0x0] =	vst.idx.msk $0xffff, v10  }
0x230: {  	v51 =	vand.u32 $0x7F, v49;
	v50 =	vadd.s32 v7, v37;
	v8 =	vld.idx.msk [tilespmem:v8+s26+$0x0], $0xffff  }
0x231: {  	v52 =	vor.u32 $0x780, v51;
	_ =	sdelay $0x3  }
0x232: {  	[tilespmem:v50+s5+$0x0] =	vst.idx.msk $0xffff, v8  }
0x233: {  	v8 =	vld.idx.msk [tilespmem:v52+s2+$0x0], $0xffff;
	_ =	sdelay $0x4  }
0x234: {  	v53 =	vadd.s32 v0, v8  }
0x235: {  	v9 =	vshll.u32 v49, $0x7;
	v54 =	vand.u32 $0xFFFFFFF8, v53  }
0x236: {  	v10 =	vand.u32 $0x7, v53;
	v12 =	vadd.s32 v9, v54  }
0x237: {  	v10 =	vor.u32 v10, v12;
	_ =	sdelay $0x2  }
0x238: {  	v55 =	vadd.s32 v2, v8  }
0x239: {  	v56 =	vand.u32 $0xFFFFFFF8, v55  }
0x23a: {  	v57 =	vadd.s32 v1, v51;
	v13 =	vadd.s32 v9, v56;
	v12 =	vand.u32 $0x7, v55;
	v10 =	vld.idx.msk [tilespmem:v10+s26+$0x0], $0xffff  }
0x23b: {  	v12 =	vor.u32 v12, v13;
	_ =	sdelay $0x2  }
0x23c: {  	v58 =	vadd.s32 v4, v8  }
0x23d: {  	v59 =	vand.u32 $0xFFFFFFF8, v58;
	[tilespmem:v57+s5+$0x0] =	vst.idx.msk $0xffff, v10  }
0x23e: {  	v60 =	vadd.s32 v3, v51;
	v13 =	vand.u32 $0x7, v58;
	v10 =	vadd.s32 v9, v59;
	v12 =	vld.idx.msk [tilespmem:v12+s26+$0x0], $0xffff  }
0x23f: {  	v10 =	vor.u32 v13, v10;
	_ =	sdelay $0x2  }
0x240: {  	v8 =	vadd.s32 v6, v8  }
0x241: {  	v61 =	vand.u32 $0xFFFFFFF8, v8;
	[tilespmem:v60+s5+$0x0] =	vst.idx.msk $0xffff, v12  }
0x242: {  	v62 =	vadd.s32 v5, v51;
	v8 =	vand.u32 $0x7, v8;
	v9 =	vadd.s32 v9, v61;
	v10 =	vld.idx.msk [tilespmem:v10+s26+$0x0], $0xffff  }
0x243: {  	v8 =	vor.u32 v8, v9;
	_ =	sdelay $0x3  }
0x244: {  	[tilespmem:v62+s5+$0x0] =	vst.idx.msk $0xffff, v10  }
0x245: {  	p0 =	slt.u32 s6, $0x7C;
	v63 =	vadd.s32 v7, v51;
	v8 =	vld.idx.msk [tilespmem:v8+s26+$0x0], $0xffff  }
.Ltmp6:
0x246: {  	_ = 	snop;
	(pc) =	sbr.rel @p0 .LBB2_14-.Ltmp6, $2  }
0x247: {  	_ =	sdelay $0x2  }
0x248: {  	s6 =	sadd.s32 $0x4, s6;
	[tilespmem:v63+s5+$0x0] =	vst.idx.msk $0xffff, v8  }
0x249: {  	s1 =	simm.s32 $0x17000  }
0x24a: {  	[hbm4b:s13+s2] =	stream.linear.scatter [tilespmem:s1], [sflag:$0x8], $0x80, $0x38;
	[tilespmem:$0x19200] =	vst v63  }
0x24b: {  	s8 =	simm.s32 $0x17088;
	s4 =	sadd.s32 $0x10, s13  }
0x24c: {  	[hbm4b:s4+s2] =	stream.linear.scatter [tilespmem:s8], [sflag:$0x8], $0x80, $0x38;
	[tilespmem:$0x19200] =	vst v63  }
0x24d: {  	s9 =	simm.s32 $0x17110;
	s24 =	sadd.s32 $0x20, s13  }
0x24e: {  	[hbm4b:s24+s2] =	stream.linear.scatter [tilespmem:s9], [sflag:$0x8], $0x80, $0x38;
	[tilespmem:$0x19200] =	vst v63  }
0x24f: {  	s6 =	simm.s32 $0x17198;
	s8 =	sadd.s32 $0x30, s13  }
0x250: {  	[hbm4b:s8+s2] =	stream.linear.scatter [tilespmem:s6], [sflag:$0x8], $0x80, $0x38;
	[tilespmem:$0x19200] =	vst v63  }
0x251: {  	s9 =	simm.s32 $0x17220;
	s24 =	sadd.s32 $0x40, s13  }
0x252: {  	[hbm4b:s24+s2] =	stream.linear.scatter [tilespmem:s9], [sflag:$0x8], $0x80, $0x38;
	[tilespmem:$0x19200] =	vst v63  }
0x253: {  	s28 =	sadd.s32 $0x70, s13;
	s6 =	simm.s32 $0x172A8;
	s8 =	sadd.s32 $0x50, s13  }
0x254: {  	[hbm4b:s8+s2] =	stream.linear.scatter [tilespmem:s6], [sflag:$0x8], $0x80, $0x38;
	[tilespmem:$0x19200] =	vst v63  }
0x255: {  	s9 =	simm.s32 $0x17330;
	s24 =	sadd.s32 $0x60, s13;
	s6 =	simm.s32 $0x440  }
0x256: {  	[hbm4b:s24+s2] =	stream.linear.scatter [tilespmem:s9], [sflag:$0x8], $0x80, $0x38;
	[tilespmem:$0x19200] =	vst v63  }
0x257: {  	s8 =	simm.s32 $0x2200;
	s9 =	simm.s32 $0x173B8;
	s24 =	sadd.s32 $0x4000, s13  }
.LBB2_16:
0x258: {  	[hbm4b:s28+s2] =	stream.linear.scatter [tilespmem:s9], [sflag:$0x8], $0x80, $0x38;
	[tilespmem:$0x19200] =	vst v63  }
0x259: {  	s1 =	smov.u32 s6;
	s4 =	smov.u32 s8  }
0x25a: {  	s6 =	sshra.s32 s4, $0x2;
	s4 =	sadd.s32 $0x1100, s8;
	s9 =	sadd.s32 $0x17000, s1  }
0x25b: {  	[hbm4b:s24+s2] =	stream.linear.scatter [tilespmem:s9], [sflag:$0x8], $0x80, $0x38;
	[tilespmem:$0x19200] =	vst v63  }
0x25c: {  	p0 =	sne.s32 s8, $0x7700;
	s8 =	sadd.s32 $0x17088, s1;
	s9 =	sadd.s32 $0x10, s24  }
0x25d: {  	[hbm4b:s9+s2] =	stream.linear.scatter [tilespmem:s8], [sflag:$0x8], $0x80, $0x38;
	[tilespmem:$0x19200] =	vst v63  }
0x25e: {  	s8 =	sadd.s32 $0x17110, s1;
	s9 =	sadd.s32 $0x20, s24  }
0x25f: {  	[hbm4b:s9+s2] =	stream.linear.scatter [tilespmem:s8], [sflag:$0x8], $0x80, $0x38;
	[tilespmem:$0x19200] =	vst v63  }
0x260: {  	s8 =	sadd.s32 $0x17198, s1;
	s9 =	sadd.s32 $0x30, s24  }
0x261: {  	[hbm4b:s9+s2] =	stream.linear.scatter [tilespmem:s8], [sflag:$0x8], $0x80, $0x38;
	[tilespmem:$0x19200] =	vst v63  }
0x262: {  	s8 =	sadd.s32 $0x17220, s1;
	s9 =	sadd.s32 $0x40, s24  }
0x263: {  	[hbm4b:s9+s2] =	stream.linear.scatter [tilespmem:s8], [sflag:$0x8], $0x80, $0x38;
	[tilespmem:$0x19200] =	vst v63  }
.Ltmp7:
0x264: {  	s8 =	sadd.s32 $0x172A8, s1;
	s9 =	sadd.s32 $0x50, s24;
	(pc) =	sbr.rel @p0 .LBB2_16-.Ltmp7, $4  }
0x265: {  	[hbm4b:s9+s2] =	stream.linear.scatter [tilespmem:s8], [sflag:$0x8], $0x80, $0x38;
	[tilespmem:$0x19200] =	vst v63  }
0x266: {  	s28 =	sadd.s32 $0x70, s24;
	s8 =	sadd.s32 $0x17330, s1;
	s9 =	sadd.s32 $0x60, s24  }
0x267: {  	[hbm4b:s9+s2] =	stream.linear.scatter [tilespmem:s8], [sflag:$0x8], $0x80, $0x38;
	[tilespmem:$0x19200] =	vst v63  }
0x268: {  	s24 =	sadd.s32 $0x4000, s24;
	s9 =	sadd.s32 $0x173B8, s1;
	s8 =	smov.u32 s4  }
0x269: {  	[hbm4b:s28+s2] =	stream.linear.scatter [tilespmem:s9], [sflag:$0x8], $0x80, $0x38;
	[tilespmem:$0x19200] =	vst v63  }
0x26a: {  	s1 =	sadd.s32 $0x17000, s6  }
0x26b: {  	[hbm4b:s24+s2] =	stream.linear.scatter [tilespmem:s1], [sflag:$0x8], $0x80, $0x38;
	[tilespmem:$0x19200] =	vst v63  }
0x26c: {  	s8 =	sadd.s32 $0x17088, s6;
	s4 =	sadd.s32 $0x10, s24  }
0x26d: {  	[hbm4b:s4+s2] =	stream.linear.scatter [tilespmem:s8], [sflag:$0x8], $0x80, $0x38;
	[tilespmem:$0x19200] =	vst v63  }
0x26e: {  	s9 =	sadd.s32 $0x17110, s6;
	s28 =	sadd.s32 $0x20, s24  }
0x26f: {  	[hbm4b:s28+s2] =	stream.linear.scatter [tilespmem:s9], [sflag:$0x8], $0x80, $0x38;
	[tilespmem:$0x19200] =	vst v63  }
0x270: {  	s4 =	sadd.s32 $0x17198, s6;
	s8 =	sadd.s32 $0x30, s24  }
0x271: {  	[hbm4b:s8+s2] =	stream.linear.scatter [tilespmem:s4], [sflag:$0x8], $0x80, $0x38;
	[tilespmem:$0x19200] =	vst v63  }
0x272: {  	s9 =	sadd.s32 $0x17220, s6;
	s28 =	sadd.s32 $0x40, s24  }
0x273: {  	[hbm4b:s28+s2] =	stream.linear.scatter [tilespmem:s9], [sflag:$0x8], $0x80, $0x38;
	[tilespmem:$0x19200] =	vst v63  }
0x274: {  	s4 =	sadd.s32 $0x172A8, s6;
	s8 =	sadd.s32 $0x50, s24  }
0x275: {  	[hbm4b:s8+s2] =	stream.linear.scatter [tilespmem:s4], [sflag:$0x8], $0x80, $0x38;
	[tilespmem:$0x19200] =	vst v63  }
0x276: {  	s9 =	sadd.s32 $0x17330, s6;
	s28 =	sadd.s32 $0x60, s24  }
0x277: {  	[hbm4b:s28+s2] =	stream.linear.scatter [tilespmem:s9], [sflag:$0x8], $0x80, $0x38;
	[tilespmem:$0x19200] =	vst v63  }
0x278: {  	s4 =	sadd.s32 $0x173B8, s6;
	s6 =	sadd.s32 $0x70, s24;
	s8 =	simm.s32 $0x8  }
0x279: {  	[hbm4b:s6+s2] =	stream.linear.scatter [tilespmem:s4], [sflag:$0x8], $0x80, $0x38;
	[tilespmem:$0x19200] =	vst v63  }
0x27a: {  	_ =	swait.ge [sflag:s8], $0x2000  }
0x27b: {  	[sflag:s8] =	ssyncset.done $0x0  }
0x27c: {  	s24 =	simm.s32 $0xD;
	s9 =	simm.s32 $0x380;
	[sflag:s8] =	ssyncadd.s32 $0xFFFFE000  }
0x27d: {  	[tilespmem:s26], [sflag:$0x4] =	stream.indirect.gather [hbm4b:s3+s29], $0x80, s9, s29, $0xb8;
	[tilespmem:$0x19200] =	vst v63  }
0x27e: {  	_ =	swait.ge [sflag:s24], $0x200  }
0x27f: {  	[sflag:s24] =	ssyncset.done $0x0  }
0x280: {  	s28 =	simm.s32 $0x1;
	[sflag:s24] =	ssyncadd.s32 $0xFFFFFE00  }
0x281: {  	_ =	swait.ge [sflag:s28], $0x4000  }
0x282: {  	[sflag:s28] =	ssyncset.done $0x0  }
0x283: {  	s6 =	simm.s32 $0x0;
	[sflag:s28] =	ssyncadd.s32 $0xFFFFC000  }
.LBB2_18:
0x284: {  	v8 =	vmov s6  }
0x285: {  	v9 =	vand.u32 $0x7C, v8  }
0x286: {  	v10 =	vor.u32 $0x800, v9;
	_ =	sdelay $0x4  }
0x287: {  	v10 =	vld.idx.msk [tilespmem:v10+s2+$0x0], $0xffff;
	_ =	sdelay $0x4  }
0x288: {  	v11 =	vadd.s32 v0, v10  }
0x289: {  	v8 =	vshll.u32 v8, $0x7;
	v12 =	vand.u32 $0xFFFFFFF8, v11  }
0x28a: {  	v11 =	vand.u32 $0x7, v11;
	v12 =	vadd.s32 v8, v12  }
0x28b: {  	v11 =	vor.u32 v11, v12;
	_ =	sdelay $0x2  }
0x28c: {  	v16 =	vadd.s32 v2, v10  }
0x28d: {  	v13 =	vand.u32 $0xFFFFFFF8, v16  }
0x28e: {  	v14 =	vadd.s32 v1, v9;
	v13 =	vadd.s32 v8, v13;
	v12 =	vand.u32 $0x7, v16;
	v11 =	vld.idx.msk [tilespmem:v11+s30+$0x0], $0xffff  }
0x28f: {  	v12 =	vor.u32 v12, v13;
	_ =	sdelay $0x2  }
0x290: {  	v17 =	vadd.s32 v4, v10  }
0x291: {  	v18 =	vand.u32 $0xFFFFFFF8, v17;
	[tilespmem:v14+s23+$0x0] =	vst.idx.msk $0xffff, v11  }
0x292: {  	v19 =	vadd.s32 v3, v9;
	v13 =	vand.u32 $0x7, v17;
	v11 =	vadd.s32 v8, v18;
	v12 =	vld.idx.msk [tilespmem:v12+s30+$0x0], $0xffff  }
0x293: {  	v11 =	vor.u32 v13, v11;
	_ =	sdelay $0x2  }
0x294: {  	v10 =	vadd.s32 v6, v10  }
0x295: {  	v20 =	vand.u32 $0xFFFFFFF8, v10;
	[tilespmem:v19+s23+$0x0] =	vst.idx.msk $0xffff, v12  }
0x296: {  	v21 =	vadd.s32 v5, v9;
	v10 =	vand.u32 $0x7, v10;
	v8 =	vadd.s32 v8, v20;
	v11 =	vld.idx.msk [tilespmem:v11+s30+$0x0], $0xffff  }
0x297: {  	v8 =	vor.u32 v10, v8;
	_ =	sdelay $0x2  }
0x298: {  	s1 =	sadd.s32 $0x1, s6  }
0x299: {  	v22 =	vmov s1;
	[tilespmem:v21+s23+$0x0] =	vst.idx.msk $0xffff, v11  }
0x29a: {  	v9 =	vadd.s32 v7, v9;
	v23 =	vand.u32 $0x7D, v22;
	v8 =	vld.idx.msk [tilespmem:v8+s30+$0x0], $0xffff  }
0x29b: {  	v24 =	vor.u32 $0x800, v23;
	_ =	sdelay $0x3  }
0x29c: {  	[tilespmem:v9+s23+$0x0] =	vst.idx.msk $0xffff, v8  }
0x29d: {  	v8 =	vld.idx.msk [tilespmem:v24+s2+$0x0], $0xffff;
	_ =	sdelay $0x4  }
0x29e: {  	v25 =	vadd.s32 v0, v8  }
0x29f: {  	v10 =	vshll.u32 v22, $0x7;
	v26 =	vand.u32 $0xFFFFFFF8, v25  }
0x2a0: {  	v9 =	vand.u32 $0x7, v25;
	v12 =	vadd.s32 v10, v26  }
0x2a1: {  	v9 =	vor.u32 v9, v12;
	_ =	sdelay $0x2  }
0x2a2: {  	v27 =	vadd.s32 v2, v8  }
0x2a3: {  	v28 =	vand.u32 $0xFFFFFFF8, v27  }
0x2a4: {  	v29 =	vadd.s32 v1, v23;
	v13 =	vadd.s32 v10, v28;
	v12 =	vand.u32 $0x7, v27;
	v9 =	vld.idx.msk [tilespmem:v9+s30+$0x0], $0xffff  }
0x2a5: {  	v12 =	vor.u32 v12, v13;
	_ =	sdelay $0x2  }
0x2a6: {  	v30 =	vadd.s32 v4, v8  }
0x2a7: {  	v31 =	vand.u32 $0xFFFFFFF8, v30;
	[tilespmem:v29+s23+$0x0] =	vst.idx.msk $0xffff, v9  }
0x2a8: {  	v32 =	vadd.s32 v3, v23;
	v13 =	vand.u32 $0x7, v30;
	v9 =	vadd.s32 v10, v31;
	v12 =	vld.idx.msk [tilespmem:v12+s30+$0x0], $0xffff  }
0x2a9: {  	v9 =	vor.u32 v13, v9;
	_ =	sdelay $0x2  }
0x2aa: {  	v8 =	vadd.s32 v6, v8  }
0x2ab: {  	v33 =	vand.u32 $0xFFFFFFF8, v8;
	[tilespmem:v32+s23+$0x0] =	vst.idx.msk $0xffff, v12  }
0x2ac: {  	v34 =	vadd.s32 v5, v23;
	v8 =	vand.u32 $0x7, v8;
	v10 =	vadd.s32 v10, v33;
	v9 =	vld.idx.msk [tilespmem:v9+s30+$0x0], $0xffff  }
0x2ad: {  	v8 =	vor.u32 v8, v10;
	_ =	sdelay $0x2  }
0x2ae: {  	s24 =	sadd.s32 $0x2, s6  }
0x2af: {  	v35 =	vmov s24;
	[tilespmem:v34+s23+$0x0] =	vst.idx.msk $0xffff, v9  }
0x2b0: {  	v37 =	vand.u32 $0x7E, v35;
	v36 =	vadd.s32 v7, v23;
	v8 =	vld.idx.msk [tilespmem:v8+s30+$0x0], $0xffff  }
0x2b1: {  	v38 =	vor.u32 $0x800, v37;
	_ =	sdelay $0x3  }
0x2b2: {  	[tilespmem:v36+s23+$0x0] =	vst.idx.msk $0xffff, v8  }
0x2b3: {  	v8 =	vld.idx.msk [tilespmem:v38+s2+$0x0], $0xffff;
	_ =	sdelay $0x4  }
0x2b4: {  	v39 =	vadd.s32 v0, v8  }
0x2b5: {  	v9 =	vshll.u32 v35, $0x7;
	v40 =	vand.u32 $0xFFFFFFF8, v39  }
0x2b6: {  	v10 =	vand.u32 $0x7, v39;
	v12 =	vadd.s32 v9, v40  }
0x2b7: {  	v10 =	vor.u32 v10, v12;
	_ =	sdelay $0x2  }
0x2b8: {  	v41 =	vadd.s32 v2, v8  }
0x2b9: {  	v42 =	vand.u32 $0xFFFFFFF8, v41  }
0x2ba: {  	v43 =	vadd.s32 v1, v37;
	v13 =	vadd.s32 v9, v42;
	v12 =	vand.u32 $0x7, v41;
	v10 =	vld.idx.msk [tilespmem:v10+s30+$0x0], $0xffff  }
0x2bb: {  	v12 =	vor.u32 v12, v13;
	_ =	sdelay $0x2  }
0x2bc: {  	v44 =	vadd.s32 v4, v8  }
0x2bd: {  	v45 =	vand.u32 $0xFFFFFFF8, v44;
	[tilespmem:v43+s23+$0x0] =	vst.idx.msk $0xffff, v10  }
0x2be: {  	v46 =	vadd.s32 v3, v37;
	v13 =	vand.u32 $0x7, v44;
	v10 =	vadd.s32 v9, v45;
	v12 =	vld.idx.msk [tilespmem:v12+s30+$0x0], $0xffff  }
0x2bf: {  	v10 =	vor.u32 v13, v10;
	_ =	sdelay $0x2  }
0x2c0: {  	v8 =	vadd.s32 v6, v8  }
0x2c1: {  	v47 =	vand.u32 $0xFFFFFFF8, v8;
	[tilespmem:v46+s23+$0x0] =	vst.idx.msk $0xffff, v12  }
0x2c2: {  	v48 =	vadd.s32 v5, v37;
	v8 =	vand.u32 $0x7, v8;
	v9 =	vadd.s32 v9, v47;
	v10 =	vld.idx.msk [tilespmem:v10+s30+$0x0], $0xffff  }
0x2c3: {  	v8 =	vor.u32 v8, v9;
	_ =	sdelay $0x2  }
0x2c4: {  	s28 =	sadd.s32 $0x3, s6  }
0x2c5: {  	v49 =	vmov s28;
	[tilespmem:v48+s23+$0x0] =	vst.idx.msk $0xffff, v10  }
0x2c6: {  	v51 =	vand.u32 $0x7F, v49;
	v50 =	vadd.s32 v7, v37;
	v8 =	vld.idx.msk [tilespmem:v8+s30+$0x0], $0xffff  }
0x2c7: {  	v52 =	vor.u32 $0x800, v51;
	_ =	sdelay $0x3  }
0x2c8: {  	[tilespmem:v50+s23+$0x0] =	vst.idx.msk $0xffff, v8  }
0x2c9: {  	v8 =	vld.idx.msk [tilespmem:v52+s2+$0x0], $0xffff;
	_ =	sdelay $0x4  }
0x2ca: {  	v53 =	vadd.s32 v0, v8  }
0x2cb: {  	v9 =	vshll.u32 v49, $0x7;
	v54 =	vand.u32 $0xFFFFFFF8, v53  }
0x2cc: {  	v10 =	vand.u32 $0x7, v53;
	v12 =	vadd.s32 v9, v54  }
0x2cd: {  	v10 =	vor.u32 v10, v12;
	_ =	sdelay $0x2  }
0x2ce: {  	v55 =	vadd.s32 v2, v8  }
0x2cf: {  	v56 =	vand.u32 $0xFFFFFFF8, v55  }
0x2d0: {  	v57 =	vadd.s32 v1, v51;
	v13 =	vadd.s32 v9, v56;
	v12 =	vand.u32 $0x7, v55;
	v10 =	vld.idx.msk [tilespmem:v10+s30+$0x0], $0xffff  }
0x2d1: {  	v12 =	vor.u32 v12, v13;
	_ =	sdelay $0x2  }
0x2d2: {  	v58 =	vadd.s32 v4, v8  }
0x2d3: {  	v59 =	vand.u32 $0xFFFFFFF8, v58;
	[tilespmem:v57+s23+$0x0] =	vst.idx.msk $0xffff, v10  }
0x2d4: {  	v60 =	vadd.s32 v3, v51;
	v13 =	vand.u32 $0x7, v58;
	v10 =	vadd.s32 v9, v59;
	v12 =	vld.idx.msk [tilespmem:v12+s30+$0x0], $0xffff  }
0x2d5: {  	v10 =	vor.u32 v13, v10;
	_ =	sdelay $0x2  }
0x2d6: {  	v8 =	vadd.s32 v6, v8  }
0x2d7: {  	v61 =	vand.u32 $0xFFFFFFF8, v8;
	[tilespmem:v60+s23+$0x0] =	vst.idx.msk $0xffff, v12  }
0x2d8: {  	v62 =	vadd.s32 v5, v51;
	v8 =	vand.u32 $0x7, v8;
	v9 =	vadd.s32 v9, v61;
	v10 =	vld.idx.msk [tilespmem:v10+s30+$0x0], $0xffff  }
0x2d9: {  	v8 =	vor.u32 v8, v9;
	_ =	sdelay $0x3  }
0x2da: {  	[tilespmem:v62+s23+$0x0] =	vst.idx.msk $0xffff, v10  }
0x2db: {  	p0 =	slt.u32 s6, $0x7C;
	v63 =	vadd.s32 v7, v51;
	v8 =	vld.idx.msk [tilespmem:v8+s30+$0x0], $0xffff  }
.Ltmp8:
0x2dc: {  	_ = 	snop;
	(pc) =	sbr.rel @p0 .LBB2_18-.Ltmp8, $2  }
0x2dd: {  	_ =	sdelay $0x2  }
0x2de: {  	s6 =	sadd.s32 $0x4, s6;
	[tilespmem:v63+s23+$0x0] =	vst.idx.msk $0xffff, v8  }
0x2df: {  	s1 =	simm.s32 $0x10A00  }
0x2e0: {  	[hbm4b:s14+s2] =	stream.linear.scatter [tilespmem:s1], [sflag:$0x5], $0x80, $0x38;
	[tilespmem:$0x19200] =	vst v63  }
0x2e1: {  	s8 =	simm.s32 $0x10A88;
	s4 =	sadd.s32 $0x10, s14  }
0x2e2: {  	[hbm4b:s4+s2] =	stream.linear.scatter [tilespmem:s8], [sflag:$0x5], $0x80, $0x38;
	[tilespmem:$0x19200] =	vst v63  }
0x2e3: {  	s9 =	simm.s32 $0x10B10;
	s24 =	sadd.s32 $0x20, s14  }
0x2e4: {  	[hbm4b:s24+s2] =	stream.linear.scatter [tilespmem:s9], [sflag:$0x5], $0x80, $0x38;
	[tilespmem:$0x19200] =	vst v63  }
0x2e5: {  	s6 =	simm.s32 $0x10B98;
	s8 =	sadd.s32 $0x30, s14  }
0x2e6: {  	[hbm4b:s8+s2] =	stream.linear.scatter [tilespmem:s6], [sflag:$0x5], $0x80, $0x38;
	[tilespmem:$0x19200] =	vst v63  }
0x2e7: {  	s9 =	simm.s32 $0x10C20;
	s24 =	sadd.s32 $0x40, s14  }
0x2e8: {  	[hbm4b:s24+s2] =	stream.linear.scatter [tilespmem:s9], [sflag:$0x5], $0x80, $0x38;
	[tilespmem:$0x19200] =	vst v63  }
0x2e9: {  	s28 =	sadd.s32 $0x70, s14;
	s6 =	simm.s32 $0x10CA8;
	s8 =	sadd.s32 $0x50, s14  }
0x2ea: {  	[hbm4b:s8+s2] =	stream.linear.scatter [tilespmem:s6], [sflag:$0x5], $0x80, $0x38;
	[tilespmem:$0x19200] =	vst v63  }
0x2eb: {  	s9 =	simm.s32 $0x10D30;
	s24 =	sadd.s32 $0x60, s14;
	s6 =	simm.s32 $0x440  }
0x2ec: {  	[hbm4b:s24+s2] =	stream.linear.scatter [tilespmem:s9], [sflag:$0x5], $0x80, $0x38;
	[tilespmem:$0x19200] =	vst v63  }
0x2ed: {  	s8 =	simm.s32 $0x2200;
	s9 =	simm.s32 $0x10DB8;
	s24 =	sadd.s32 $0x4000, s14  }
.LBB2_20:
0x2ee: {  	[hbm4b:s28+s2] =	stream.linear.scatter [tilespmem:s9], [sflag:$0x5], $0x80, $0x38;
	[tilespmem:$0x19200] =	vst v63  }
0x2ef: {  	s1 =	smov.u32 s6;
	s4 =	smov.u32 s8  }
0x2f0: {  	s6 =	sshra.s32 s4, $0x2;
	s4 =	sadd.s32 $0x1100, s8;
	s9 =	sadd.s32 $0x10A00, s1  }
0x2f1: {  	[hbm4b:s24+s2] =	stream.linear.scatter [tilespmem:s9], [sflag:$0x5], $0x80, $0x38;
	[tilespmem:$0x19200] =	vst v63  }
0x2f2: {  	p0 =	sne.s32 s8, $0x7700;
	s8 =	sadd.s32 $0x10A88, s1;
	s9 =	sadd.s32 $0x10, s24  }
0x2f3: {  	[hbm4b:s9+s2] =	stream.linear.scatter [tilespmem:s8], [sflag:$0x5], $0x80, $0x38;
	[tilespmem:$0x19200] =	vst v63  }
0x2f4: {  	s8 =	sadd.s32 $0x10B10, s1;
	s9 =	sadd.s32 $0x20, s24  }
0x2f5: {  	[hbm4b:s9+s2] =	stream.linear.scatter [tilespmem:s8], [sflag:$0x5], $0x80, $0x38;
	[tilespmem:$0x19200] =	vst v63  }
0x2f6: {  	s8 =	sadd.s32 $0x10B98, s1;
	s9 =	sadd.s32 $0x30, s24  }
0x2f7: {  	[hbm4b:s9+s2] =	stream.linear.scatter [tilespmem:s8], [sflag:$0x5], $0x80, $0x38;
	[tilespmem:$0x19200] =	vst v63  }
0x2f8: {  	s8 =	sadd.s32 $0x10C20, s1;
	s9 =	sadd.s32 $0x40, s24  }
0x2f9: {  	[hbm4b:s9+s2] =	stream.linear.scatter [tilespmem:s8], [sflag:$0x5], $0x80, $0x38;
	[tilespmem:$0x19200] =	vst v63  }
.Ltmp9:
0x2fa: {  	s8 =	sadd.s32 $0x10CA8, s1;
	s9 =	sadd.s32 $0x50, s24;
	(pc) =	sbr.rel @p0 .LBB2_20-.Ltmp9, $4  }
0x2fb: {  	[hbm4b:s9+s2] =	stream.linear.scatter [tilespmem:s8], [sflag:$0x5], $0x80, $0x38;
	[tilespmem:$0x19200] =	vst v63  }
0x2fc: {  	s28 =	sadd.s32 $0x70, s24;
	s8 =	sadd.s32 $0x10D30, s1;
	s9 =	sadd.s32 $0x60, s24  }
0x2fd: {  	[hbm4b:s9+s2] =	stream.linear.scatter [tilespmem:s8], [sflag:$0x5], $0x80, $0x38;
	[tilespmem:$0x19200] =	vst v63  }
0x2fe: {  	s24 =	sadd.s32 $0x4000, s24;
	s9 =	sadd.s32 $0x10DB8, s1;
	s8 =	smov.u32 s4  }
0x2ff: {  	[hbm4b:s28+s2] =	stream.linear.scatter [tilespmem:s9], [sflag:$0x5], $0x80, $0x38;
	[tilespmem:$0x19200] =	vst v63  }
0x300: {  	s1 =	sadd.s32 $0x10A00, s6  }
0x301: {  	[hbm4b:s24+s2] =	stream.linear.scatter [tilespmem:s1], [sflag:$0x5], $0x80, $0x38;
	[tilespmem:$0x19200] =	vst v63  }
0x302: {  	s28 =	sadd.s32 $0x10A88, s6;
	s4 =	sadd.s32 $0x10, s24  }
0x303: {  	[hbm4b:s4+s2] =	stream.linear.scatter [tilespmem:s28], [sflag:$0x5], $0x80, $0x38;
	[tilespmem:$0x19200] =	vst v63  }
0x304: {  	s8 =	sadd.s32 $0x20, s24;
	s4 =	sadd.s32 $0x10B10, s6  }
0x305: {  	[hbm4b:s8+s2] =	stream.linear.scatter [tilespmem:s4], [sflag:$0x5], $0x80, $0x38;
	[tilespmem:$0x19200] =	vst v63  }
0x306: {  	s9 =	sadd.s32 $0x10B98, s6;
	s28 =	sadd.s32 $0x30, s24  }
0x307: {  	[hbm4b:s28+s2] =	stream.linear.scatter [tilespmem:s9], [sflag:$0x5], $0x80, $0x38;
	[tilespmem:$0x19200] =	vst v63  }
0x308: {  	s4 =	sadd.s32 $0x10C20, s6;
	s8 =	sadd.s32 $0x40, s24  }
0x309: {  	[hbm4b:s8+s2] =	stream.linear.scatter [tilespmem:s4], [sflag:$0x5], $0x80, $0x38;
	[tilespmem:$0x19200] =	vst v63  }
0x30a: {  	s9 =	sadd.s32 $0x10CA8, s6;
	s28 =	sadd.s32 $0x50, s24  }
0x30b: {  	[hbm4b:s28+s2] =	stream.linear.scatter [tilespmem:s9], [sflag:$0x5], $0x80, $0x38;
	[tilespmem:$0x19200] =	vst v63  }
0x30c: {  	s4 =	sadd.s32 $0x10D30, s6;
	s8 =	sadd.s32 $0x60, s24  }
0x30d: {  	[hbm4b:s8+s2] =	stream.linear.scatter [tilespmem:s4], [sflag:$0x5], $0x80, $0x38;
	[tilespmem:$0x19200] =	vst v63  }
0x30e: {  	s9 =	sadd.s32 $0x10DB8, s6;
	s28 =	sadd.s32 $0x70, s24;
	s6 =	simm.s32 $0x5  }
0x30f: {  	[hbm4b:s28+s2] =	stream.linear.scatter [tilespmem:s9], [sflag:$0x5], $0x80, $0x38;
	[tilespmem:$0x19200] =	vst v63  }
0x310: {  	_ =	swait.ge [sflag:s6], $0x2000  }
0x311: {  	[sflag:s6] =	ssyncset.done $0x0  }
0x312: {  	s8 =	simm.s32 $0xB;
	[sflag:s6] =	ssyncadd.s32 $0xFFFFE000  }
0x313: {  	_ =	swait.ge [sflag:s8], $0x200  }
0x314: {  	s24 =	simm.s32 $0x400;
	[sflag:s8] =	ssyncset.done $0x0  }
0x315: {  	s28 =	simm.s32 $0x2;
	s9 =	rddreg [dreg:$0x6];
	[sflag:s8] =	ssyncadd.s32 $0xFFFFFE00  }
0x316: {  	[tilespmem:s30], [sflag:$0x1] =	stream.indirect.gather [hbm4b:s9+s29], $0x80, s24, s29, $0xb8;
	[tilespmem:$0x19200] =	vst v63  }
0x317: {  	_ =	swait.ge [sflag:s28], $0x4000  }
0x318: {  	[sflag:s28] =	ssyncset.done $0x0  }
0x319: {  	s6 =	simm.s32 $0x0;
	[sflag:s28] =	ssyncadd.s32 $0xFFFFC000  }
.LBB2_22:
0x31a: {  	v8 =	vmov s6  }
0x31b: {  	v9 =	vand.u32 $0x7C, v8  }
0x31c: {  	v10 =	vor.u32 $0x880, v9;
	_ =	sdelay $0x4  }
0x31d: {  	v10 =	vld.idx.msk [tilespmem:v10+s2+$0x0], $0xffff;
	_ =	sdelay $0x4  }
0x31e: {  	v11 =	vadd.s32 v0, v10  }
0x31f: {  	v8 =	vshll.u32 v8, $0x7;
	v12 =	vand.u32 $0xFFFFFFF8, v11  }
0x320: {  	v11 =	vand.u32 $0x7, v11;
	v12 =	vadd.s32 v8, v12  }
0x321: {  	v11 =	vor.u32 v11, v12;
	_ =	sdelay $0x2  }
0x322: {  	v16 =	vadd.s32 v2, v10  }
0x323: {  	v13 =	vand.u32 $0xFFFFFFF8, v16  }
0x324: {  	v14 =	vadd.s32 v1, v9;
	v13 =	vadd.s32 v8, v13;
	v12 =	vand.u32 $0x7, v16;
	v11 =	vld.idx.msk [tilespmem:v11+s31+$0x0], $0xffff  }
0x325: {  	v12 =	vor.u32 v12, v13;
	_ =	sdelay $0x2  }
0x326: {  	v17 =	vadd.s32 v4, v10  }
0x327: {  	v18 =	vand.u32 $0xFFFFFFF8, v17;
	[tilespmem:v14+s7+$0x0] =	vst.idx.msk $0xffff, v11  }
0x328: {  	v19 =	vadd.s32 v3, v9;
	v13 =	vand.u32 $0x7, v17;
	v11 =	vadd.s32 v8, v18;
	v12 =	vld.idx.msk [tilespmem:v12+s31+$0x0], $0xffff  }
0x329: {  	v11 =	vor.u32 v13, v11;
	_ =	sdelay $0x2  }
0x32a: {  	v10 =	vadd.s32 v6, v10  }
0x32b: {  	v20 =	vand.u32 $0xFFFFFFF8, v10;
	[tilespmem:v19+s7+$0x0] =	vst.idx.msk $0xffff, v12  }
0x32c: {  	v21 =	vadd.s32 v5, v9;
	v10 =	vand.u32 $0x7, v10;
	v8 =	vadd.s32 v8, v20;
	v11 =	vld.idx.msk [tilespmem:v11+s31+$0x0], $0xffff  }
0x32d: {  	v8 =	vor.u32 v10, v8;
	_ =	sdelay $0x2  }
0x32e: {  	s1 =	sadd.s32 $0x1, s6  }
0x32f: {  	v22 =	vmov s1;
	[tilespmem:v21+s7+$0x0] =	vst.idx.msk $0xffff, v11  }
0x330: {  	v9 =	vadd.s32 v7, v9;
	v23 =	vand.u32 $0x7D, v22;
	v8 =	vld.idx.msk [tilespmem:v8+s31+$0x0], $0xffff  }
0x331: {  	v24 =	vor.u32 $0x880, v23;
	_ =	sdelay $0x3  }
0x332: {  	[tilespmem:v9+s7+$0x0] =	vst.idx.msk $0xffff, v8  }
0x333: {  	v8 =	vld.idx.msk [tilespmem:v24+s2+$0x0], $0xffff;
	_ =	sdelay $0x4  }
0x334: {  	v25 =	vadd.s32 v0, v8  }
0x335: {  	v10 =	vshll.u32 v22, $0x7;
	v26 =	vand.u32 $0xFFFFFFF8, v25  }
0x336: {  	v9 =	vand.u32 $0x7, v25;
	v12 =	vadd.s32 v10, v26  }
0x337: {  	v9 =	vor.u32 v9, v12;
	_ =	sdelay $0x2  }
0x338: {  	v27 =	vadd.s32 v2, v8  }
0x339: {  	v28 =	vand.u32 $0xFFFFFFF8, v27  }
0x33a: {  	v29 =	vadd.s32 v1, v23;
	v13 =	vadd.s32 v10, v28;
	v12 =	vand.u32 $0x7, v27;
	v9 =	vld.idx.msk [tilespmem:v9+s31+$0x0], $0xffff  }
0x33b: {  	v12 =	vor.u32 v12, v13;
	_ =	sdelay $0x2  }
0x33c: {  	v30 =	vadd.s32 v4, v8  }
0x33d: {  	v31 =	vand.u32 $0xFFFFFFF8, v30;
	[tilespmem:v29+s7+$0x0] =	vst.idx.msk $0xffff, v9  }
0x33e: {  	v32 =	vadd.s32 v3, v23;
	v13 =	vand.u32 $0x7, v30;
	v9 =	vadd.s32 v10, v31;
	v12 =	vld.idx.msk [tilespmem:v12+s31+$0x0], $0xffff  }
0x33f: {  	v9 =	vor.u32 v13, v9;
	_ =	sdelay $0x2  }
0x340: {  	v8 =	vadd.s32 v6, v8  }
0x341: {  	v33 =	vand.u32 $0xFFFFFFF8, v8;
	[tilespmem:v32+s7+$0x0] =	vst.idx.msk $0xffff, v12  }
0x342: {  	v34 =	vadd.s32 v5, v23;
	v8 =	vand.u32 $0x7, v8;
	v10 =	vadd.s32 v10, v33;
	v9 =	vld.idx.msk [tilespmem:v9+s31+$0x0], $0xffff  }
0x343: {  	v8 =	vor.u32 v8, v10;
	_ =	sdelay $0x2  }
0x344: {  	s24 =	sadd.s32 $0x2, s6  }
0x345: {  	v35 =	vmov s24;
	[tilespmem:v34+s7+$0x0] =	vst.idx.msk $0xffff, v9  }
0x346: {  	v37 =	vand.u32 $0x7E, v35;
	v36 =	vadd.s32 v7, v23;
	v8 =	vld.idx.msk [tilespmem:v8+s31+$0x0], $0xffff  }
0x347: {  	v38 =	vor.u32 $0x880, v37;
	_ =	sdelay $0x3  }
0x348: {  	[tilespmem:v36+s7+$0x0] =	vst.idx.msk $0xffff, v8  }
0x349: {  	v8 =	vld.idx.msk [tilespmem:v38+s2+$0x0], $0xffff;
	_ =	sdelay $0x4  }
0x34a: {  	v39 =	vadd.s32 v0, v8  }
0x34b: {  	v9 =	vshll.u32 v35, $0x7;
	v40 =	vand.u32 $0xFFFFFFF8, v39  }
0x34c: {  	v10 =	vand.u32 $0x7, v39;
	v12 =	vadd.s32 v9, v40  }
0x34d: {  	v10 =	vor.u32 v10, v12;
	_ =	sdelay $0x2  }
0x34e: {  	v41 =	vadd.s32 v2, v8  }
0x34f: {  	v42 =	vand.u32 $0xFFFFFFF8, v41  }
0x350: {  	v43 =	vadd.s32 v1, v37;
	v13 =	vadd.s32 v9, v42;
	v12 =	vand.u32 $0x7, v41;
	v10 =	vld.idx.msk [tilespmem:v10+s31+$0x0], $0xffff  }
0x351: {  	v12 =	vor.u32 v12, v13;
	_ =	sdelay $0x2  }
0x352: {  	v44 =	vadd.s32 v4, v8  }
0x353: {  	v45 =	vand.u32 $0xFFFFFFF8, v44;
	[tilespmem:v43+s7+$0x0] =	vst.idx.msk $0xffff, v10  }
0x354: {  	v46 =	vadd.s32 v3, v37;
	v13 =	vand.u32 $0x7, v44;
	v10 =	vadd.s32 v9, v45;
	v12 =	vld.idx.msk [tilespmem:v12+s31+$0x0], $0xffff  }
0x355: {  	v10 =	vor.u32 v13, v10;
	_ =	sdelay $0x2  }
0x356: {  	v8 =	vadd.s32 v6, v8  }
0x357: {  	v47 =	vand.u32 $0xFFFFFFF8, v8;
	[tilespmem:v46+s7+$0x0] =	vst.idx.msk $0xffff, v12  }
0x358: {  	v48 =	vadd.s32 v5, v37;
	v8 =	vand.u32 $0x7, v8;
	v9 =	vadd.s32 v9, v47;
	v10 =	vld.idx.msk [tilespmem:v10+s31+$0x0], $0xffff  }
0x359: {  	v8 =	vor.u32 v8, v9;
	_ =	sdelay $0x2  }
0x35a: {  	s28 =	sadd.s32 $0x3, s6  }
0x35b: {  	v49 =	vmov s28;
	[tilespmem:v48+s7+$0x0] =	vst.idx.msk $0xffff, v10  }
0x35c: {  	v51 =	vand.u32 $0x7F, v49;
	v50 =	vadd.s32 v7, v37;
	v8 =	vld.idx.msk [tilespmem:v8+s31+$0x0], $0xffff  }
0x35d: {  	v52 =	vor.u32 $0x880, v51;
	_ =	sdelay $0x3  }
0x35e: {  	[tilespmem:v50+s7+$0x0] =	vst.idx.msk $0xffff, v8  }
0x35f: {  	v8 =	vld.idx.msk [tilespmem:v52+s2+$0x0], $0xffff;
	_ =	sdelay $0x4  }
0x360: {  	v53 =	vadd.s32 v0, v8  }
0x361: {  	v9 =	vshll.u32 v49, $0x7;
	v54 =	vand.u32 $0xFFFFFFF8, v53  }
0x362: {  	v10 =	vand.u32 $0x7, v53;
	v12 =	vadd.s32 v9, v54  }
0x363: {  	v10 =	vor.u32 v10, v12;
	_ =	sdelay $0x2  }
0x364: {  	v55 =	vadd.s32 v2, v8  }
0x365: {  	v56 =	vand.u32 $0xFFFFFFF8, v55  }
0x366: {  	v57 =	vadd.s32 v1, v51;
	v13 =	vadd.s32 v9, v56;
	v12 =	vand.u32 $0x7, v55;
	v10 =	vld.idx.msk [tilespmem:v10+s31+$0x0], $0xffff  }
0x367: {  	v12 =	vor.u32 v12, v13;
	_ =	sdelay $0x2  }
0x368: {  	v58 =	vadd.s32 v4, v8  }
0x369: {  	v59 =	vand.u32 $0xFFFFFFF8, v58;
	[tilespmem:v57+s7+$0x0] =	vst.idx.msk $0xffff, v10  }
0x36a: {  	v60 =	vadd.s32 v3, v51;
	v13 =	vand.u32 $0x7, v58;
	v10 =	vadd.s32 v9, v59;
	v12 =	vld.idx.msk [tilespmem:v12+s31+$0x0], $0xffff  }
0x36b: {  	v10 =	vor.u32 v13, v10;
	_ =	sdelay $0x2  }
0x36c: {  	v8 =	vadd.s32 v6, v8  }
0x36d: {  	v61 =	vand.u32 $0xFFFFFFF8, v8;
	[tilespmem:v60+s7+$0x0] =	vst.idx.msk $0xffff, v12  }
0x36e: {  	v62 =	vadd.s32 v5, v51;
	v8 =	vand.u32 $0x7, v8;
	v9 =	vadd.s32 v9, v61;
	v10 =	vld.idx.msk [tilespmem:v10+s31+$0x0], $0xffff  }
0x36f: {  	v8 =	vor.u32 v8, v9;
	_ =	sdelay $0x3  }
0x370: {  	[tilespmem:v62+s7+$0x0] =	vst.idx.msk $0xffff, v10  }
0x371: {  	p0 =	slt.u32 s6, $0x7C;
	v63 =	vadd.s32 v7, v51;
	v8 =	vld.idx.msk [tilespmem:v8+s31+$0x0], $0xffff  }
.Ltmp10:
0x372: {  	_ = 	snop;
	(pc) =	sbr.rel @p0 .LBB2_22-.Ltmp10, $2  }
0x373: {  	_ =	sdelay $0x2  }
0x374: {  	s6 =	sadd.s32 $0x4, s6;
	[tilespmem:v63+s7+$0x0] =	vst.idx.msk $0xffff, v8  }
0x375: {  	s1 =	simm.s32 $0x12C00  }
0x376: {  	[hbm4b:s15+s2] =	stream.linear.scatter [tilespmem:s1], [sflag:$0x6], $0x80, $0x38;
	[tilespmem:$0x19200] =	vst v63  }
0x377: {  	s8 =	simm.s32 $0x12C88;
	s4 =	sadd.s32 $0x10, s15  }
0x378: {  	[hbm4b:s4+s2] =	stream.linear.scatter [tilespmem:s8], [sflag:$0x6], $0x80, $0x38;
	[tilespmem:$0x19200] =	vst v63  }
0x379: {  	s9 =	simm.s32 $0x12D10;
	s24 =	sadd.s32 $0x20, s15  }
0x37a: {  	[hbm4b:s24+s2] =	stream.linear.scatter [tilespmem:s9], [sflag:$0x6], $0x80, $0x38;
	[tilespmem:$0x19200] =	vst v63  }
0x37b: {  	s6 =	simm.s32 $0x12D98;
	s8 =	sadd.s32 $0x30, s15  }
0x37c: {  	[hbm4b:s8+s2] =	stream.linear.scatter [tilespmem:s6], [sflag:$0x6], $0x80, $0x38;
	[tilespmem:$0x19200] =	vst v63  }
0x37d: {  	s9 =	simm.s32 $0x12E20;
	s24 =	sadd.s32 $0x40, s15  }
0x37e: {  	[hbm4b:s24+s2] =	stream.linear.scatter [tilespmem:s9], [sflag:$0x6], $0x80, $0x38;
	[tilespmem:$0x19200] =	vst v63  }
0x37f: {  	s28 =	sadd.s32 $0x70, s15;
	s6 =	simm.s32 $0x12EA8;
	s8 =	sadd.s32 $0x50, s15  }
0x380: {  	[hbm4b:s8+s2] =	stream.linear.scatter [tilespmem:s6], [sflag:$0x6], $0x80, $0x38;
	[tilespmem:$0x19200] =	vst v63  }
0x381: {  	s9 =	simm.s32 $0x12F30;
	s24 =	sadd.s32 $0x60, s15;
	s6 =	simm.s32 $0x440  }
0x382: {  	[hbm4b:s24+s2] =	stream.linear.scatter [tilespmem:s9], [sflag:$0x6], $0x80, $0x38;
	[tilespmem:$0x19200] =	vst v63  }
0x383: {  	s8 =	simm.s32 $0x2200;
	s9 =	simm.s32 $0x12FB8;
	s24 =	sadd.s32 $0x4000, s15  }
.LBB2_24:
0x384: {  	[hbm4b:s28+s2] =	stream.linear.scatter [tilespmem:s9], [sflag:$0x6], $0x80, $0x38;
	[tilespmem:$0x19200] =	vst v63  }
0x385: {  	s1 =	smov.u32 s6;
	s4 =	smov.u32 s8  }
0x386: {  	s6 =	sshra.s32 s4, $0x2;
	s4 =	sadd.s32 $0x1100, s8;
	s9 =	sadd.s32 $0x12C00, s1  }
0x387: {  	[hbm4b:s24+s2] =	stream.linear.scatter [tilespmem:s9], [sflag:$0x6], $0x80, $0x38;
	[tilespmem:$0x19200] =	vst v63  }
0x388: {  	p0 =	sne.s32 s8, $0x7700;
	s8 =	sadd.s32 $0x12C88, s1;
	s9 =	sadd.s32 $0x10, s24  }
0x389: {  	[hbm4b:s9+s2] =	stream.linear.scatter [tilespmem:s8], [sflag:$0x6], $0x80, $0x38;
	[tilespmem:$0x19200] =	vst v63  }
0x38a: {  	s8 =	sadd.s32 $0x12D10, s1;
	s9 =	sadd.s32 $0x20, s24  }
0x38b: {  	[hbm4b:s9+s2] =	stream.linear.scatter [tilespmem:s8], [sflag:$0x6], $0x80, $0x38;
	[tilespmem:$0x19200] =	vst v63  }
0x38c: {  	s8 =	sadd.s32 $0x12D98, s1;
	s9 =	sadd.s32 $0x30, s24  }
0x38d: {  	[hbm4b:s9+s2] =	stream.linear.scatter [tilespmem:s8], [sflag:$0x6], $0x80, $0x38;
	[tilespmem:$0x19200] =	vst v63  }
0x38e: {  	s8 =	sadd.s32 $0x12E20, s1;
	s9 =	sadd.s32 $0x40, s24  }
0x38f: {  	[hbm4b:s9+s2] =	stream.linear.scatter [tilespmem:s8], [sflag:$0x6], $0x80, $0x38;
	[tilespmem:$0x19200] =	vst v63  }
.Ltmp11:
0x390: {  	s8 =	sadd.s32 $0x12EA8, s1;
	s9 =	sadd.s32 $0x50, s24;
	(pc) =	sbr.rel @p0 .LBB2_24-.Ltmp11, $4  }
0x391: {  	[hbm4b:s9+s2] =	stream.linear.scatter [tilespmem:s8], [sflag:$0x6], $0x80, $0x38;
	[tilespmem:$0x19200] =	vst v63  }
0x392: {  	s28 =	sadd.s32 $0x70, s24;
	s8 =	sadd.s32 $0x12F30, s1;
	s9 =	sadd.s32 $0x60, s24  }
0x393: {  	[hbm4b:s9+s2] =	stream.linear.scatter [tilespmem:s8], [sflag:$0x6], $0x80, $0x38;
	[tilespmem:$0x19200] =	vst v63  }
0x394: {  	s24 =	sadd.s32 $0x4000, s24;
	s9 =	sadd.s32 $0x12FB8, s1;
	s8 =	smov.u32 s4  }
0x395: {  	[hbm4b:s28+s2] =	stream.linear.scatter [tilespmem:s9], [sflag:$0x6], $0x80, $0x38;
	[tilespmem:$0x19200] =	vst v63  }
0x396: {  	s1 =	sadd.s32 $0x12C00, s6  }
0x397: {  	[hbm4b:s24+s2] =	stream.linear.scatter [tilespmem:s1], [sflag:$0x6], $0x80, $0x38;
	[tilespmem:$0x19200] =	vst v63  }
0x398: {  	s8 =	sadd.s32 $0x12C88, s6;
	s4 =	sadd.s32 $0x10, s24  }
0x399: {  	[hbm4b:s4+s2] =	stream.linear.scatter [tilespmem:s8], [sflag:$0x6], $0x80, $0x38;
	[tilespmem:$0x19200] =	vst v63  }
0x39a: {  	s9 =	sadd.s32 $0x12D10, s6;
	s28 =	sadd.s32 $0x20, s24  }
0x39b: {  	[hbm4b:s28+s2] =	stream.linear.scatter [tilespmem:s9], [sflag:$0x6], $0x80, $0x38;
	[tilespmem:$0x19200] =	vst v63  }
0x39c: {  	s4 =	sadd.s32 $0x12D98, s6;
	s8 =	sadd.s32 $0x30, s24  }
0x39d: {  	[hbm4b:s8+s2] =	stream.linear.scatter [tilespmem:s4], [sflag:$0x6], $0x80, $0x38;
	[tilespmem:$0x19200] =	vst v63  }
0x39e: {  	s9 =	sadd.s32 $0x12E20, s6;
	s28 =	sadd.s32 $0x40, s24  }
0x39f: {  	[hbm4b:s28+s2] =	stream.linear.scatter [tilespmem:s9], [sflag:$0x6], $0x80, $0x38;
	[tilespmem:$0x19200] =	vst v63  }
0x3a0: {  	s4 =	sadd.s32 $0x12EA8, s6;
	s8 =	sadd.s32 $0x50, s24  }
0x3a1: {  	[hbm4b:s8+s2] =	stream.linear.scatter [tilespmem:s4], [sflag:$0x6], $0x80, $0x38;
	[tilespmem:$0x19200] =	vst v63  }
0x3a2: {  	s9 =	sadd.s32 $0x12F30, s6;
	s28 =	sadd.s32 $0x60, s24  }
0x3a3: {  	[hbm4b:s28+s2] =	stream.linear.scatter [tilespmem:s9], [sflag:$0x6], $0x80, $0x38;
	[tilespmem:$0x19200] =	vst v63  }
0x3a4: {  	s4 =	sadd.s32 $0x12FB8, s6;
	s6 =	sadd.s32 $0x70, s24;
	s8 =	simm.s32 $0x6  }
0x3a5: {  	[hbm4b:s6+s2] =	stream.linear.scatter [tilespmem:s4], [sflag:$0x6], $0x80, $0x38;
	[tilespmem:$0x19200] =	vst v63  }
0x3a6: {  	_ =	swait.ge [sflag:s8], $0x2000  }
0x3a7: {  	s24 =	simm.s32 $0x480;
	[sflag:s8] =	ssyncset.done $0x0  }
0x3a8: {  	s28 =	simm.s32 $0x3;
	s9 =	rddreg [dreg:$0x6];
	[sflag:s8] =	ssyncadd.s32 $0xFFFFE000  }
0x3a9: {  	[tilespmem:s31], [sflag:$0x2] =	stream.indirect.gather [hbm4b:s9+s29], $0x80, s24, s29, $0xb8;
	[tilespmem:$0x19200] =	vst v63  }
0x3aa: {  	_ =	swait.ge [sflag:s28], $0x4000  }
0x3ab: {  	[sflag:s28] =	ssyncset.done $0x0  }
0x3ac: {  	s6 =	simm.s32 $0x0;
	[sflag:s28] =	ssyncadd.s32 $0xFFFFC000  }
.LBB2_26:
0x3ad: {  	v8 =	vmov s6  }
0x3ae: {  	v9 =	vand.u32 $0x7C, v8  }
0x3af: {  	v10 =	vor.u32 $0x900, v9;
	_ =	sdelay $0x4  }
0x3b0: {  	v10 =	vld.idx.msk [tilespmem:v10+s2+$0x0], $0xffff;
	_ =	sdelay $0x4  }
0x3b1: {  	v11 =	vadd.s32 v0, v10  }
0x3b2: {  	v8 =	vshll.u32 v8, $0x7;
	v12 =	vand.u32 $0xFFFFFFF8, v11  }
0x3b3: {  	v11 =	vand.u32 $0x7, v11;
	v12 =	vadd.s32 v8, v12  }
0x3b4: {  	v11 =	vor.u32 v11, v12;
	_ =	sdelay $0x2  }
0x3b5: {  	v16 =	vadd.s32 v2, v10  }
0x3b6: {  	v13 =	vand.u32 $0xFFFFFFF8, v16  }
0x3b7: {  	v14 =	vadd.s32 v1, v9;
	v13 =	vadd.s32 v8, v13;
	v12 =	vand.u32 $0x7, v16;
	v11 =	vld.idx.msk [tilespmem:v11+s0+$0x0], $0xffff  }
0x3b8: {  	v12 =	vor.u32 v12, v13;
	_ =	sdelay $0x2  }
0x3b9: {  	v17 =	vadd.s32 v4, v10  }
0x3ba: {  	v18 =	vand.u32 $0xFFFFFFF8, v17;
	[tilespmem:v14+s22+$0x0] =	vst.idx.msk $0xffff, v11  }
0x3bb: {  	v19 =	vadd.s32 v3, v9;
	v13 =	vand.u32 $0x7, v17;
	v11 =	vadd.s32 v8, v18;
	v12 =	vld.idx.msk [tilespmem:v12+s0+$0x0], $0xffff  }
0x3bc: {  	v11 =	vor.u32 v13, v11;
	_ =	sdelay $0x2  }
0x3bd: {  	v10 =	vadd.s32 v6, v10  }
0x3be: {  	v20 =	vand.u32 $0xFFFFFFF8, v10;
	[tilespmem:v19+s22+$0x0] =	vst.idx.msk $0xffff, v12  }
0x3bf: {  	v21 =	vadd.s32 v5, v9;
	v10 =	vand.u32 $0x7, v10;
	v8 =	vadd.s32 v8, v20;
	v11 =	vld.idx.msk [tilespmem:v11+s0+$0x0], $0xffff  }
0x3c0: {  	v8 =	vor.u32 v10, v8;
	_ =	sdelay $0x2  }
0x3c1: {  	s1 =	sadd.s32 $0x1, s6  }
0x3c2: {  	v22 =	vmov s1;
	[tilespmem:v21+s22+$0x0] =	vst.idx.msk $0xffff, v11  }
0x3c3: {  	v9 =	vadd.s32 v7, v9;
	v23 =	vand.u32 $0x7D, v22;
	v8 =	vld.idx.msk [tilespmem:v8+s0+$0x0], $0xffff  }
0x3c4: {  	v24 =	vor.u32 $0x900, v23;
	_ =	sdelay $0x3  }
0x3c5: {  	[tilespmem:v9+s22+$0x0] =	vst.idx.msk $0xffff, v8  }
0x3c6: {  	v8 =	vld.idx.msk [tilespmem:v24+s2+$0x0], $0xffff;
	_ =	sdelay $0x4  }
0x3c7: {  	v25 =	vadd.s32 v0, v8  }
0x3c8: {  	v10 =	vshll.u32 v22, $0x7;
	v26 =	vand.u32 $0xFFFFFFF8, v25  }
0x3c9: {  	v9 =	vand.u32 $0x7, v25;
	v12 =	vadd.s32 v10, v26  }
0x3ca: {  	v9 =	vor.u32 v9, v12;
	_ =	sdelay $0x2  }
0x3cb: {  	v27 =	vadd.s32 v2, v8  }
0x3cc: {  	v28 =	vand.u32 $0xFFFFFFF8, v27  }
0x3cd: {  	v29 =	vadd.s32 v1, v23;
	v13 =	vadd.s32 v10, v28;
	v12 =	vand.u32 $0x7, v27;
	v9 =	vld.idx.msk [tilespmem:v9+s0+$0x0], $0xffff  }
0x3ce: {  	v12 =	vor.u32 v12, v13;
	_ =	sdelay $0x2  }
0x3cf: {  	v30 =	vadd.s32 v4, v8  }
0x3d0: {  	v31 =	vand.u32 $0xFFFFFFF8, v30;
	[tilespmem:v29+s22+$0x0] =	vst.idx.msk $0xffff, v9  }
0x3d1: {  	v32 =	vadd.s32 v3, v23;
	v13 =	vand.u32 $0x7, v30;
	v9 =	vadd.s32 v10, v31;
	v12 =	vld.idx.msk [tilespmem:v12+s0+$0x0], $0xffff  }
0x3d2: {  	v9 =	vor.u32 v13, v9;
	_ =	sdelay $0x2  }
0x3d3: {  	v8 =	vadd.s32 v6, v8  }
0x3d4: {  	v33 =	vand.u32 $0xFFFFFFF8, v8;
	[tilespmem:v32+s22+$0x0] =	vst.idx.msk $0xffff, v12  }
0x3d5: {  	v34 =	vadd.s32 v5, v23;
	v8 =	vand.u32 $0x7, v8;
	v10 =	vadd.s32 v10, v33;
	v9 =	vld.idx.msk [tilespmem:v9+s0+$0x0], $0xffff  }
0x3d6: {  	v8 =	vor.u32 v8, v10;
	_ =	sdelay $0x2  }
0x3d7: {  	s24 =	sadd.s32 $0x2, s6  }
0x3d8: {  	v35 =	vmov s24;
	[tilespmem:v34+s22+$0x0] =	vst.idx.msk $0xffff, v9  }
0x3d9: {  	v37 =	vand.u32 $0x7E, v35;
	v36 =	vadd.s32 v7, v23;
	v8 =	vld.idx.msk [tilespmem:v8+s0+$0x0], $0xffff  }
0x3da: {  	v38 =	vor.u32 $0x900, v37;
	_ =	sdelay $0x3  }
0x3db: {  	[tilespmem:v36+s22+$0x0] =	vst.idx.msk $0xffff, v8  }
0x3dc: {  	v8 =	vld.idx.msk [tilespmem:v38+s2+$0x0], $0xffff;
	_ =	sdelay $0x4  }
0x3dd: {  	v39 =	vadd.s32 v0, v8  }
0x3de: {  	v9 =	vshll.u32 v35, $0x7;
	v40 =	vand.u32 $0xFFFFFFF8, v39  }
0x3df: {  	v10 =	vand.u32 $0x7, v39;
	v12 =	vadd.s32 v9, v40  }
0x3e0: {  	v10 =	vor.u32 v10, v12;
	_ =	sdelay $0x2  }
0x3e1: {  	v41 =	vadd.s32 v2, v8  }
0x3e2: {  	v42 =	vand.u32 $0xFFFFFFF8, v41  }
0x3e3: {  	v43 =	vadd.s32 v1, v37;
	v13 =	vadd.s32 v9, v42;
	v12 =	vand.u32 $0x7, v41;
	v10 =	vld.idx.msk [tilespmem:v10+s0+$0x0], $0xffff  }
0x3e4: {  	v12 =	vor.u32 v12, v13;
	_ =	sdelay $0x2  }
0x3e5: {  	v44 =	vadd.s32 v4, v8  }
0x3e6: {  	v45 =	vand.u32 $0xFFFFFFF8, v44;
	[tilespmem:v43+s22+$0x0] =	vst.idx.msk $0xffff, v10  }
0x3e7: {  	v46 =	vadd.s32 v3, v37;
	v13 =	vand.u32 $0x7, v44;
	v10 =	vadd.s32 v9, v45;
	v12 =	vld.idx.msk [tilespmem:v12+s0+$0x0], $0xffff  }
0x3e8: {  	v10 =	vor.u32 v13, v10;
	_ =	sdelay $0x2  }
0x3e9: {  	v8 =	vadd.s32 v6, v8  }
0x3ea: {  	v47 =	vand.u32 $0xFFFFFFF8, v8;
	[tilespmem:v46+s22+$0x0] =	vst.idx.msk $0xffff, v12  }
0x3eb: {  	v48 =	vadd.s32 v5, v37;
	v8 =	vand.u32 $0x7, v8;
	v9 =	vadd.s32 v9, v47;
	v10 =	vld.idx.msk [tilespmem:v10+s0+$0x0], $0xffff  }
0x3ec: {  	v8 =	vor.u32 v8, v9;
	_ =	sdelay $0x2  }
0x3ed: {  	s28 =	sadd.s32 $0x3, s6  }
0x3ee: {  	v49 =	vmov s28;
	[tilespmem:v48+s22+$0x0] =	vst.idx.msk $0xffff, v10  }
0x3ef: {  	v51 =	vand.u32 $0x7F, v49;
	v50 =	vadd.s32 v7, v37;
	v8 =	vld.idx.msk [tilespmem:v8+s0+$0x0], $0xffff  }
0x3f0: {  	v52 =	vor.u32 $0x900, v51;
	_ =	sdelay $0x3  }
0x3f1: {  	[tilespmem:v50+s22+$0x0] =	vst.idx.msk $0xffff, v8  }
0x3f2: {  	v8 =	vld.idx.msk [tilespmem:v52+s2+$0x0], $0xffff;
	_ =	sdelay $0x4  }
0x3f3: {  	v53 =	vadd.s32 v0, v8  }
0x3f4: {  	v9 =	vshll.u32 v49, $0x7;
	v54 =	vand.u32 $0xFFFFFFF8, v53  }
0x3f5: {  	v10 =	vand.u32 $0x7, v53;
	v12 =	vadd.s32 v9, v54  }
0x3f6: {  	v10 =	vor.u32 v10, v12;
	_ =	sdelay $0x2  }
0x3f7: {  	v55 =	vadd.s32 v2, v8  }
0x3f8: {  	v56 =	vand.u32 $0xFFFFFFF8, v55  }
0x3f9: {  	v57 =	vadd.s32 v1, v51;
	v13 =	vadd.s32 v9, v56;
	v12 =	vand.u32 $0x7, v55;
	v10 =	vld.idx.msk [tilespmem:v10+s0+$0x0], $0xffff  }
0x3fa: {  	v12 =	vor.u32 v12, v13;
	_ =	sdelay $0x2  }
0x3fb: {  	v58 =	vadd.s32 v4, v8  }
0x3fc: {  	v59 =	vand.u32 $0xFFFFFFF8, v58;
	[tilespmem:v57+s22+$0x0] =	vst.idx.msk $0xffff, v10  }
0x3fd: {  	v60 =	vadd.s32 v3, v51;
	v13 =	vand.u32 $0x7, v58;
	v10 =	vadd.s32 v9, v59;
	v12 =	vld.idx.msk [tilespmem:v12+s0+$0x0], $0xffff  }
0x3fe: {  	v10 =	vor.u32 v13, v10;
	_ =	sdelay $0x2  }
0x3ff: {  	v8 =	vadd.s32 v6, v8  }
0x400: {  	v61 =	vand.u32 $0xFFFFFFF8, v8;
	[tilespmem:v60+s22+$0x0] =	vst.idx.msk $0xffff, v12  }
0x401: {  	v62 =	vadd.s32 v5, v51;
	v8 =	vand.u32 $0x7, v8;
	v9 =	vadd.s32 v9, v61;
	v10 =	vld.idx.msk [tilespmem:v10+s0+$0x0], $0xffff  }
0x402: {  	v8 =	vor.u32 v8, v9;
	_ =	sdelay $0x3  }
0x403: {  	[tilespmem:v62+s22+$0x0] =	vst.idx.msk $0xffff, v10  }
0x404: {  	p0 =	slt.u32 s6, $0x7C;
	v63 =	vadd.s32 v7, v51;
	v8 =	vld.idx.msk [tilespmem:v8+s0+$0x0], $0xffff  }
.Ltmp12:
0x405: {  	_ = 	snop;
	(pc) =	sbr.rel @p0 .LBB2_26-.Ltmp12, $2  }
0x406: {  	_ =	sdelay $0x2  }
0x407: {  	s6 =	sadd.s32 $0x4, s6;
	[tilespmem:v63+s22+$0x0] =	vst.idx.msk $0xffff, v8  }
0x408: {  	s1 =	simm.s32 $0x14E00  }
0x409: {  	[hbm4b:s16+s2] =	stream.linear.scatter [tilespmem:s1], [sflag:$0x7], $0x80, $0x38;
	[tilespmem:$0x19200] =	vst v63  }
0x40a: {  	s8 =	simm.s32 $0x14E88;
	s4 =	sadd.s32 $0x10, s16  }
0x40b: {  	[hbm4b:s4+s2] =	stream.linear.scatter [tilespmem:s8], [sflag:$0x7], $0x80, $0x38;
	[tilespmem:$0x19200] =	vst v63  }
0x40c: {  	s9 =	simm.s32 $0x14F10;
	s24 =	sadd.s32 $0x20, s16  }
0x40d: {  	[hbm4b:s24+s2] =	stream.linear.scatter [tilespmem:s9], [sflag:$0x7], $0x80, $0x38;
	[tilespmem:$0x19200] =	vst v63  }
0x40e: {  	s6 =	simm.s32 $0x14F98;
	s8 =	sadd.s32 $0x30, s16  }
0x40f: {  	[hbm4b:s8+s2] =	stream.linear.scatter [tilespmem:s6], [sflag:$0x7], $0x80, $0x38;
	[tilespmem:$0x19200] =	vst v63  }
0x410: {  	s9 =	simm.s32 $0x15020;
	s24 =	sadd.s32 $0x40, s16  }
0x411: {  	[hbm4b:s24+s2] =	stream.linear.scatter [tilespmem:s9], [sflag:$0x7], $0x80, $0x38;
	[tilespmem:$0x19200] =	vst v63  }
0x412: {  	s28 =	sadd.s32 $0x70, s16;
	s6 =	simm.s32 $0x150A8;
	s8 =	sadd.s32 $0x50, s16  }
0x413: {  	[hbm4b:s8+s2] =	stream.linear.scatter [tilespmem:s6], [sflag:$0x7], $0x80, $0x38;
	[tilespmem:$0x19200] =	vst v63  }
0x414: {  	s9 =	simm.s32 $0x15130;
	s24 =	sadd.s32 $0x60, s16;
	s6 =	simm.s32 $0x440  }
0x415: {  	[hbm4b:s24+s2] =	stream.linear.scatter [tilespmem:s9], [sflag:$0x7], $0x80, $0x38;
	[tilespmem:$0x19200] =	vst v63  }
0x416: {  	s8 =	simm.s32 $0x2200;
	s9 =	simm.s32 $0x151B8;
	s24 =	sadd.s32 $0x4000, s16  }
.LBB2_28:
0x417: {  	[hbm4b:s28+s2] =	stream.linear.scatter [tilespmem:s9], [sflag:$0x7], $0x80, $0x38;
	[tilespmem:$0x19200] =	vst v63  }
0x418: {  	s1 =	smov.u32 s6;
	s4 =	smov.u32 s8  }
0x419: {  	s6 =	sshra.s32 s4, $0x2;
	s4 =	sadd.s32 $0x1100, s8;
	s9 =	sadd.s32 $0x14E00, s1  }
0x41a: {  	[hbm4b:s24+s2] =	stream.linear.scatter [tilespmem:s9], [sflag:$0x7], $0x80, $0x38;
	[tilespmem:$0x19200] =	vst v63  }
0x41b: {  	p0 =	sne.s32 s8, $0x7700;
	s8 =	sadd.s32 $0x14E88, s1;
	s9 =	sadd.s32 $0x10, s24  }
0x41c: {  	[hbm4b:s9+s2] =	stream.linear.scatter [tilespmem:s8], [sflag:$0x7], $0x80, $0x38;
	[tilespmem:$0x19200] =	vst v63  }
0x41d: {  	s8 =	sadd.s32 $0x14F10, s1;
	s9 =	sadd.s32 $0x20, s24  }
0x41e: {  	[hbm4b:s9+s2] =	stream.linear.scatter [tilespmem:s8], [sflag:$0x7], $0x80, $0x38;
	[tilespmem:$0x19200] =	vst v63  }
0x41f: {  	s8 =	sadd.s32 $0x14F98, s1;
	s9 =	sadd.s32 $0x30, s24  }
0x420: {  	[hbm4b:s9+s2] =	stream.linear.scatter [tilespmem:s8], [sflag:$0x7], $0x80, $0x38;
	[tilespmem:$0x19200] =	vst v63  }
0x421: {  	s8 =	sadd.s32 $0x15020, s1;
	s9 =	sadd.s32 $0x40, s24  }
0x422: {  	[hbm4b:s9+s2] =	stream.linear.scatter [tilespmem:s8], [sflag:$0x7], $0x80, $0x38;
	[tilespmem:$0x19200] =	vst v63  }
.Ltmp13:
0x423: {  	s8 =	sadd.s32 $0x150A8, s1;
	s9 =	sadd.s32 $0x50, s24;
	(pc) =	sbr.rel @p0 .LBB2_28-.Ltmp13, $4  }
0x424: {  	[hbm4b:s9+s2] =	stream.linear.scatter [tilespmem:s8], [sflag:$0x7], $0x80, $0x38;
	[tilespmem:$0x19200] =	vst v63  }
0x425: {  	s28 =	sadd.s32 $0x70, s24;
	s8 =	sadd.s32 $0x15130, s1;
	s9 =	sadd.s32 $0x60, s24  }
0x426: {  	[hbm4b:s9+s2] =	stream.linear.scatter [tilespmem:s8], [sflag:$0x7], $0x80, $0x38;
	[tilespmem:$0x19200] =	vst v63  }
0x427: {  	s24 =	sadd.s32 $0x4000, s24;
	s9 =	sadd.s32 $0x151B8, s1;
	s8 =	smov.u32 s4  }
0x428: {  	[hbm4b:s28+s2] =	stream.linear.scatter [tilespmem:s9], [sflag:$0x7], $0x80, $0x38;
	[tilespmem:$0x19200] =	vst v63  }
0x429: {  	s1 =	sadd.s32 $0x14E00, s6  }
0x42a: {  	[hbm4b:s24+s2] =	stream.linear.scatter [tilespmem:s1], [sflag:$0x7], $0x80, $0x38;
	[tilespmem:$0x19200] =	vst v63  }
0x42b: {  	s8 =	sadd.s32 $0x14E88, s6;
	s4 =	sadd.s32 $0x10, s24  }
0x42c: {  	[hbm4b:s4+s2] =	stream.linear.scatter [tilespmem:s8], [sflag:$0x7], $0x80, $0x38;
	[tilespmem:$0x19200] =	vst v63  }
0x42d: {  	s9 =	sadd.s32 $0x14F10, s6;
	s28 =	sadd.s32 $0x20, s24  }
0x42e: {  	[hbm4b:s28+s2] =	stream.linear.scatter [tilespmem:s9], [sflag:$0x7], $0x80, $0x38;
	[tilespmem:$0x19200] =	vst v63  }
0x42f: {  	s4 =	sadd.s32 $0x14F98, s6;
	s8 =	sadd.s32 $0x30, s24  }
0x430: {  	[hbm4b:s8+s2] =	stream.linear.scatter [tilespmem:s4], [sflag:$0x7], $0x80, $0x38;
	[tilespmem:$0x19200] =	vst v63  }
0x431: {  	s9 =	sadd.s32 $0x15020, s6;
	s28 =	sadd.s32 $0x40, s24  }
0x432: {  	[hbm4b:s28+s2] =	stream.linear.scatter [tilespmem:s9], [sflag:$0x7], $0x80, $0x38;
	[tilespmem:$0x19200] =	vst v63  }
0x433: {  	s4 =	sadd.s32 $0x150A8, s6;
	s8 =	sadd.s32 $0x50, s24  }
0x434: {  	[hbm4b:s8+s2] =	stream.linear.scatter [tilespmem:s4], [sflag:$0x7], $0x80, $0x38;
	[tilespmem:$0x19200] =	vst v63  }
0x435: {  	s9 =	sadd.s32 $0x15130, s6;
	s28 =	sadd.s32 $0x60, s24  }
0x436: {  	[hbm4b:s28+s2] =	stream.linear.scatter [tilespmem:s9], [sflag:$0x7], $0x80, $0x38;
	[tilespmem:$0x19200] =	vst v63  }
0x437: {  	s4 =	sadd.s32 $0x151B8, s6;
	s6 =	sadd.s32 $0x70, s24;
	s8 =	simm.s32 $0x7  }
0x438: {  	[hbm4b:s6+s2] =	stream.linear.scatter [tilespmem:s4], [sflag:$0x7], $0x80, $0x38;
	[tilespmem:$0x19200] =	vst v63  }
0x439: {  	_ =	swait.ge [sflag:s8], $0x2000  }
0x43a: {  	s24 =	simm.s32 $0x500;
	[sflag:s8] =	ssyncset.done $0x0  }
0x43b: {  	s28 =	simm.s32 $0x4;
	s9 =	rddreg [dreg:$0x6];
	[sflag:s8] =	ssyncadd.s32 $0xFFFFE000  }
0x43c: {  	[tilespmem:s0], [sflag:$0x3] =	stream.indirect.gather [hbm4b:s9+s29], $0x80, s24, s29, $0xb8;
	[tilespmem:$0x19200] =	vst v63  }
0x43d: {  	_ =	swait.ge [sflag:s28], $0x4000  }
0x43e: {  	[sflag:s28] =	ssyncset.done $0x0  }
0x43f: {  	s6 =	simm.s32 $0x0;
	[sflag:s28] =	ssyncadd.s32 $0xFFFFC000  }
.LBB2_30:
0x440: {  	v8 =	vmov s6  }
0x441: {  	v9 =	vand.u32 $0x7C, v8  }
0x442: {  	v10 =	vor.u32 $0x980, v9;
	_ =	sdelay $0x4  }
0x443: {  	v10 =	vld.idx.msk [tilespmem:v10+s2+$0x0], $0xffff;
	_ =	sdelay $0x4  }
0x444: {  	v11 =	vadd.s32 v0, v10  }
0x445: {  	v8 =	vshll.u32 v8, $0x7;
	v12 =	vand.u32 $0xFFFFFFF8, v11  }
0x446: {  	v11 =	vand.u32 $0x7, v11;
	v12 =	vadd.s32 v8, v12  }
0x447: {  	v11 =	vor.u32 v11, v12;
	_ =	sdelay $0x2  }
0x448: {  	v16 =	vadd.s32 v2, v10  }
0x449: {  	v13 =	vand.u32 $0xFFFFFFF8, v16  }
0x44a: {  	v14 =	vadd.s32 v1, v9;
	v13 =	vadd.s32 v8, v13;
	v12 =	vand.u32 $0x7, v16;
	v11 =	vld.idx.msk [tilespmem:v11+s26+$0x0], $0xffff  }
0x44b: {  	v12 =	vor.u32 v12, v13;
	_ =	sdelay $0x2  }
0x44c: {  	v17 =	vadd.s32 v4, v10  }
0x44d: {  	v18 =	vand.u32 $0xFFFFFFF8, v17;
	[tilespmem:v14+s5+$0x0] =	vst.idx.msk $0xffff, v11  }
0x44e: {  	v19 =	vadd.s32 v3, v9;
	v13 =	vand.u32 $0x7, v17;
	v11 =	vadd.s32 v8, v18;
	v12 =	vld.idx.msk [tilespmem:v12+s26+$0x0], $0xffff  }
0x44f: {  	v11 =	vor.u32 v13, v11;
	_ =	sdelay $0x2  }
0x450: {  	v10 =	vadd.s32 v6, v10  }
0x451: {  	v20 =	vand.u32 $0xFFFFFFF8, v10;
	[tilespmem:v19+s5+$0x0] =	vst.idx.msk $0xffff, v12  }
0x452: {  	v21 =	vadd.s32 v5, v9;
	v10 =	vand.u32 $0x7, v10;
	v8 =	vadd.s32 v8, v20;
	v11 =	vld.idx.msk [tilespmem:v11+s26+$0x0], $0xffff  }
0x453: {  	v8 =	vor.u32 v10, v8;
	_ =	sdelay $0x2  }
0x454: {  	s1 =	sadd.s32 $0x1, s6  }
0x455: {  	v22 =	vmov s1;
	[tilespmem:v21+s5+$0x0] =	vst.idx.msk $0xffff, v11  }
0x456: {  	v9 =	vadd.s32 v7, v9;
	v23 =	vand.u32 $0x7D, v22;
	v8 =	vld.idx.msk [tilespmem:v8+s26+$0x0], $0xffff  }
0x457: {  	v24 =	vor.u32 $0x980, v23;
	_ =	sdelay $0x3  }
0x458: {  	[tilespmem:v9+s5+$0x0] =	vst.idx.msk $0xffff, v8  }
0x459: {  	v8 =	vld.idx.msk [tilespmem:v24+s2+$0x0], $0xffff;
	_ =	sdelay $0x4  }
0x45a: {  	v25 =	vadd.s32 v0, v8  }
0x45b: {  	v10 =	vshll.u32 v22, $0x7;
	v26 =	vand.u32 $0xFFFFFFF8, v25  }
0x45c: {  	v9 =	vand.u32 $0x7, v25;
	v12 =	vadd.s32 v10, v26  }
0x45d: {  	v9 =	vor.u32 v9, v12;
	_ =	sdelay $0x2  }
0x45e: {  	v27 =	vadd.s32 v2, v8  }
0x45f: {  	v28 =	vand.u32 $0xFFFFFFF8, v27  }
0x460: {  	v29 =	vadd.s32 v1, v23;
	v13 =	vadd.s32 v10, v28;
	v12 =	vand.u32 $0x7, v27;
	v9 =	vld.idx.msk [tilespmem:v9+s26+$0x0], $0xffff  }
0x461: {  	v12 =	vor.u32 v12, v13;
	_ =	sdelay $0x2  }
0x462: {  	v30 =	vadd.s32 v4, v8  }
0x463: {  	v31 =	vand.u32 $0xFFFFFFF8, v30;
	[tilespmem:v29+s5+$0x0] =	vst.idx.msk $0xffff, v9  }
0x464: {  	v32 =	vadd.s32 v3, v23;
	v13 =	vand.u32 $0x7, v30;
	v9 =	vadd.s32 v10, v31;
	v12 =	vld.idx.msk [tilespmem:v12+s26+$0x0], $0xffff  }
0x465: {  	v9 =	vor.u32 v13, v9;
	_ =	sdelay $0x2  }
0x466: {  	v8 =	vadd.s32 v6, v8  }
0x467: {  	v33 =	vand.u32 $0xFFFFFFF8, v8;
	[tilespmem:v32+s5+$0x0] =	vst.idx.msk $0xffff, v12  }
0x468: {  	v34 =	vadd.s32 v5, v23;
	v8 =	vand.u32 $0x7, v8;
	v10 =	vadd.s32 v10, v33;
	v9 =	vld.idx.msk [tilespmem:v9+s26+$0x0], $0xffff  }
0x469: {  	v8 =	vor.u32 v8, v10;
	_ =	sdelay $0x2  }
0x46a: {  	s24 =	sadd.s32 $0x2, s6  }
0x46b: {  	v35 =	vmov s24;
	[tilespmem:v34+s5+$0x0] =	vst.idx.msk $0xffff, v9  }
0x46c: {  	v37 =	vand.u32 $0x7E, v35;
	v36 =	vadd.s32 v7, v23;
	v8 =	vld.idx.msk [tilespmem:v8+s26+$0x0], $0xffff  }
0x46d: {  	v38 =	vor.u32 $0x980, v37;
	_ =	sdelay $0x3  }
0x46e: {  	[tilespmem:v36+s5+$0x0] =	vst.idx.msk $0xffff, v8  }
0x46f: {  	v8 =	vld.idx.msk [tilespmem:v38+s2+$0x0], $0xffff;
	_ =	sdelay $0x4  }
0x470: {  	v39 =	vadd.s32 v0, v8  }
0x471: {  	v9 =	vshll.u32 v35, $0x7;
	v40 =	vand.u32 $0xFFFFFFF8, v39  }
0x472: {  	v10 =	vand.u32 $0x7, v39;
	v12 =	vadd.s32 v9, v40  }
0x473: {  	v10 =	vor.u32 v10, v12;
	_ =	sdelay $0x2  }
0x474: {  	v41 =	vadd.s32 v2, v8  }
0x475: {  	v42 =	vand.u32 $0xFFFFFFF8, v41  }
0x476: {  	v43 =	vadd.s32 v1, v37;
	v13 =	vadd.s32 v9, v42;
	v12 =	vand.u32 $0x7, v41;
	v10 =	vld.idx.msk [tilespmem:v10+s26+$0x0], $0xffff  }
0x477: {  	v12 =	vor.u32 v12, v13;
	_ =	sdelay $0x2  }
0x478: {  	v44 =	vadd.s32 v4, v8  }
0x479: {  	v45 =	vand.u32 $0xFFFFFFF8, v44;
	[tilespmem:v43+s5+$0x0] =	vst.idx.msk $0xffff, v10  }
0x47a: {  	v46 =	vadd.s32 v3, v37;
	v13 =	vand.u32 $0x7, v44;
	v10 =	vadd.s32 v9, v45;
	v12 =	vld.idx.msk [tilespmem:v12+s26+$0x0], $0xffff  }
0x47b: {  	v10 =	vor.u32 v13, v10;
	_ =	sdelay $0x2  }
0x47c: {  	v8 =	vadd.s32 v6, v8  }
0x47d: {  	v47 =	vand.u32 $0xFFFFFFF8, v8;
	[tilespmem:v46+s5+$0x0] =	vst.idx.msk $0xffff, v12  }
0x47e: {  	v48 =	vadd.s32 v5, v37;
	v8 =	vand.u32 $0x7, v8;
	v9 =	vadd.s32 v9, v47;
	v10 =	vld.idx.msk [tilespmem:v10+s26+$0x0], $0xffff  }
0x47f: {  	v8 =	vor.u32 v8, v9;
	_ =	sdelay $0x2  }
0x480: {  	s28 =	sadd.s32 $0x3, s6  }
0x481: {  	v49 =	vmov s28;
	[tilespmem:v48+s5+$0x0] =	vst.idx.msk $0xffff, v10  }
0x482: {  	v51 =	vand.u32 $0x7F, v49;
	v50 =	vadd.s32 v7, v37;
	v8 =	vld.idx.msk [tilespmem:v8+s26+$0x0], $0xffff  }
0x483: {  	v52 =	vor.u32 $0x980, v51;
	_ =	sdelay $0x3  }
0x484: {  	[tilespmem:v50+s5+$0x0] =	vst.idx.msk $0xffff, v8  }
0x485: {  	v8 =	vld.idx.msk [tilespmem:v52+s2+$0x0], $0xffff;
	_ =	sdelay $0x4  }
0x486: {  	v53 =	vadd.s32 v0, v8  }
0x487: {  	v9 =	vshll.u32 v49, $0x7;
	v54 =	vand.u32 $0xFFFFFFF8, v53  }
0x488: {  	v10 =	vand.u32 $0x7, v53;
	v12 =	vadd.s32 v9, v54  }
0x489: {  	v10 =	vor.u32 v10, v12;
	_ =	sdelay $0x2  }
0x48a: {  	v55 =	vadd.s32 v2, v8  }
0x48b: {  	v56 =	vand.u32 $0xFFFFFFF8, v55  }
0x48c: {  	v57 =	vadd.s32 v1, v51;
	v13 =	vadd.s32 v9, v56;
	v12 =	vand.u32 $0x7, v55;
	v10 =	vld.idx.msk [tilespmem:v10+s26+$0x0], $0xffff  }
0x48d: {  	v12 =	vor.u32 v12, v13;
	_ =	sdelay $0x2  }
0x48e: {  	v58 =	vadd.s32 v4, v8  }
0x48f: {  	v59 =	vand.u32 $0xFFFFFFF8, v58;
	[tilespmem:v57+s5+$0x0] =	vst.idx.msk $0xffff, v10  }
0x490: {  	v60 =	vadd.s32 v3, v51;
	v13 =	vand.u32 $0x7, v58;
	v10 =	vadd.s32 v9, v59;
	v12 =	vld.idx.msk [tilespmem:v12+s26+$0x0], $0xffff  }
0x491: {  	v10 =	vor.u32 v13, v10;
	_ =	sdelay $0x2  }
0x492: {  	v8 =	vadd.s32 v6, v8  }
0x493: {  	v61 =	vand.u32 $0xFFFFFFF8, v8;
	[tilespmem:v60+s5+$0x0] =	vst.idx.msk $0xffff, v12  }
0x494: {  	v62 =	vadd.s32 v5, v51;
	v8 =	vand.u32 $0x7, v8;
	v9 =	vadd.s32 v9, v61;
	v10 =	vld.idx.msk [tilespmem:v10+s26+$0x0], $0xffff  }
0x495: {  	v8 =	vor.u32 v8, v9;
	_ =	sdelay $0x3  }
0x496: {  	[tilespmem:v62+s5+$0x0] =	vst.idx.msk $0xffff, v10  }
0x497: {  	p0 =	slt.u32 s6, $0x7C;
	v63 =	vadd.s32 v7, v51;
	v8 =	vld.idx.msk [tilespmem:v8+s26+$0x0], $0xffff  }
.Ltmp14:
0x498: {  	_ = 	snop;
	(pc) =	sbr.rel @p0 .LBB2_30-.Ltmp14, $2  }
0x499: {  	_ =	sdelay $0x2  }
0x49a: {  	s6 =	sadd.s32 $0x4, s6;
	[tilespmem:v63+s5+$0x0] =	vst.idx.msk $0xffff, v8  }
0x49b: {  	s1 =	simm.s32 $0x17000  }
0x49c: {  	[hbm4b:s17+s2] =	stream.linear.scatter [tilespmem:s1], [sflag:$0x8], $0x80, $0x38;
	[tilespmem:$0x19200] =	vst v63  }
0x49d: {  	s8 =	simm.s32 $0x17088;
	s4 =	sadd.s32 $0x10, s17  }
0x49e: {  	[hbm4b:s4+s2] =	stream.linear.scatter [tilespmem:s8], [sflag:$0x8], $0x80, $0x38;
	[tilespmem:$0x19200] =	vst v63  }
0x49f: {  	s9 =	simm.s32 $0x17110;
	s24 =	sadd.s32 $0x20, s17  }
0x4a0: {  	[hbm4b:s24+s2] =	stream.linear.scatter [tilespmem:s9], [sflag:$0x8], $0x80, $0x38;
	[tilespmem:$0x19200] =	vst v63  }
0x4a1: {  	s6 =	simm.s32 $0x17198;
	s8 =	sadd.s32 $0x30, s17  }
0x4a2: {  	[hbm4b:s8+s2] =	stream.linear.scatter [tilespmem:s6], [sflag:$0x8], $0x80, $0x38;
	[tilespmem:$0x19200] =	vst v63  }
0x4a3: {  	s9 =	simm.s32 $0x17220;
	s24 =	sadd.s32 $0x40, s17  }
0x4a4: {  	[hbm4b:s24+s2] =	stream.linear.scatter [tilespmem:s9], [sflag:$0x8], $0x80, $0x38;
	[tilespmem:$0x19200] =	vst v63  }
0x4a5: {  	s28 =	sadd.s32 $0x70, s17;
	s6 =	simm.s32 $0x172A8;
	s8 =	sadd.s32 $0x50, s17  }
0x4a6: {  	[hbm4b:s8+s2] =	stream.linear.scatter [tilespmem:s6], [sflag:$0x8], $0x80, $0x38;
	[tilespmem:$0x19200] =	vst v63  }
0x4a7: {  	s9 =	simm.s32 $0x17330;
	s24 =	sadd.s32 $0x60, s17;
	s6 =	simm.s32 $0x440  }
0x4a8: {  	[hbm4b:s24+s2] =	stream.linear.scatter [tilespmem:s9], [sflag:$0x8], $0x80, $0x38;
	[tilespmem:$0x19200] =	vst v63  }
0x4a9: {  	s8 =	simm.s32 $0x2200;
	s9 =	simm.s32 $0x173B8;
	s24 =	sadd.s32 $0x4000, s17  }
.LBB2_32:
0x4aa: {  	[hbm4b:s28+s2] =	stream.linear.scatter [tilespmem:s9], [sflag:$0x8], $0x80, $0x38;
	[tilespmem:$0x19200] =	vst v63  }
0x4ab: {  	s1 =	smov.u32 s6;
	s4 =	smov.u32 s8  }
0x4ac: {  	s6 =	sshra.s32 s4, $0x2;
	s4 =	sadd.s32 $0x1100, s8;
	s9 =	sadd.s32 $0x17000, s1  }
0x4ad: {  	[hbm4b:s24+s2] =	stream.linear.scatter [tilespmem:s9], [sflag:$0x8], $0x80, $0x38;
	[tilespmem:$0x19200] =	vst v63  }
0x4ae: {  	p0 =	sne.s32 s8, $0x7700;
	s8 =	sadd.s32 $0x17088, s1;
	s9 =	sadd.s32 $0x10, s24  }
0x4af: {  	[hbm4b:s9+s2] =	stream.linear.scatter [tilespmem:s8], [sflag:$0x8], $0x80, $0x38;
	[tilespmem:$0x19200] =	vst v63  }
0x4b0: {  	s8 =	sadd.s32 $0x17110, s1;
	s9 =	sadd.s32 $0x20, s24  }
0x4b1: {  	[hbm4b:s9+s2] =	stream.linear.scatter [tilespmem:s8], [sflag:$0x8], $0x80, $0x38;
	[tilespmem:$0x19200] =	vst v63  }
0x4b2: {  	s8 =	sadd.s32 $0x17198, s1;
	s9 =	sadd.s32 $0x30, s24  }
0x4b3: {  	[hbm4b:s9+s2] =	stream.linear.scatter [tilespmem:s8], [sflag:$0x8], $0x80, $0x38;
	[tilespmem:$0x19200] =	vst v63  }
0x4b4: {  	s8 =	sadd.s32 $0x17220, s1;
	s9 =	sadd.s32 $0x40, s24  }
0x4b5: {  	[hbm4b:s9+s2] =	stream.linear.scatter [tilespmem:s8], [sflag:$0x8], $0x80, $0x38;
	[tilespmem:$0x19200] =	vst v63  }
.Ltmp15:
0x4b6: {  	s8 =	sadd.s32 $0x172A8, s1;
	s9 =	sadd.s32 $0x50, s24;
	(pc) =	sbr.rel @p0 .LBB2_32-.Ltmp15, $4  }
0x4b7: {  	[hbm4b:s9+s2] =	stream.linear.scatter [tilespmem:s8], [sflag:$0x8], $0x80, $0x38;
	[tilespmem:$0x19200] =	vst v63  }
0x4b8: {  	s28 =	sadd.s32 $0x70, s24;
	s8 =	sadd.s32 $0x17330, s1;
	s9 =	sadd.s32 $0x60, s24  }
0x4b9: {  	[hbm4b:s9+s2] =	stream.linear.scatter [tilespmem:s8], [sflag:$0x8], $0x80, $0x38;
	[tilespmem:$0x19200] =	vst v63  }
0x4ba: {  	s24 =	sadd.s32 $0x4000, s24;
	s9 =	sadd.s32 $0x173B8, s1;
	s8 =	smov.u32 s4  }
0x4bb: {  	[hbm4b:s28+s2] =	stream.linear.scatter [tilespmem:s9], [sflag:$0x8], $0x80, $0x38;
	[tilespmem:$0x19200] =	vst v63  }
0x4bc: {  	s1 =	sadd.s32 $0x17000, s6  }
0x4bd: {  	[hbm4b:s24+s2] =	stream.linear.scatter [tilespmem:s1], [sflag:$0x8], $0x80, $0x38;
	[tilespmem:$0x19200] =	vst v63  }
0x4be: {  	s8 =	sadd.s32 $0x17088, s6;
	s4 =	sadd.s32 $0x10, s24  }
0x4bf: {  	[hbm4b:s4+s2] =	stream.linear.scatter [tilespmem:s8], [sflag:$0x8], $0x80, $0x38;
	[tilespmem:$0x19200] =	vst v63  }
0x4c0: {  	s9 =	sadd.s32 $0x17110, s6;
	s28 =	sadd.s32 $0x20, s24  }
0x4c1: {  	[hbm4b:s28+s2] =	stream.linear.scatter [tilespmem:s9], [sflag:$0x8], $0x80, $0x38;
	[tilespmem:$0x19200] =	vst v63  }
0x4c2: {  	s4 =	sadd.s32 $0x17198, s6;
	s8 =	sadd.s32 $0x30, s24  }
0x4c3: {  	[hbm4b:s8+s2] =	stream.linear.scatter [tilespmem:s4], [sflag:$0x8], $0x80, $0x38;
	[tilespmem:$0x19200] =	vst v63  }
0x4c4: {  	s9 =	sadd.s32 $0x17220, s6;
	s28 =	sadd.s32 $0x40, s24  }
0x4c5: {  	[hbm4b:s28+s2] =	stream.linear.scatter [tilespmem:s9], [sflag:$0x8], $0x80, $0x38;
	[tilespmem:$0x19200] =	vst v63  }
0x4c6: {  	s4 =	sadd.s32 $0x172A8, s6;
	s8 =	sadd.s32 $0x50, s24  }
0x4c7: {  	[hbm4b:s8+s2] =	stream.linear.scatter [tilespmem:s4], [sflag:$0x8], $0x80, $0x38;
	[tilespmem:$0x19200] =	vst v63  }
0x4c8: {  	s9 =	sadd.s32 $0x17330, s6;
	s28 =	sadd.s32 $0x60, s24;
	s8 =	sadd.s32 $0x173B8, s6  }
0x4c9: {  	[hbm4b:s28+s2] =	stream.linear.scatter [tilespmem:s9], [sflag:$0x8], $0x80, $0x38;
	[tilespmem:$0x19200] =	vst v63  }
0x4ca: {  	s9 =	sadd.s32 $0x70, s24;
	s24 =	simm.s32 $0x0;
	s28 =	simm.s32 $0x8  }
0x4cb: {  	[hbm4b:s9+s2] =	stream.linear.scatter [tilespmem:s8], [sflag:$0x8], $0x80, $0x38;
	[tilespmem:$0x19200] =	vst v63  }
0x4cc: {  	v8 =	vmov s24;
	_ =	swait.ge [sflag:s28], $0x2000  }
0x4cd: {  	s6 =	simm.s32 $0x580;
	v9 =	vshll.u32 v8, $0x7;
	[sflag:s28] =	ssyncset.done $0x0  }
0x4ce: {  	s8 =	simm.s32 $0x1;
	v10 =	vor.u32 v0, v9;
	s4 =	rddreg [dreg:$0x6];
	[sflag:s28] =	ssyncadd.s32 $0xFFFFE000  }
0x4cf: {  	[tilespmem:s26], [sflag:$0x4] =	stream.indirect.gather [hbm4b:s4+s29], $0x80, s6, s29, $0xb8;
	[tilespmem:$0x19200] =	vst v63  }
0x4d0: {  	_ =	swait.ge [sflag:s8], $0x4000  }
0x4d1: {  	[sflag:s8] =	ssyncset.done $0x0  }
0x4d2: {  	v8 =	vand.u32 $0x7C, v8;
	[sflag:s8] =	ssyncadd.s32 $0xFFFFC000  }
0x4d3: {  	v11 =	vadd.s32 v1, v8;
	v10 =	vld.idx.msk [tilespmem:v10+s30+$0x0], $0xffff  }
0x4d4: {  	v12 =	vor.u32 v2, v9;
	_ =	sdelay $0x3  }
0x4d5: {  	[tilespmem:v11+s23+$0x0] =	vst.idx.msk $0xffff, v10  }
0x4d6: {  	v11 =	vadd.s32 v3, v8;
	v10 =	vld.idx.msk [tilespmem:v12+s30+$0x0], $0xffff  }
0x4d7: {  	v54 =	vor.u32 v4, v9;
	_ =	sdelay $0x3  }
0x4d8: {  	[tilespmem:v11+s23+$0x0] =	vst.idx.msk $0xffff, v10  }
0x4d9: {  	v11 =	vadd.s32 v5, v8;
	v10 =	vld.idx.msk [tilespmem:v54+s30+$0x0], $0xffff  }
0x4da: {  	v9 =	vor.u32 v6, v9;
	_ =	sdelay $0x2  }
0x4db: {  	s9 =	simm.s32 $0x1  }
0x4dc: {  	[tilespmem:v11+s23+$0x0] =	vst.idx.msk $0xffff, v10;
	v10 =	vmov s9  }
0x4dd: {  	v8 =	vadd.s32 v7, v8;
	v9 =	vld.idx.msk [tilespmem:v9+s30+$0x0], $0xffff;
	v11 =	vshll.u32 v10, $0x7  }
0x4de: {  	v55 =	vor.u32 v0, v11;
	_ =	sdelay $0x3  }
0x4df: {  	[tilespmem:v8+s23+$0x0] =	vst.idx.msk $0xffff, v9;
	v8 =	vand.u32 $0x7D, v10  }
0x4e0: {  	v9 =	vld.idx.msk [tilespmem:v55+s30+$0x0], $0xffff;
	v10 =	vadd.s32 v1, v8  }
0x4e1: {  	v56 =	vor.u32 v2, v11;
	_ =	sdelay $0x3  }
0x4e2: {  	[tilespmem:v10+s23+$0x0] =	vst.idx.msk $0xffff, v9  }
0x4e3: {  	v10 =	vadd.s32 v3, v8;
	v9 =	vld.idx.msk [tilespmem:v56+s30+$0x0], $0xffff  }
0x4e4: {  	v57 =	vor.u32 v4, v11;
	_ =	sdelay $0x3  }
0x4e5: {  	[tilespmem:v10+s23+$0x0] =	vst.idx.msk $0xffff, v9  }
0x4e6: {  	v10 =	vadd.s32 v5, v8;
	v9 =	vld.idx.msk [tilespmem:v57+s30+$0x0], $0xffff  }
0x4e7: {  	v11 =	vor.u32 v6, v11;
	_ =	sdelay $0x2  }
0x4e8: {  	s24 =	simm.s32 $0x2  }
0x4e9: {  	[tilespmem:v10+s23+$0x0] =	vst.idx.msk $0xffff, v9;
	v9 =	vmov s24  }
0x4ea: {  	v8 =	vadd.s32 v7, v8;
	v10 =	vld.idx.msk [tilespmem:v11+s30+$0x0], $0xffff;
	v11 =	vshll.u32 v9, $0x7  }
0x4eb: {  	v58 =	vor.u32 v0, v11;
	_ =	sdelay $0x3  }
0x4ec: {  	[tilespmem:v8+s23+$0x0] =	vst.idx.msk $0xffff, v10;
	v8 =	vand.u32 $0x7E, v9  }
0x4ed: {  	v9 =	vld.idx.msk [tilespmem:v58+s30+$0x0], $0xffff;
	v10 =	vadd.s32 v1, v8  }
0x4ee: {  	v59 =	vor.u32 v2, v11;
	_ =	sdelay $0x3  }
0x4ef: {  	[tilespmem:v10+s23+$0x0] =	vst.idx.msk $0xffff, v9  }
0x4f0: {  	v10 =	vadd.s32 v3, v8;
	v9 =	vld.idx.msk [tilespmem:v59+s30+$0x0], $0xffff  }
0x4f1: {  	v60 =	vor.u32 v4, v11;
	_ =	sdelay $0x3  }
0x4f2: {  	[tilespmem:v10+s23+$0x0] =	vst.idx.msk $0xffff, v9  }
0x4f3: {  	v10 =	vadd.s32 v5, v8;
	v9 =	vld.idx.msk [tilespmem:v60+s30+$0x0], $0xffff  }
0x4f4: {  	v11 =	vor.u32 v6, v11;
	_ =	sdelay $0x2  }
0x4f5: {  	s28 =	simm.s32 $0x3  }
0x4f6: {  	[tilespmem:v10+s23+$0x0] =	vst.idx.msk $0xffff, v9;
	v9 =	vmov s28  }
0x4f7: {  	v8 =	vadd.s32 v7, v8;
	v10 =	vld.idx.msk [tilespmem:v11+s30+$0x0], $0xffff;
	v11 =	vshll.u32 v9, $0x7  }
0x4f8: {  	v61 =	vor.u32 v0, v11;
	_ =	sdelay $0x3  }
0x4f9: {  	[tilespmem:v8+s23+$0x0] =	vst.idx.msk $0xffff, v10;
	v8 =	vand.u32 $0x7F, v9  }
0x4fa: {  	v9 =	vld.idx.msk [tilespmem:v61+s30+$0x0], $0xffff;
	v10 =	vadd.s32 v1, v8  }
0x4fb: {  	v62 =	vor.u32 v2, v11;
	_ =	sdelay $0x3  }
0x4fc: {  	[tilespmem:v10+s23+$0x0] =	vst.idx.msk $0xffff, v9  }
0x4fd: {  	v10 =	vadd.s32 v3, v8;
	v9 =	vld.idx.msk [tilespmem:v62+s30+$0x0], $0xffff  }
0x4fe: {  	v63 =	vor.u32 v4, v11;
	_ =	sdelay $0x3  }
0x4ff: {  	[tilespmem:v10+s23+$0x0] =	vst.idx.msk $0xffff, v9  }
0x500: {  	v10 =	vadd.s32 v5, v8;
	v9 =	vld.idx.msk [tilespmem:v63+s30+$0x0], $0xffff  }
0x501: {  	v11 =	vor.u32 v6, v11;
	_ =	sdelay $0x3  }
0x502: {  	s24 =	simm.s32 $0x4;
	[tilespmem:v10+s23+$0x0] =	vst.idx.msk $0xffff, v9  }
0x503: {  	s6 =	simm.s32 $0x8;
	v9 =	vmov s24;
	v10 =	vld.idx.msk [tilespmem:v11+s30+$0x0], $0xffff  }
.LBB2_34:
0x504: {  	p0 =	slt.u32 s6, $0x7C;
	v11 =	vshll.u32 v9, $0x7;
	v8 =	vadd.s32 v7, v8  }
0x505: {  	v12 =	vor.u32 v0, v11;
	_ =	sdelay $0x3  }
0x506: {  	[tilespmem:v8+s23+$0x0] =	vst.idx.msk $0xffff, v10  }
0x507: {  	v9 =	vand.u32 $0x7C, v9;
	v8 =	vld.idx.msk [tilespmem:v12+s30+$0x0], $0xffff  }
0x508: {  	v10 =	vadd.s32 v1, v9  }
0x509: {  	v12 =	vor.u32 v2, v11;
	_ =	sdelay $0x3  }
0x50a: {  	[tilespmem:v10+s23+$0x0] =	vst.idx.msk $0xffff, v8  }
0x50b: {  	v8 =	vld.idx.msk [tilespmem:v12+s30+$0x0], $0xffff  }
0x50c: {  	v10 =	vadd.s32 v3, v9  }
0x50d: {  	v12 =	vor.u32 v4, v11;
	_ =	sdelay $0x3  }
0x50e: {  	[tilespmem:v10+s23+$0x0] =	vst.idx.msk $0xffff, v8  }
0x50f: {  	v8 =	vld.idx.msk [tilespmem:v12+s30+$0x0], $0xffff  }
0x510: {  	v10 =	vadd.s32 v5, v9  }
0x511: {  	v11 =	vor.u32 v6, v11;
	_ =	sdelay $0x3  }
0x512: {  	s1 =	sadd.s32 $0x1, s24;
	[tilespmem:v10+s23+$0x0] =	vst.idx.msk $0xffff, v8  }
0x513: {  	v10 =	vmov s1;
	v8 =	vld.idx.msk [tilespmem:v11+s30+$0x0], $0xffff  }
0x514: {  	v9 =	vadd.s32 v7, v9;
	v11 =	vshll.u32 v10, $0x7  }
0x515: {  	v12 =	vor.u32 v0, v11;
	_ =	sdelay $0x3  }
0x516: {  	[tilespmem:v9+s23+$0x0] =	vst.idx.msk $0xffff, v8  }
0x517: {  	v9 =	vand.u32 $0x7D, v10;
	v8 =	vld.idx.msk [tilespmem:v12+s30+$0x0], $0xffff  }
0x518: {  	v10 =	vadd.s32 v1, v9  }
0x519: {  	v12 =	vor.u32 v2, v11;
	_ =	sdelay $0x3  }
0x51a: {  	[tilespmem:v10+s23+$0x0] =	vst.idx.msk $0xffff, v8  }
0x51b: {  	v8 =	vld.idx.msk [tilespmem:v12+s30+$0x0], $0xffff  }
0x51c: {  	v10 =	vadd.s32 v3, v9  }
0x51d: {  	v12 =	vor.u32 v4, v11;
	_ =	sdelay $0x3  }
0x51e: {  	[tilespmem:v10+s23+$0x0] =	vst.idx.msk $0xffff, v8  }
0x51f: {  	v8 =	vld.idx.msk [tilespmem:v12+s30+$0x0], $0xffff  }
0x520: {  	v10 =	vadd.s32 v5, v9  }
0x521: {  	v11 =	vor.u32 v6, v11;
	_ =	sdelay $0x3  }
0x522: {  	s1 =	sadd.s32 $0x2, s24;
	[tilespmem:v10+s23+$0x0] =	vst.idx.msk $0xffff, v8  }
0x523: {  	v10 =	vmov s1;
	v8 =	vld.idx.msk [tilespmem:v11+s30+$0x0], $0xffff  }
0x524: {  	v9 =	vadd.s32 v7, v9;
	v11 =	vshll.u32 v10, $0x7  }
0x525: {  	v12 =	vor.u32 v0, v11;
	_ =	sdelay $0x3  }
0x526: {  	[tilespmem:v9+s23+$0x0] =	vst.idx.msk $0xffff, v8  }
0x527: {  	v9 =	vand.u32 $0x7E, v10;
	v8 =	vld.idx.msk [tilespmem:v12+s30+$0x0], $0xffff  }
0x528: {  	v10 =	vadd.s32 v1, v9  }
0x529: {  	v12 =	vor.u32 v2, v11;
	_ =	sdelay $0x3  }
0x52a: {  	[tilespmem:v10+s23+$0x0] =	vst.idx.msk $0xffff, v8  }
0x52b: {  	v8 =	vld.idx.msk [tilespmem:v12+s30+$0x0], $0xffff  }
0x52c: {  	v10 =	vadd.s32 v3, v9  }
0x52d: {  	v12 =	vor.u32 v4, v11;
	_ =	sdelay $0x3  }
0x52e: {  	[tilespmem:v10+s23+$0x0] =	vst.idx.msk $0xffff, v8  }
0x52f: {  	v8 =	vld.idx.msk [tilespmem:v12+s30+$0x0], $0xffff  }
0x530: {  	v10 =	vadd.s32 v5, v9  }
0x531: {  	v11 =	vor.u32 v6, v11;
	_ =	sdelay $0x3  }
0x532: {  	s1 =	sadd.s32 $0x3, s24;
	s24 =	smov.u32 s6;
	[tilespmem:v10+s23+$0x0] =	vst.idx.msk $0xffff, v8  }
0x533: {  	v10 =	vmov s1;
	v8 =	vld.idx.msk [tilespmem:v11+s30+$0x0], $0xffff  }
0x534: {  	v9 =	vadd.s32 v7, v9;
	v11 =	vshll.u32 v10, $0x7  }
0x535: {  	v12 =	vor.u32 v0, v11;
	_ =	sdelay $0x3  }
0x536: {  	[tilespmem:v9+s23+$0x0] =	vst.idx.msk $0xffff, v8  }
0x537: {  	v8 =	vand.u32 $0x7F, v10;
	v9 =	vld.idx.msk [tilespmem:v12+s30+$0x0], $0xffff  }
0x538: {  	v10 =	vadd.s32 v1, v8  }
0x539: {  	v12 =	vor.u32 v2, v11;
	_ =	sdelay $0x3  }
0x53a: {  	[tilespmem:v10+s23+$0x0] =	vst.idx.msk $0xffff, v9  }
0x53b: {  	v9 =	vld.idx.msk [tilespmem:v12+s30+$0x0], $0xffff  }
0x53c: {  	v10 =	vadd.s32 v3, v8  }
0x53d: {  	v12 =	vor.u32 v4, v11;
	_ =	sdelay $0x3  }
0x53e: {  	[tilespmem:v10+s23+$0x0] =	vst.idx.msk $0xffff, v9  }
0x53f: {  	v9 =	vld.idx.msk [tilespmem:v12+s30+$0x0], $0xffff  }
0x540: {  	v10 =	vadd.s32 v5, v8  }
0x541: {  	v11 =	vor.u32 v6, v11  }
.Ltmp16:
0x542: {  	(pc) =	sbr.rel @p0 .LBB2_34-.Ltmp16, $3  }
0x543: {  	_ =	sdelay $0x1  }
0x544: {  	[tilespmem:v10+s23+$0x0] =	vst.idx.msk $0xffff, v9  }
0x545: {  	s6 =	sadd.s32 $0x4, s6;
	v9 =	vmov s24;
	v10 =	vld.idx.msk [tilespmem:v11+s30+$0x0], $0xffff  }
0x546: {  	v11 =	vshll.u32 v9, $0x7;
	v8 =	vadd.s32 v7, v8  }
0x547: {  	v12 =	vor.u32 v0, v11;
	_ =	sdelay $0x3  }
0x548: {  	[tilespmem:v8+s23+$0x0] =	vst.idx.msk $0xffff, v10;
	v8 =	vand.u32 $0x7C, v9  }
0x549: {  	v31 =	vld.idx.msk [tilespmem:v12+s30+$0x0], $0xffff;
	v32 =	vadd.s32 v1, v8  }
0x54a: {  	v33 =	vor.u32 v2, v11;
	_ =	sdelay $0x3  }
0x54b: {  	[tilespmem:v32+s23+$0x0] =	vst.idx.msk $0xffff, v31  }
0x54c: {  	v34 =	vadd.s32 v3, v8;
	v9 =	vld.idx.msk [tilespmem:v33+s30+$0x0], $0xffff  }
0x54d: {  	v35 =	vor.u32 v4, v11;
	_ =	sdelay $0x3  }
0x54e: {  	[tilespmem:v34+s23+$0x0] =	vst.idx.msk $0xffff, v9  }
0x54f: {  	v36 =	vadd.s32 v5, v8;
	v9 =	vld.idx.msk [tilespmem:v35+s30+$0x0], $0xffff  }
0x550: {  	v11 =	vor.u32 v6, v11;
	_ =	sdelay $0x2  }
0x551: {  	s1 =	sadd.s32 $0x1, s24  }
0x552: {  	v37 =	vmov s1;
	[tilespmem:v36+s23+$0x0] =	vst.idx.msk $0xffff, v9  }
0x553: {  	v38 =	vshll.u32 v37, $0x7;
	v8 =	vadd.s32 v7, v8;
	v10 =	vld.idx.msk [tilespmem:v11+s30+$0x0], $0xffff  }
0x554: {  	v39 =	vor.u32 v0, v38;
	_ =	sdelay $0x3  }
0x555: {  	[tilespmem:v8+s23+$0x0] =	vst.idx.msk $0xffff, v10;
	v8 =	vand.u32 $0x7D, v37  }
0x556: {  	v40 =	vld.idx.msk [tilespmem:v39+s30+$0x0], $0xffff;
	v41 =	vadd.s32 v1, v8  }
0x557: {  	v42 =	vor.u32 v2, v38;
	_ =	sdelay $0x3  }
0x558: {  	[tilespmem:v41+s23+$0x0] =	vst.idx.msk $0xffff, v40  }
0x559: {  	v43 =	vadd.s32 v3, v8;
	v9 =	vld.idx.msk [tilespmem:v42+s30+$0x0], $0xffff  }
0x55a: {  	v44 =	vor.u32 v4, v38;
	_ =	sdelay $0x3  }
0x55b: {  	[tilespmem:v43+s23+$0x0] =	vst.idx.msk $0xffff, v9  }
0x55c: {  	v45 =	vadd.s32 v5, v8;
	v9 =	vld.idx.msk [tilespmem:v44+s30+$0x0], $0xffff  }
0x55d: {  	v11 =	vor.u32 v6, v38;
	_ =	sdelay $0x2  }
0x55e: {  	s9 =	sadd.s32 $0x2, s24  }
0x55f: {  	v46 =	vmov s9;
	[tilespmem:v45+s23+$0x0] =	vst.idx.msk $0xffff, v9  }
0x560: {  	v47 =	vshll.u32 v46, $0x7;
	v8 =	vadd.s32 v7, v8;
	v10 =	vld.idx.msk [tilespmem:v11+s30+$0x0], $0xffff  }
0x561: {  	v48 =	vor.u32 v0, v47;
	_ =	sdelay $0x3  }
0x562: {  	[tilespmem:v8+s23+$0x0] =	vst.idx.msk $0xffff, v10;
	v8 =	vand.u32 $0x7E, v46  }
0x563: {  	v49 =	vld.idx.msk [tilespmem:v48+s30+$0x0], $0xffff;
	v50 =	vadd.s32 v1, v8  }
0x564: {  	v51 =	vor.u32 v2, v47;
	_ =	sdelay $0x3  }
0x565: {  	[tilespmem:v50+s23+$0x0] =	vst.idx.msk $0xffff, v49  }
0x566: {  	v52 =	vadd.s32 v3, v8;
	v9 =	vld.idx.msk [tilespmem:v51+s30+$0x0], $0xffff  }
0x567: {  	v53 =	vor.u32 v4, v47;
	_ =	sdelay $0x3  }
0x568: {  	[tilespmem:v52+s23+$0x0] =	vst.idx.msk $0xffff, v9  }
0x569: {  	v54 =	vadd.s32 v5, v8;
	v9 =	vld.idx.msk [tilespmem:v53+s30+$0x0], $0xffff  }
0x56a: {  	v11 =	vor.u32 v6, v47;
	_ =	sdelay $0x2  }
0x56b: {  	s4 =	sadd.s32 $0x3, s24  }
0x56c: {  	v55 =	vmov s4;
	[tilespmem:v54+s23+$0x0] =	vst.idx.msk $0xffff, v9  }
0x56d: {  	v56 =	vshll.u32 v55, $0x7;
	v8 =	vadd.s32 v7, v8;
	v10 =	vld.idx.msk [tilespmem:v11+s30+$0x0], $0xffff  }
0x56e: {  	v57 =	vor.u32 v0, v56;
	_ =	sdelay $0x3  }
0x56f: {  	[tilespmem:v8+s23+$0x0] =	vst.idx.msk $0xffff, v10;
	v8 =	vand.u32 $0x7F, v55  }
0x570: {  	v58 =	vld.idx.msk [tilespmem:v57+s30+$0x0], $0xffff;
	v59 =	vadd.s32 v1, v8  }
0x571: {  	v60 =	vor.u32 v2, v56;
	_ =	sdelay $0x3  }
0x572: {  	[tilespmem:v59+s23+$0x0] =	vst.idx.msk $0xffff, v58  }
0x573: {  	v61 =	vadd.s32 v3, v8;
	v9 =	vld.idx.msk [tilespmem:v60+s30+$0x0], $0xffff  }
0x574: {  	v62 =	vor.u32 v4, v56;
	_ =	sdelay $0x3  }
0x575: {  	[tilespmem:v61+s23+$0x0] =	vst.idx.msk $0xffff, v9  }
0x576: {  	v63 =	vadd.s32 v5, v8;
	v9 =	vld.idx.msk [tilespmem:v62+s30+$0x0], $0xffff  }
0x577: {  	v11 =	vor.u32 v6, v56;
	_ =	sdelay $0x3  }
0x578: {  	[tilespmem:v63+s23+$0x0] =	vst.idx.msk $0xffff, v9  }
0x579: {  	v8 =	vadd.s32 v7, v8;
	v9 =	vld.idx.msk [tilespmem:v11+s30+$0x0], $0xffff;
	_ =	sdelay $0x4  }
0x57a: {  	s6 =	simm.s32 $0x10A00;
	[tilespmem:v8+s23+$0x0] =	vst.idx.msk $0xffff, v9  }
0x57b: {  	[hbm4b:s18+s2] =	stream.linear.scatter [tilespmem:s6], [sflag:$0x5], $0x80, $0x38;
	[tilespmem:$0x19200] =	vst v63  }
0x57c: {  	s8 =	simm.s32 $0x10A88;
	s4 =	sadd.s32 $0x10, s18  }
0x57d: {  	[hbm4b:s4+s2] =	stream.linear.scatter [tilespmem:s8], [sflag:$0x5], $0x80, $0x38;
	[tilespmem:$0x19200] =	vst v63  }
0x57e: {  	s24 =	sadd.s32 $0x20, s18;
	s9 =	simm.s32 $0x10B10  }
0x57f: {  	[hbm4b:s24+s2] =	stream.linear.scatter [tilespmem:s9], [sflag:$0x5], $0x80, $0x38;
	[tilespmem:$0x19200] =	vst v63  }
0x580: {  	s6 =	simm.s32 $0x10B98;
	s8 =	sadd.s32 $0x30, s18  }
0x581: {  	[hbm4b:s8+s2] =	stream.linear.scatter [tilespmem:s6], [sflag:$0x5], $0x80, $0x38;
	[tilespmem:$0x19200] =	vst v63  }
0x582: {  	s9 =	simm.s32 $0x10C20;
	s24 =	sadd.s32 $0x40, s18  }
0x583: {  	[hbm4b:s24+s2] =	stream.linear.scatter [tilespmem:s9], [sflag:$0x5], $0x80, $0x38;
	[tilespmem:$0x19200] =	vst v63  }
0x584: {  	s28 =	sadd.s32 $0x70, s18;
	s6 =	simm.s32 $0x10CA8;
	s8 =	sadd.s32 $0x50, s18  }
0x585: {  	[hbm4b:s8+s2] =	stream.linear.scatter [tilespmem:s6], [sflag:$0x5], $0x80, $0x38;
	[tilespmem:$0x19200] =	vst v63  }
0x586: {  	s9 =	simm.s32 $0x10D30;
	s24 =	sadd.s32 $0x60, s18;
	s6 =	simm.s32 $0x440  }
0x587: {  	[hbm4b:s24+s2] =	stream.linear.scatter [tilespmem:s9], [sflag:$0x5], $0x80, $0x38;
	[tilespmem:$0x19200] =	vst v63  }
0x588: {  	s8 =	simm.s32 $0x2200;
	s9 =	simm.s32 $0x10DB8;
	s24 =	sadd.s32 $0x4000, s18  }
.LBB2_36:
0x589: {  	[hbm4b:s28+s2] =	stream.linear.scatter [tilespmem:s9], [sflag:$0x5], $0x80, $0x38;
	[tilespmem:$0x19200] =	vst v63  }
0x58a: {  	s1 =	smov.u32 s6;
	s4 =	smov.u32 s8  }
0x58b: {  	s6 =	sshra.s32 s4, $0x2;
	s4 =	sadd.s32 $0x1100, s8;
	s9 =	sadd.s32 $0x10A00, s1  }
0x58c: {  	[hbm4b:s24+s2] =	stream.linear.scatter [tilespmem:s9], [sflag:$0x5], $0x80, $0x38;
	[tilespmem:$0x19200] =	vst v63  }
0x58d: {  	p0 =	sne.s32 s8, $0x7700;
	s8 =	sadd.s32 $0x10A88, s1;
	s9 =	sadd.s32 $0x10, s24  }
0x58e: {  	[hbm4b:s9+s2] =	stream.linear.scatter [tilespmem:s8], [sflag:$0x5], $0x80, $0x38;
	[tilespmem:$0x19200] =	vst v63  }
0x58f: {  	s8 =	sadd.s32 $0x10B10, s1;
	s9 =	sadd.s32 $0x20, s24  }
0x590: {  	[hbm4b:s9+s2] =	stream.linear.scatter [tilespmem:s8], [sflag:$0x5], $0x80, $0x38;
	[tilespmem:$0x19200] =	vst v63  }
0x591: {  	s8 =	sadd.s32 $0x10B98, s1;
	s9 =	sadd.s32 $0x30, s24  }
0x592: {  	[hbm4b:s9+s2] =	stream.linear.scatter [tilespmem:s8], [sflag:$0x5], $0x80, $0x38;
	[tilespmem:$0x19200] =	vst v63  }
0x593: {  	s8 =	sadd.s32 $0x10C20, s1;
	s9 =	sadd.s32 $0x40, s24  }
0x594: {  	[hbm4b:s9+s2] =	stream.linear.scatter [tilespmem:s8], [sflag:$0x5], $0x80, $0x38;
	[tilespmem:$0x19200] =	vst v63  }
.Ltmp17:
0x595: {  	s8 =	sadd.s32 $0x10CA8, s1;
	s9 =	sadd.s32 $0x50, s24;
	(pc) =	sbr.rel @p0 .LBB2_36-.Ltmp17, $4  }
0x596: {  	[hbm4b:s9+s2] =	stream.linear.scatter [tilespmem:s8], [sflag:$0x5], $0x80, $0x38;
	[tilespmem:$0x19200] =	vst v63  }
0x597: {  	s28 =	sadd.s32 $0x70, s24;
	s8 =	sadd.s32 $0x10D30, s1;
	s9 =	sadd.s32 $0x60, s24  }
0x598: {  	[hbm4b:s9+s2] =	stream.linear.scatter [tilespmem:s8], [sflag:$0x5], $0x80, $0x38;
	[tilespmem:$0x19200] =	vst v63  }
0x599: {  	s24 =	sadd.s32 $0x4000, s24;
	s9 =	sadd.s32 $0x10DB8, s1;
	s8 =	smov.u32 s4  }
0x59a: {  	[hbm4b:s28+s2] =	stream.linear.scatter [tilespmem:s9], [sflag:$0x5], $0x80, $0x38;
	[tilespmem:$0x19200] =	vst v63  }
0x59b: {  	s1 =	sadd.s32 $0x10A00, s6  }
0x59c: {  	[hbm4b:s24+s2] =	stream.linear.scatter [tilespmem:s1], [sflag:$0x5], $0x80, $0x38;
	[tilespmem:$0x19200] =	vst v63  }
0x59d: {  	s28 =	sadd.s32 $0x10A88, s6;
	s4 =	sadd.s32 $0x10, s24  }
0x59e: {  	[hbm4b:s4+s2] =	stream.linear.scatter [tilespmem:s28], [sflag:$0x5], $0x80, $0x38;
	[tilespmem:$0x19200] =	vst v63  }
0x59f: {  	s8 =	sadd.s32 $0x20, s24;
	s4 =	sadd.s32 $0x10B10, s6  }
0x5a0: {  	[hbm4b:s8+s2] =	stream.linear.scatter [tilespmem:s4], [sflag:$0x5], $0x80, $0x38;
	[tilespmem:$0x19200] =	vst v63  }
0x5a1: {  	s9 =	sadd.s32 $0x10B98, s6;
	s28 =	sadd.s32 $0x30, s24  }
0x5a2: {  	[hbm4b:s28+s2] =	stream.linear.scatter [tilespmem:s9], [sflag:$0x5], $0x80, $0x38;
	[tilespmem:$0x19200] =	vst v63  }
0x5a3: {  	s4 =	sadd.s32 $0x10C20, s6;
	s8 =	sadd.s32 $0x40, s24  }
0x5a4: {  	[hbm4b:s8+s2] =	stream.linear.scatter [tilespmem:s4], [sflag:$0x5], $0x80, $0x38;
	[tilespmem:$0x19200] =	vst v63  }
0x5a5: {  	s9 =	sadd.s32 $0x10CA8, s6;
	s28 =	sadd.s32 $0x50, s24;
	s8 =	simm.s32 $0x0  }
0x5a6: {  	[hbm4b:s28+s2] =	stream.linear.scatter [tilespmem:s9], [sflag:$0x5], $0x80, $0x38;
	[tilespmem:$0x19200] =	vst v63  }
0x5a7: {  	v8 =	vmov s8;
	s9 =	sadd.s32 $0x10D30, s6;
	s28 =	sadd.s32 $0x60, s24  }
0x5a8: {  	v9 =	vshll.u32 v8, $0x7;
	[hbm4b:s28+s2] =	stream.linear.scatter [tilespmem:s9], [sflag:$0x5], $0x80, $0x38;
	[tilespmem:$0x19200] =	vst v63  }
0x5a9: {  	s4 =	sadd.s32 $0x10DB8, s6;
	s8 =	simm.s32 $0x2;
	s6 =	sadd.s32 $0x70, s24;
	v10 =	vor.u32 v0, v9  }
0x5aa: {  	[hbm4b:s6+s2] =	stream.linear.scatter [tilespmem:s4], [sflag:$0x5], $0x80, $0x38;
	[tilespmem:$0x19200] =	vst v63  }
0x5ab: {  	_ =	swait.ge [sflag:s8], $0x4000  }
0x5ac: {  	[sflag:s8] =	ssyncset.done $0x0  }
0x5ad: {  	v8 =	vand.u32 $0x7C, v8;
	[sflag:s8] =	ssyncadd.s32 $0xFFFFC000  }
0x5ae: {  	v11 =	vadd.s32 v1, v8;
	v10 =	vld.idx.msk [tilespmem:v10+s31+$0x0], $0xffff  }
0x5af: {  	v12 =	vor.u32 v2, v9;
	_ =	sdelay $0x3  }
0x5b0: {  	[tilespmem:v11+s7+$0x0] =	vst.idx.msk $0xffff, v10  }
0x5b1: {  	v11 =	vadd.s32 v3, v8;
	v10 =	vld.idx.msk [tilespmem:v12+s31+$0x0], $0xffff  }
0x5b2: {  	v54 =	vor.u32 v4, v9;
	_ =	sdelay $0x3  }
0x5b3: {  	[tilespmem:v11+s7+$0x0] =	vst.idx.msk $0xffff, v10  }
0x5b4: {  	v11 =	vadd.s32 v5, v8;
	v10 =	vld.idx.msk [tilespmem:v54+s31+$0x0], $0xffff  }
0x5b5: {  	v9 =	vor.u32 v6, v9;
	_ =	sdelay $0x2  }
0x5b6: {  	s9 =	simm.s32 $0x1  }
0x5b7: {  	[tilespmem:v11+s7+$0x0] =	vst.idx.msk $0xffff, v10;
	v10 =	vmov s9  }
0x5b8: {  	v8 =	vadd.s32 v7, v8;
	v9 =	vld.idx.msk [tilespmem:v9+s31+$0x0], $0xffff;
	v11 =	vshll.u32 v10, $0x7  }
0x5b9: {  	v55 =	vor.u32 v0, v11;
	_ =	sdelay $0x3  }
0x5ba: {  	[tilespmem:v8+s7+$0x0] =	vst.idx.msk $0xffff, v9;
	v8 =	vand.u32 $0x7D, v10  }
0x5bb: {  	v9 =	vld.idx.msk [tilespmem:v55+s31+$0x0], $0xffff;
	v10 =	vadd.s32 v1, v8  }
0x5bc: {  	v56 =	vor.u32 v2, v11;
	_ =	sdelay $0x3  }
0x5bd: {  	[tilespmem:v10+s7+$0x0] =	vst.idx.msk $0xffff, v9  }
0x5be: {  	v10 =	vadd.s32 v3, v8;
	v9 =	vld.idx.msk [tilespmem:v56+s31+$0x0], $0xffff  }
0x5bf: {  	v57 =	vor.u32 v4, v11;
	_ =	sdelay $0x3  }
0x5c0: {  	[tilespmem:v10+s7+$0x0] =	vst.idx.msk $0xffff, v9  }
0x5c1: {  	v10 =	vadd.s32 v5, v8;
	v9 =	vld.idx.msk [tilespmem:v57+s31+$0x0], $0xffff  }
0x5c2: {  	v11 =	vor.u32 v6, v11;
	_ =	sdelay $0x2  }
0x5c3: {  	s24 =	simm.s32 $0x2  }
0x5c4: {  	[tilespmem:v10+s7+$0x0] =	vst.idx.msk $0xffff, v9;
	v9 =	vmov s24  }
0x5c5: {  	v8 =	vadd.s32 v7, v8;
	v10 =	vld.idx.msk [tilespmem:v11+s31+$0x0], $0xffff;
	v11 =	vshll.u32 v9, $0x7  }
0x5c6: {  	v58 =	vor.u32 v0, v11;
	_ =	sdelay $0x3  }
0x5c7: {  	[tilespmem:v8+s7+$0x0] =	vst.idx.msk $0xffff, v10;
	v8 =	vand.u32 $0x7E, v9  }
0x5c8: {  	v9 =	vld.idx.msk [tilespmem:v58+s31+$0x0], $0xffff;
	v10 =	vadd.s32 v1, v8  }
0x5c9: {  	v59 =	vor.u32 v2, v11;
	_ =	sdelay $0x3  }
0x5ca: {  	[tilespmem:v10+s7+$0x0] =	vst.idx.msk $0xffff, v9  }
0x5cb: {  	v10 =	vadd.s32 v3, v8;
	v9 =	vld.idx.msk [tilespmem:v59+s31+$0x0], $0xffff  }
0x5cc: {  	v60 =	vor.u32 v4, v11;
	_ =	sdelay $0x3  }
0x5cd: {  	[tilespmem:v10+s7+$0x0] =	vst.idx.msk $0xffff, v9  }
0x5ce: {  	v10 =	vadd.s32 v5, v8;
	v9 =	vld.idx.msk [tilespmem:v60+s31+$0x0], $0xffff  }
0x5cf: {  	v11 =	vor.u32 v6, v11;
	_ =	sdelay $0x2  }
0x5d0: {  	s28 =	simm.s32 $0x3  }
0x5d1: {  	[tilespmem:v10+s7+$0x0] =	vst.idx.msk $0xffff, v9;
	v9 =	vmov s28  }
0x5d2: {  	v8 =	vadd.s32 v7, v8;
	v10 =	vld.idx.msk [tilespmem:v11+s31+$0x0], $0xffff;
	v11 =	vshll.u32 v9, $0x7  }
0x5d3: {  	v61 =	vor.u32 v0, v11;
	_ =	sdelay $0x3  }
0x5d4: {  	[tilespmem:v8+s7+$0x0] =	vst.idx.msk $0xffff, v10;
	v8 =	vand.u32 $0x7F, v9  }
0x5d5: {  	v9 =	vld.idx.msk [tilespmem:v61+s31+$0x0], $0xffff;
	v10 =	vadd.s32 v1, v8  }
0x5d6: {  	v62 =	vor.u32 v2, v11;
	_ =	sdelay $0x3  }
0x5d7: {  	[tilespmem:v10+s7+$0x0] =	vst.idx.msk $0xffff, v9  }
0x5d8: {  	v10 =	vadd.s32 v3, v8;
	v9 =	vld.idx.msk [tilespmem:v62+s31+$0x0], $0xffff  }
0x5d9: {  	v63 =	vor.u32 v4, v11;
	_ =	sdelay $0x3  }
0x5da: {  	[tilespmem:v10+s7+$0x0] =	vst.idx.msk $0xffff, v9  }
0x5db: {  	v10 =	vadd.s32 v5, v8;
	v9 =	vld.idx.msk [tilespmem:v63+s31+$0x0], $0xffff  }
0x5dc: {  	v11 =	vor.u32 v6, v11;
	_ =	sdelay $0x3  }
0x5dd: {  	s24 =	simm.s32 $0x4;
	[tilespmem:v10+s7+$0x0] =	vst.idx.msk $0xffff, v9  }
0x5de: {  	s6 =	simm.s32 $0x8;
	v9 =	vmov s24;
	v10 =	vld.idx.msk [tilespmem:v11+s31+$0x0], $0xffff  }
.LBB2_38:
0x5df: {  	p0 =	slt.u32 s6, $0x7C;
	v11 =	vshll.u32 v9, $0x7;
	v8 =	vadd.s32 v7, v8  }
0x5e0: {  	v12 =	vor.u32 v0, v11;
	_ =	sdelay $0x3  }
0x5e1: {  	[tilespmem:v8+s7+$0x0] =	vst.idx.msk $0xffff, v10  }
0x5e2: {  	v9 =	vand.u32 $0x7C, v9;
	v8 =	vld.idx.msk [tilespmem:v12+s31+$0x0], $0xffff  }
0x5e3: {  	v10 =	vadd.s32 v1, v9  }
0x5e4: {  	v12 =	vor.u32 v2, v11;
	_ =	sdelay $0x3  }
0x5e5: {  	[tilespmem:v10+s7+$0x0] =	vst.idx.msk $0xffff, v8  }
0x5e6: {  	v8 =	vld.idx.msk [tilespmem:v12+s31+$0x0], $0xffff  }
0x5e7: {  	v10 =	vadd.s32 v3, v9  }
0x5e8: {  	v12 =	vor.u32 v4, v11;
	_ =	sdelay $0x3  }
0x5e9: {  	[tilespmem:v10+s7+$0x0] =	vst.idx.msk $0xffff, v8  }
0x5ea: {  	v8 =	vld.idx.msk [tilespmem:v12+s31+$0x0], $0xffff  }
0x5eb: {  	v10 =	vadd.s32 v5, v9  }
0x5ec: {  	v11 =	vor.u32 v6, v11;
	_ =	sdelay $0x3  }
0x5ed: {  	s1 =	sadd.s32 $0x1, s24;
	[tilespmem:v10+s7+$0x0] =	vst.idx.msk $0xffff, v8  }
0x5ee: {  	v10 =	vmov s1;
	v8 =	vld.idx.msk [tilespmem:v11+s31+$0x0], $0xffff  }
0x5ef: {  	v9 =	vadd.s32 v7, v9;
	v11 =	vshll.u32 v10, $0x7  }
0x5f0: {  	v12 =	vor.u32 v0, v11;
	_ =	sdelay $0x3  }
0x5f1: {  	[tilespmem:v9+s7+$0x0] =	vst.idx.msk $0xffff, v8  }
0x5f2: {  	v9 =	vand.u32 $0x7D, v10;
	v8 =	vld.idx.msk [tilespmem:v12+s31+$0x0], $0xffff  }
0x5f3: {  	v10 =	vadd.s32 v1, v9  }
0x5f4: {  	v12 =	vor.u32 v2, v11;
	_ =	sdelay $0x3  }
0x5f5: {  	[tilespmem:v10+s7+$0x0] =	vst.idx.msk $0xffff, v8  }
0x5f6: {  	v8 =	vld.idx.msk [tilespmem:v12+s31+$0x0], $0xffff  }
0x5f7: {  	v10 =	vadd.s32 v3, v9  }
0x5f8: {  	v12 =	vor.u32 v4, v11;
	_ =	sdelay $0x3  }
0x5f9: {  	[tilespmem:v10+s7+$0x0] =	vst.idx.msk $0xffff, v8  }
0x5fa: {  	v8 =	vld.idx.msk [tilespmem:v12+s31+$0x0], $0xffff  }
0x5fb: {  	v10 =	vadd.s32 v5, v9  }
0x5fc: {  	v11 =	vor.u32 v6, v11;
	_ =	sdelay $0x3  }
0x5fd: {  	s1 =	sadd.s32 $0x2, s24;
	[tilespmem:v10+s7+$0x0] =	vst.idx.msk $0xffff, v8  }
0x5fe: {  	v10 =	vmov s1;
	v8 =	vld.idx.msk [tilespmem:v11+s31+$0x0], $0xffff  }
0x5ff: {  	v9 =	vadd.s32 v7, v9;
	v11 =	vshll.u32 v10, $0x7  }
0x600: {  	v12 =	vor.u32 v0, v11;
	_ =	sdelay $0x3  }
0x601: {  	[tilespmem:v9+s7+$0x0] =	vst.idx.msk $0xffff, v8  }
0x602: {  	v9 =	vand.u32 $0x7E, v10;
	v8 =	vld.idx.msk [tilespmem:v12+s31+$0x0], $0xffff  }
0x603: {  	v10 =	vadd.s32 v1, v9  }
0x604: {  	v12 =	vor.u32 v2, v11;
	_ =	sdelay $0x3  }
0x605: {  	[tilespmem:v10+s7+$0x0] =	vst.idx.msk $0xffff, v8  }
0x606: {  	v8 =	vld.idx.msk [tilespmem:v12+s31+$0x0], $0xffff  }
0x607: {  	v10 =	vadd.s32 v3, v9  }
0x608: {  	v12 =	vor.u32 v4, v11;
	_ =	sdelay $0x3  }
0x609: {  	[tilespmem:v10+s7+$0x0] =	vst.idx.msk $0xffff, v8  }
0x60a: {  	v8 =	vld.idx.msk [tilespmem:v12+s31+$0x0], $0xffff  }
0x60b: {  	v10 =	vadd.s32 v5, v9  }
0x60c: {  	v11 =	vor.u32 v6, v11;
	_ =	sdelay $0x3  }
0x60d: {  	s1 =	sadd.s32 $0x3, s24;
	s24 =	smov.u32 s6;
	[tilespmem:v10+s7+$0x0] =	vst.idx.msk $0xffff, v8  }
0x60e: {  	v10 =	vmov s1;
	v8 =	vld.idx.msk [tilespmem:v11+s31+$0x0], $0xffff  }
0x60f: {  	v9 =	vadd.s32 v7, v9;
	v11 =	vshll.u32 v10, $0x7  }
0x610: {  	v12 =	vor.u32 v0, v11;
	_ =	sdelay $0x3  }
0x611: {  	[tilespmem:v9+s7+$0x0] =	vst.idx.msk $0xffff, v8  }
0x612: {  	v8 =	vand.u32 $0x7F, v10;
	v9 =	vld.idx.msk [tilespmem:v12+s31+$0x0], $0xffff  }
0x613: {  	v10 =	vadd.s32 v1, v8  }
0x614: {  	v12 =	vor.u32 v2, v11;
	_ =	sdelay $0x3  }
0x615: {  	[tilespmem:v10+s7+$0x0] =	vst.idx.msk $0xffff, v9  }
0x616: {  	v9 =	vld.idx.msk [tilespmem:v12+s31+$0x0], $0xffff  }
0x617: {  	v10 =	vadd.s32 v3, v8  }
0x618: {  	v12 =	vor.u32 v4, v11;
	_ =	sdelay $0x3  }
0x619: {  	[tilespmem:v10+s7+$0x0] =	vst.idx.msk $0xffff, v9  }
0x61a: {  	v9 =	vld.idx.msk [tilespmem:v12+s31+$0x0], $0xffff  }
0x61b: {  	v10 =	vadd.s32 v5, v8  }
0x61c: {  	v11 =	vor.u32 v6, v11  }
.Ltmp18:
0x61d: {  	(pc) =	sbr.rel @p0 .LBB2_38-.Ltmp18, $3  }
0x61e: {  	_ =	sdelay $0x1  }
0x61f: {  	[tilespmem:v10+s7+$0x0] =	vst.idx.msk $0xffff, v9  }
0x620: {  	s6 =	sadd.s32 $0x4, s6;
	v9 =	vmov s24;
	v10 =	vld.idx.msk [tilespmem:v11+s31+$0x0], $0xffff  }
0x621: {  	v11 =	vshll.u32 v9, $0x7;
	v8 =	vadd.s32 v7, v8  }
0x622: {  	v12 =	vor.u32 v0, v11;
	_ =	sdelay $0x3  }
0x623: {  	[tilespmem:v8+s7+$0x0] =	vst.idx.msk $0xffff, v10;
	v8 =	vand.u32 $0x7C, v9  }
0x624: {  	v31 =	vld.idx.msk [tilespmem:v12+s31+$0x0], $0xffff;
	v32 =	vadd.s32 v1, v8  }
0x625: {  	v33 =	vor.u32 v2, v11;
	_ =	sdelay $0x3  }
0x626: {  	[tilespmem:v32+s7+$0x0] =	vst.idx.msk $0xffff, v31  }
0x627: {  	v34 =	vadd.s32 v3, v8;
	v9 =	vld.idx.msk [tilespmem:v33+s31+$0x0], $0xffff  }
0x628: {  	v35 =	vor.u32 v4, v11;
	_ =	sdelay $0x3  }
0x629: {  	[tilespmem:v34+s7+$0x0] =	vst.idx.msk $0xffff, v9  }
0x62a: {  	v36 =	vadd.s32 v5, v8;
	v9 =	vld.idx.msk [tilespmem:v35+s31+$0x0], $0xffff  }
0x62b: {  	v11 =	vor.u32 v6, v11;
	_ =	sdelay $0x2  }
0x62c: {  	s1 =	sadd.s32 $0x1, s24  }
0x62d: {  	v37 =	vmov s1;
	[tilespmem:v36+s7+$0x0] =	vst.idx.msk $0xffff, v9  }
0x62e: {  	v38 =	vshll.u32 v37, $0x7;
	v8 =	vadd.s32 v7, v8;
	v10 =	vld.idx.msk [tilespmem:v11+s31+$0x0], $0xffff  }
0x62f: {  	v39 =	vor.u32 v0, v38;
	_ =	sdelay $0x3  }
0x630: {  	[tilespmem:v8+s7+$0x0] =	vst.idx.msk $0xffff, v10;
	v8 =	vand.u32 $0x7D, v37  }
0x631: {  	v40 =	vld.idx.msk [tilespmem:v39+s31+$0x0], $0xffff;
	v41 =	vadd.s32 v1, v8  }
0x632: {  	v42 =	vor.u32 v2, v38;
	_ =	sdelay $0x3  }
0x633: {  	[tilespmem:v41+s7+$0x0] =	vst.idx.msk $0xffff, v40  }
0x634: {  	v43 =	vadd.s32 v3, v8;
	v9 =	vld.idx.msk [tilespmem:v42+s31+$0x0], $0xffff  }
0x635: {  	v44 =	vor.u32 v4, v38;
	_ =	sdelay $0x3  }
0x636: {  	[tilespmem:v43+s7+$0x0] =	vst.idx.msk $0xffff, v9  }
0x637: {  	v45 =	vadd.s32 v5, v8;
	v9 =	vld.idx.msk [tilespmem:v44+s31+$0x0], $0xffff  }
0x638: {  	v11 =	vor.u32 v6, v38;
	_ =	sdelay $0x2  }
0x639: {  	s9 =	sadd.s32 $0x2, s24  }
0x63a: {  	v46 =	vmov s9;
	[tilespmem:v45+s7+$0x0] =	vst.idx.msk $0xffff, v9  }
0x63b: {  	v47 =	vshll.u32 v46, $0x7;
	v8 =	vadd.s32 v7, v8;
	v10 =	vld.idx.msk [tilespmem:v11+s31+$0x0], $0xffff  }
0x63c: {  	v48 =	vor.u32 v0, v47;
	_ =	sdelay $0x3  }
0x63d: {  	[tilespmem:v8+s7+$0x0] =	vst.idx.msk $0xffff, v10;
	v8 =	vand.u32 $0x7E, v46  }
0x63e: {  	v49 =	vld.idx.msk [tilespmem:v48+s31+$0x0], $0xffff;
	v50 =	vadd.s32 v1, v8  }
0x63f: {  	v51 =	vor.u32 v2, v47;
	_ =	sdelay $0x3  }
0x640: {  	[tilespmem:v50+s7+$0x0] =	vst.idx.msk $0xffff, v49  }
0x641: {  	v52 =	vadd.s32 v3, v8;
	v9 =	vld.idx.msk [tilespmem:v51+s31+$0x0], $0xffff  }
0x642: {  	v53 =	vor.u32 v4, v47;
	_ =	sdelay $0x3  }
0x643: {  	[tilespmem:v52+s7+$0x0] =	vst.idx.msk $0xffff, v9  }
0x644: {  	v54 =	vadd.s32 v5, v8;
	v9 =	vld.idx.msk [tilespmem:v53+s31+$0x0], $0xffff  }
0x645: {  	v11 =	vor.u32 v6, v47;
	_ =	sdelay $0x2  }
0x646: {  	s4 =	sadd.s32 $0x3, s24  }
0x647: {  	v55 =	vmov s4;
	[tilespmem:v54+s7+$0x0] =	vst.idx.msk $0xffff, v9  }
0x648: {  	v56 =	vshll.u32 v55, $0x7;
	v8 =	vadd.s32 v7, v8;
	v10 =	vld.idx.msk [tilespmem:v11+s31+$0x0], $0xffff  }
0x649: {  	v57 =	vor.u32 v0, v56;
	_ =	sdelay $0x3  }
0x64a: {  	[tilespmem:v8+s7+$0x0] =	vst.idx.msk $0xffff, v10;
	v8 =	vand.u32 $0x7F, v55  }
0x64b: {  	v58 =	vld.idx.msk [tilespmem:v57+s31+$0x0], $0xffff;
	v59 =	vadd.s32 v1, v8  }
0x64c: {  	v60 =	vor.u32 v2, v56;
	_ =	sdelay $0x3  }
0x64d: {  	[tilespmem:v59+s7+$0x0] =	vst.idx.msk $0xffff, v58  }
0x64e: {  	v61 =	vadd.s32 v3, v8;
	v9 =	vld.idx.msk [tilespmem:v60+s31+$0x0], $0xffff  }
0x64f: {  	v62 =	vor.u32 v4, v56;
	_ =	sdelay $0x3  }
0x650: {  	[tilespmem:v61+s7+$0x0] =	vst.idx.msk $0xffff, v9  }
0x651: {  	v63 =	vadd.s32 v5, v8;
	v9 =	vld.idx.msk [tilespmem:v62+s31+$0x0], $0xffff  }
0x652: {  	v11 =	vor.u32 v6, v56;
	_ =	sdelay $0x3  }
0x653: {  	[tilespmem:v63+s7+$0x0] =	vst.idx.msk $0xffff, v9  }
0x654: {  	v8 =	vadd.s32 v7, v8;
	v9 =	vld.idx.msk [tilespmem:v11+s31+$0x0], $0xffff;
	_ =	sdelay $0x4  }
0x655: {  	s6 =	simm.s32 $0x12C00;
	[tilespmem:v8+s7+$0x0] =	vst.idx.msk $0xffff, v9  }
0x656: {  	[hbm4b:s19+s2] =	stream.linear.scatter [tilespmem:s6], [sflag:$0x6], $0x80, $0x38;
	[tilespmem:$0x19200] =	vst v63  }
0x657: {  	s8 =	simm.s32 $0x12C88;
	s4 =	sadd.s32 $0x10, s19  }
0x658: {  	[hbm4b:s4+s2] =	stream.linear.scatter [tilespmem:s8], [sflag:$0x6], $0x80, $0x38;
	[tilespmem:$0x19200] =	vst v63  }
0x659: {  	s24 =	sadd.s32 $0x20, s19;
	s9 =	simm.s32 $0x12D10  }
0x65a: {  	[hbm4b:s24+s2] =	stream.linear.scatter [tilespmem:s9], [sflag:$0x6], $0x80, $0x38;
	[tilespmem:$0x19200] =	vst v63  }
0x65b: {  	s6 =	simm.s32 $0x12D98;
	s8 =	sadd.s32 $0x30, s19  }
0x65c: {  	[hbm4b:s8+s2] =	stream.linear.scatter [tilespmem:s6], [sflag:$0x6], $0x80, $0x38;
	[tilespmem:$0x19200] =	vst v63  }
0x65d: {  	s9 =	simm.s32 $0x12E20;
	s24 =	sadd.s32 $0x40, s19  }
0x65e: {  	[hbm4b:s24+s2] =	stream.linear.scatter [tilespmem:s9], [sflag:$0x6], $0x80, $0x38;
	[tilespmem:$0x19200] =	vst v63  }
0x65f: {  	s28 =	sadd.s32 $0x70, s19;
	s6 =	simm.s32 $0x12EA8;
	s8 =	sadd.s32 $0x50, s19  }
0x660: {  	[hbm4b:s8+s2] =	stream.linear.scatter [tilespmem:s6], [sflag:$0x6], $0x80, $0x38;
	[tilespmem:$0x19200] =	vst v63  }
0x661: {  	s9 =	simm.s32 $0x12F30;
	s24 =	sadd.s32 $0x60, s19;
	s6 =	simm.s32 $0x440  }
0x662: {  	[hbm4b:s24+s2] =	stream.linear.scatter [tilespmem:s9], [sflag:$0x6], $0x80, $0x38;
	[tilespmem:$0x19200] =	vst v63  }
0x663: {  	s8 =	simm.s32 $0x2200;
	s9 =	simm.s32 $0x12FB8;
	s24 =	sadd.s32 $0x4000, s19  }
.LBB2_40:
0x664: {  	[hbm4b:s28+s2] =	stream.linear.scatter [tilespmem:s9], [sflag:$0x6], $0x80, $0x38;
	[tilespmem:$0x19200] =	vst v63  }
0x665: {  	s1 =	smov.u32 s6;
	s4 =	smov.u32 s8  }
0x666: {  	s6 =	sshra.s32 s4, $0x2;
	s4 =	sadd.s32 $0x1100, s8;
	s9 =	sadd.s32 $0x12C00, s1  }
0x667: {  	[hbm4b:s24+s2] =	stream.linear.scatter [tilespmem:s9], [sflag:$0x6], $0x80, $0x38;
	[tilespmem:$0x19200] =	vst v63  }
0x668: {  	p0 =	sne.s32 s8, $0x7700;
	s8 =	sadd.s32 $0x12C88, s1;
	s9 =	sadd.s32 $0x10, s24  }
0x669: {  	[hbm4b:s9+s2] =	stream.linear.scatter [tilespmem:s8], [sflag:$0x6], $0x80, $0x38;
	[tilespmem:$0x19200] =	vst v63  }
0x66a: {  	s8 =	sadd.s32 $0x12D10, s1;
	s9 =	sadd.s32 $0x20, s24  }
0x66b: {  	[hbm4b:s9+s2] =	stream.linear.scatter [tilespmem:s8], [sflag:$0x6], $0x80, $0x38;
	[tilespmem:$0x19200] =	vst v63  }
0x66c: {  	s8 =	sadd.s32 $0x12D98, s1;
	s9 =	sadd.s32 $0x30, s24  }
0x66d: {  	[hbm4b:s9+s2] =	stream.linear.scatter [tilespmem:s8], [sflag:$0x6], $0x80, $0x38;
	[tilespmem:$0x19200] =	vst v63  }
0x66e: {  	s8 =	sadd.s32 $0x12E20, s1;
	s9 =	sadd.s32 $0x40, s24  }
0x66f: {  	[hbm4b:s9+s2] =	stream.linear.scatter [tilespmem:s8], [sflag:$0x6], $0x80, $0x38;
	[tilespmem:$0x19200] =	vst v63  }
.Ltmp19:
0x670: {  	s8 =	sadd.s32 $0x12EA8, s1;
	s9 =	sadd.s32 $0x50, s24;
	(pc) =	sbr.rel @p0 .LBB2_40-.Ltmp19, $4  }
0x671: {  	[hbm4b:s9+s2] =	stream.linear.scatter [tilespmem:s8], [sflag:$0x6], $0x80, $0x38;
	[tilespmem:$0x19200] =	vst v63  }
0x672: {  	s28 =	sadd.s32 $0x70, s24;
	s8 =	sadd.s32 $0x12F30, s1;
	s9 =	sadd.s32 $0x60, s24  }
0x673: {  	[hbm4b:s9+s2] =	stream.linear.scatter [tilespmem:s8], [sflag:$0x6], $0x80, $0x38;
	[tilespmem:$0x19200] =	vst v63  }
0x674: {  	s24 =	sadd.s32 $0x4000, s24;
	s9 =	sadd.s32 $0x12FB8, s1;
	s8 =	smov.u32 s4  }
0x675: {  	[hbm4b:s28+s2] =	stream.linear.scatter [tilespmem:s9], [sflag:$0x6], $0x80, $0x38;
	[tilespmem:$0x19200] =	vst v63  }
0x676: {  	s1 =	sadd.s32 $0x12C00, s6  }
0x677: {  	[hbm4b:s24+s2] =	stream.linear.scatter [tilespmem:s1], [sflag:$0x6], $0x80, $0x38;
	[tilespmem:$0x19200] =	vst v63  }
0x678: {  	s28 =	sadd.s32 $0x12C88, s6;
	s4 =	sadd.s32 $0x10, s24  }
0x679: {  	[hbm4b:s4+s2] =	stream.linear.scatter [tilespmem:s28], [sflag:$0x6], $0x80, $0x38;
	[tilespmem:$0x19200] =	vst v63  }
0x67a: {  	s8 =	sadd.s32 $0x20, s24;
	s4 =	sadd.s32 $0x12D10, s6  }
0x67b: {  	[hbm4b:s8+s2] =	stream.linear.scatter [tilespmem:s4], [sflag:$0x6], $0x80, $0x38;
	[tilespmem:$0x19200] =	vst v63  }
0x67c: {  	s9 =	sadd.s32 $0x12D98, s6;
	s28 =	sadd.s32 $0x30, s24  }
0x67d: {  	[hbm4b:s28+s2] =	stream.linear.scatter [tilespmem:s9], [sflag:$0x6], $0x80, $0x38;
	[tilespmem:$0x19200] =	vst v63  }
0x67e: {  	s4 =	sadd.s32 $0x12E20, s6;
	s8 =	sadd.s32 $0x40, s24  }
0x67f: {  	[hbm4b:s8+s2] =	stream.linear.scatter [tilespmem:s4], [sflag:$0x6], $0x80, $0x38;
	[tilespmem:$0x19200] =	vst v63  }
0x680: {  	s9 =	sadd.s32 $0x12EA8, s6;
	s28 =	sadd.s32 $0x50, s24;
	s8 =	simm.s32 $0x0  }
0x681: {  	[hbm4b:s28+s2] =	stream.linear.scatter [tilespmem:s9], [sflag:$0x6], $0x80, $0x38;
	[tilespmem:$0x19200] =	vst v63  }
0x682: {  	v8 =	vmov s8;
	s9 =	sadd.s32 $0x12F30, s6;
	s28 =	sadd.s32 $0x60, s24  }
0x683: {  	v9 =	vshll.u32 v8, $0x7;
	[hbm4b:s28+s2] =	stream.linear.scatter [tilespmem:s9], [sflag:$0x6], $0x80, $0x38;
	[tilespmem:$0x19200] =	vst v63  }
0x684: {  	s4 =	sadd.s32 $0x12FB8, s6;
	s8 =	simm.s32 $0x3;
	s6 =	sadd.s32 $0x70, s24;
	v10 =	vor.u32 v0, v9  }
0x685: {  	[hbm4b:s6+s2] =	stream.linear.scatter [tilespmem:s4], [sflag:$0x6], $0x80, $0x38;
	[tilespmem:$0x19200] =	vst v63  }
0x686: {  	_ =	swait.ge [sflag:s8], $0x4000  }
0x687: {  	[sflag:s8] =	ssyncset.done $0x0  }
0x688: {  	v8 =	vand.u32 $0x7C, v8;
	[sflag:s8] =	ssyncadd.s32 $0xFFFFC000  }
0x689: {  	v11 =	vadd.s32 v1, v8;
	v10 =	vld.idx.msk [tilespmem:v10+s0+$0x0], $0xffff  }
0x68a: {  	v12 =	vor.u32 v2, v9;
	_ =	sdelay $0x3  }
0x68b: {  	[tilespmem:v11+s22+$0x0] =	vst.idx.msk $0xffff, v10  }
0x68c: {  	v11 =	vadd.s32 v3, v8;
	v10 =	vld.idx.msk [tilespmem:v12+s0+$0x0], $0xffff  }
0x68d: {  	v54 =	vor.u32 v4, v9;
	_ =	sdelay $0x3  }
0x68e: {  	[tilespmem:v11+s22+$0x0] =	vst.idx.msk $0xffff, v10  }
0x68f: {  	v11 =	vadd.s32 v5, v8;
	v10 =	vld.idx.msk [tilespmem:v54+s0+$0x0], $0xffff  }
0x690: {  	v9 =	vor.u32 v6, v9;
	_ =	sdelay $0x2  }
0x691: {  	s9 =	simm.s32 $0x1  }
0x692: {  	[tilespmem:v11+s22+$0x0] =	vst.idx.msk $0xffff, v10;
	v10 =	vmov s9  }
0x693: {  	v8 =	vadd.s32 v7, v8;
	v9 =	vld.idx.msk [tilespmem:v9+s0+$0x0], $0xffff;
	v11 =	vshll.u32 v10, $0x7  }
0x694: {  	v55 =	vor.u32 v0, v11;
	_ =	sdelay $0x3  }
0x695: {  	[tilespmem:v8+s22+$0x0] =	vst.idx.msk $0xffff, v9;
	v8 =	vand.u32 $0x7D, v10  }
0x696: {  	v9 =	vld.idx.msk [tilespmem:v55+s0+$0x0], $0xffff;
	v10 =	vadd.s32 v1, v8  }
0x697: {  	v56 =	vor.u32 v2, v11;
	_ =	sdelay $0x3  }
0x698: {  	[tilespmem:v10+s22+$0x0] =	vst.idx.msk $0xffff, v9  }
0x699: {  	v10 =	vadd.s32 v3, v8;
	v9 =	vld.idx.msk [tilespmem:v56+s0+$0x0], $0xffff  }
0x69a: {  	v57 =	vor.u32 v4, v11;
	_ =	sdelay $0x3  }
0x69b: {  	[tilespmem:v10+s22+$0x0] =	vst.idx.msk $0xffff, v9  }
0x69c: {  	v10 =	vadd.s32 v5, v8;
	v9 =	vld.idx.msk [tilespmem:v57+s0+$0x0], $0xffff  }
0x69d: {  	v11 =	vor.u32 v6, v11;
	_ =	sdelay $0x2  }
0x69e: {  	s24 =	simm.s32 $0x2  }
0x69f: {  	[tilespmem:v10+s22+$0x0] =	vst.idx.msk $0xffff, v9;
	v9 =	vmov s24  }
0x6a0: {  	v8 =	vadd.s32 v7, v8;
	v10 =	vld.idx.msk [tilespmem:v11+s0+$0x0], $0xffff;
	v11 =	vshll.u32 v9, $0x7  }
0x6a1: {  	v58 =	vor.u32 v0, v11;
	_ =	sdelay $0x3  }
0x6a2: {  	[tilespmem:v8+s22+$0x0] =	vst.idx.msk $0xffff, v10;
	v8 =	vand.u32 $0x7E, v9  }
0x6a3: {  	v9 =	vld.idx.msk [tilespmem:v58+s0+$0x0], $0xffff;
	v10 =	vadd.s32 v1, v8  }
0x6a4: {  	v59 =	vor.u32 v2, v11;
	_ =	sdelay $0x3  }
0x6a5: {  	[tilespmem:v10+s22+$0x0] =	vst.idx.msk $0xffff, v9  }
0x6a6: {  	v10 =	vadd.s32 v3, v8;
	v9 =	vld.idx.msk [tilespmem:v59+s0+$0x0], $0xffff  }
0x6a7: {  	v60 =	vor.u32 v4, v11;
	_ =	sdelay $0x3  }
0x6a8: {  	[tilespmem:v10+s22+$0x0] =	vst.idx.msk $0xffff, v9  }
0x6a9: {  	v10 =	vadd.s32 v5, v8;
	v9 =	vld.idx.msk [tilespmem:v60+s0+$0x0], $0xffff  }
0x6aa: {  	v11 =	vor.u32 v6, v11;
	_ =	sdelay $0x2  }
0x6ab: {  	s28 =	simm.s32 $0x3  }
0x6ac: {  	[tilespmem:v10+s22+$0x0] =	vst.idx.msk $0xffff, v9;
	v9 =	vmov s28  }
0x6ad: {  	v8 =	vadd.s32 v7, v8;
	v10 =	vld.idx.msk [tilespmem:v11+s0+$0x0], $0xffff;
	v11 =	vshll.u32 v9, $0x7  }
0x6ae: {  	v61 =	vor.u32 v0, v11;
	_ =	sdelay $0x3  }
0x6af: {  	[tilespmem:v8+s22+$0x0] =	vst.idx.msk $0xffff, v10;
	v8 =	vand.u32 $0x7F, v9  }
0x6b0: {  	v9 =	vld.idx.msk [tilespmem:v61+s0+$0x0], $0xffff;
	v10 =	vadd.s32 v1, v8  }
0x6b1: {  	v62 =	vor.u32 v2, v11;
	_ =	sdelay $0x3  }
0x6b2: {  	[tilespmem:v10+s22+$0x0] =	vst.idx.msk $0xffff, v9  }
0x6b3: {  	v10 =	vadd.s32 v3, v8;
	v9 =	vld.idx.msk [tilespmem:v62+s0+$0x0], $0xffff  }
0x6b4: {  	v63 =	vor.u32 v4, v11;
	_ =	sdelay $0x3  }
0x6b5: {  	[tilespmem:v10+s22+$0x0] =	vst.idx.msk $0xffff, v9  }
0x6b6: {  	v10 =	vadd.s32 v5, v8;
	v9 =	vld.idx.msk [tilespmem:v63+s0+$0x0], $0xffff  }
0x6b7: {  	v11 =	vor.u32 v6, v11;
	_ =	sdelay $0x3  }
0x6b8: {  	s24 =	simm.s32 $0x4;
	[tilespmem:v10+s22+$0x0] =	vst.idx.msk $0xffff, v9  }
0x6b9: {  	s6 =	simm.s32 $0x8;
	v9 =	vmov s24;
	v10 =	vld.idx.msk [tilespmem:v11+s0+$0x0], $0xffff  }
.LBB2_42:
0x6ba: {  	p0 =	slt.u32 s6, $0x7C;
	v11 =	vshll.u32 v9, $0x7;
	v8 =	vadd.s32 v7, v8  }
0x6bb: {  	v12 =	vor.u32 v0, v11;
	_ =	sdelay $0x3  }
0x6bc: {  	[tilespmem:v8+s22+$0x0] =	vst.idx.msk $0xffff, v10  }
0x6bd: {  	v9 =	vand.u32 $0x7C, v9;
	v8 =	vld.idx.msk [tilespmem:v12+s0+$0x0], $0xffff  }
0x6be: {  	v10 =	vadd.s32 v1, v9  }
0x6bf: {  	v12 =	vor.u32 v2, v11;
	_ =	sdelay $0x3  }
0x6c0: {  	[tilespmem:v10+s22+$0x0] =	vst.idx.msk $0xffff, v8  }
0x6c1: {  	v8 =	vld.idx.msk [tilespmem:v12+s0+$0x0], $0xffff  }
0x6c2: {  	v10 =	vadd.s32 v3, v9  }
0x6c3: {  	v12 =	vor.u32 v4, v11;
	_ =	sdelay $0x3  }
0x6c4: {  	[tilespmem:v10+s22+$0x0] =	vst.idx.msk $0xffff, v8  }
0x6c5: {  	v8 =	vld.idx.msk [tilespmem:v12+s0+$0x0], $0xffff  }
0x6c6: {  	v10 =	vadd.s32 v5, v9  }
0x6c7: {  	v11 =	vor.u32 v6, v11;
	_ =	sdelay $0x3  }
0x6c8: {  	s1 =	sadd.s32 $0x1, s24;
	[tilespmem:v10+s22+$0x0] =	vst.idx.msk $0xffff, v8  }
0x6c9: {  	v10 =	vmov s1;
	v8 =	vld.idx.msk [tilespmem:v11+s0+$0x0], $0xffff  }
0x6ca: {  	v9 =	vadd.s32 v7, v9;
	v11 =	vshll.u32 v10, $0x7  }
0x6cb: {  	v12 =	vor.u32 v0, v11;
	_ =	sdelay $0x3  }
0x6cc: {  	[tilespmem:v9+s22+$0x0] =	vst.idx.msk $0xffff, v8  }
0x6cd: {  	v9 =	vand.u32 $0x7D, v10;
	v8 =	vld.idx.msk [tilespmem:v12+s0+$0x0], $0xffff  }
0x6ce: {  	v10 =	vadd.s32 v1, v9  }
0x6cf: {  	v12 =	vor.u32 v2, v11;
	_ =	sdelay $0x3  }
0x6d0: {  	[tilespmem:v10+s22+$0x0] =	vst.idx.msk $0xffff, v8  }
0x6d1: {  	v8 =	vld.idx.msk [tilespmem:v12+s0+$0x0], $0xffff  }
0x6d2: {  	v10 =	vadd.s32 v3, v9  }
0x6d3: {  	v12 =	vor.u32 v4, v11;
	_ =	sdelay $0x3  }
0x6d4: {  	[tilespmem:v10+s22+$0x0] =	vst.idx.msk $0xffff, v8  }
0x6d5: {  	v8 =	vld.idx.msk [tilespmem:v12+s0+$0x0], $0xffff  }
0x6d6: {  	v10 =	vadd.s32 v5, v9  }
0x6d7: {  	v11 =	vor.u32 v6, v11;
	_ =	sdelay $0x3  }
0x6d8: {  	s1 =	sadd.s32 $0x2, s24;
	[tilespmem:v10+s22+$0x0] =	vst.idx.msk $0xffff, v8  }
0x6d9: {  	v10 =	vmov s1;
	v8 =	vld.idx.msk [tilespmem:v11+s0+$0x0], $0xffff  }
0x6da: {  	v9 =	vadd.s32 v7, v9;
	v11 =	vshll.u32 v10, $0x7  }
0x6db: {  	v12 =	vor.u32 v0, v11;
	_ =	sdelay $0x3  }
0x6dc: {  	[tilespmem:v9+s22+$0x0] =	vst.idx.msk $0xffff, v8  }
0x6dd: {  	v9 =	vand.u32 $0x7E, v10;
	v8 =	vld.idx.msk [tilespmem:v12+s0+$0x0], $0xffff  }
0x6de: {  	v10 =	vadd.s32 v1, v9  }
0x6df: {  	v12 =	vor.u32 v2, v11;
	_ =	sdelay $0x3  }
0x6e0: {  	[tilespmem:v10+s22+$0x0] =	vst.idx.msk $0xffff, v8  }
0x6e1: {  	v8 =	vld.idx.msk [tilespmem:v12+s0+$0x0], $0xffff  }
0x6e2: {  	v10 =	vadd.s32 v3, v9  }
0x6e3: {  	v12 =	vor.u32 v4, v11;
	_ =	sdelay $0x3  }
0x6e4: {  	[tilespmem:v10+s22+$0x0] =	vst.idx.msk $0xffff, v8  }
0x6e5: {  	v8 =	vld.idx.msk [tilespmem:v12+s0+$0x0], $0xffff  }
0x6e6: {  	v10 =	vadd.s32 v5, v9  }
0x6e7: {  	v11 =	vor.u32 v6, v11;
	_ =	sdelay $0x3  }
0x6e8: {  	s1 =	sadd.s32 $0x3, s24;
	s24 =	smov.u32 s6;
	[tilespmem:v10+s22+$0x0] =	vst.idx.msk $0xffff, v8  }
0x6e9: {  	v10 =	vmov s1;
	v8 =	vld.idx.msk [tilespmem:v11+s0+$0x0], $0xffff  }
0x6ea: {  	v9 =	vadd.s32 v7, v9;
	v11 =	vshll.u32 v10, $0x7  }
0x6eb: {  	v12 =	vor.u32 v0, v11;
	_ =	sdelay $0x3  }
0x6ec: {  	[tilespmem:v9+s22+$0x0] =	vst.idx.msk $0xffff, v8  }
0x6ed: {  	v8 =	vand.u32 $0x7F, v10;
	v9 =	vld.idx.msk [tilespmem:v12+s0+$0x0], $0xffff  }
0x6ee: {  	v10 =	vadd.s32 v1, v8  }
0x6ef: {  	v12 =	vor.u32 v2, v11;
	_ =	sdelay $0x3  }
0x6f0: {  	[tilespmem:v10+s22+$0x0] =	vst.idx.msk $0xffff, v9  }
0x6f1: {  	v9 =	vld.idx.msk [tilespmem:v12+s0+$0x0], $0xffff  }
0x6f2: {  	v10 =	vadd.s32 v3, v8  }
0x6f3: {  	v12 =	vor.u32 v4, v11;
	_ =	sdelay $0x3  }
0x6f4: {  	[tilespmem:v10+s22+$0x0] =	vst.idx.msk $0xffff, v9  }
0x6f5: {  	v9 =	vld.idx.msk [tilespmem:v12+s0+$0x0], $0xffff  }
0x6f6: {  	v10 =	vadd.s32 v5, v8  }
0x6f7: {  	v11 =	vor.u32 v6, v11  }
.Ltmp20:
0x6f8: {  	(pc) =	sbr.rel @p0 .LBB2_42-.Ltmp20, $3  }
0x6f9: {  	_ =	sdelay $0x1  }
0x6fa: {  	[tilespmem:v10+s22+$0x0] =	vst.idx.msk $0xffff, v9  }
0x6fb: {  	s6 =	sadd.s32 $0x4, s6;
	v9 =	vmov s24;
	v10 =	vld.idx.msk [tilespmem:v11+s0+$0x0], $0xffff  }
0x6fc: {  	v11 =	vshll.u32 v9, $0x7;
	v8 =	vadd.s32 v7, v8  }
0x6fd: {  	v12 =	vor.u32 v0, v11;
	_ =	sdelay $0x3  }
0x6fe: {  	[tilespmem:v8+s22+$0x0] =	vst.idx.msk $0xffff, v10;
	v8 =	vand.u32 $0x7C, v9  }
0x6ff: {  	v31 =	vld.idx.msk [tilespmem:v12+s0+$0x0], $0xffff;
	v32 =	vadd.s32 v1, v8  }
0x700: {  	v33 =	vor.u32 v2, v11;
	_ =	sdelay $0x3  }
0x701: {  	[tilespmem:v32+s22+$0x0] =	vst.idx.msk $0xffff, v31  }
0x702: {  	v34 =	vadd.s32 v3, v8;
	v9 =	vld.idx.msk [tilespmem:v33+s0+$0x0], $0xffff  }
0x703: {  	v35 =	vor.u32 v4, v11;
	_ =	sdelay $0x3  }
0x704: {  	[tilespmem:v34+s22+$0x0] =	vst.idx.msk $0xffff, v9  }
0x705: {  	v36 =	vadd.s32 v5, v8;
	v9 =	vld.idx.msk [tilespmem:v35+s0+$0x0], $0xffff  }
0x706: {  	v11 =	vor.u32 v6, v11;
	_ =	sdelay $0x2  }
0x707: {  	s1 =	sadd.s32 $0x1, s24  }
0x708: {  	v37 =	vmov s1;
	[tilespmem:v36+s22+$0x0] =	vst.idx.msk $0xffff, v9  }
0x709: {  	v38 =	vshll.u32 v37, $0x7;
	v8 =	vadd.s32 v7, v8;
	v10 =	vld.idx.msk [tilespmem:v11+s0+$0x0], $0xffff  }
0x70a: {  	v39 =	vor.u32 v0, v38;
	_ =	sdelay $0x3  }
0x70b: {  	[tilespmem:v8+s22+$0x0] =	vst.idx.msk $0xffff, v10;
	v8 =	vand.u32 $0x7D, v37  }
0x70c: {  	v40 =	vld.idx.msk [tilespmem:v39+s0+$0x0], $0xffff;
	v41 =	vadd.s32 v1, v8  }
0x70d: {  	v42 =	vor.u32 v2, v38;
	_ =	sdelay $0x3  }
0x70e: {  	[tilespmem:v41+s22+$0x0] =	vst.idx.msk $0xffff, v40  }
0x70f: {  	v43 =	vadd.s32 v3, v8;
	v9 =	vld.idx.msk [tilespmem:v42+s0+$0x0], $0xffff  }
0x710: {  	v44 =	vor.u32 v4, v38;
	_ =	sdelay $0x3  }
0x711: {  	[tilespmem:v43+s22+$0x0] =	vst.idx.msk $0xffff, v9  }
0x712: {  	v45 =	vadd.s32 v5, v8;
	v9 =	vld.idx.msk [tilespmem:v44+s0+$0x0], $0xffff  }
0x713: {  	v11 =	vor.u32 v6, v38;
	_ =	sdelay $0x2  }
0x714: {  	s9 =	sadd.s32 $0x2, s24  }
0x715: {  	v46 =	vmov s9;
	[tilespmem:v45+s22+$0x0] =	vst.idx.msk $0xffff, v9  }
0x716: {  	v47 =	vshll.u32 v46, $0x7;
	v8 =	vadd.s32 v7, v8;
	v10 =	vld.idx.msk [tilespmem:v11+s0+$0x0], $0xffff  }
0x717: {  	v48 =	vor.u32 v0, v47;
	_ =	sdelay $0x3  }
0x718: {  	[tilespmem:v8+s22+$0x0] =	vst.idx.msk $0xffff, v10;
	v8 =	vand.u32 $0x7E, v46  }
0x719: {  	v49 =	vld.idx.msk [tilespmem:v48+s0+$0x0], $0xffff;
	v50 =	vadd.s32 v1, v8  }
0x71a: {  	v51 =	vor.u32 v2, v47;
	_ =	sdelay $0x3  }
0x71b: {  	[tilespmem:v50+s22+$0x0] =	vst.idx.msk $0xffff, v49  }
0x71c: {  	v52 =	vadd.s32 v3, v8;
	v9 =	vld.idx.msk [tilespmem:v51+s0+$0x0], $0xffff  }
0x71d: {  	v53 =	vor.u32 v4, v47;
	_ =	sdelay $0x3  }
0x71e: {  	[tilespmem:v52+s22+$0x0] =	vst.idx.msk $0xffff, v9  }
0x71f: {  	v54 =	vadd.s32 v5, v8;
	v9 =	vld.idx.msk [tilespmem:v53+s0+$0x0], $0xffff  }
0x720: {  	v11 =	vor.u32 v6, v47;
	_ =	sdelay $0x2  }
0x721: {  	s4 =	sadd.s32 $0x3, s24  }
0x722: {  	v55 =	vmov s4;
	[tilespmem:v54+s22+$0x0] =	vst.idx.msk $0xffff, v9  }
0x723: {  	v56 =	vshll.u32 v55, $0x7;
	v8 =	vadd.s32 v7, v8;
	v10 =	vld.idx.msk [tilespmem:v11+s0+$0x0], $0xffff  }
0x724: {  	v57 =	vor.u32 v0, v56;
	_ =	sdelay $0x3  }
0x725: {  	[tilespmem:v8+s22+$0x0] =	vst.idx.msk $0xffff, v10;
	v8 =	vand.u32 $0x7F, v55  }
0x726: {  	v58 =	vld.idx.msk [tilespmem:v57+s0+$0x0], $0xffff;
	v59 =	vadd.s32 v1, v8  }
0x727: {  	v60 =	vor.u32 v2, v56;
	_ =	sdelay $0x3  }
0x728: {  	[tilespmem:v59+s22+$0x0] =	vst.idx.msk $0xffff, v58  }
0x729: {  	v61 =	vadd.s32 v3, v8;
	v9 =	vld.idx.msk [tilespmem:v60+s0+$0x0], $0xffff  }
0x72a: {  	v62 =	vor.u32 v4, v56;
	_ =	sdelay $0x3  }
0x72b: {  	[tilespmem:v61+s22+$0x0] =	vst.idx.msk $0xffff, v9  }
0x72c: {  	v63 =	vadd.s32 v5, v8;
	v9 =	vld.idx.msk [tilespmem:v62+s0+$0x0], $0xffff  }
0x72d: {  	v11 =	vor.u32 v6, v56;
	_ =	sdelay $0x3  }
0x72e: {  	[tilespmem:v63+s22+$0x0] =	vst.idx.msk $0xffff, v9  }
0x72f: {  	v8 =	vadd.s32 v7, v8;
	v9 =	vld.idx.msk [tilespmem:v11+s0+$0x0], $0xffff;
	_ =	sdelay $0x4  }
0x730: {  	s6 =	simm.s32 $0x14E00;
	[tilespmem:v8+s22+$0x0] =	vst.idx.msk $0xffff, v9  }
0x731: {  	[hbm4b:s20+s2] =	stream.linear.scatter [tilespmem:s6], [sflag:$0x7], $0x80, $0x38;
	[tilespmem:$0x19200] =	vst v63  }
0x732: {  	s8 =	simm.s32 $0x14E88;
	s4 =	sadd.s32 $0x10, s20  }
0x733: {  	[hbm4b:s4+s2] =	stream.linear.scatter [tilespmem:s8], [sflag:$0x7], $0x80, $0x38;
	[tilespmem:$0x19200] =	vst v63  }
0x734: {  	s24 =	sadd.s32 $0x20, s20;
	s9 =	simm.s32 $0x14F10  }
0x735: {  	[hbm4b:s24+s2] =	stream.linear.scatter [tilespmem:s9], [sflag:$0x7], $0x80, $0x38;
	[tilespmem:$0x19200] =	vst v63  }
0x736: {  	s6 =	simm.s32 $0x14F98;
	s8 =	sadd.s32 $0x30, s20  }
0x737: {  	[hbm4b:s8+s2] =	stream.linear.scatter [tilespmem:s6], [sflag:$0x7], $0x80, $0x38;
	[tilespmem:$0x19200] =	vst v63  }
0x738: {  	s9 =	simm.s32 $0x15020;
	s24 =	sadd.s32 $0x40, s20  }
0x739: {  	[hbm4b:s24+s2] =	stream.linear.scatter [tilespmem:s9], [sflag:$0x7], $0x80, $0x38;
	[tilespmem:$0x19200] =	vst v63  }
0x73a: {  	s28 =	sadd.s32 $0x70, s20;
	s6 =	simm.s32 $0x150A8;
	s8 =	sadd.s32 $0x50, s20  }
0x73b: {  	[hbm4b:s8+s2] =	stream.linear.scatter [tilespmem:s6], [sflag:$0x7], $0x80, $0x38;
	[tilespmem:$0x19200] =	vst v63  }
0x73c: {  	s9 =	simm.s32 $0x15130;
	s24 =	sadd.s32 $0x60, s20;
	s6 =	simm.s32 $0x440  }
0x73d: {  	[hbm4b:s24+s2] =	stream.linear.scatter [tilespmem:s9], [sflag:$0x7], $0x80, $0x38;
	[tilespmem:$0x19200] =	vst v63  }
0x73e: {  	s8 =	simm.s32 $0x2200;
	s9 =	simm.s32 $0x151B8;
	s24 =	sadd.s32 $0x4000, s20  }
.LBB2_44:
0x73f: {  	[hbm4b:s28+s2] =	stream.linear.scatter [tilespmem:s9], [sflag:$0x7], $0x80, $0x38;
	[tilespmem:$0x19200] =	vst v63  }
0x740: {  	s1 =	smov.u32 s6;
	s4 =	smov.u32 s8  }
0x741: {  	s6 =	sshra.s32 s4, $0x2;
	s4 =	sadd.s32 $0x1100, s8;
	s9 =	sadd.s32 $0x14E00, s1  }
0x742: {  	[hbm4b:s24+s2] =	stream.linear.scatter [tilespmem:s9], [sflag:$0x7], $0x80, $0x38;
	[tilespmem:$0x19200] =	vst v63  }
0x743: {  	p0 =	sne.s32 s8, $0x7700;
	s8 =	sadd.s32 $0x14E88, s1;
	s9 =	sadd.s32 $0x10, s24  }
0x744: {  	[hbm4b:s9+s2] =	stream.linear.scatter [tilespmem:s8], [sflag:$0x7], $0x80, $0x38;
	[tilespmem:$0x19200] =	vst v63  }
0x745: {  	s8 =	sadd.s32 $0x14F10, s1;
	s9 =	sadd.s32 $0x20, s24  }
0x746: {  	[hbm4b:s9+s2] =	stream.linear.scatter [tilespmem:s8], [sflag:$0x7], $0x80, $0x38;
	[tilespmem:$0x19200] =	vst v63  }
0x747: {  	s8 =	sadd.s32 $0x14F98, s1;
	s9 =	sadd.s32 $0x30, s24  }
0x748: {  	[hbm4b:s9+s2] =	stream.linear.scatter [tilespmem:s8], [sflag:$0x7], $0x80, $0x38;
	[tilespmem:$0x19200] =	vst v63  }
0x749: {  	s8 =	sadd.s32 $0x15020, s1;
	s9 =	sadd.s32 $0x40, s24  }
0x74a: {  	[hbm4b:s9+s2] =	stream.linear.scatter [tilespmem:s8], [sflag:$0x7], $0x80, $0x38;
	[tilespmem:$0x19200] =	vst v63  }
.Ltmp21:
0x74b: {  	s8 =	sadd.s32 $0x150A8, s1;
	s9 =	sadd.s32 $0x50, s24;
	(pc) =	sbr.rel @p0 .LBB2_44-.Ltmp21, $4  }
0x74c: {  	[hbm4b:s9+s2] =	stream.linear.scatter [tilespmem:s8], [sflag:$0x7], $0x80, $0x38;
	[tilespmem:$0x19200] =	vst v63  }
0x74d: {  	s28 =	sadd.s32 $0x70, s24;
	s8 =	sadd.s32 $0x15130, s1;
	s9 =	sadd.s32 $0x60, s24  }
0x74e: {  	[hbm4b:s9+s2] =	stream.linear.scatter [tilespmem:s8], [sflag:$0x7], $0x80, $0x38;
	[tilespmem:$0x19200] =	vst v63  }
0x74f: {  	s24 =	sadd.s32 $0x4000, s24;
	s9 =	sadd.s32 $0x151B8, s1;
	s8 =	smov.u32 s4  }
0x750: {  	[hbm4b:s28+s2] =	stream.linear.scatter [tilespmem:s9], [sflag:$0x7], $0x80, $0x38;
	[tilespmem:$0x19200] =	vst v63  }
0x751: {  	s1 =	sadd.s32 $0x14E00, s6  }
0x752: {  	[hbm4b:s24+s2] =	stream.linear.scatter [tilespmem:s1], [sflag:$0x7], $0x80, $0x38;
	[tilespmem:$0x19200] =	vst v63  }
0x753: {  	s28 =	sadd.s32 $0x14E88, s6;
	s4 =	sadd.s32 $0x10, s24  }
0x754: {  	[hbm4b:s4+s2] =	stream.linear.scatter [tilespmem:s28], [sflag:$0x7], $0x80, $0x38;
	[tilespmem:$0x19200] =	vst v63  }
0x755: {  	s8 =	sadd.s32 $0x20, s24;
	s4 =	sadd.s32 $0x14F10, s6  }
0x756: {  	[hbm4b:s8+s2] =	stream.linear.scatter [tilespmem:s4], [sflag:$0x7], $0x80, $0x38;
	[tilespmem:$0x19200] =	vst v63  }
0x757: {  	s9 =	sadd.s32 $0x14F98, s6;
	s28 =	sadd.s32 $0x30, s24  }
0x758: {  	[hbm4b:s28+s2] =	stream.linear.scatter [tilespmem:s9], [sflag:$0x7], $0x80, $0x38;
	[tilespmem:$0x19200] =	vst v63  }
0x759: {  	s4 =	sadd.s32 $0x15020, s6;
	s8 =	sadd.s32 $0x40, s24  }
0x75a: {  	[hbm4b:s8+s2] =	stream.linear.scatter [tilespmem:s4], [sflag:$0x7], $0x80, $0x38;
	[tilespmem:$0x19200] =	vst v63  }
0x75b: {  	s9 =	sadd.s32 $0x150A8, s6;
	s28 =	sadd.s32 $0x50, s24;
	s8 =	simm.s32 $0x0  }
0x75c: {  	[hbm4b:s28+s2] =	stream.linear.scatter [tilespmem:s9], [sflag:$0x7], $0x80, $0x38;
	[tilespmem:$0x19200] =	vst v63  }
0x75d: {  	v8 =	vmov s8;
	s9 =	sadd.s32 $0x15130, s6;
	s28 =	sadd.s32 $0x60, s24  }
0x75e: {  	v9 =	vshll.u32 v8, $0x7;
	[hbm4b:s28+s2] =	stream.linear.scatter [tilespmem:s9], [sflag:$0x7], $0x80, $0x38;
	[tilespmem:$0x19200] =	vst v63  }
0x75f: {  	s4 =	sadd.s32 $0x151B8, s6;
	s8 =	simm.s32 $0x4;
	s6 =	sadd.s32 $0x70, s24;
	v10 =	vor.u32 v0, v9  }
0x760: {  	[hbm4b:s6+s2] =	stream.linear.scatter [tilespmem:s4], [sflag:$0x7], $0x80, $0x38;
	[tilespmem:$0x19200] =	vst v63  }
0x761: {  	_ =	swait.ge [sflag:s8], $0x4000  }
0x762: {  	[sflag:s8] =	ssyncset.done $0x0  }
0x763: {  	v8 =	vand.u32 $0x7C, v8;
	[sflag:s8] =	ssyncadd.s32 $0xFFFFC000  }
0x764: {  	v11 =	vadd.s32 v1, v8;
	v10 =	vld.idx.msk [tilespmem:v10+s26+$0x0], $0xffff  }
0x765: {  	v12 =	vor.u32 v2, v9;
	_ =	sdelay $0x3  }
0x766: {  	[tilespmem:v11+s5+$0x0] =	vst.idx.msk $0xffff, v10  }
0x767: {  	v11 =	vadd.s32 v3, v8;
	v10 =	vld.idx.msk [tilespmem:v12+s26+$0x0], $0xffff  }
0x768: {  	v54 =	vor.u32 v4, v9;
	_ =	sdelay $0x3  }
0x769: {  	[tilespmem:v11+s5+$0x0] =	vst.idx.msk $0xffff, v10  }
0x76a: {  	v11 =	vadd.s32 v5, v8;
	v10 =	vld.idx.msk [tilespmem:v54+s26+$0x0], $0xffff  }
0x76b: {  	v9 =	vor.u32 v6, v9;
	_ =	sdelay $0x2  }
0x76c: {  	s9 =	simm.s32 $0x1  }
0x76d: {  	[tilespmem:v11+s5+$0x0] =	vst.idx.msk $0xffff, v10;
	v10 =	vmov s9  }
0x76e: {  	v8 =	vadd.s32 v7, v8;
	v9 =	vld.idx.msk [tilespmem:v9+s26+$0x0], $0xffff;
	v11 =	vshll.u32 v10, $0x7  }
0x76f: {  	v55 =	vor.u32 v0, v11;
	_ =	sdelay $0x3  }
0x770: {  	[tilespmem:v8+s5+$0x0] =	vst.idx.msk $0xffff, v9;
	v8 =	vand.u32 $0x7D, v10  }
0x771: {  	v9 =	vld.idx.msk [tilespmem:v55+s26+$0x0], $0xffff;
	v10 =	vadd.s32 v1, v8  }
0x772: {  	v56 =	vor.u32 v2, v11;
	_ =	sdelay $0x3  }
0x773: {  	[tilespmem:v10+s5+$0x0] =	vst.idx.msk $0xffff, v9  }
0x774: {  	v10 =	vadd.s32 v3, v8;
	v9 =	vld.idx.msk [tilespmem:v56+s26+$0x0], $0xffff  }
0x775: {  	v57 =	vor.u32 v4, v11;
	_ =	sdelay $0x3  }
0x776: {  	[tilespmem:v10+s5+$0x0] =	vst.idx.msk $0xffff, v9  }
0x777: {  	v10 =	vadd.s32 v5, v8;
	v9 =	vld.idx.msk [tilespmem:v57+s26+$0x0], $0xffff  }
0x778: {  	v11 =	vor.u32 v6, v11;
	_ =	sdelay $0x2  }
0x779: {  	s24 =	simm.s32 $0x2  }
0x77a: {  	[tilespmem:v10+s5+$0x0] =	vst.idx.msk $0xffff, v9;
	v9 =	vmov s24  }
0x77b: {  	v8 =	vadd.s32 v7, v8;
	v10 =	vld.idx.msk [tilespmem:v11+s26+$0x0], $0xffff;
	v11 =	vshll.u32 v9, $0x7  }
0x77c: {  	v58 =	vor.u32 v0, v11;
	_ =	sdelay $0x3  }
0x77d: {  	[tilespmem:v8+s5+$0x0] =	vst.idx.msk $0xffff, v10;
	v8 =	vand.u32 $0x7E, v9  }
0x77e: {  	v9 =	vld.idx.msk [tilespmem:v58+s26+$0x0], $0xffff;
	v10 =	vadd.s32 v1, v8  }
0x77f: {  	v59 =	vor.u32 v2, v11;
	_ =	sdelay $0x3  }
0x780: {  	[tilespmem:v10+s5+$0x0] =	vst.idx.msk $0xffff, v9  }
0x781: {  	v10 =	vadd.s32 v3, v8;
	v9 =	vld.idx.msk [tilespmem:v59+s26+$0x0], $0xffff  }
0x782: {  	v60 =	vor.u32 v4, v11;
	_ =	sdelay $0x3  }
0x783: {  	[tilespmem:v10+s5+$0x0] =	vst.idx.msk $0xffff, v9  }
0x784: {  	v10 =	vadd.s32 v5, v8;
	v9 =	vld.idx.msk [tilespmem:v60+s26+$0x0], $0xffff  }
0x785: {  	v11 =	vor.u32 v6, v11;
	_ =	sdelay $0x2  }
0x786: {  	s28 =	simm.s32 $0x3  }
0x787: {  	[tilespmem:v10+s5+$0x0] =	vst.idx.msk $0xffff, v9;
	v9 =	vmov s28  }
0x788: {  	v8 =	vadd.s32 v7, v8;
	v10 =	vld.idx.msk [tilespmem:v11+s26+$0x0], $0xffff;
	v11 =	vshll.u32 v9, $0x7  }
0x789: {  	v61 =	vor.u32 v0, v11;
	_ =	sdelay $0x3  }
0x78a: {  	[tilespmem:v8+s5+$0x0] =	vst.idx.msk $0xffff, v10;
	v8 =	vand.u32 $0x7F, v9  }
0x78b: {  	v9 =	vld.idx.msk [tilespmem:v61+s26+$0x0], $0xffff;
	v10 =	vadd.s32 v1, v8  }
0x78c: {  	v62 =	vor.u32 v2, v11;
	_ =	sdelay $0x3  }
0x78d: {  	[tilespmem:v10+s5+$0x0] =	vst.idx.msk $0xffff, v9  }
0x78e: {  	v10 =	vadd.s32 v3, v8;
	v9 =	vld.idx.msk [tilespmem:v62+s26+$0x0], $0xffff  }
0x78f: {  	v63 =	vor.u32 v4, v11;
	_ =	sdelay $0x3  }
0x790: {  	[tilespmem:v10+s5+$0x0] =	vst.idx.msk $0xffff, v9  }
0x791: {  	v10 =	vadd.s32 v5, v8;
	v9 =	vld.idx.msk [tilespmem:v63+s26+$0x0], $0xffff  }
0x792: {  	v11 =	vor.u32 v6, v11;
	_ =	sdelay $0x3  }
0x793: {  	s24 =	simm.s32 $0x4;
	[tilespmem:v10+s5+$0x0] =	vst.idx.msk $0xffff, v9  }
0x794: {  	s6 =	simm.s32 $0x8;
	v9 =	vmov s24;
	v10 =	vld.idx.msk [tilespmem:v11+s26+$0x0], $0xffff  }
.LBB2_46:
0x795: {  	p0 =	slt.u32 s6, $0x7C;
	v11 =	vshll.u32 v9, $0x7;
	v8 =	vadd.s32 v7, v8  }
0x796: {  	v12 =	vor.u32 v0, v11;
	_ =	sdelay $0x3  }
0x797: {  	[tilespmem:v8+s5+$0x0] =	vst.idx.msk $0xffff, v10  }
0x798: {  	v9 =	vand.u32 $0x7C, v9;
	v8 =	vld.idx.msk [tilespmem:v12+s26+$0x0], $0xffff  }
0x799: {  	v10 =	vadd.s32 v1, v9  }
0x79a: {  	v12 =	vor.u32 v2, v11;
	_ =	sdelay $0x3  }
0x79b: {  	[tilespmem:v10+s5+$0x0] =	vst.idx.msk $0xffff, v8  }
0x79c: {  	v8 =	vld.idx.msk [tilespmem:v12+s26+$0x0], $0xffff  }
0x79d: {  	v10 =	vadd.s32 v3, v9  }
0x79e: {  	v12 =	vor.u32 v4, v11;
	_ =	sdelay $0x3  }
0x79f: {  	[tilespmem:v10+s5+$0x0] =	vst.idx.msk $0xffff, v8  }
0x7a0: {  	v8 =	vld.idx.msk [tilespmem:v12+s26+$0x0], $0xffff  }
0x7a1: {  	v10 =	vadd.s32 v5, v9  }
0x7a2: {  	v11 =	vor.u32 v6, v11;
	_ =	sdelay $0x3  }
0x7a3: {  	s1 =	sadd.s32 $0x1, s24;
	[tilespmem:v10+s5+$0x0] =	vst.idx.msk $0xffff, v8  }
0x7a4: {  	v10 =	vmov s1;
	v8 =	vld.idx.msk [tilespmem:v11+s26+$0x0], $0xffff  }
0x7a5: {  	v9 =	vadd.s32 v7, v9;
	v11 =	vshll.u32 v10, $0x7  }
0x7a6: {  	v12 =	vor.u32 v0, v11;
	_ =	sdelay $0x3  }
0x7a7: {  	[tilespmem:v9+s5+$0x0] =	vst.idx.msk $0xffff, v8  }
0x7a8: {  	v9 =	vand.u32 $0x7D, v10;
	v8 =	vld.idx.msk [tilespmem:v12+s26+$0x0], $0xffff  }
0x7a9: {  	v10 =	vadd.s32 v1, v9  }
0x7aa: {  	v12 =	vor.u32 v2, v11;
	_ =	sdelay $0x3  }
0x7ab: {  	[tilespmem:v10+s5+$0x0] =	vst.idx.msk $0xffff, v8  }
0x7ac: {  	v8 =	vld.idx.msk [tilespmem:v12+s26+$0x0], $0xffff  }
0x7ad: {  	v10 =	vadd.s32 v3, v9  }
0x7ae: {  	v12 =	vor.u32 v4, v11;
	_ =	sdelay $0x3  }
0x7af: {  	[tilespmem:v10+s5+$0x0] =	vst.idx.msk $0xffff, v8  }
0x7b0: {  	v8 =	vld.idx.msk [tilespmem:v12+s26+$0x0], $0xffff  }
0x7b1: {  	v10 =	vadd.s32 v5, v9  }
0x7b2: {  	v11 =	vor.u32 v6, v11;
	_ =	sdelay $0x3  }
0x7b3: {  	s1 =	sadd.s32 $0x2, s24;
	[tilespmem:v10+s5+$0x0] =	vst.idx.msk $0xffff, v8  }
0x7b4: {  	v10 =	vmov s1;
	v8 =	vld.idx.msk [tilespmem:v11+s26+$0x0], $0xffff  }
0x7b5: {  	v9 =	vadd.s32 v7, v9;
	v11 =	vshll.u32 v10, $0x7  }
0x7b6: {  	v12 =	vor.u32 v0, v11;
	_ =	sdelay $0x3  }
0x7b7: {  	[tilespmem:v9+s5+$0x0] =	vst.idx.msk $0xffff, v8  }
0x7b8: {  	v9 =	vand.u32 $0x7E, v10;
	v8 =	vld.idx.msk [tilespmem:v12+s26+$0x0], $0xffff  }
0x7b9: {  	v10 =	vadd.s32 v1, v9  }
0x7ba: {  	v12 =	vor.u32 v2, v11;
	_ =	sdelay $0x3  }
0x7bb: {  	[tilespmem:v10+s5+$0x0] =	vst.idx.msk $0xffff, v8  }
0x7bc: {  	v8 =	vld.idx.msk [tilespmem:v12+s26+$0x0], $0xffff  }
0x7bd: {  	v10 =	vadd.s32 v3, v9  }
0x7be: {  	v12 =	vor.u32 v4, v11;
	_ =	sdelay $0x3  }
0x7bf: {  	[tilespmem:v10+s5+$0x0] =	vst.idx.msk $0xffff, v8  }
0x7c0: {  	v8 =	vld.idx.msk [tilespmem:v12+s26+$0x0], $0xffff  }
0x7c1: {  	v10 =	vadd.s32 v5, v9  }
0x7c2: {  	v11 =	vor.u32 v6, v11;
	_ =	sdelay $0x3  }
0x7c3: {  	s1 =	sadd.s32 $0x3, s24;
	s24 =	smov.u32 s6;
	[tilespmem:v10+s5+$0x0] =	vst.idx.msk $0xffff, v8  }
0x7c4: {  	v10 =	vmov s1;
	v8 =	vld.idx.msk [tilespmem:v11+s26+$0x0], $0xffff  }
0x7c5: {  	v9 =	vadd.s32 v7, v9;
	v11 =	vshll.u32 v10, $0x7  }
0x7c6: {  	v12 =	vor.u32 v0, v11;
	_ =	sdelay $0x3  }
0x7c7: {  	[tilespmem:v9+s5+$0x0] =	vst.idx.msk $0xffff, v8  }
0x7c8: {  	v8 =	vand.u32 $0x7F, v10;
	v9 =	vld.idx.msk [tilespmem:v12+s26+$0x0], $0xffff  }
0x7c9: {  	v10 =	vadd.s32 v1, v8  }
0x7ca: {  	v12 =	vor.u32 v2, v11;
	_ =	sdelay $0x3  }
0x7cb: {  	[tilespmem:v10+s5+$0x0] =	vst.idx.msk $0xffff, v9  }
0x7cc: {  	v9 =	vld.idx.msk [tilespmem:v12+s26+$0x0], $0xffff  }
0x7cd: {  	v10 =	vadd.s32 v3, v8  }
0x7ce: {  	v12 =	vor.u32 v4, v11;
	_ =	sdelay $0x3  }
0x7cf: {  	[tilespmem:v10+s5+$0x0] =	vst.idx.msk $0xffff, v9  }
0x7d0: {  	v9 =	vld.idx.msk [tilespmem:v12+s26+$0x0], $0xffff  }
0x7d1: {  	v10 =	vadd.s32 v5, v8  }
0x7d2: {  	v11 =	vor.u32 v6, v11  }
.Ltmp22:
0x7d3: {  	(pc) =	sbr.rel @p0 .LBB2_46-.Ltmp22, $3  }
0x7d4: {  	_ =	sdelay $0x1  }
0x7d5: {  	[tilespmem:v10+s5+$0x0] =	vst.idx.msk $0xffff, v9  }
0x7d6: {  	s6 =	sadd.s32 $0x4, s6;
	v9 =	vmov s24;
	v10 =	vld.idx.msk [tilespmem:v11+s26+$0x0], $0xffff  }
0x7d7: {  	v11 =	vshll.u32 v9, $0x7;
	v8 =	vadd.s32 v7, v8  }
0x7d8: {  	v12 =	vor.u32 v0, v11;
	_ =	sdelay $0x3  }
0x7d9: {  	[tilespmem:v8+s5+$0x0] =	vst.idx.msk $0xffff, v10;
	v8 =	vand.u32 $0x7C, v9  }
0x7da: {  	v31 =	vld.idx.msk [tilespmem:v12+s26+$0x0], $0xffff;
	v32 =	vadd.s32 v1, v8  }
0x7db: {  	v33 =	vor.u32 v2, v11;
	_ =	sdelay $0x3  }
0x7dc: {  	[tilespmem:v32+s5+$0x0] =	vst.idx.msk $0xffff, v31  }
0x7dd: {  	v34 =	vadd.s32 v3, v8;
	v9 =	vld.idx.msk [tilespmem:v33+s26+$0x0], $0xffff  }
0x7de: {  	v35 =	vor.u32 v4, v11;
	_ =	sdelay $0x3  }
0x7df: {  	[tilespmem:v34+s5+$0x0] =	vst.idx.msk $0xffff, v9  }
0x7e0: {  	v36 =	vadd.s32 v5, v8;
	v9 =	vld.idx.msk [tilespmem:v35+s26+$0x0], $0xffff  }
0x7e1: {  	v11 =	vor.u32 v6, v11;
	_ =	sdelay $0x2  }
0x7e2: {  	s1 =	sadd.s32 $0x1, s24  }
0x7e3: {  	v37 =	vmov s1;
	[tilespmem:v36+s5+$0x0] =	vst.idx.msk $0xffff, v9  }
0x7e4: {  	v38 =	vshll.u32 v37, $0x7;
	v8 =	vadd.s32 v7, v8;
	v10 =	vld.idx.msk [tilespmem:v11+s26+$0x0], $0xffff  }
0x7e5: {  	v39 =	vor.u32 v0, v38;
	_ =	sdelay $0x3  }
0x7e6: {  	[tilespmem:v8+s5+$0x0] =	vst.idx.msk $0xffff, v10;
	v8 =	vand.u32 $0x7D, v37  }
0x7e7: {  	v40 =	vld.idx.msk [tilespmem:v39+s26+$0x0], $0xffff;
	v41 =	vadd.s32 v1, v8  }
0x7e8: {  	v42 =	vor.u32 v2, v38;
	_ =	sdelay $0x3  }
0x7e9: {  	[tilespmem:v41+s5+$0x0] =	vst.idx.msk $0xffff, v40  }
0x7ea: {  	v43 =	vadd.s32 v3, v8;
	v9 =	vld.idx.msk [tilespmem:v42+s26+$0x0], $0xffff  }
0x7eb: {  	v44 =	vor.u32 v4, v38;
	_ =	sdelay $0x3  }
0x7ec: {  	[tilespmem:v43+s5+$0x0] =	vst.idx.msk $0xffff, v9  }
0x7ed: {  	v45 =	vadd.s32 v5, v8;
	v9 =	vld.idx.msk [tilespmem:v44+s26+$0x0], $0xffff  }
0x7ee: {  	v11 =	vor.u32 v6, v38;
	_ =	sdelay $0x2  }
0x7ef: {  	s9 =	sadd.s32 $0x2, s24  }
0x7f0: {  	v46 =	vmov s9;
	[tilespmem:v45+s5+$0x0] =	vst.idx.msk $0xffff, v9  }
0x7f1: {  	v47 =	vshll.u32 v46, $0x7;
	v8 =	vadd.s32 v7, v8;
	v10 =	vld.idx.msk [tilespmem:v11+s26+$0x0], $0xffff  }
0x7f2: {  	v48 =	vor.u32 v0, v47;
	_ =	sdelay $0x3  }
0x7f3: {  	[tilespmem:v8+s5+$0x0] =	vst.idx.msk $0xffff, v10;
	v8 =	vand.u32 $0x7E, v46  }
0x7f4: {  	v49 =	vld.idx.msk [tilespmem:v48+s26+$0x0], $0xffff;
	v50 =	vadd.s32 v1, v8  }
0x7f5: {  	v51 =	vor.u32 v2, v47;
	_ =	sdelay $0x3  }
0x7f6: {  	[tilespmem:v50+s5+$0x0] =	vst.idx.msk $0xffff, v49  }
0x7f7: {  	v52 =	vadd.s32 v3, v8;
	v9 =	vld.idx.msk [tilespmem:v51+s26+$0x0], $0xffff  }
0x7f8: {  	v53 =	vor.u32 v4, v47;
	_ =	sdelay $0x3  }
0x7f9: {  	[tilespmem:v52+s5+$0x0] =	vst.idx.msk $0xffff, v9  }
0x7fa: {  	v54 =	vadd.s32 v5, v8;
	v9 =	vld.idx.msk [tilespmem:v53+s26+$0x0], $0xffff  }
0x7fb: {  	v11 =	vor.u32 v6, v47;
	_ =	sdelay $0x2  }
0x7fc: {  	s4 =	sadd.s32 $0x3, s24  }
0x7fd: {  	v55 =	vmov s4;
	[tilespmem:v54+s5+$0x0] =	vst.idx.msk $0xffff, v9  }
0x7fe: {  	v56 =	vshll.u32 v55, $0x7;
	v8 =	vadd.s32 v7, v8;
	v10 =	vld.idx.msk [tilespmem:v11+s26+$0x0], $0xffff  }
0x7ff: {  	v57 =	vor.u32 v0, v56;
	_ =	sdelay $0x3  }
0x800: {  	[tilespmem:v8+s5+$0x0] =	vst.idx.msk $0xffff, v10;
	v8 =	vand.u32 $0x7F, v55  }
0x801: {  	v58 =	vld.idx.msk [tilespmem:v57+s26+$0x0], $0xffff;
	v59 =	vadd.s32 v1, v8  }
0x802: {  	v60 =	vor.u32 v2, v56;
	_ =	sdelay $0x3  }
0x803: {  	[tilespmem:v59+s5+$0x0] =	vst.idx.msk $0xffff, v58  }
0x804: {  	v61 =	vadd.s32 v3, v8;
	v9 =	vld.idx.msk [tilespmem:v60+s26+$0x0], $0xffff  }
0x805: {  	v62 =	vor.u32 v4, v56;
	_ =	sdelay $0x3  }
0x806: {  	[tilespmem:v61+s5+$0x0] =	vst.idx.msk $0xffff, v9  }
0x807: {  	v63 =	vadd.s32 v5, v8;
	v9 =	vld.idx.msk [tilespmem:v62+s26+$0x0], $0xffff  }
0x808: {  	v11 =	vor.u32 v6, v56;
	_ =	sdelay $0x3  }
0x809: {  	[tilespmem:v63+s5+$0x0] =	vst.idx.msk $0xffff, v9  }
0x80a: {  	v8 =	vadd.s32 v7, v8;
	v9 =	vld.idx.msk [tilespmem:v11+s26+$0x0], $0xffff;
	_ =	sdelay $0x4  }
0x80b: {  	s6 =	simm.s32 $0x17000;
	[tilespmem:v8+s5+$0x0] =	vst.idx.msk $0xffff, v9  }
0x80c: {  	[hbm4b:s21+s2] =	stream.linear.scatter [tilespmem:s6], [sflag:$0x8], $0x80, $0x38;
	[tilespmem:$0x19200] =	vst v63  }
0x80d: {  	s8 =	simm.s32 $0x17088;
	s4 =	sadd.s32 $0x10, s21  }
0x80e: {  	[hbm4b:s4+s2] =	stream.linear.scatter [tilespmem:s8], [sflag:$0x8], $0x80, $0x38;
	[tilespmem:$0x19200] =	vst v63  }
0x80f: {  	s24 =	sadd.s32 $0x20, s21;
	s9 =	simm.s32 $0x17110  }
0x810: {  	[hbm4b:s24+s2] =	stream.linear.scatter [tilespmem:s9], [sflag:$0x8], $0x80, $0x38;
	[tilespmem:$0x19200] =	vst v63  }
0x811: {  	s6 =	simm.s32 $0x17198;
	s8 =	sadd.s32 $0x30, s21  }
0x812: {  	[hbm4b:s8+s2] =	stream.linear.scatter [tilespmem:s6], [sflag:$0x8], $0x80, $0x38;
	[tilespmem:$0x19200] =	vst v63  }
0x813: {  	s9 =	simm.s32 $0x17220;
	s24 =	sadd.s32 $0x40, s21  }
0x814: {  	[hbm4b:s24+s2] =	stream.linear.scatter [tilespmem:s9], [sflag:$0x8], $0x80, $0x38;
	[tilespmem:$0x19200] =	vst v63  }
0x815: {  	s28 =	sadd.s32 $0x70, s21;
	s6 =	simm.s32 $0x172A8;
	s8 =	sadd.s32 $0x50, s21  }
0x816: {  	[hbm4b:s8+s2] =	stream.linear.scatter [tilespmem:s6], [sflag:$0x8], $0x80, $0x38;
	[tilespmem:$0x19200] =	vst v63  }
0x817: {  	s9 =	simm.s32 $0x17330;
	s24 =	sadd.s32 $0x60, s21;
	s6 =	simm.s32 $0x440  }
0x818: {  	[hbm4b:s24+s2] =	stream.linear.scatter [tilespmem:s9], [sflag:$0x8], $0x80, $0x38;
	[tilespmem:$0x19200] =	vst v63  }
0x819: {  	s8 =	simm.s32 $0x2200;
	s9 =	simm.s32 $0x173B8;
	s24 =	sadd.s32 $0x4000, s21  }
.LBB2_48:
0x81a: {  	[hbm4b:s28+s2] =	stream.linear.scatter [tilespmem:s9], [sflag:$0x8], $0x80, $0x38;
	[tilespmem:$0x19200] =	vst v63  }
0x81b: {  	s1 =	smov.u32 s6;
	s4 =	smov.u32 s8  }
0x81c: {  	s6 =	sshra.s32 s4, $0x2;
	s4 =	sadd.s32 $0x1100, s8;
	s9 =	sadd.s32 $0x17000, s1  }
0x81d: {  	[hbm4b:s24+s2] =	stream.linear.scatter [tilespmem:s9], [sflag:$0x8], $0x80, $0x38;
	[tilespmem:$0x19200] =	vst v63  }
0x81e: {  	p0 =	sne.s32 s8, $0x7700;
	s8 =	sadd.s32 $0x17088, s1;
	s9 =	sadd.s32 $0x10, s24  }
0x81f: {  	[hbm4b:s9+s2] =	stream.linear.scatter [tilespmem:s8], [sflag:$0x8], $0x80, $0x38;
	[tilespmem:$0x19200] =	vst v63  }
0x820: {  	s8 =	sadd.s32 $0x17110, s1;
	s9 =	sadd.s32 $0x20, s24  }
0x821: {  	[hbm4b:s9+s2] =	stream.linear.scatter [tilespmem:s8], [sflag:$0x8], $0x80, $0x38;
	[tilespmem:$0x19200] =	vst v63  }
0x822: {  	s8 =	sadd.s32 $0x17198, s1;
	s9 =	sadd.s32 $0x30, s24  }
0x823: {  	[hbm4b:s9+s2] =	stream.linear.scatter [tilespmem:s8], [sflag:$0x8], $0x80, $0x38;
	[tilespmem:$0x19200] =	vst v63  }
0x824: {  	s8 =	sadd.s32 $0x17220, s1;
	s9 =	sadd.s32 $0x40, s24  }
0x825: {  	[hbm4b:s9+s2] =	stream.linear.scatter [tilespmem:s8], [sflag:$0x8], $0x80, $0x38;
	[tilespmem:$0x19200] =	vst v63  }
.Ltmp23:
0x826: {  	s8 =	sadd.s32 $0x172A8, s1;
	s9 =	sadd.s32 $0x50, s24;
	(pc) =	sbr.rel @p0 .LBB2_48-.Ltmp23, $4  }
0x827: {  	[hbm4b:s9+s2] =	stream.linear.scatter [tilespmem:s8], [sflag:$0x8], $0x80, $0x38;
	[tilespmem:$0x19200] =	vst v63  }
0x828: {  	s28 =	sadd.s32 $0x70, s24;
	s8 =	sadd.s32 $0x17330, s1;
	s9 =	sadd.s32 $0x60, s24  }
0x829: {  	[hbm4b:s9+s2] =	stream.linear.scatter [tilespmem:s8], [sflag:$0x8], $0x80, $0x38;
	[tilespmem:$0x19200] =	vst v63  }
0x82a: {  	s24 =	sadd.s32 $0x4000, s24;
	s9 =	sadd.s32 $0x173B8, s1;
	s8 =	smov.u32 s4  }
0x82b: {  	[hbm4b:s28+s2] =	stream.linear.scatter [tilespmem:s9], [sflag:$0x8], $0x80, $0x38;
	[tilespmem:$0x19200] =	vst v63  }
0x82c: {  	s1 =	sadd.s32 $0x17000, s6  }
0x82d: {  	[hbm4b:s24+s2] =	stream.linear.scatter [tilespmem:s1], [sflag:$0x8], $0x80, $0x38;
	[tilespmem:$0x19200] =	vst v63  }
0x82e: {  	s28 =	sadd.s32 $0x17088, s6;
	s4 =	sadd.s32 $0x10, s24  }
0x82f: {  	[hbm4b:s4+s2] =	stream.linear.scatter [tilespmem:s28], [sflag:$0x8], $0x80, $0x38;
	[tilespmem:$0x19200] =	vst v63  }
0x830: {  	s8 =	sadd.s32 $0x20, s24;
	s4 =	sadd.s32 $0x17110, s6  }
0x831: {  	[hbm4b:s8+s2] =	stream.linear.scatter [tilespmem:s4], [sflag:$0x8], $0x80, $0x38;
	[tilespmem:$0x19200] =	vst v63  }
0x832: {  	s9 =	sadd.s32 $0x17198, s6;
	s28 =	sadd.s32 $0x30, s24  }
0x833: {  	[hbm4b:s28+s2] =	stream.linear.scatter [tilespmem:s9], [sflag:$0x8], $0x80, $0x38;
	[tilespmem:$0x19200] =	vst v63  }
0x834: {  	s4 =	sadd.s32 $0x17220, s6;
	s8 =	sadd.s32 $0x40, s24  }
0x835: {  	[hbm4b:s8+s2] =	stream.linear.scatter [tilespmem:s4], [sflag:$0x8], $0x80, $0x38;
	[tilespmem:$0x19200] =	vst v63  }
0x836: {  	s9 =	sadd.s32 $0x172A8, s6;
	s28 =	sadd.s32 $0x50, s24  }
0x837: {  	[hbm4b:s28+s2] =	stream.linear.scatter [tilespmem:s9], [sflag:$0x8], $0x80, $0x38;
	[tilespmem:$0x19200] =	vst v63  }
0x838: {  	s4 =	sadd.s32 $0x17330, s6;
	s8 =	sadd.s32 $0x60, s24  }
0x839: {  	[hbm4b:s8+s2] =	stream.linear.scatter [tilespmem:s4], [sflag:$0x8], $0x80, $0x38;
	[tilespmem:$0x19200] =	vst v63  }
0x83a: {  	s9 =	sadd.s32 $0x173B8, s6;
	s28 =	sadd.s32 $0x70, s24;
	s6 =	simm.s32 $0x5  }
0x83b: {  	[hbm4b:s28+s2] =	stream.linear.scatter [tilespmem:s9], [sflag:$0x8], $0x80, $0x38;
	[tilespmem:$0x19200] =	vst v63  }
0x83c: {  	_ =	swait.ge [sflag:s6], $0x2000  }
0x83d: {  	[sflag:s6] =	ssyncset.done $0x0  }
0x83e: {  	s8 =	simm.s32 $0x6;
	[sflag:s6] =	ssyncadd.s32 $0xFFFFE000  }
0x83f: {  	_ =	swait.ge [sflag:s8], $0x2000  }
0x840: {  	[sflag:s8] =	ssyncset.done $0x0  }
0x841: {  	s9 =	simm.s32 $0x7;
	[sflag:s8] =	ssyncadd.s32 $0xFFFFE000  }
0x842: {  	_ =	swait.ge [sflag:s9], $0x2000  }
0x843: {  	[sflag:s9] =	ssyncset.done $0x0  }
0x844: {  	s24 =	simm.s32 $0x8;
	[sflag:s9] =	ssyncadd.s32 $0xFFFFE000  }
0x845: {  	_ =	swait.ge [sflag:s24], $0x2000  }
0x846: {  	s25 =	sadd.s32 $0x1, s25;
	s28 =	rddreg [dreg:$0xc]  }
0x847: {  	p0 =	sne.s32 s25, s28  }
.Ltmp24:
0x848: {  	_ = 	snop;
	(pc) =	sbr.rel @p0 .LBB2_1-.Ltmp24, $3  }
0x849: {  	_ =	sdelay $0x1  }
0x84a: {  	[sflag:s24] =	ssyncset.done $0x0  }
0x84b: {  	s4 =	simm.s32 $0x200;
	[sflag:s24] =	ssyncadd.s32 $0xFFFFE000  }
0x84c: {  	_ =	sfence.sel $0x180000  }
0x84d: {  	[bflag:$0x0] =	sbarrier.arrive $0xFFFF  }
0x84e: {  	_ =	strace $0x90000047  }
0x84f: {  	s0 =	stileid.u32;
	[bflag:$0x2] =	sbarrier.arrive $0xFFFF  }
0x850: {  	p0 =	sne.s32 s0, $0x0;
	s0 =	rddreg [dreg:$0x5]  }
0x851: {  	s0 =	sadd.s32 @!p0 $0x100000, s0  }
0x852: {  	[sflag:s0] =	ssyncadd.tile.s32 @!p0 $0x1;
	_ =	shalt  }
.Lfunc_end2:
_tile_overlayer_lowered:
.L_overlay_start_2:
0x853: {  	(tag) =	ssettag $0x2  }
0x854: {  	s0 =	rddreg [dreg:$0x0];
	s2 =	stileid.u32  }
0x855: {  	s1 =	rddreg [dreg:$0x1];
	p0 =	sne.s32 s2, $0x0  }
0x856: {  	s3 =	rddreg [dreg:$0x2];
	[bflag:$0x3] =	sbarrier.arrive $0xFFFF;
	s2 =	simm.s32 @!p0 $0x1C0E  }
0x857: {  	[timem:s3], [sflag:s2] =	dma.local @!p0 [hbm:s0], s1  }
0x858: {  	s0 =	simm.s32 @!p0 $0xE  }
0x859: {  	_ =	swait.ge @!p0 [sflag:s0], s1  }
0x85a: {  	s1 =	ssub.s32 @!p0 $0x0, s1;
	[sflag:s0] =	ssyncset.done @!p0 $0x0  }
0x85b: {  	[sflag:s0] =	ssyncadd.s32 @!p0 s1  }
0x85c: {  	[bflag:$0x3] =	sbarrier.arrive $0xFFFF  }
0x85d: {  	_ =	shalt  }

</sc_bundles>
